<compile_context>
chip_gen: v7x
topology: tpu7x:2x2x1
jax: 0.10.2.dev20260603
libtpu: 0.0.44.dev20260713+nightly
codegen_flags: <defaults>
</compile_context>

<pallas_src>
import functools
import math

import jax
import jax.numpy as jnp
from jax import lax
from jax.experimental import pallas as pl
from jax.experimental.pallas import tpu as pltpu
from jax.experimental.pallas import tpu_sc as plsc

N = 4096
D = 64
L = 200
M = 2 * N
R = 8

LS = 128
NW = 32
RPW = LS // NW
LT = L - LS

MP = M + 16
NBINS = 2048
NLEVP = 513 * 16


def _angles(u0, u1, xt, yt):
    xa = jnp.dot(u0, xt, preferred_element_type=jnp.float32)
    xb = jnp.dot(u1, xt, preferred_element_type=jnp.float32)
    ya = jnp.dot(u0, yt, preferred_element_type=jnp.float32)
    yb = jnp.dot(u1, yt, preferred_element_type=jnp.float32)
    two_pi_inv = 1.0 / (2.0 * math.pi)
    ax = (jnp.arctan2(-xb, -xa) + math.pi) * two_pi_inv
    ay = (jnp.arctan2(-yb, -ya) + math.pi) * two_pi_inv
    return ax, ay


def _tagged_keys(ax, ay):
    kx = pltpu.bitcast(ax, jnp.int32) | 1
    ky = pltpu.bitcast(ay, jnp.int32) & ~1
    return jnp.concatenate([kx, ky], axis=1)


def _keys_block(u0_ref, u1_ref, xt_ref, yt_ref, out_ref):
    ax, ay = _angles(u0_ref[...], u1_ref[...], xt_ref[...], yt_ref[...])
    out_ref[...] = _tagged_keys(ax, ay)



def _digits(v, shift):
    return lax.shift_right_logical(v, shift) & (NBINS - 1)


def _sc_body(keys_hbm, out_hbm, ka, kb, hist, hlev, wv):
    wid = lax.axis_index("s") * 2 + lax.axis_index("c")
    wv[...] = jnp.zeros((16,), jnp.float32)
    iota16 = lax.broadcasted_iota(jnp.int32, (16,), 0)

    UF = 8

    def zero_hist(g, _):
        for u in range(UF):
            hist[pl.ds((g * UF + u) * 16, 16)] = jnp.zeros((16,), jnp.int32)
        return 0

    def zero_lev(g, _):
        for u in range(UF):
            hlev[pl.ds((g * UF + u) * 16, 16)] = jnp.zeros((16,), jnp.float32)
        return 0

    lax.fori_loop(0, NLEVP // 16 // UF, zero_lev, 0)
    hlev[pl.ds(NLEVP - 16, 16)] = jnp.zeros((16,), jnp.float32)

    def radix_pass(kin, kout, shift):
        lax.fori_loop(0, NBINS // 16 // UF, zero_hist, 0)

        def hist_body(g, _):
            for u in range(UF):
                d = _digits(kin[pl.ds((g * UF + u) * 16, 16)], shift)
                plsc.addupdate_scatter(hist, [d], jnp.ones((16,), jnp.int32))
            return 0
        lax.fori_loop(0, M // 16 // UF, hist_body, 0)

        def scan_body(g, carry):
            for u in range(UF):
                c = g * UF + u
                h = hist[pl.ds(c * 16, 16)]
                hist[pl.ds(c * 16, 16)] = plsc.cumsum(h) - h + carry
                carry = carry + jnp.sum(h)
            return carry
        lax.fori_loop(0, NBINS // 16 // UF, scan_body, jnp.int32(0))

        def perm_body(g, _):
            for u in range(UF):
                c = g * UF + u
                v = kin[pl.ds(c * 16, 16)]
                d = _digits(v, shift)
                cnt, lastm = plsc.scan_count(d)
                base = plsc.load_gather(hist, [d])
                plsc.store_scatter(kout, [base + cnt - 1], v)
                plsc.addupdate_scatter(hist, [d], cnt, mask=lastm)
            return 0
        lax.fori_loop(0, M // 16 // UF, perm_body, 0)

    def row_body(r, _):
        row = r * NW + wid

        @pl.when(row < LS)
        def _():
            pltpu.sync_copy(keys_hbm.at[row], kb.at[pl.ds(0, M)])
            radix_pass(kb, ka, 9)
            radix_pass(ka, kb, 20)
            kb[pl.ds(M, 16)] = jnp.full((16,), 0x3F800000, jnp.int32)

            def main_body(g, carry):
                cdfc, tot16, mn16, mx16 = carry
                for u in range(UF):
                    c = g * UF + u
                    v = kb[pl.ds(c * 16, 16)]
                    val = plsc.bitcast(v, jnp.float32)
                    nxt = plsc.bitcast(kb[pl.ds(c * 16 + 1, 16)], jnp.float32)
                    delta = nxt - val
                    sgn = 2 * (v & 1) - 1
                    cdf = plsc.cumsum(sgn) + cdfc
                    plsc.addupdate_scatter(hlev, [cdf + N], delta)
                    cdfc = cdfc + jnp.sum(sgn)
                    tot16 = tot16 + delta
                    mn16 = jnp.minimum(mn16, cdf)
                    mx16 = jnp.maximum(mx16, cdf)
                return cdfc, tot16, mn16, mx16
            _, tot16, mn16, mx16 = lax.fori_loop(
                0, M // 16 // UF, main_body,
                (jnp.int32(0), jnp.zeros((16,), jnp.float32),
                 jnp.full((16,), N, jnp.int32), jnp.full((16,), -N, jnp.int32)))
            tot = jnp.sum(tot16)
            mnc = jnp.min(mn16)
            mxc = jnp.max(mx16)

            g0 = (mnc + N) // (16 * UF)
            g1 = (mxc + N) // (16 * UF) + 1

            def med_body(g, carry):
                cum16, nbefore = carry
                for u in range(UF):
                    h = hlev[pl.ds((g * UF + u) * 16, 16)]
                    cs = plsc.cumsum(h) + cum16
                    nbefore = nbefore + jnp.sum(
                        jnp.where(cs < 0.5, 1, 0).astype(jnp.int32))
                    cum16 = cum16 + jnp.full((16,), jnp.sum(h), jnp.float32)
                return (cum16, nbefore)
            _, nbefore = lax.fori_loop(
                g0, g1, med_body, (jnp.zeros((16,), jnp.float32),
                                   jnp.int32(0)))

            ok16 = jnp.full((16,), tot, jnp.float32) >= 0.5
            med16 = jnp.where(
                ok16, jnp.full((16,), g0 * (16 * UF) + nbefore - N, jnp.int32),
                jnp.full((16,), mnc, jnp.int32))

            def fin_body(g, w16):
                for u in range(UF):
                    c = g * UF + u
                    h = hlev[pl.ds(c * 16, 16)]
                    lvl = iota16 + (c * 16 - N)
                    w16 = w16 + h * jnp.abs(lvl - med16).astype(jnp.float32)
                    hlev[pl.ds(c * 16, 16)] = jnp.zeros((16,), jnp.float32)
                return w16
            w16 = lax.fori_loop(g0, g1, fin_body,
                                jnp.zeros((16,), jnp.float32))
            wval = jnp.sum(w16 * jnp.float32(1.0 / N))
            wv[...] = jnp.where(iota16 == r,
                                jnp.full((16,), wval, jnp.float32), wv[...])
        return 0

    lax.fori_loop(0, RPW, row_body, 0)
    pltpu.sync_copy(wv, out_hbm.at[wid])



def _w1_block(u0_ref, u1_ref, xt_ref, yt_ref, out_ref):
    ax, ay = _angles(u0_ref[...], u1_ref[...], xt_ref[...], yt_ref[...])
    keys = _tagged_keys(ax, ay)

    iota = lax.broadcasted_iota(jnp.int32, (R, M), 1)

    prev_flip = jnp.zeros((R, M), jnp.int32)
    k = 2
    while k <= M:
        flip = jnp.where((iota & k) == 0, 0, -1)
        keys = keys ^ (prev_flip ^ flip)
        prev_flip = flip
        j = k >> 1
        while j >= 1:
            down = pltpu.roll(keys, M - j, 1)
            up = pltpu.roll(keys, j, 1)
            bitj0 = (iota & j) == 0
            mn = jnp.minimum(keys, down)
            mx = jnp.maximum(keys, up)
            keys = jnp.where(bitj0, mn, mx)
            j >>= 1
        k <<= 1
    keys = keys ^ prev_flip

    val = pltpu.bitcast(keys, jnp.float32)
    sgn = 2 * (keys & 1) - 1

    cdf = sgn
    sh = 1
    while sh < M:
        cdf = cdf + jnp.where(iota >= sh, pltpu.roll(cdf, sh, 1), 0)
        sh <<= 1

    nxt = jnp.where(iota == M - 1, 1.0, pltpu.roll(val, M - 1, 1))
    delta = nxt - val

    total = jnp.sum(delta, axis=1, keepdims=True)
    mincdf = jnp.min(cdf, axis=1, keepdims=True)

    lo = jnp.full((R, 1), -N, jnp.int32)
    hi = jnp.full((R, 1), N, jnp.int32)
    for _ in range(13):
        mid = lax.shift_right_arithmetic(lo + hi, 1)
        fmid = jnp.sum(jnp.where(cdf <= mid, delta, 0.0), axis=1, keepdims=True)
        ok = fmid >= 0.5
        hi = jnp.where(ok, mid, hi)
        lo = jnp.where(ok, lo, mid + 1)
    med = jnp.where(total >= 0.5, lo, mincdf)

    dev = jnp.abs(cdf - med).astype(jnp.float32)
    w = jnp.sum(delta * dev, axis=1) * (1.0 / N)
    out_ref[0, 0, :] = w


@jax.jit
def kernel(x, y, U):
    xt = x.T
    yt = y.T
    u0 = U[:, :, 0]
    u1 = U[:, :, 1]

    nbs = LS // R
    keys = pl.pallas_call(
        _keys_block,
        grid=(nbs,),
        in_specs=[
            pl.BlockSpec((R, D), lambda i: (i, 0)),
            pl.BlockSpec((R, D), lambda i: (i, 0)),
            pl.BlockSpec((D, N), lambda i: (0, 0)),
            pl.BlockSpec((D, N), lambda i: (0, 0)),
        ],
        out_specs=pl.BlockSpec((R, M), lambda i: (i, 0)),
        out_shape=jax.ShapeDtypeStruct((LS, M), jnp.int32),
    )(u0, u1, xt, yt)

    mesh = plsc.VectorSubcoreMesh(core_axis_name="c", subcore_axis_name="s")
    wsc = functools.partial(
        pl.kernel,
        out_type=jax.ShapeDtypeStruct((NW, 16), jnp.float32),
        mesh=mesh,
        compiler_params=pltpu.CompilerParams(needs_layout_passes=False),
        scratch_types=[
            pltpu.VMEM((MP,), jnp.int32),
            pltpu.VMEM((MP,), jnp.int32),
            pltpu.VMEM((NBINS,), jnp.int32),
            pltpu.VMEM((NLEVP,), jnp.float32),
            pltpu.VMEM((16,), jnp.float32),
        ],
    )(_sc_body)(keys)

    nbt = LT // R
    wtc = pl.pallas_call(
        _w1_block,
        grid=(nbt,),
        in_specs=[
            pl.BlockSpec((R, D), lambda i: (i + LS // R, 0)),
            pl.BlockSpec((R, D), lambda i: (i + LS // R, 0)),
            pl.BlockSpec((D, N), lambda i: (0, 0)),
            pl.BlockSpec((D, N), lambda i: (0, 0)),
        ],
        out_specs=pl.BlockSpec((1, 1, R), lambda i: (i, 0, 0)),
        out_shape=jax.ShapeDtypeStruct((nbt, 1, R), jnp.float32),
    )(u0, u1, xt, yt)

    wsc_flat = wsc.T[:RPW].reshape(-1)
    return jnp.maximum(jnp.max(wsc_flat), jnp.max(wtc))

# --- scband reference (transcript-rebuilt; emitter-appended) ---
"""Pipeline reference for scband-max-spherical-wassersten-distance-residual-56642028699971 (READ-ONLY COPY).

The authoritative reference and input builder live on the scoring server;
editing this copy changes nothing except your own understanding.
"""

import jax, jax.numpy as jnp
import numpy as np

N = 4096
D = 64
L = 200


def w1_circle(u_values, v_values):
    # u_values: [L, n], v_values: [L, m], coordinates in [0,1) on the circle
    Lb, n = u_values.shape
    m = v_values.shape[-1]
    u_w = jnp.full((Lb, n), 1.0 / n, dtype=u_values.dtype)
    v_w = jnp.full((Lb, m), 1.0 / m, dtype=v_values.dtype)
    u_values = jnp.sort(u_values, axis=-1)
    v_values = jnp.sort(v_values, axis=-1)
    values = jnp.concatenate([u_values, v_values], axis=-1)
    sorter = jnp.argsort(values, axis=-1)
    values_sorted = jnp.take_along_axis(values, sorter, axis=-1)
    w = jnp.concatenate([u_w, -v_w], axis=-1)
    cdf_diff = jnp.cumsum(jnp.take_along_axis(w, sorter, axis=-1), axis=-1)
    cdf_diff_sorter = jnp.argsort(cdf_diff, axis=-1)
    cdf_diff_sorted = jnp.take_along_axis(cdf_diff, cdf_diff_sorter, axis=-1)
    values_pad = jnp.concatenate([values_sorted, jnp.ones((Lb, 1), dtype=values_sorted.dtype)], axis=-1)
    delta = values_pad[..., 1:] - values_pad[..., :-1]
    weight_sorted = jnp.take_along_axis(delta, cdf_diff_sorter, axis=-1)
    sum_weights = jnp.cumsum(weight_sorted, axis=-1) - 0.5
    sum_weights = jnp.where(sum_weights < 0, jnp.inf, sum_weights)
    inds = jnp.argmin(sum_weights, axis=-1)
    lev_med = jnp.take_along_axis(cdf_diff_sorted, inds[:, None], axis=-1)
    return jnp.sum(delta * jnp.abs(cdf_diff - lev_med), axis=-1)


def circle_coords(Z):
    # Z: [L, N, 2] projections onto 2-planes; normalize to unit circle, map angle to [0,1)
    Zn = Z / (jnp.linalg.norm(Z, axis=-1, keepdims=True) + 1e-12)
    ang = (jnp.arctan2(-Zn[..., 1], -Zn[..., 0]) + np.pi) / (2.0 * np.pi)
    return ang


def setup_inputs(seed: int = 0) -> dict:
    key = jax.random.key(seed)
    k1, k2, k3 = jax.random.split(key, 3)
    x = jax.random.normal(k1, (N, D), dtype=jnp.float32)
    y = jax.random.normal(k2, (N, D), dtype=jnp.float32)
    # learned/optimized projection planes (Stiefel): L orthonormal d x 2 frames
    A = jax.random.normal(k3, (L, D, 2), dtype=jnp.float32)
    Q, _ = jnp.linalg.qr(A)
    U = Q
    return {"x": x, "y": y, "U": U}


def reference(x, y, U):
    # normalize inputs onto the sphere S^{d-1}
    xn = x / (jnp.linalg.norm(x, axis=-1, keepdims=True) + 1e-12)
    yn = y / (jnp.linalg.norm(y, axis=-1, keepdims=True) + 1e-12)
    # project onto each 2-plane -> great circle
    Xp = jnp.einsum('nd,ldk->lnk', xn, U)
    Yp = jnp.einsum('nd,ldk->lnk', yn, U)
    ax = circle_coords(Xp)  # [L, N] in [0,1)
    ay = circle_coords(Yp)
    w = w1_circle(ax, ay)   # [L]
    # max spherical (sliced) Wasserstein: max over projection planes
    return jnp.max(w)

if __name__ == "__main__":
    import jax
    _d = setup_inputs()
    print(jax.jit(kernel)(*tuple(_d.values())))

</pallas_src>

<mosaic_0001>
#map = affine_map<(d0, d1) -> (0, 0)>
module attributes {stable_mosaic.version = 14 : i64} {
  func.func @_sc_body(%arg0: i32, %arg1: i32, %arg2: memref<128x8192xi32, #tpu.memory_space<hbm>>, %arg3: memref<32x16xf32, #tpu.memory_space<hbm>>, %arg4: memref<8208xi32, #tpu.memory_space<vmem>>, %arg5: memref<8208xi32, #tpu.memory_space<vmem>>, %arg6: memref<2048xi32, #tpu.memory_space<vmem>>, %arg7: memref<8208xf32, #tpu.memory_space<vmem>>, %arg8: memref<16xf32, #tpu.memory_space<vmem>>) attributes {dimension_semantics = [#tpu.dimension_semantics<core_parallel>, #tpu.dimension_semantics<subcore_parallel>], iteration_bounds = array<i64: 2, 16>, scalar_prefetch = 0 : i64, scratch_operands = 5 : i64, tpu.core_type = #tpu.core_type<sc_vector_subcore>, window_params = [{transform_indices = #map}, {transform_indices = #map}]} {
    %mul3A = arith.constant 2 : i32
    %mul3A_0 = arith.muli %arg1, %mul3A : i32
    %add3A = arith.addi %mul3A_0, %arg0 : i32
    %broadcast_in_dim3A = arith.constant 0.000000e+00 : f32
    %broadcast_in_dim3A_1 = vector.broadcast %broadcast_in_dim3A : f32 to vector<16xf32>
    %swap3A = arith.constant 0 : index
    %swap3A_2 = tpu.vector_load %arg8[%swap3A] {strides = array<i32>} : memref<16xf32, #tpu.memory_space<vmem>>, vector<16xf32>,
    tpu.vector_store %arg8[%swap3A], %broadcast_in_dim3A_1 {strides = array<i32>} : memref<16xf32, #tpu.memory_space<vmem>>, vector<16xf32>,
    %iota3A = tpu.iota {dimensions = array<i32: 0>} : vector<16xi32>
    %scan3A = arith.constant 0 : i32
    %scan3A_3 = arith.constant 0 : i32
    %scan3A_4 = arith.constant 64 : i32
    %scan3A_5 = arith.addi %scan3A_3, %scan3A_4 : i32
    %scan3A_6 = arith.constant 1 : i32
    %scan3A_7 = scf.for %scan3A_20 = %scan3A_3 to %scan3A_5 step %scan3A_6 iter_args(%scan3A_21 = %scan3A) -> (i32)  : i32 {
      %broadcast_in_dim3A_22 = arith.constant 0.000000e+00 : f32
      %broadcast_in_dim3A_23 = vector.broadcast %broadcast_in_dim3A_22 : f32 to vector<16xf32>
      %mul3A_24 = arith.constant 8 : i32
      %mul3A_25 = arith.muli %scan3A_20, %mul3A_24 : i32
      %add3A_26 = arith.constant 0 : i32
      %add3A_27 = arith.addi %mul3A_25, %add3A_26 : i32
      %mul3A_28 = arith.constant 16 : i32
      %mul3A_29 = arith.muli %add3A_27, %mul3A_28 : i32
      %swap3A_30 = arith.index_cast %mul3A_29 : i32 to index
      %swap3A_31 = tpu.vector_load %arg7[%swap3A_30] {strides = array<i32>} : memref<8208xf32, #tpu.memory_space<vmem>>, vector<16xf32>,
      tpu.vector_store %arg7[%swap3A_30], %broadcast_in_dim3A_23 {strides = array<i32>} : memref<8208xf32, #tpu.memory_space<vmem>>, vector<16xf32>,
      %broadcast_in_dim3A_32 = arith.constant 0.000000e+00 : f32
      %broadcast_in_dim3A_33 = vector.broadcast %broadcast_in_dim3A_32 : f32 to vector<16xf32>
      %mul3A_34 = arith.constant 8 : i32
      %mul3A_35 = arith.muli %scan3A_20, %mul3A_34 : i32
      %add3A_36 = arith.constant 1 : i32
      %add3A_37 = arith.addi %mul3A_35, %add3A_36 : i32
      %mul3A_38 = arith.constant 16 : i32
      %mul3A_39 = arith.muli %add3A_37, %mul3A_38 : i32
      %swap3A_40 = arith.index_cast %mul3A_39 : i32 to index
      %swap3A_41 = tpu.vector_load %arg7[%swap3A_40] {strides = array<i32>} : memref<8208xf32, #tpu.memory_space<vmem>>, vector<16xf32>,
      tpu.vector_store %arg7[%swap3A_40], %broadcast_in_dim3A_33 {strides = array<i32>} : memref<8208xf32, #tpu.memory_space<vmem>>, vector<16xf32>,
      %broadcast_in_dim3A_42 = arith.constant 0.000000e+00 : f32
      %broadcast_in_dim3A_43 = vector.broadcast %broadcast_in_dim3A_42 : f32 to vector<16xf32>
      %mul3A_44 = arith.constant 8 : i32
      %mul3A_45 = arith.muli %scan3A_20, %mul3A_44 : i32
      %add3A_46 = arith.constant 2 : i32
      %add3A_47 = arith.addi %mul3A_45, %add3A_46 : i32
      %mul3A_48 = arith.constant 16 : i32
      %mul3A_49 = arith.muli %add3A_47, %mul3A_48 : i32
      %swap3A_50 = arith.index_cast %mul3A_49 : i32 to index
      %swap3A_51 = tpu.vector_load %arg7[%swap3A_50] {strides = array<i32>} : memref<8208xf32, #tpu.memory_space<vmem>>, vector<16xf32>,
      tpu.vector_store %arg7[%swap3A_50], %broadcast_in_dim3A_43 {strides = array<i32>} : memref<8208xf32, #tpu.memory_space<vmem>>, vector<16xf32>,
      %broadcast_in_dim3A_52 = arith.constant 0.000000e+00 : f32
      %broadcast_in_dim3A_53 = vector.broadcast %broadcast_in_dim3A_52 : f32 to vector<16xf32>
      %mul3A_54 = arith.constant 8 : i32
      %mul3A_55 = arith.muli %scan3A_20, %mul3A_54 : i32
      %add3A_56 = arith.constant 3 : i32
      %add3A_57 = arith.addi %mul3A_55, %add3A_56 : i32
      %mul3A_58 = arith.constant 16 : i32
      %mul3A_59 = arith.muli %add3A_57, %mul3A_58 : i32
      %swap3A_60 = arith.index_cast %mul3A_59 : i32 to index
      %swap3A_61 = tpu.vector_load %arg7[%swap3A_60] {strides = array<i32>} : memref<8208xf32, #tpu.memory_space<vmem>>, vector<16xf32>,
      tpu.vector_store %arg7[%swap3A_60], %broadcast_in_dim3A_53 {strides = array<i32>} : memref<8208xf32, #tpu.memory_space<vmem>>, vector<16xf32>,
      %broadcast_in_dim3A_62 = arith.constant 0.000000e+00 : f32
      %broadcast_in_dim3A_63 = vector.broadcast %broadcast_in_dim3A_62 : f32 to vector<16xf32>
      %mul3A_64 = arith.constant 8 : i32
      %mul3A_65 = arith.muli %scan3A_20, %mul3A_64 : i32
      %add3A_66 = arith.constant 4 : i32
      %add3A_67 = arith.addi %mul3A_65, %add3A_66 : i32
      %mul3A_68 = arith.constant 16 : i32
      %mul3A_69 = arith.muli %add3A_67, %mul3A_68 : i32
      %swap3A_70 = arith.index_cast %mul3A_69 : i32 to index
      %swap3A_71 = tpu.vector_load %arg7[%swap3A_70] {strides = array<i32>} : memref<8208xf32, #tpu.memory_space<vmem>>, vector<16xf32>,
      tpu.vector_store %arg7[%swap3A_70], %broadcast_in_dim3A_63 {strides = array<i32>} : memref<8208xf32, #tpu.memory_space<vmem>>, vector<16xf32>,
      %broadcast_in_dim3A_72 = arith.constant 0.000000e+00 : f32
      %broadcast_in_dim3A_73 = vector.broadcast %broadcast_in_dim3A_72 : f32 to vector<16xf32>
      %mul3A_74 = arith.constant 8 : i32
      %mul3A_75 = arith.muli %scan3A_20, %mul3A_74 : i32
      %add3A_76 = arith.constant 5 : i32
      %add3A_77 = arith.addi %mul3A_75, %add3A_76 : i32
      %mul3A_78 = arith.constant 16 : i32
      %mul3A_79 = arith.muli %add3A_77, %mul3A_78 : i32
      %swap3A_80 = arith.index_cast %mul3A_79 : i32 to index
      %swap3A_81 = tpu.vector_load %arg7[%swap3A_80] {strides = array<i32>} : memref<8208xf32, #tpu.memory_space<vmem>>, vector<16xf32>,
      tpu.vector_store %arg7[%swap3A_80], %broadcast_in_dim3A_73 {strides = array<i32>} : memref<8208xf32, #tpu.memory_space<vmem>>, vector<16xf32>,
      %broadcast_in_dim3A_82 = arith.constant 0.000000e+00 : f32
      %broadcast_in_dim3A_83 = vector.broadcast %broadcast_in_dim3A_82 : f32 to vector<16xf32>
      %mul3A_84 = arith.constant 8 : i32
      %mul3A_85 = arith.muli %scan3A_20, %mul3A_84 : i32
      %add3A_86 = arith.constant 6 : i32
      %add3A_87 = arith.addi %mul3A_85, %add3A_86 : i32
      %mul3A_88 = arith.constant 16 : i32
      %mul3A_89 = arith.muli %add3A_87, %mul3A_88 : i32
      %swap3A_90 = arith.index_cast %mul3A_89 : i32 to index
      %swap3A_91 = tpu.vector_load %arg7[%swap3A_90] {strides = array<i32>} : memref<8208xf32, #tpu.memory_space<vmem>>, vector<16xf32>,
      tpu.vector_store %arg7[%swap3A_90], %broadcast_in_dim3A_83 {strides = array<i32>} : memref<8208xf32, #tpu.memory_space<vmem>>, vector<16xf32>,
      %broadcast_in_dim3A_92 = arith.constant 0.000000e+00 : f32
      %broadcast_in_dim3A_93 = vector.broadcast %broadcast_in_dim3A_92 : f32 to vector<16xf32>
      %mul3A_94 = arith.constant 8 : i32
      %mul3A_95 = arith.muli %scan3A_20, %mul3A_94 : i32
      %add3A_96 = arith.constant 7 : i32
      %add3A_97 = arith.addi %mul3A_95, %add3A_96 : i32
      %mul3A_98 = arith.constant 16 : i32
      %mul3A_99 = arith.muli %add3A_97, %mul3A_98 : i32
      %swap3A_100 = arith.index_cast %mul3A_99 : i32 to index
      %swap3A_101 = tpu.vector_load %arg7[%swap3A_100] {strides = array<i32>} : memref<8208xf32, #tpu.memory_space<vmem>>, vector<16xf32>,
      tpu.vector_store %arg7[%swap3A_100], %broadcast_in_dim3A_93 {strides = array<i32>} : memref<8208xf32, #tpu.memory_space<vmem>>, vector<16xf32>,
      %scan3A_102 = arith.constant 0 : i32
      scf.yield %scan3A_102 : i32
    }
    %scan3A_8 = arith.constant 64 : i32
    %broadcast_in_dim3A_9 = arith.constant 0.000000e+00 : f32
    %broadcast_in_dim3A_10 = vector.broadcast %broadcast_in_dim3A_9 : f32 to vector<16xf32>
    %swap3A_11 = arith.constant 8192 : index
    %swap3A_12 = tpu.vector_load %arg7[%swap3A_11] {strides = array<i32>} : memref<8208xf32, #tpu.memory_space<vmem>>, vector<16xf32>,
    tpu.vector_store %arg7[%swap3A_11], %broadcast_in_dim3A_10 {strides = array<i32>} : memref<8208xf32, #tpu.memory_space<vmem>>, vector<16xf32>,
    %scan3A_13 = arith.constant 0 : i32
    %scan3A_14 = arith.constant 0 : i32
    %scan3A_15 = arith.constant 4 : i32
    %scan3A_16 = arith.addi %scan3A_14, %scan3A_15 : i32
    %scan3A_17 = arith.constant 1 : i32
    %scan3A_18 = scf.for %scan3A_20 = %scan3A_14 to %scan3A_16 step %scan3A_17 iter_args(%scan3A_21 = %scan3A_13) -> (i32)  : i32 {
      %mul3A_22 = arith.constant 32 : i32
      %mul3A_23 = arith.muli %scan3A_20, %mul3A_22 : i32
      %add3A_24 = arith.addi %mul3A_23, %add3A : i32
      %lt3A = arith.constant 128 : i32
      %lt3A_25 = arith.cmpi slt, %add3A_24, %lt3A : i32
      %convert_element_type3A = arith.extui %lt3A_25 : i1 to i32
      %cond3A = arith.constant 0 : i32
      %cond3A_26 = arith.cmpi ne, %convert_element_type3A, %cond3A : i32
      scf.if %cond3A_26 {
        "tpu.region"() ({
          %run_scoped3A = tpu.sem_alloc : memref<!tpu.dma_semaphore, #tpu.memory_space<semaphore_mem>>
          %dma_start3A = arith.constant 0 : i32
          %dma_start3A_212 = tpu.memref_slice %arg5[%dma_start3A] : memref<8208xi32, #tpu.memory_space<vmem>> -> memref<8192xi32, #tpu.memory_space<vmem>>
          %dma_start3A_213 = arith.constant 0 : i32
          %dma_start3A_214 = tpu.memref_slice %arg2[%add3A_24, %dma_start3A_213] : memref<128x8192xi32, #tpu.memory_space<hbm>> -> memref<1x8192xi32, #tpu.memory_space<hbm>>
          %dma_start3A_215 = tpu.memref_squeeze %dma_start3A_214 : memref<1x8192xi32, #tpu.memory_space<hbm>> -> memref<8192xi32, #tpu.memory_space<hbm>>
          %dma_start3A_216 = arith.constant 0 : i32
          %dma_start3A_217 = tpu.memref_slice %arg5[%dma_start3A_216] : memref<8208xi32, #tpu.memory_space<vmem>> -> memref<8192xi32, #tpu.memory_space<vmem>>
          %dma_start3A_218 = arith.constant 0 : i32
          %dma_start3A_219 = tpu.memref_slice %arg2[%add3A_24, %dma_start3A_218] : memref<128x8192xi32, #tpu.memory_space<hbm>> -> memref<1x8192xi32, #tpu.memory_space<hbm>>
          %dma_start3A_220 = tpu.memref_squeeze %dma_start3A_219 : memref<1x8192xi32, #tpu.memory_space<hbm>> -> memref<8192xi32, #tpu.memory_space<hbm>>
          tpu.enqueue_dma source(%dma_start3A_220 : memref<8192xi32, #tpu.memory_space<hbm>>) target(%dma_start3A_217 : memref<8192xi32, #tpu.memory_space<vmem>>) target_semaphore(%run_scoped3A : memref<!tpu.dma_semaphore, #tpu.memory_space<semaphore_mem>>)
          %dma_wait3A = arith.constant 0 : i32
          %dma_wait3A_221 = tpu.memref_slice %arg5[%dma_wait3A] : memref<8208xi32, #tpu.memory_space<vmem>> -> memref<8192xi32, #tpu.memory_space<vmem>>
          %dma_wait3A_222 = arith.constant 0 : i32
          %dma_wait3A_223 = tpu.memref_slice %arg2[%add3A_24, %dma_wait3A_222] : memref<128x8192xi32, #tpu.memory_space<hbm>> -> memref<1x8192xi32, #tpu.memory_space<hbm>>
          %dma_wait3A_224 = tpu.memref_squeeze %dma_wait3A_223 : memref<1x8192xi32, #tpu.memory_space<hbm>> -> memref<8192xi32, #tpu.memory_space<hbm>>
          %dma_wait3A_225 = arith.constant 0 : i32
          %dma_wait3A_226 = tpu.memref_slice %arg5[%dma_wait3A_225] : memref<8208xi32, #tpu.memory_space<vmem>> -> memref<8192xi32, #tpu.memory_space<vmem>>
          %dma_wait3A_227 = arith.constant 0 : i32
          %dma_wait3A_228 = tpu.memref_slice %arg2[%add3A_24, %dma_wait3A_227] : memref<128x8192xi32, #tpu.memory_space<hbm>> -> memref<1x8192xi32, #tpu.memory_space<hbm>>
          %dma_wait3A_229 = tpu.memref_squeeze %dma_wait3A_228 : memref<1x8192xi32, #tpu.memory_space<hbm>> -> memref<8192xi32, #tpu.memory_space<hbm>>
          tpu.wait_dma2 semaphore(%run_scoped3A : memref<!tpu.dma_semaphore, #tpu.memory_space<semaphore_mem>>) src(%dma_wait3A_229 : memref<8192xi32, #tpu.memory_space<hbm>>) dst(%dma_wait3A_226 : memref<8192xi32, #tpu.memory_space<vmem>>)
          tpu.yield
        }) : () -> ()
        %scan3A_28 = arith.constant 0 : i32
        %scan3A_29 = arith.constant 0 : i32
        %scan3A_30 = arith.constant 16 : i32
        %scan3A_31 = arith.addi %scan3A_29, %scan3A_30 : i32
        %scan3A_32 = arith.constant 1 : i32
        %scan3A_33 = scf.for %scan3A_212 = %scan3A_29 to %scan3A_31 step %scan3A_32 iter_args(%scan3A_213 = %scan3A_28) -> (i32)  : i32 {
          %broadcast_in_dim3A_214 = arith.constant 0 : i32
          %broadcast_in_dim3A_215 = vector.broadcast %broadcast_in_dim3A_214 : i32 to vector<16xi32>
          %mul3A_216 = arith.constant 8 : i32
          %mul3A_217 = arith.muli %scan3A_212, %mul3A_216 : i32
          %add3A_218 = arith.constant 0 : i32
          %add3A_219 = arith.addi %mul3A_217, %add3A_218 : i32
          %mul3A_220 = arith.constant 16 : i32
          %mul3A_221 = arith.muli %add3A_219, %mul3A_220 : i32
          %swap3A_222 = arith.index_cast %mul3A_221 : i32 to index
          %swap3A_223 = tpu.vector_load %arg6[%swap3A_222] {strides = array<i32>} : memref<2048xi32, #tpu.memory_space<vmem>>, vector<16xi32>,
          tpu.vector_store %arg6[%swap3A_222], %broadcast_in_dim3A_215 {strides = array<i32>} : memref<2048xi32, #tpu.memory_space<vmem>>, vector<16xi32>,
          %broadcast_in_dim3A_224 = arith.constant 0 : i32
          %broadcast_in_dim3A_225 = vector.broadcast %broadcast_in_dim3A_224 : i32 to vector<16xi32>
          %mul3A_226 = arith.constant 8 : i32
          %mul3A_227 = arith.muli %scan3A_212, %mul3A_226 : i32
          %add3A_228 = arith.constant 1 : i32
          %add3A_229 = arith.addi %mul3A_227, %add3A_228 : i32
          %mul3A_230 = arith.constant 16 : i32
          %mul3A_231 = arith.muli %add3A_229, %mul3A_230 : i32
          %swap3A_232 = arith.index_cast %mul3A_231 : i32 to index
          %swap3A_233 = tpu.vector_load %arg6[%swap3A_232] {strides = array<i32>} : memref<2048xi32, #tpu.memory_space<vmem>>, vector<16xi32>,
          tpu.vector_store %arg6[%swap3A_232], %broadcast_in_dim3A_225 {strides = array<i32>} : memref<2048xi32, #tpu.memory_space<vmem>>, vector<16xi32>,
          %broadcast_in_dim3A_234 = arith.constant 0 : i32
          %broadcast_in_dim3A_235 = vector.broadcast %broadcast_in_dim3A_234 : i32 to vector<16xi32>
          %mul3A_236 = arith.constant 8 : i32
          %mul3A_237 = arith.muli %scan3A_212, %mul3A_236 : i32
          %add3A_238 = arith.constant 2 : i32
          %add3A_239 = arith.addi %mul3A_237, %add3A_238 : i32
          %mul3A_240 = arith.constant 16 : i32
          %mul3A_241 = arith.muli %add3A_239, %mul3A_240 : i32
          %swap3A_242 = arith.index_cast %mul3A_241 : i32 to index
          %swap3A_243 = tpu.vector_load %arg6[%swap3A_242] {strides = array<i32>} : memref<2048xi32, #tpu.memory_space<vmem>>, vector<16xi32>,
          tpu.vector_store %arg6[%swap3A_242], %broadcast_in_dim3A_235 {strides = array<i32>} : memref<2048xi32, #tpu.memory_space<vmem>>, vector<16xi32>,
          %broadcast_in_dim3A_244 = arith.constant 0 : i32
          %broadcast_in_dim3A_245 = vector.broadcast %broadcast_in_dim3A_244 : i32 to vector<16xi32>
          %mul3A_246 = arith.constant 8 : i32
          %mul3A_247 = arith.muli %scan3A_212, %mul3A_246 : i32
          %add3A_248 = arith.constant 3 : i32
          %add3A_249 = arith.addi %mul3A_247, %add3A_248 : i32
          %mul3A_250 = arith.constant 16 : i32
          %mul3A_251 = arith.muli %add3A_249, %mul3A_250 : i32
          %swap3A_252 = arith.index_cast %mul3A_251 : i32 to index
          %swap3A_253 = tpu.vector_load %arg6[%swap3A_252] {strides = array<i32>} : memref<2048xi32, #tpu.memory_space<vmem>>, vector<16xi32>,
          tpu.vector_store %arg6[%swap3A_252], %broadcast_in_dim3A_245 {strides = array<i32>} : memref<2048xi32, #tpu.memory_space<vmem>>, vector<16xi32>,
          %broadcast_in_dim3A_254 = arith.constant 0 : i32
          %broadcast_in_dim3A_255 = vector.broadcast %broadcast_in_dim3A_254 : i32 to vector<16xi32>
          %mul3A_256 = arith.constant 8 : i32
          %mul3A_257 = arith.muli %scan3A_212, %mul3A_256 : i32
          %add3A_258 = arith.constant 4 : i32
          %add3A_259 = arith.addi %mul3A_257, %add3A_258 : i32
          %mul3A_260 = arith.constant 16 : i32
          %mul3A_261 = arith.muli %add3A_259, %mul3A_260 : i32
          %swap3A_262 = arith.index_cast %mul3A_261 : i32 to index
          %swap3A_263 = tpu.vector_load %arg6[%swap3A_262] {strides = array<i32>} : memref<2048xi32, #tpu.memory_space<vmem>>, vector<16xi32>,
          tpu.vector_store %arg6[%swap3A_262], %broadcast_in_dim3A_255 {strides = array<i32>} : memref<2048xi32, #tpu.memory_space<vmem>>, vector<16xi32>,
          %broadcast_in_dim3A_264 = arith.constant 0 : i32
          %broadcast_in_dim3A_265 = vector.broadcast %broadcast_in_dim3A_264 : i32 to vector<16xi32>
          %mul3A_266 = arith.constant 8 : i32
          %mul3A_267 = arith.muli %scan3A_212, %mul3A_266 : i32
          %add3A_268 = arith.constant 5 : i32
          %add3A_269 = arith.addi %mul3A_267, %add3A_268 : i32
          %mul3A_270 = arith.constant 16 : i32
          %mul3A_271 = arith.muli %add3A_269, %mul3A_270 : i32
          %swap3A_272 = arith.index_cast %mul3A_271 : i32 to index
          %swap3A_273 = tpu.vector_load %arg6[%swap3A_272] {strides = array<i32>} : memref<2048xi32, #tpu.memory_space<vmem>>, vector<16xi32>,
          tpu.vector_store %arg6[%swap3A_272], %broadcast_in_dim3A_265 {strides = array<i32>} : memref<2048xi32, #tpu.memory_space<vmem>>, vector<16xi32>,
          %broadcast_in_dim3A_274 = arith.constant 0 : i32
          %broadcast_in_dim3A_275 = vector.broadcast %broadcast_in_dim3A_274 : i32 to vector<16xi32>
          %mul3A_276 = arith.constant 8 : i32
          %mul3A_277 = arith.muli %scan3A_212, %mul3A_276 : i32
          %add3A_278 = arith.constant 6 : i32
          %add3A_279 = arith.addi %mul3A_277, %add3A_278 : i32
          %mul3A_280 = arith.constant 16 : i32
          %mul3A_281 = arith.muli %add3A_279, %mul3A_280 : i32
          %swap3A_282 = arith.index_cast %mul3A_281 : i32 to index
          %swap3A_283 = tpu.vector_load %arg6[%swap3A_282] {strides = array<i32>} : memref<2048xi32, #tpu.memory_space<vmem>>, vector<16xi32>,
          tpu.vector_store %arg6[%swap3A_282], %broadcast_in_dim3A_275 {strides = array<i32>} : memref<2048xi32, #tpu.memory_space<vmem>>, vector<16xi32>,
          %broadcast_in_dim3A_284 = arith.constant 0 : i32
          %broadcast_in_dim3A_285 = vector.broadcast %broadcast_in_dim3A_284 : i32 to vector<16xi32>
          %mul3A_286 = arith.constant 8 : i32
          %mul3A_287 = arith.muli %scan3A_212, %mul3A_286 : i32
          %add3A_288 = arith.constant 7 : i32
          %add3A_289 = arith.addi %mul3A_287, %add3A_288 : i32
          %mul3A_290 = arith.constant 16 : i32
          %mul3A_291 = arith.muli %add3A_289, %mul3A_290 : i32
          %swap3A_292 = arith.index_cast %mul3A_291 : i32 to index
          %swap3A_293 = tpu.vector_load %arg6[%swap3A_292] {strides = array<i32>} : memref<2048xi32, #tpu.memory_space<vmem>>, vector<16xi32>,
          tpu.vector_store %arg6[%swap3A_292], %broadcast_in_dim3A_285 {strides = array<i32>} : memref<2048xi32, #tpu.memory_space<vmem>>, vector<16xi32>,
          %scan3A_294 = arith.constant 0 : i32
          scf.yield %scan3A_294 : i32
        }
        %scan3A_34 = arith.constant 16 : i32
        %scan3A_35 = arith.constant 0 : i32
        %scan3A_36 = arith.constant 0 : i32
        %scan3A_37 = arith.constant 64 : i32
        %scan3A_38 = arith.addi %scan3A_36, %scan3A_37 : i32
        %scan3A_39 = arith.constant 1 : i32
        %scan3A_40 = scf.for %scan3A_212 = %scan3A_36 to %scan3A_38 step %scan3A_39 iter_args(%scan3A_213 = %scan3A_35) -> (i32)  : i32 {
          %mul3A_214 = arith.constant 8 : i32
          %mul3A_215 = arith.muli %scan3A_212, %mul3A_214 : i32
          %add3A_216 = arith.constant 0 : i32
          %add3A_217 = arith.addi %mul3A_215, %add3A_216 : i32
          %mul3A_218 = arith.constant 16 : i32
          %mul3A_219 = arith.muli %add3A_217, %mul3A_218 : i32
          %get3A_220 = arith.index_cast %mul3A_219 : i32 to index
          %get3A_221 = tpu.vector_load %arg5[%get3A_220] {strides = array<i32>} : memref<8208xi32, #tpu.memory_space<vmem>>, vector<16xi32>,
          %shift_right_logical3A = arith.constant 9 : i32
          %shift_right_logical3A_222 = vector.broadcast %shift_right_logical3A : i32 to vector<16xi32>
          %shift_right_logical3A_223 = arith.shrui %get3A_221, %shift_right_logical3A_222 : vector<16xi32>
          %and3A_224 = arith.constant 2047 : i32
          %and3A_225 = vector.broadcast %and3A_224 : i32 to vector<16xi32>
          %and3A_226 = arith.andi %shift_right_logical3A_223, %and3A_225 : vector<16xi32>
          %broadcast_in_dim3A_227 = arith.constant 1 : i32
          %broadcast_in_dim3A_228 = vector.broadcast %broadcast_in_dim3A_227 : i32 to vector<16xi32>
          tpu.vector_store_idx %arg6[%and3A_226], %broadcast_in_dim3A_228 {add = true} : memref<2048xi32, #tpu.memory_space<vmem>>[vector<16xi32>], vector<16xi32>,
          %mul3A_229 = arith.constant 8 : i32
          %mul3A_230 = arith.muli %scan3A_212, %mul3A_229 : i32
          %add3A_231 = arith.constant 1 : i32
          %add3A_232 = arith.addi %mul3A_230, %add3A_231 : i32
          %mul3A_233 = arith.constant 16 : i32
          %mul3A_234 = arith.muli %add3A_232, %mul3A_233 : i32
          %get3A_235 = arith.index_cast %mul3A_234 : i32 to index
          %get3A_236 = tpu.vector_load %arg5[%get3A_235] {strides = array<i32>} : memref<8208xi32, #tpu.memory_space<vmem>>, vector<16xi32>,
          %shift_right_logical3A_237 = arith.constant 9 : i32
          %shift_right_logical3A_238 = vector.broadcast %shift_right_logical3A_237 : i32 to vector<16xi32>
          %shift_right_logical3A_239 = arith.shrui %get3A_236, %shift_right_logical3A_238 : vector<16xi32>
          %and3A_240 = arith.constant 2047 : i32
          %and3A_241 = vector.broadcast %and3A_240 : i32 to vector<16xi32>
          %and3A_242 = arith.andi %shift_right_logical3A_239, %and3A_241 : vector<16xi32>
          %broadcast_in_dim3A_243 = arith.constant 1 : i32
          %broadcast_in_dim3A_244 = vector.broadcast %broadcast_in_dim3A_243 : i32 to vector<16xi32>
          tpu.vector_store_idx %arg6[%and3A_242], %broadcast_in_dim3A_244 {add = true} : memref<2048xi32, #tpu.memory_space<vmem>>[vector<16xi32>], vector<16xi32>,
          %mul3A_245 = arith.constant 8 : i32
          %mul3A_246 = arith.muli %scan3A_212, %mul3A_245 : i32
          %add3A_247 = arith.constant 2 : i32
          %add3A_248 = arith.addi %mul3A_246, %add3A_247 : i32
          %mul3A_249 = arith.constant 16 : i32
          %mul3A_250 = arith.muli %add3A_248, %mul3A_249 : i32
          %get3A_251 = arith.index_cast %mul3A_250 : i32 to index
          %get3A_252 = tpu.vector_load %arg5[%get3A_251] {strides = array<i32>} : memref<8208xi32, #tpu.memory_space<vmem>>, vector<16xi32>,
          %shift_right_logical3A_253 = arith.constant 9 : i32
          %shift_right_logical3A_254 = vector.broadcast %shift_right_logical3A_253 : i32 to vector<16xi32>
          %shift_right_logical3A_255 = arith.shrui %get3A_252, %shift_right_logical3A_254 : vector<16xi32>
          %and3A_256 = arith.constant 2047 : i32
          %and3A_257 = vector.broadcast %and3A_256 : i32 to vector<16xi32>
          %and3A_258 = arith.andi %shift_right_logical3A_255, %and3A_257 : vector<16xi32>
          %broadcast_in_dim3A_259 = arith.constant 1 : i32
          %broadcast_in_dim3A_260 = vector.broadcast %broadcast_in_dim3A_259 : i32 to vector<16xi32>
          tpu.vector_store_idx %arg6[%and3A_258], %broadcast_in_dim3A_260 {add = true} : memref<2048xi32, #tpu.memory_space<vmem>>[vector<16xi32>], vector<16xi32>,
          %mul3A_261 = arith.constant 8 : i32
          %mul3A_262 = arith.muli %scan3A_212, %mul3A_261 : i32
          %add3A_263 = arith.constant 3 : i32
          %add3A_264 = arith.addi %mul3A_262, %add3A_263 : i32
          %mul3A_265 = arith.constant 16 : i32
          %mul3A_266 = arith.muli %add3A_264, %mul3A_265 : i32
          %get3A_267 = arith.index_cast %mul3A_266 : i32 to index
          %get3A_268 = tpu.vector_load %arg5[%get3A_267] {strides = array<i32>} : memref<8208xi32, #tpu.memory_space<vmem>>, vector<16xi32>,
          %shift_right_logical3A_269 = arith.constant 9 : i32
          %shift_right_logical3A_270 = vector.broadcast %shift_right_logical3A_269 : i32 to vector<16xi32>
          %shift_right_logical3A_271 = arith.shrui %get3A_268, %shift_right_logical3A_270 : vector<16xi32>
          %and3A_272 = arith.constant 2047 : i32
          %and3A_273 = vector.broadcast %and3A_272 : i32 to vector<16xi32>
          %and3A_274 = arith.andi %shift_right_logical3A_271, %and3A_273 : vector<16xi32>
          %broadcast_in_dim3A_275 = arith.constant 1 : i32
          %broadcast_in_dim3A_276 = vector.broadcast %broadcast_in_dim3A_275 : i32 to vector<16xi32>
          tpu.vector_store_idx %arg6[%and3A_274], %broadcast_in_dim3A_276 {add = true} : memref<2048xi32, #tpu.memory_space<vmem>>[vector<16xi32>], vector<16xi32>,
          %mul3A_277 = arith.constant 8 : i32
          %mul3A_278 = arith.muli %scan3A_212, %mul3A_277 : i32
          %add3A_279 = arith.constant 4 : i32
          %add3A_280 = arith.addi %mul3A_278, %add3A_279 : i32
          %mul3A_281 = arith.constant 16 : i32
          %mul3A_282 = arith.muli %add3A_280, %mul3A_281 : i32
          %get3A_283 = arith.index_cast %mul3A_282 : i32 to index
          %get3A_284 = tpu.vector_load %arg5[%get3A_283] {strides = array<i32>} : memref<8208xi32, #tpu.memory_space<vmem>>, vector<16xi32>,
          %shift_right_logical3A_285 = arith.constant 9 : i32
          %shift_right_logical3A_286 = vector.broadcast %shift_right_logical3A_285 : i32 to vector<16xi32>
          %shift_right_logical3A_287 = arith.shrui %get3A_284, %shift_right_logical3A_286 : vector<16xi32>
          %and3A_288 = arith.constant 2047 : i32
          %and3A_289 = vector.broadcast %and3A_288 : i32 to vector<16xi32>
          %and3A_290 = arith.andi %shift_right_logical3A_287, %and3A_289 : vector<16xi32>
          %broadcast_in_dim3A_291 = arith.constant 1 : i32
          %broadcast_in_dim3A_292 = vector.broadcast %broadcast_in_dim3A_291 : i32 to vector<16xi32>
          tpu.vector_store_idx %arg6[%and3A_290], %broadcast_in_dim3A_292 {add = true} : memref<2048xi32, #tpu.memory_space<vmem>>[vector<16xi32>], vector<16xi32>,
          %mul3A_293 = arith.constant 8 : i32
          %mul3A_294 = arith.muli %scan3A_212, %mul3A_293 : i32
          %add3A_295 = arith.constant 5 : i32
          %add3A_296 = arith.addi %mul3A_294, %add3A_295 : i32
          %mul3A_297 = arith.constant 16 : i32
          %mul3A_298 = arith.muli %add3A_296, %mul3A_297 : i32
          %get3A_299 = arith.index_cast %mul3A_298 : i32 to index
          %get3A_300 = tpu.vector_load %arg5[%get3A_299] {strides = array<i32>} : memref<8208xi32, #tpu.memory_space<vmem>>, vector<16xi32>,
          %shift_right_logical3A_301 = arith.constant 9 : i32
          %shift_right_logical3A_302 = vector.broadcast %shift_right_logical3A_301 : i32 to vector<16xi32>
          %shift_right_logical3A_303 = arith.shrui %get3A_300, %shift_right_logical3A_302 : vector<16xi32>
          %and3A_304 = arith.constant 2047 : i32
          %and3A_305 = vector.broadcast %and3A_304 : i32 to vector<16xi32>
          %and3A_306 = arith.andi %shift_right_logical3A_303, %and3A_305 : vector<16xi32>
          %broadcast_in_dim3A_307 = arith.constant 1 : i32
          %broadcast_in_dim3A_308 = vector.broadcast %broadcast_in_dim3A_307 : i32 to vector<16xi32>
          tpu.vector_store_idx %arg6[%and3A_306], %broadcast_in_dim3A_308 {add = true} : memref<2048xi32, #tpu.memory_space<vmem>>[vector<16xi32>], vector<16xi32>,
          %mul3A_309 = arith.constant 8 : i32
          %mul3A_310 = arith.muli %scan3A_212, %mul3A_309 : i32
          %add3A_311 = arith.constant 6 : i32
          %add3A_312 = arith.addi %mul3A_310, %add3A_311 : i32
          %mul3A_313 = arith.constant 16 : i32
          %mul3A_314 = arith.muli %add3A_312, %mul3A_313 : i32
          %get3A_315 = arith.index_cast %mul3A_314 : i32 to index
          %get3A_316 = tpu.vector_load %arg5[%get3A_315] {strides = array<i32>} : memref<8208xi32, #tpu.memory_space<vmem>>, vector<16xi32>,
          %shift_right_logical3A_317 = arith.constant 9 : i32
          %shift_right_logical3A_318 = vector.broadcast %shift_right_logical3A_317 : i32 to vector<16xi32>
          %shift_right_logical3A_319 = arith.shrui %get3A_316, %shift_right_logical3A_318 : vector<16xi32>
          %and3A_320 = arith.constant 2047 : i32
          %and3A_321 = vector.broadcast %and3A_320 : i32 to vector<16xi32>
          %and3A_322 = arith.andi %shift_right_logical3A_319, %and3A_321 : vector<16xi32>
          %broadcast_in_dim3A_323 = arith.constant 1 : i32
          %broadcast_in_dim3A_324 = vector.broadcast %broadcast_in_dim3A_323 : i32 to vector<16xi32>
          tpu.vector_store_idx %arg6[%and3A_322], %broadcast_in_dim3A_324 {add = true} : memref<2048xi32, #tpu.memory_space<vmem>>[vector<16xi32>], vector<16xi32>,
          %mul3A_325 = arith.constant 8 : i32
          %mul3A_326 = arith.muli %scan3A_212, %mul3A_325 : i32
          %add3A_327 = arith.constant 7 : i32
          %add3A_328 = arith.addi %mul3A_326, %add3A_327 : i32
          %mul3A_329 = arith.constant 16 : i32
          %mul3A_330 = arith.muli %add3A_328, %mul3A_329 : i32
          %get3A_331 = arith.index_cast %mul3A_330 : i32 to index
          %get3A_332 = tpu.vector_load %arg5[%get3A_331] {strides = array<i32>} : memref<8208xi32, #tpu.memory_space<vmem>>, vector<16xi32>,
          %shift_right_logical3A_333 = arith.constant 9 : i32
          %shift_right_logical3A_334 = vector.broadcast %shift_right_logical3A_333 : i32 to vector<16xi32>
          %shift_right_logical3A_335 = arith.shrui %get3A_332, %shift_right_logical3A_334 : vector<16xi32>
          %and3A_336 = arith.constant 2047 : i32
          %and3A_337 = vector.broadcast %and3A_336 : i32 to vector<16xi32>
          %and3A_338 = arith.andi %shift_right_logical3A_335, %and3A_337 : vector<16xi32>
          %broadcast_in_dim3A_339 = arith.constant 1 : i32
          %broadcast_in_dim3A_340 = vector.broadcast %broadcast_in_dim3A_339 : i32 to vector<16xi32>
          tpu.vector_store_idx %arg6[%and3A_338], %broadcast_in_dim3A_340 {add = true} : memref<2048xi32, #tpu.memory_space<vmem>>[vector<16xi32>], vector<16xi32>,
          %scan3A_341 = arith.constant 0 : i32
          scf.yield %scan3A_341 : i32
        }
        %scan3A_41 = arith.constant 64 : i32
        %scan3A_42 = arith.constant 0 : i32
        %scan3A_43 = arith.constant 0 : i32
        %scan3A_44 = arith.constant 16 : i32
        %scan3A_45 = arith.addi %scan3A_43, %scan3A_44 : i32
        %scan3A_46 = arith.constant 1 : i32
        %scan3A_47 = scf.for %scan3A_212 = %scan3A_43 to %scan3A_45 step %scan3A_46 iter_args(%scan3A_213 = %scan3A_42) -> (i32)  : i32 {
          %mul3A_214 = arith.constant 8 : i32
          %mul3A_215 = arith.muli %scan3A_212, %mul3A_214 : i32
          %add3A_216 = arith.constant 0 : i32
          %add3A_217 = arith.addi %mul3A_215, %add3A_216 : i32
          %mul3A_218 = arith.constant 16 : i32
          %mul3A_219 = arith.muli %add3A_217, %mul3A_218 : i32
          %get3A_220 = arith.index_cast %mul3A_219 : i32 to index
          %get3A_221 = tpu.vector_load %arg6[%get3A_220] {strides = array<i32>} : memref<2048xi32, #tpu.memory_space<vmem>>, vector<16xi32>,
          %broadcast_in_dim3A_222 = arith.constant true
          %broadcast_in_dim3A_223 = vector.broadcast %broadcast_in_dim3A_222 : i1 to vector<16xi1>
          %masked_cumsum3A = tpu.scan <sum>, %get3A_221 masked %broadcast_in_dim3A_223 : vector<16xi32>, vector<16xi1> -> vector<16xi32>
          %sub3A_224 = arith.subi %masked_cumsum3A, %get3A_221 : vector<16xi32>
          %add3A_225 = vector.broadcast %scan3A_213 : i32 to vector<16xi32>
          %add3A_226 = arith.addi %sub3A_224, %add3A_225 : vector<16xi32>
          %mul3A_227 = arith.constant 16 : i32
          %mul3A_228 = arith.muli %add3A_217, %mul3A_227 : i32
          %swap3A_229 = arith.index_cast %mul3A_228 : i32 to index
          %swap3A_230 = tpu.vector_load %arg6[%swap3A_229] {strides = array<i32>} : memref<2048xi32, #tpu.memory_space<vmem>>, vector<16xi32>,
          tpu.vector_store %arg6[%swap3A_229], %add3A_226 {strides = array<i32>} : memref<2048xi32, #tpu.memory_space<vmem>>, vector<16xi32>,
          %reduce_sum3A_231 = arith.constant true
          %reduce_sum3A_232 = vector.broadcast %reduce_sum3A_231 : i1 to vector<16xi1>
          %reduce_sum3A_233 = tpu.scan <sum>, %get3A_221 masked %reduce_sum3A_232 : vector<16xi32>, vector<16xi1> -> vector<16xi32>
          %reduce_sum3A_234 = vector.extract %reduce_sum3A_233[15] : i32 from vector<16xi32>
          %add3A_235 = arith.addi %scan3A_213, %reduce_sum3A_234 : i32
          %mul3A_236 = arith.constant 8 : i32
          %mul3A_237 = arith.muli %scan3A_212, %mul3A_236 : i32
          %add3A_238 = arith.constant 1 : i32
          %add3A_239 = arith.addi %mul3A_237, %add3A_238 : i32
          %mul3A_240 = arith.constant 16 : i32
          %mul3A_241 = arith.muli %add3A_239, %mul3A_240 : i32
          %get3A_242 = arith.index_cast %mul3A_241 : i32 to index
          %get3A_243 = tpu.vector_load %arg6[%get3A_242] {strides = array<i32>} : memref<2048xi32, #tpu.memory_space<vmem>>, vector<16xi32>,
          %broadcast_in_dim3A_244 = arith.constant true
          %broadcast_in_dim3A_245 = vector.broadcast %broadcast_in_dim3A_244 : i1 to vector<16xi1>
          %masked_cumsum3A_246 = tpu.scan <sum>, %get3A_243 masked %broadcast_in_dim3A_245 : vector<16xi32>, vector<16xi1> -> vector<16xi32>
          %sub3A_247 = arith.subi %masked_cumsum3A_246, %get3A_243 : vector<16xi32>
          %add3A_248 = vector.broadcast %add3A_235 : i32 to vector<16xi32>
          %add3A_249 = arith.addi %sub3A_247, %add3A_248 : vector<16xi32>
          %mul3A_250 = arith.constant 16 : i32
          %mul3A_251 = arith.muli %add3A_239, %mul3A_250 : i32
          %swap3A_252 = arith.index_cast %mul3A_251 : i32 to index
          %swap3A_253 = tpu.vector_load %arg6[%swap3A_252] {strides = array<i32>} : memref<2048xi32, #tpu.memory_space<vmem>>, vector<16xi32>,
          tpu.vector_store %arg6[%swap3A_252], %add3A_249 {strides = array<i32>} : memref<2048xi32, #tpu.memory_space<vmem>>, vector<16xi32>,
          %reduce_sum3A_254 = arith.constant true
          %reduce_sum3A_255 = vector.broadcast %reduce_sum3A_254 : i1 to vector<16xi1>
          %reduce_sum3A_256 = tpu.scan <sum>, %get3A_243 masked %reduce_sum3A_255 : vector<16xi32>, vector<16xi1> -> vector<16xi32>
          %reduce_sum3A_257 = vector.extract %reduce_sum3A_256[15] : i32 from vector<16xi32>
          %add3A_258 = arith.addi %add3A_235, %reduce_sum3A_257 : i32
          %mul3A_259 = arith.constant 8 : i32
          %mul3A_260 = arith.muli %scan3A_212, %mul3A_259 : i32
          %add3A_261 = arith.constant 2 : i32
          %add3A_262 = arith.addi %mul3A_260, %add3A_261 : i32
          %mul3A_263 = arith.constant 16 : i32
          %mul3A_264 = arith.muli %add3A_262, %mul3A_263 : i32
          %get3A_265 = arith.index_cast %mul3A_264 : i32 to index
          %get3A_266 = tpu.vector_load %arg6[%get3A_265] {strides = array<i32>} : memref<2048xi32, #tpu.memory_space<vmem>>, vector<16xi32>,
          %broadcast_in_dim3A_267 = arith.constant true
          %broadcast_in_dim3A_268 = vector.broadcast %broadcast_in_dim3A_267 : i1 to vector<16xi1>
          %masked_cumsum3A_269 = tpu.scan <sum>, %get3A_266 masked %broadcast_in_dim3A_268 : vector<16xi32>, vector<16xi1> -> vector<16xi32>
          %sub3A_270 = arith.subi %masked_cumsum3A_269, %get3A_266 : vector<16xi32>
          %add3A_271 = vector.broadcast %add3A_258 : i32 to vector<16xi32>
          %add3A_272 = arith.addi %sub3A_270, %add3A_271 : vector<16xi32>
          %mul3A_273 = arith.constant 16 : i32
          %mul3A_274 = arith.muli %add3A_262, %mul3A_273 : i32
          %swap3A_275 = arith.index_cast %mul3A_274 : i32 to index
          %swap3A_276 = tpu.vector_load %arg6[%swap3A_275] {strides = array<i32>} : memref<2048xi32, #tpu.memory_space<vmem>>, vector<16xi32>,
          tpu.vector_store %arg6[%swap3A_275], %add3A_272 {strides = array<i32>} : memref<2048xi32, #tpu.memory_space<vmem>>, vector<16xi32>,
          %reduce_sum3A_277 = arith.constant true
          %reduce_sum3A_278 = vector.broadcast %reduce_sum3A_277 : i1 to vector<16xi1>
          %reduce_sum3A_279 = tpu.scan <sum>, %get3A_266 masked %reduce_sum3A_278 : vector<16xi32>, vector<16xi1> -> vector<16xi32>
          %reduce_sum3A_280 = vector.extract %reduce_sum3A_279[15] : i32 from vector<16xi32>
          %add3A_281 = arith.addi %add3A_258, %reduce_sum3A_280 : i32
          %mul3A_282 = arith.constant 8 : i32
          %mul3A_283 = arith.muli %scan3A_212, %mul3A_282 : i32
          %add3A_284 = arith.constant 3 : i32
          %add3A_285 = arith.addi %mul3A_283, %add3A_284 : i32
          %mul3A_286 = arith.constant 16 : i32
          %mul3A_287 = arith.muli %add3A_285, %mul3A_286 : i32
          %get3A_288 = arith.index_cast %mul3A_287 : i32 to index
          %get3A_289 = tpu.vector_load %arg6[%get3A_288] {strides = array<i32>} : memref<2048xi32, #tpu.memory_space<vmem>>, vector<16xi32>,
          %broadcast_in_dim3A_290 = arith.constant true
          %broadcast_in_dim3A_291 = vector.broadcast %broadcast_in_dim3A_290 : i1 to vector<16xi1>
          %masked_cumsum3A_292 = tpu.scan <sum>, %get3A_289 masked %broadcast_in_dim3A_291 : vector<16xi32>, vector<16xi1> -> vector<16xi32>
          %sub3A_293 = arith.subi %masked_cumsum3A_292, %get3A_289 : vector<16xi32>
          %add3A_294 = vector.broadcast %add3A_281 : i32 to vector<16xi32>
          %add3A_295 = arith.addi %sub3A_293, %add3A_294 : vector<16xi32>
          %mul3A_296 = arith.constant 16 : i32
          %mul3A_297 = arith.muli %add3A_285, %mul3A_296 : i32
          %swap3A_298 = arith.index_cast %mul3A_297 : i32 to index
          %swap3A_299 = tpu.vector_load %arg6[%swap3A_298] {strides = array<i32>} : memref<2048xi32, #tpu.memory_space<vmem>>, vector<16xi32>,
          tpu.vector_store %arg6[%swap3A_298], %add3A_295 {strides = array<i32>} : memref<2048xi32, #tpu.memory_space<vmem>>, vector<16xi32>,
          %reduce_sum3A_300 = arith.constant true
          %reduce_sum3A_301 = vector.broadcast %reduce_sum3A_300 : i1 to vector<16xi1>
          %reduce_sum3A_302 = tpu.scan <sum>, %get3A_289 masked %reduce_sum3A_301 : vector<16xi32>, vector<16xi1> -> vector<16xi32>
          %reduce_sum3A_303 = vector.extract %reduce_sum3A_302[15] : i32 from vector<16xi32>
          %add3A_304 = arith.addi %add3A_281, %reduce_sum3A_303 : i32
          %mul3A_305 = arith.constant 8 : i32
          %mul3A_306 = arith.muli %scan3A_212, %mul3A_305 : i32
          %add3A_307 = arith.constant 4 : i32
          %add3A_308 = arith.addi %mul3A_306, %add3A_307 : i32
          %mul3A_309 = arith.constant 16 : i32
          %mul3A_310 = arith.muli %add3A_308, %mul3A_309 : i32
          %get3A_311 = arith.index_cast %mul3A_310 : i32 to index
          %get3A_312 = tpu.vector_load %arg6[%get3A_311] {strides = array<i32>} : memref<2048xi32, #tpu.memory_space<vmem>>, vector<16xi32>,
          %broadcast_in_dim3A_313 = arith.constant true
          %broadcast_in_dim3A_314 = vector.broadcast %broadcast_in_dim3A_313 : i1 to vector<16xi1>
          %masked_cumsum3A_315 = tpu.scan <sum>, %get3A_312 masked %broadcast_in_dim3A_314 : vector<16xi32>, vector<16xi1> -> vector<16xi32>
          %sub3A_316 = arith.subi %masked_cumsum3A_315, %get3A_312 : vector<16xi32>
          %add3A_317 = vector.broadcast %add3A_304 : i32 to vector<16xi32>
          %add3A_318 = arith.addi %sub3A_316, %add3A_317 : vector<16xi32>
          %mul3A_319 = arith.constant 16 : i32
          %mul3A_320 = arith.muli %add3A_308, %mul3A_319 : i32
          %swap3A_321 = arith.index_cast %mul3A_320 : i32 to index
          %swap3A_322 = tpu.vector_load %arg6[%swap3A_321] {strides = array<i32>} : memref<2048xi32, #tpu.memory_space<vmem>>, vector<16xi32>,
          tpu.vector_store %arg6[%swap3A_321], %add3A_318 {strides = array<i32>} : memref<2048xi32, #tpu.memory_space<vmem>>, vector<16xi32>,
          %reduce_sum3A_323 = arith.constant true
          %reduce_sum3A_324 = vector.broadcast %reduce_sum3A_323 : i1 to vector<16xi1>
          %reduce_sum3A_325 = tpu.scan <sum>, %get3A_312 masked %reduce_sum3A_324 : vector<16xi32>, vector<16xi1> -> vector<16xi32>
          %reduce_sum3A_326 = vector.extract %reduce_sum3A_325[15] : i32 from vector<16xi32>
          %add3A_327 = arith.addi %add3A_304, %reduce_sum3A_326 : i32
          %mul3A_328 = arith.constant 8 : i32
          %mul3A_329 = arith.muli %scan3A_212, %mul3A_328 : i32
          %add3A_330 = arith.constant 5 : i32
          %add3A_331 = arith.addi %mul3A_329, %add3A_330 : i32
          %mul3A_332 = arith.constant 16 : i32
          %mul3A_333 = arith.muli %add3A_331, %mul3A_332 : i32
          %get3A_334 = arith.index_cast %mul3A_333 : i32 to index
          %get3A_335 = tpu.vector_load %arg6[%get3A_334] {strides = array<i32>} : memref<2048xi32, #tpu.memory_space<vmem>>, vector<16xi32>,
          %broadcast_in_dim3A_336 = arith.constant true
          %broadcast_in_dim3A_337 = vector.broadcast %broadcast_in_dim3A_336 : i1 to vector<16xi1>
          %masked_cumsum3A_338 = tpu.scan <sum>, %get3A_335 masked %broadcast_in_dim3A_337 : vector<16xi32>, vector<16xi1> -> vector<16xi32>
          %sub3A_339 = arith.subi %masked_cumsum3A_338, %get3A_335 : vector<16xi32>
          %add3A_340 = vector.broadcast %add3A_327 : i32 to vector<16xi32>
          %add3A_341 = arith.addi %sub3A_339, %add3A_340 : vector<16xi32>
          %mul3A_342 = arith.constant 16 : i32
          %mul3A_343 = arith.muli %add3A_331, %mul3A_342 : i32
          %swap3A_344 = arith.index_cast %mul3A_343 : i32 to index
          %swap3A_345 = tpu.vector_load %arg6[%swap3A_344] {strides = array<i32>} : memref<2048xi32, #tpu.memory_space<vmem>>, vector<16xi32>,
          tpu.vector_store %arg6[%swap3A_344], %add3A_341 {strides = array<i32>} : memref<2048xi32, #tpu.memory_space<vmem>>, vector<16xi32>,
          %reduce_sum3A_346 = arith.constant true
          %reduce_sum3A_347 = vector.broadcast %reduce_sum3A_346 : i1 to vector<16xi1>
          %reduce_sum3A_348 = tpu.scan <sum>, %get3A_335 masked %reduce_sum3A_347 : vector<16xi32>, vector<16xi1> -> vector<16xi32>
          %reduce_sum3A_349 = vector.extract %reduce_sum3A_348[15] : i32 from vector<16xi32>
          %add3A_350 = arith.addi %add3A_327, %reduce_sum3A_349 : i32
          %mul3A_351 = arith.constant 8 : i32
          %mul3A_352 = arith.muli %scan3A_212, %mul3A_351 : i32
          %add3A_353 = arith.constant 6 : i32
          %add3A_354 = arith.addi %mul3A_352, %add3A_353 : i32
          %mul3A_355 = arith.constant 16 : i32
          %mul3A_356 = arith.muli %add3A_354, %mul3A_355 : i32
          %get3A_357 = arith.index_cast %mul3A_356 : i32 to index
          %get3A_358 = tpu.vector_load %arg6[%get3A_357] {strides = array<i32>} : memref<2048xi32, #tpu.memory_space<vmem>>, vector<16xi32>,
          %broadcast_in_dim3A_359 = arith.constant true
          %broadcast_in_dim3A_360 = vector.broadcast %broadcast_in_dim3A_359 : i1 to vector<16xi1>
          %masked_cumsum3A_361 = tpu.scan <sum>, %get3A_358 masked %broadcast_in_dim3A_360 : vector<16xi32>, vector<16xi1> -> vector<16xi32>
          %sub3A_362 = arith.subi %masked_cumsum3A_361, %get3A_358 : vector<16xi32>
          %add3A_363 = vector.broadcast %add3A_350 : i32 to vector<16xi32>
          %add3A_364 = arith.addi %sub3A_362, %add3A_363 : vector<16xi32>
          %mul3A_365 = arith.constant 16 : i32
          %mul3A_366 = arith.muli %add3A_354, %mul3A_365 : i32
          %swap3A_367 = arith.index_cast %mul3A_366 : i32 to index
          %swap3A_368 = tpu.vector_load %arg6[%swap3A_367] {strides = array<i32>} : memref<2048xi32, #tpu.memory_space<vmem>>, vector<16xi32>,
          tpu.vector_store %arg6[%swap3A_367], %add3A_364 {strides = array<i32>} : memref<2048xi32, #tpu.memory_space<vmem>>, vector<16xi32>,
          %reduce_sum3A_369 = arith.constant true
          %reduce_sum3A_370 = vector.broadcast %reduce_sum3A_369 : i1 to vector<16xi1>
          %reduce_sum3A_371 = tpu.scan <sum>, %get3A_358 masked %reduce_sum3A_370 : vector<16xi32>, vector<16xi1> -> vector<16xi32>
          %reduce_sum3A_372 = vector.extract %reduce_sum3A_371[15] : i32 from vector<16xi32>
          %add3A_373 = arith.addi %add3A_350, %reduce_sum3A_372 : i32
          %mul3A_374 = arith.constant 8 : i32
          %mul3A_375 = arith.muli %scan3A_212, %mul3A_374 : i32
          %add3A_376 = arith.constant 7 : i32
          %add3A_377 = arith.addi %mul3A_375, %add3A_376 : i32
          %mul3A_378 = arith.constant 16 : i32
          %mul3A_379 = arith.muli %add3A_377, %mul3A_378 : i32
          %get3A_380 = arith.index_cast %mul3A_379 : i32 to index
          %get3A_381 = tpu.vector_load %arg6[%get3A_380] {strides = array<i32>} : memref<2048xi32, #tpu.memory_space<vmem>>, vector<16xi32>,
          %broadcast_in_dim3A_382 = arith.constant true
          %broadcast_in_dim3A_383 = vector.broadcast %broadcast_in_dim3A_382 : i1 to vector<16xi1>
          %masked_cumsum3A_384 = tpu.scan <sum>, %get3A_381 masked %broadcast_in_dim3A_383 : vector<16xi32>, vector<16xi1> -> vector<16xi32>
          %sub3A_385 = arith.subi %masked_cumsum3A_384, %get3A_381 : vector<16xi32>
          %add3A_386 = vector.broadcast %add3A_373 : i32 to vector<16xi32>
          %add3A_387 = arith.addi %sub3A_385, %add3A_386 : vector<16xi32>
          %mul3A_388 = arith.constant 16 : i32
          %mul3A_389 = arith.muli %add3A_377, %mul3A_388 : i32
          %swap3A_390 = arith.index_cast %mul3A_389 : i32 to index
          %swap3A_391 = tpu.vector_load %arg6[%swap3A_390] {strides = array<i32>} : memref<2048xi32, #tpu.memory_space<vmem>>, vector<16xi32>,
          tpu.vector_store %arg6[%swap3A_390], %add3A_387 {strides = array<i32>} : memref<2048xi32, #tpu.memory_space<vmem>>, vector<16xi32>,
          %reduce_sum3A_392 = arith.constant true
          %reduce_sum3A_393 = vector.broadcast %reduce_sum3A_392 : i1 to vector<16xi1>
          %reduce_sum3A_394 = tpu.scan <sum>, %get3A_381 masked %reduce_sum3A_393 : vector<16xi32>, vector<16xi1> -> vector<16xi32>
          %reduce_sum3A_395 = vector.extract %reduce_sum3A_394[15] : i32 from vector<16xi32>
          %add3A_396 = arith.addi %add3A_373, %reduce_sum3A_395 : i32
          scf.yield %add3A_396 : i32
        }
        %scan3A_48 = arith.constant 16 : i32
        %scan3A_49 = arith.constant 0 : i32
        %scan3A_50 = arith.constant 0 : i32
        %scan3A_51 = arith.constant 64 : i32
        %scan3A_52 = arith.addi %scan3A_50, %scan3A_51 : i32
        %scan3A_53 = arith.constant 1 : i32
        %scan3A_54 = scf.for %scan3A_212 = %scan3A_50 to %scan3A_52 step %scan3A_53 iter_args(%scan3A_213 = %scan3A_49) -> (i32)  : i32 {
          %mul3A_214 = arith.constant 8 : i32
          %mul3A_215 = arith.muli %scan3A_212, %mul3A_214 : i32
          %add3A_216 = arith.constant 0 : i32
          %add3A_217 = arith.addi %mul3A_215, %add3A_216 : i32
          %mul3A_218 = arith.constant 16 : i32
          %mul3A_219 = arith.muli %add3A_217, %mul3A_218 : i32
          %get3A_220 = arith.index_cast %mul3A_219 : i32 to index
          %get3A_221 = tpu.vector_load %arg5[%get3A_220] {strides = array<i32>} : memref<8208xi32, #tpu.memory_space<vmem>>, vector<16xi32>,
          %shift_right_logical3A = arith.constant 9 : i32
          %shift_right_logical3A_222 = vector.broadcast %shift_right_logical3A : i32 to vector<16xi32>
          %shift_right_logical3A_223 = arith.shrui %get3A_221, %shift_right_logical3A_222 : vector<16xi32>
          %and3A_224 = arith.constant 2047 : i32
          %and3A_225 = vector.broadcast %and3A_224 : i32 to vector<16xi32>
          %and3A_226 = arith.andi %shift_right_logical3A_223, %and3A_225 : vector<16xi32>
          %broadcast_in_dim3A_227 = arith.constant true
          %broadcast_in_dim3A_228 = vector.broadcast %broadcast_in_dim3A_227 : i1 to vector<16xi1>
          %unique3A, %unique3A_229 = tpu.scan_count mask(%broadcast_in_dim3A_228 : vector<16xi1>) value(%and3A_226 : vector<16xi32>) : vector<16xi1>, vector<16xi32>
          %gather3A = tpu.vector_load_idx %arg6[%and3A_226] : memref<2048xi32, #tpu.memory_space<vmem>>[vector<16xi32>], vector<16xi32>,
          %add3A_230 = arith.addi %gather3A, %unique3A_229 : vector<16xi32>
          %sub3A_231 = arith.constant 1 : i32
          %sub3A_232 = vector.broadcast %sub3A_231 : i32 to vector<16xi32>
          %sub3A_233 = arith.subi %add3A_230, %sub3A_232 : vector<16xi32>
          tpu.vector_store_idx %arg4[%sub3A_233], %get3A_221 : memref<8208xi32, #tpu.memory_space<vmem>>[vector<16xi32>], vector<16xi32>,
          tpu.vector_store_idx %arg6[%and3A_226], %unique3A_229 masked %unique3A {add = true} : memref<2048xi32, #tpu.memory_space<vmem>>[vector<16xi32>], vector<16xi32>, vector<16xi1>
          %mul3A_234 = arith.constant 8 : i32
          %mul3A_235 = arith.muli %scan3A_212, %mul3A_234 : i32
          %add3A_236 = arith.constant 1 : i32
          %add3A_237 = arith.addi %mul3A_235, %add3A_236 : i32
          %mul3A_238 = arith.constant 16 : i32
          %mul3A_239 = arith.muli %add3A_237, %mul3A_238 : i32
          %get3A_240 = arith.index_cast %mul3A_239 : i32 to index
          %get3A_241 = tpu.vector_load %arg5[%get3A_240] {strides = array<i32>} : memref<8208xi32, #tpu.memory_space<vmem>>, vector<16xi32>,
          %shift_right_logical3A_242 = arith.constant 9 : i32
          %shift_right_logical3A_243 = vector.broadcast %shift_right_logical3A_242 : i32 to vector<16xi32>
          %shift_right_logical3A_244 = arith.shrui %get3A_241, %shift_right_logical3A_243 : vector<16xi32>
          %and3A_245 = arith.constant 2047 : i32
          %and3A_246 = vector.broadcast %and3A_245 : i32 to vector<16xi32>
          %and3A_247 = arith.andi %shift_right_logical3A_244, %and3A_246 : vector<16xi32>
          %broadcast_in_dim3A_248 = arith.constant true
          %broadcast_in_dim3A_249 = vector.broadcast %broadcast_in_dim3A_248 : i1 to vector<16xi1>
          %unique3A_250, %unique3A_251 = tpu.scan_count mask(%broadcast_in_dim3A_249 : vector<16xi1>) value(%and3A_247 : vector<16xi32>) : vector<16xi1>, vector<16xi32>
          %gather3A_252 = tpu.vector_load_idx %arg6[%and3A_247] : memref<2048xi32, #tpu.memory_space<vmem>>[vector<16xi32>], vector<16xi32>,
          %add3A_253 = arith.addi %gather3A_252, %unique3A_251 : vector<16xi32>
          %sub3A_254 = arith.constant 1 : i32
          %sub3A_255 = vector.broadcast %sub3A_254 : i32 to vector<16xi32>
          %sub3A_256 = arith.subi %add3A_253, %sub3A_255 : vector<16xi32>
          tpu.vector_store_idx %arg4[%sub3A_256], %get3A_241 : memref<8208xi32, #tpu.memory_space<vmem>>[vector<16xi32>], vector<16xi32>,
          tpu.vector_store_idx %arg6[%and3A_247], %unique3A_251 masked %unique3A_250 {add = true} : memref<2048xi32, #tpu.memory_space<vmem>>[vector<16xi32>], vector<16xi32>, vector<16xi1>
          %mul3A_257 = arith.constant 8 : i32
          %mul3A_258 = arith.muli %scan3A_212, %mul3A_257 : i32
          %add3A_259 = arith.constant 2 : i32
          %add3A_260 = arith.addi %mul3A_258, %add3A_259 : i32
          %mul3A_261 = arith.constant 16 : i32
          %mul3A_262 = arith.muli %add3A_260, %mul3A_261 : i32
          %get3A_263 = arith.index_cast %mul3A_262 : i32 to index
          %get3A_264 = tpu.vector_load %arg5[%get3A_263] {strides = array<i32>} : memref<8208xi32, #tpu.memory_space<vmem>>, vector<16xi32>,
          %shift_right_logical3A_265 = arith.constant 9 : i32
          %shift_right_logical3A_266 = vector.broadcast %shift_right_logical3A_265 : i32 to vector<16xi32>
          %shift_right_logical3A_267 = arith.shrui %get3A_264, %shift_right_logical3A_266 : vector<16xi32>
          %and3A_268 = arith.constant 2047 : i32
          %and3A_269 = vector.broadcast %and3A_268 : i32 to vector<16xi32>
          %and3A_270 = arith.andi %shift_right_logical3A_267, %and3A_269 : vector<16xi32>
          %broadcast_in_dim3A_271 = arith.constant true
          %broadcast_in_dim3A_272 = vector.broadcast %broadcast_in_dim3A_271 : i1 to vector<16xi1>
          %unique3A_273, %unique3A_274 = tpu.scan_count mask(%broadcast_in_dim3A_272 : vector<16xi1>) value(%and3A_270 : vector<16xi32>) : vector<16xi1>, vector<16xi32>
          %gather3A_275 = tpu.vector_load_idx %arg6[%and3A_270] : memref<2048xi32, #tpu.memory_space<vmem>>[vector<16xi32>], vector<16xi32>,
          %add3A_276 = arith.addi %gather3A_275, %unique3A_274 : vector<16xi32>
          %sub3A_277 = arith.constant 1 : i32
          %sub3A_278 = vector.broadcast %sub3A_277 : i32 to vector<16xi32>
          %sub3A_279 = arith.subi %add3A_276, %sub3A_278 : vector<16xi32>
          tpu.vector_store_idx %arg4[%sub3A_279], %get3A_264 : memref<8208xi32, #tpu.memory_space<vmem>>[vector<16xi32>], vector<16xi32>,
          tpu.vector_store_idx %arg6[%and3A_270], %unique3A_274 masked %unique3A_273 {add = true} : memref<2048xi32, #tpu.memory_space<vmem>>[vector<16xi32>], vector<16xi32>, vector<16xi1>
          %mul3A_280 = arith.constant 8 : i32
          %mul3A_281 = arith.muli %scan3A_212, %mul3A_280 : i32
          %add3A_282 = arith.constant 3 : i32
          %add3A_283 = arith.addi %mul3A_281, %add3A_282 : i32
          %mul3A_284 = arith.constant 16 : i32
          %mul3A_285 = arith.muli %add3A_283, %mul3A_284 : i32
          %get3A_286 = arith.index_cast %mul3A_285 : i32 to index
          %get3A_287 = tpu.vector_load %arg5[%get3A_286] {strides = array<i32>} : memref<8208xi32, #tpu.memory_space<vmem>>, vector<16xi32>,
          %shift_right_logical3A_288 = arith.constant 9 : i32
          %shift_right_logical3A_289 = vector.broadcast %shift_right_logical3A_288 : i32 to vector<16xi32>
          %shift_right_logical3A_290 = arith.shrui %get3A_287, %shift_right_logical3A_289 : vector<16xi32>
          %and3A_291 = arith.constant 2047 : i32
          %and3A_292 = vector.broadcast %and3A_291 : i32 to vector<16xi32>
          %and3A_293 = arith.andi %shift_right_logical3A_290, %and3A_292 : vector<16xi32>
          %broadcast_in_dim3A_294 = arith.constant true
          %broadcast_in_dim3A_295 = vector.broadcast %broadcast_in_dim3A_294 : i1 to vector<16xi1>
          %unique3A_296, %unique3A_297 = tpu.scan_count mask(%broadcast_in_dim3A_295 : vector<16xi1>) value(%and3A_293 : vector<16xi32>) : vector<16xi1>, vector<16xi32>
          %gather3A_298 = tpu.vector_load_idx %arg6[%and3A_293] : memref<2048xi32, #tpu.memory_space<vmem>>[vector<16xi32>], vector<16xi32>,
          %add3A_299 = arith.addi %gather3A_298, %unique3A_297 : vector<16xi32>
          %sub3A_300 = arith.constant 1 : i32
          %sub3A_301 = vector.broadcast %sub3A_300 : i32 to vector<16xi32>
          %sub3A_302 = arith.subi %add3A_299, %sub3A_301 : vector<16xi32>
          tpu.vector_store_idx %arg4[%sub3A_302], %get3A_287 : memref<8208xi32, #tpu.memory_space<vmem>>[vector<16xi32>], vector<16xi32>,
          tpu.vector_store_idx %arg6[%and3A_293], %unique3A_297 masked %unique3A_296 {add = true} : memref<2048xi32, #tpu.memory_space<vmem>>[vector<16xi32>], vector<16xi32>, vector<16xi1>
          %mul3A_303 = arith.constant 8 : i32
          %mul3A_304 = arith.muli %scan3A_212, %mul3A_303 : i32
          %add3A_305 = arith.constant 4 : i32
          %add3A_306 = arith.addi %mul3A_304, %add3A_305 : i32
          %mul3A_307 = arith.constant 16 : i32
          %mul3A_308 = arith.muli %add3A_306, %mul3A_307 : i32
          %get3A_309 = arith.index_cast %mul3A_308 : i32 to index
          %get3A_310 = tpu.vector_load %arg5[%get3A_309] {strides = array<i32>} : memref<8208xi32, #tpu.memory_space<vmem>>, vector<16xi32>,
          %shift_right_logical3A_311 = arith.constant 9 : i32
          %shift_right_logical3A_312 = vector.broadcast %shift_right_logical3A_311 : i32 to vector<16xi32>
          %shift_right_logical3A_313 = arith.shrui %get3A_310, %shift_right_logical3A_312 : vector<16xi32>
          %and3A_314 = arith.constant 2047 : i32
          %and3A_315 = vector.broadcast %and3A_314 : i32 to vector<16xi32>
          %and3A_316 = arith.andi %shift_right_logical3A_313, %and3A_315 : vector<16xi32>
          %broadcast_in_dim3A_317 = arith.constant true
          %broadcast_in_dim3A_318 = vector.broadcast %broadcast_in_dim3A_317 : i1 to vector<16xi1>
          %unique3A_319, %unique3A_320 = tpu.scan_count mask(%broadcast_in_dim3A_318 : vector<16xi1>) value(%and3A_316 : vector<16xi32>) : vector<16xi1>, vector<16xi32>
          %gather3A_321 = tpu.vector_load_idx %arg6[%and3A_316] : memref<2048xi32, #tpu.memory_space<vmem>>[vector<16xi32>], vector<16xi32>,
          %add3A_322 = arith.addi %gather3A_321, %unique3A_320 : vector<16xi32>
          %sub3A_323 = arith.constant 1 : i32
          %sub3A_324 = vector.broadcast %sub3A_323 : i32 to vector<16xi32>
          %sub3A_325 = arith.subi %add3A_322, %sub3A_324 : vector<16xi32>
          tpu.vector_store_idx %arg4[%sub3A_325], %get3A_310 : memref<8208xi32, #tpu.memory_space<vmem>>[vector<16xi32>], vector<16xi32>,
          tpu.vector_store_idx %arg6[%and3A_316], %unique3A_320 masked %unique3A_319 {add = true} : memref<2048xi32, #tpu.memory_space<vmem>>[vector<16xi32>], vector<16xi32>, vector<16xi1>
          %mul3A_326 = arith.constant 8 : i32
          %mul3A_327 = arith.muli %scan3A_212, %mul3A_326 : i32
          %add3A_328 = arith.constant 5 : i32
          %add3A_329 = arith.addi %mul3A_327, %add3A_328 : i32
          %mul3A_330 = arith.constant 16 : i32
          %mul3A_331 = arith.muli %add3A_329, %mul3A_330 : i32
          %get3A_332 = arith.index_cast %mul3A_331 : i32 to index
          %get3A_333 = tpu.vector_load %arg5[%get3A_332] {strides = array<i32>} : memref<8208xi32, #tpu.memory_space<vmem>>, vector<16xi32>,
          %shift_right_logical3A_334 = arith.constant 9 : i32
          %shift_right_logical3A_335 = vector.broadcast %shift_right_logical3A_334 : i32 to vector<16xi32>
          %shift_right_logical3A_336 = arith.shrui %get3A_333, %shift_right_logical3A_335 : vector<16xi32>
          %and3A_337 = arith.constant 2047 : i32
          %and3A_338 = vector.broadcast %and3A_337 : i32 to vector<16xi32>
          %and3A_339 = arith.andi %shift_right_logical3A_336, %and3A_338 : vector<16xi32>
          %broadcast_in_dim3A_340 = arith.constant true
          %broadcast_in_dim3A_341 = vector.broadcast %broadcast_in_dim3A_340 : i1 to vector<16xi1>
          %unique3A_342, %unique3A_343 = tpu.scan_count mask(%broadcast_in_dim3A_341 : vector<16xi1>) value(%and3A_339 : vector<16xi32>) : vector<16xi1>, vector<16xi32>
          %gather3A_344 = tpu.vector_load_idx %arg6[%and3A_339] : memref<2048xi32, #tpu.memory_space<vmem>>[vector<16xi32>], vector<16xi32>,
          %add3A_345 = arith.addi %gather3A_344, %unique3A_343 : vector<16xi32>
          %sub3A_346 = arith.constant 1 : i32
          %sub3A_347 = vector.broadcast %sub3A_346 : i32 to vector<16xi32>
          %sub3A_348 = arith.subi %add3A_345, %sub3A_347 : vector<16xi32>
          tpu.vector_store_idx %arg4[%sub3A_348], %get3A_333 : memref<8208xi32, #tpu.memory_space<vmem>>[vector<16xi32>], vector<16xi32>,
          tpu.vector_store_idx %arg6[%and3A_339], %unique3A_343 masked %unique3A_342 {add = true} : memref<2048xi32, #tpu.memory_space<vmem>>[vector<16xi32>], vector<16xi32>, vector<16xi1>
          %mul3A_349 = arith.constant 8 : i32
          %mul3A_350 = arith.muli %scan3A_212, %mul3A_349 : i32
          %add3A_351 = arith.constant 6 : i32
          %add3A_352 = arith.addi %mul3A_350, %add3A_351 : i32
          %mul3A_353 = arith.constant 16 : i32
          %mul3A_354 = arith.muli %add3A_352, %mul3A_353 : i32
          %get3A_355 = arith.index_cast %mul3A_354 : i32 to index
          %get3A_356 = tpu.vector_load %arg5[%get3A_355] {strides = array<i32>} : memref<8208xi32, #tpu.memory_space<vmem>>, vector<16xi32>,
          %shift_right_logical3A_357 = arith.constant 9 : i32
          %shift_right_logical3A_358 = vector.broadcast %shift_right_logical3A_357 : i32 to vector<16xi32>
          %shift_right_logical3A_359 = arith.shrui %get3A_356, %shift_right_logical3A_358 : vector<16xi32>
          %and3A_360 = arith.constant 2047 : i32
          %and3A_361 = vector.broadcast %and3A_360 : i32 to vector<16xi32>
          %and3A_362 = arith.andi %shift_right_logical3A_359, %and3A_361 : vector<16xi32>
          %broadcast_in_dim3A_363 = arith.constant true
          %broadcast_in_dim3A_364 = vector.broadcast %broadcast_in_dim3A_363 : i1 to vector<16xi1>
          %unique3A_365, %unique3A_366 = tpu.scan_count mask(%broadcast_in_dim3A_364 : vector<16xi1>) value(%and3A_362 : vector<16xi32>) : vector<16xi1>, vector<16xi32>
          %gather3A_367 = tpu.vector_load_idx %arg6[%and3A_362] : memref<2048xi32, #tpu.memory_space<vmem>>[vector<16xi32>], vector<16xi32>,
          %add3A_368 = arith.addi %gather3A_367, %unique3A_366 : vector<16xi32>
          %sub3A_369 = arith.constant 1 : i32
          %sub3A_370 = vector.broadcast %sub3A_369 : i32 to vector<16xi32>
          %sub3A_371 = arith.subi %add3A_368, %sub3A_370 : vector<16xi32>
          tpu.vector_store_idx %arg4[%sub3A_371], %get3A_356 : memref<8208xi32, #tpu.memory_space<vmem>>[vector<16xi32>], vector<16xi32>,
          tpu.vector_store_idx %arg6[%and3A_362], %unique3A_366 masked %unique3A_365 {add = true} : memref<2048xi32, #tpu.memory_space<vmem>>[vector<16xi32>], vector<16xi32>, vector<16xi1>
          %mul3A_372 = arith.constant 8 : i32
          %mul3A_373 = arith.muli %scan3A_212, %mul3A_372 : i32
          %add3A_374 = arith.constant 7 : i32
          %add3A_375 = arith.addi %mul3A_373, %add3A_374 : i32
          %mul3A_376 = arith.constant 16 : i32
          %mul3A_377 = arith.muli %add3A_375, %mul3A_376 : i32
          %get3A_378 = arith.index_cast %mul3A_377 : i32 to index
          %get3A_379 = tpu.vector_load %arg5[%get3A_378] {strides = array<i32>} : memref<8208xi32, #tpu.memory_space<vmem>>, vector<16xi32>,
          %shift_right_logical3A_380 = arith.constant 9 : i32
          %shift_right_logical3A_381 = vector.broadcast %shift_right_logical3A_380 : i32 to vector<16xi32>
          %shift_right_logical3A_382 = arith.shrui %get3A_379, %shift_right_logical3A_381 : vector<16xi32>
          %and3A_383 = arith.constant 2047 : i32
          %and3A_384 = vector.broadcast %and3A_383 : i32 to vector<16xi32>
          %and3A_385 = arith.andi %shift_right_logical3A_382, %and3A_384 : vector<16xi32>
          %broadcast_in_dim3A_386 = arith.constant true
          %broadcast_in_dim3A_387 = vector.broadcast %broadcast_in_dim3A_386 : i1 to vector<16xi1>
          %unique3A_388, %unique3A_389 = tpu.scan_count mask(%broadcast_in_dim3A_387 : vector<16xi1>) value(%and3A_385 : vector<16xi32>) : vector<16xi1>, vector<16xi32>
          %gather3A_390 = tpu.vector_load_idx %arg6[%and3A_385] : memref<2048xi32, #tpu.memory_space<vmem>>[vector<16xi32>], vector<16xi32>,
          %add3A_391 = arith.addi %gather3A_390, %unique3A_389 : vector<16xi32>
          %sub3A_392 = arith.constant 1 : i32
          %sub3A_393 = vector.broadcast %sub3A_392 : i32 to vector<16xi32>
          %sub3A_394 = arith.subi %add3A_391, %sub3A_393 : vector<16xi32>
          tpu.vector_store_idx %arg4[%sub3A_394], %get3A_379 : memref<8208xi32, #tpu.memory_space<vmem>>[vector<16xi32>], vector<16xi32>,
          tpu.vector_store_idx %arg6[%and3A_385], %unique3A_389 masked %unique3A_388 {add = true} : memref<2048xi32, #tpu.memory_space<vmem>>[vector<16xi32>], vector<16xi32>, vector<16xi1>
          %scan3A_395 = arith.constant 0 : i32
          scf.yield %scan3A_395 : i32
        }
        %scan3A_55 = arith.constant 64 : i32
        %scan3A_56 = arith.constant 0 : i32
        %scan3A_57 = arith.constant 0 : i32
        %scan3A_58 = arith.constant 16 : i32
        %scan3A_59 = arith.addi %scan3A_57, %scan3A_58 : i32
        %scan3A_60 = arith.constant 1 : i32
        %scan3A_61 = scf.for %scan3A_212 = %scan3A_57 to %scan3A_59 step %scan3A_60 iter_args(%scan3A_213 = %scan3A_56) -> (i32)  : i32 {
          %broadcast_in_dim3A_214 = arith.constant 0 : i32
          %broadcast_in_dim3A_215 = vector.broadcast %broadcast_in_dim3A_214 : i32 to vector<16xi32>
          %mul3A_216 = arith.constant 8 : i32
          %mul3A_217 = arith.muli %scan3A_212, %mul3A_216 : i32
          %add3A_218 = arith.constant 0 : i32
          %add3A_219 = arith.addi %mul3A_217, %add3A_218 : i32
          %mul3A_220 = arith.constant 16 : i32
          %mul3A_221 = arith.muli %add3A_219, %mul3A_220 : i32
          %swap3A_222 = arith.index_cast %mul3A_221 : i32 to index
          %swap3A_223 = tpu.vector_load %arg6[%swap3A_222] {strides = array<i32>} : memref<2048xi32, #tpu.memory_space<vmem>>, vector<16xi32>,
          tpu.vector_store %arg6[%swap3A_222], %broadcast_in_dim3A_215 {strides = array<i32>} : memref<2048xi32, #tpu.memory_space<vmem>>, vector<16xi32>,
          %broadcast_in_dim3A_224 = arith.constant 0 : i32
          %broadcast_in_dim3A_225 = vector.broadcast %broadcast_in_dim3A_224 : i32 to vector<16xi32>
          %mul3A_226 = arith.constant 8 : i32
          %mul3A_227 = arith.muli %scan3A_212, %mul3A_226 : i32
          %add3A_228 = arith.constant 1 : i32
          %add3A_229 = arith.addi %mul3A_227, %add3A_228 : i32
          %mul3A_230 = arith.constant 16 : i32
          %mul3A_231 = arith.muli %add3A_229, %mul3A_230 : i32
          %swap3A_232 = arith.index_cast %mul3A_231 : i32 to index
          %swap3A_233 = tpu.vector_load %arg6[%swap3A_232] {strides = array<i32>} : memref<2048xi32, #tpu.memory_space<vmem>>, vector<16xi32>,
          tpu.vector_store %arg6[%swap3A_232], %broadcast_in_dim3A_225 {strides = array<i32>} : memref<2048xi32, #tpu.memory_space<vmem>>, vector<16xi32>,
          %broadcast_in_dim3A_234 = arith.constant 0 : i32
          %broadcast_in_dim3A_235 = vector.broadcast %broadcast_in_dim3A_234 : i32 to vector<16xi32>
          %mul3A_236 = arith.constant 8 : i32
          %mul3A_237 = arith.muli %scan3A_212, %mul3A_236 : i32
          %add3A_238 = arith.constant 2 : i32
          %add3A_239 = arith.addi %mul3A_237, %add3A_238 : i32
          %mul3A_240 = arith.constant 16 : i32
          %mul3A_241 = arith.muli %add3A_239, %mul3A_240 : i32
          %swap3A_242 = arith.index_cast %mul3A_241 : i32 to index
          %swap3A_243 = tpu.vector_load %arg6[%swap3A_242] {strides = array<i32>} : memref<2048xi32, #tpu.memory_space<vmem>>, vector<16xi32>,
          tpu.vector_store %arg6[%swap3A_242], %broadcast_in_dim3A_235 {strides = array<i32>} : memref<2048xi32, #tpu.memory_space<vmem>>, vector<16xi32>,
          %broadcast_in_dim3A_244 = arith.constant 0 : i32
          %broadcast_in_dim3A_245 = vector.broadcast %broadcast_in_dim3A_244 : i32 to vector<16xi32>
          %mul3A_246 = arith.constant 8 : i32
          %mul3A_247 = arith.muli %scan3A_212, %mul3A_246 : i32
          %add3A_248 = arith.constant 3 : i32
          %add3A_249 = arith.addi %mul3A_247, %add3A_248 : i32
          %mul3A_250 = arith.constant 16 : i32
          %mul3A_251 = arith.muli %add3A_249, %mul3A_250 : i32
          %swap3A_252 = arith.index_cast %mul3A_251 : i32 to index
          %swap3A_253 = tpu.vector_load %arg6[%swap3A_252] {strides = array<i32>} : memref<2048xi32, #tpu.memory_space<vmem>>, vector<16xi32>,
          tpu.vector_store %arg6[%swap3A_252], %broadcast_in_dim3A_245 {strides = array<i32>} : memref<2048xi32, #tpu.memory_space<vmem>>, vector<16xi32>,
          %broadcast_in_dim3A_254 = arith.constant 0 : i32
          %broadcast_in_dim3A_255 = vector.broadcast %broadcast_in_dim3A_254 : i32 to vector<16xi32>
          %mul3A_256 = arith.constant 8 : i32
          %mul3A_257 = arith.muli %scan3A_212, %mul3A_256 : i32
          %add3A_258 = arith.constant 4 : i32
          %add3A_259 = arith.addi %mul3A_257, %add3A_258 : i32
          %mul3A_260 = arith.constant 16 : i32
          %mul3A_261 = arith.muli %add3A_259, %mul3A_260 : i32
          %swap3A_262 = arith.index_cast %mul3A_261 : i32 to index
          %swap3A_263 = tpu.vector_load %arg6[%swap3A_262] {strides = array<i32>} : memref<2048xi32, #tpu.memory_space<vmem>>, vector<16xi32>,
          tpu.vector_store %arg6[%swap3A_262], %broadcast_in_dim3A_255 {strides = array<i32>} : memref<2048xi32, #tpu.memory_space<vmem>>, vector<16xi32>,
          %broadcast_in_dim3A_264 = arith.constant 0 : i32
          %broadcast_in_dim3A_265 = vector.broadcast %broadcast_in_dim3A_264 : i32 to vector<16xi32>
          %mul3A_266 = arith.constant 8 : i32
          %mul3A_267 = arith.muli %scan3A_212, %mul3A_266 : i32
          %add3A_268 = arith.constant 5 : i32
          %add3A_269 = arith.addi %mul3A_267, %add3A_268 : i32
          %mul3A_270 = arith.constant 16 : i32
          %mul3A_271 = arith.muli %add3A_269, %mul3A_270 : i32
          %swap3A_272 = arith.index_cast %mul3A_271 : i32 to index
          %swap3A_273 = tpu.vector_load %arg6[%swap3A_272] {strides = array<i32>} : memref<2048xi32, #tpu.memory_space<vmem>>, vector<16xi32>,
          tpu.vector_store %arg6[%swap3A_272], %broadcast_in_dim3A_265 {strides = array<i32>} : memref<2048xi32, #tpu.memory_space<vmem>>, vector<16xi32>,
          %broadcast_in_dim3A_274 = arith.constant 0 : i32
          %broadcast_in_dim3A_275 = vector.broadcast %broadcast_in_dim3A_274 : i32 to vector<16xi32>
          %mul3A_276 = arith.constant 8 : i32
          %mul3A_277 = arith.muli %scan3A_212, %mul3A_276 : i32
          %add3A_278 = arith.constant 6 : i32
          %add3A_279 = arith.addi %mul3A_277, %add3A_278 : i32
          %mul3A_280 = arith.constant 16 : i32
          %mul3A_281 = arith.muli %add3A_279, %mul3A_280 : i32
          %swap3A_282 = arith.index_cast %mul3A_281 : i32 to index
          %swap3A_283 = tpu.vector_load %arg6[%swap3A_282] {strides = array<i32>} : memref<2048xi32, #tpu.memory_space<vmem>>, vector<16xi32>,
          tpu.vector_store %arg6[%swap3A_282], %broadcast_in_dim3A_275 {strides = array<i32>} : memref<2048xi32, #tpu.memory_space<vmem>>, vector<16xi32>,
          %broadcast_in_dim3A_284 = arith.constant 0 : i32
          %broadcast_in_dim3A_285 = vector.broadcast %broadcast_in_dim3A_284 : i32 to vector<16xi32>
          %mul3A_286 = arith.constant 8 : i32
          %mul3A_287 = arith.muli %scan3A_212, %mul3A_286 : i32
          %add3A_288 = arith.constant 7 : i32
          %add3A_289 = arith.addi %mul3A_287, %add3A_288 : i32
          %mul3A_290 = arith.constant 16 : i32
          %mul3A_291 = arith.muli %add3A_289, %mul3A_290 : i32
          %swap3A_292 = arith.index_cast %mul3A_291 : i32 to index
          %swap3A_293 = tpu.vector_load %arg6[%swap3A_292] {strides = array<i32>} : memref<2048xi32, #tpu.memory_space<vmem>>, vector<16xi32>,
          tpu.vector_store %arg6[%swap3A_292], %broadcast_in_dim3A_285 {strides = array<i32>} : memref<2048xi32, #tpu.memory_space<vmem>>, vector<16xi32>,
          %scan3A_294 = arith.constant 0 : i32
          scf.yield %scan3A_294 : i32
        }
        %scan3A_62 = arith.constant 16 : i32
        %scan3A_63 = arith.constant 0 : i32
        %scan3A_64 = arith.constant 0 : i32
        %scan3A_65 = arith.constant 64 : i32
        %scan3A_66 = arith.addi %scan3A_64, %scan3A_65 : i32
        %scan3A_67 = arith.constant 1 : i32
        %scan3A_68 = scf.for %scan3A_212 = %scan3A_64 to %scan3A_66 step %scan3A_67 iter_args(%scan3A_213 = %scan3A_63) -> (i32)  : i32 {
          %mul3A_214 = arith.constant 8 : i32
          %mul3A_215 = arith.muli %scan3A_212, %mul3A_214 : i32
          %add3A_216 = arith.constant 0 : i32
          %add3A_217 = arith.addi %mul3A_215, %add3A_216 : i32
          %mul3A_218 = arith.constant 16 : i32
          %mul3A_219 = arith.muli %add3A_217, %mul3A_218 : i32
          %get3A_220 = arith.index_cast %mul3A_219 : i32 to index
          %get3A_221 = tpu.vector_load %arg4[%get3A_220] {strides = array<i32>} : memref<8208xi32, #tpu.memory_space<vmem>>, vector<16xi32>,
          %shift_right_logical3A = arith.constant 20 : i32
          %shift_right_logical3A_222 = vector.broadcast %shift_right_logical3A : i32 to vector<16xi32>
          %shift_right_logical3A_223 = arith.shrui %get3A_221, %shift_right_logical3A_222 : vector<16xi32>
          %and3A_224 = arith.constant 2047 : i32
          %and3A_225 = vector.broadcast %and3A_224 : i32 to vector<16xi32>
          %and3A_226 = arith.andi %shift_right_logical3A_223, %and3A_225 : vector<16xi32>
          %broadcast_in_dim3A_227 = arith.constant 1 : i32
          %broadcast_in_dim3A_228 = vector.broadcast %broadcast_in_dim3A_227 : i32 to vector<16xi32>
          tpu.vector_store_idx %arg6[%and3A_226], %broadcast_in_dim3A_228 {add = true} : memref<2048xi32, #tpu.memory_space<vmem>>[vector<16xi32>], vector<16xi32>,
          %mul3A_229 = arith.constant 8 : i32
          %mul3A_230 = arith.muli %scan3A_212, %mul3A_229 : i32
          %add3A_231 = arith.constant 1 : i32
          %add3A_232 = arith.addi %mul3A_230, %add3A_231 : i32
          %mul3A_233 = arith.constant 16 : i32
          %mul3A_234 = arith.muli %add3A_232, %mul3A_233 : i32
          %get3A_235 = arith.index_cast %mul3A_234 : i32 to index
          %get3A_236 = tpu.vector_load %arg4[%get3A_235] {strides = array<i32>} : memref<8208xi32, #tpu.memory_space<vmem>>, vector<16xi32>,
          %shift_right_logical3A_237 = arith.constant 20 : i32
          %shift_right_logical3A_238 = vector.broadcast %shift_right_logical3A_237 : i32 to vector<16xi32>
          %shift_right_logical3A_239 = arith.shrui %get3A_236, %shift_right_logical3A_238 : vector<16xi32>
          %and3A_240 = arith.constant 2047 : i32
          %and3A_241 = vector.broadcast %and3A_240 : i32 to vector<16xi32>
          %and3A_242 = arith.andi %shift_right_logical3A_239, %and3A_241 : vector<16xi32>
          %broadcast_in_dim3A_243 = arith.constant 1 : i32
          %broadcast_in_dim3A_244 = vector.broadcast %broadcast_in_dim3A_243 : i32 to vector<16xi32>
          tpu.vector_store_idx %arg6[%and3A_242], %broadcast_in_dim3A_244 {add = true} : memref<2048xi32, #tpu.memory_space<vmem>>[vector<16xi32>], vector<16xi32>,
          %mul3A_245 = arith.constant 8 : i32
          %mul3A_246 = arith.muli %scan3A_212, %mul3A_245 : i32
          %add3A_247 = arith.constant 2 : i32
          %add3A_248 = arith.addi %mul3A_246, %add3A_247 : i32
          %mul3A_249 = arith.constant 16 : i32
          %mul3A_250 = arith.muli %add3A_248, %mul3A_249 : i32
          %get3A_251 = arith.index_cast %mul3A_250 : i32 to index
          %get3A_252 = tpu.vector_load %arg4[%get3A_251] {strides = array<i32>} : memref<8208xi32, #tpu.memory_space<vmem>>, vector<16xi32>,
          %shift_right_logical3A_253 = arith.constant 20 : i32
          %shift_right_logical3A_254 = vector.broadcast %shift_right_logical3A_253 : i32 to vector<16xi32>
          %shift_right_logical3A_255 = arith.shrui %get3A_252, %shift_right_logical3A_254 : vector<16xi32>
          %and3A_256 = arith.constant 2047 : i32
          %and3A_257 = vector.broadcast %and3A_256 : i32 to vector<16xi32>
          %and3A_258 = arith.andi %shift_right_logical3A_255, %and3A_257 : vector<16xi32>
          %broadcast_in_dim3A_259 = arith.constant 1 : i32
          %broadcast_in_dim3A_260 = vector.broadcast %broadcast_in_dim3A_259 : i32 to vector<16xi32>
          tpu.vector_store_idx %arg6[%and3A_258], %broadcast_in_dim3A_260 {add = true} : memref<2048xi32, #tpu.memory_space<vmem>>[vector<16xi32>], vector<16xi32>,
          %mul3A_261 = arith.constant 8 : i32
          %mul3A_262 = arith.muli %scan3A_212, %mul3A_261 : i32
          %add3A_263 = arith.constant 3 : i32
          %add3A_264 = arith.addi %mul3A_262, %add3A_263 : i32
          %mul3A_265 = arith.constant 16 : i32
          %mul3A_266 = arith.muli %add3A_264, %mul3A_265 : i32
          %get3A_267 = arith.index_cast %mul3A_266 : i32 to index
          %get3A_268 = tpu.vector_load %arg4[%get3A_267] {strides = array<i32>} : memref<8208xi32, #tpu.memory_space<vmem>>, vector<16xi32>,
          %shift_right_logical3A_269 = arith.constant 20 : i32
          %shift_right_logical3A_270 = vector.broadcast %shift_right_logical3A_269 : i32 to vector<16xi32>
          %shift_right_logical3A_271 = arith.shrui %get3A_268, %shift_right_logical3A_270 : vector<16xi32>
          %and3A_272 = arith.constant 2047 : i32
          %and3A_273 = vector.broadcast %and3A_272 : i32 to vector<16xi32>
          %and3A_274 = arith.andi %shift_right_logical3A_271, %and3A_273 : vector<16xi32>
          %broadcast_in_dim3A_275 = arith.constant 1 : i32
          %broadcast_in_dim3A_276 = vector.broadcast %broadcast_in_dim3A_275 : i32 to vector<16xi32>
          tpu.vector_store_idx %arg6[%and3A_274], %broadcast_in_dim3A_276 {add = true} : memref<2048xi32, #tpu.memory_space<vmem>>[vector<16xi32>], vector<16xi32>,
          %mul3A_277 = arith.constant 8 : i32
          %mul3A_278 = arith.muli %scan3A_212, %mul3A_277 : i32
          %add3A_279 = arith.constant 4 : i32
          %add3A_280 = arith.addi %mul3A_278, %add3A_279 : i32
          %mul3A_281 = arith.constant 16 : i32
          %mul3A_282 = arith.muli %add3A_280, %mul3A_281 : i32
          %get3A_283 = arith.index_cast %mul3A_282 : i32 to index
          %get3A_284 = tpu.vector_load %arg4[%get3A_283] {strides = array<i32>} : memref<8208xi32, #tpu.memory_space<vmem>>, vector<16xi32>,
          %shift_right_logical3A_285 = arith.constant 20 : i32
          %shift_right_logical3A_286 = vector.broadcast %shift_right_logical3A_285 : i32 to vector<16xi32>
          %shift_right_logical3A_287 = arith.shrui %get3A_284, %shift_right_logical3A_286 : vector<16xi32>
          %and3A_288 = arith.constant 2047 : i32
          %and3A_289 = vector.broadcast %and3A_288 : i32 to vector<16xi32>
          %and3A_290 = arith.andi %shift_right_logical3A_287, %and3A_289 : vector<16xi32>
          %broadcast_in_dim3A_291 = arith.constant 1 : i32
          %broadcast_in_dim3A_292 = vector.broadcast %broadcast_in_dim3A_291 : i32 to vector<16xi32>
          tpu.vector_store_idx %arg6[%and3A_290], %broadcast_in_dim3A_292 {add = true} : memref<2048xi32, #tpu.memory_space<vmem>>[vector<16xi32>], vector<16xi32>,
          %mul3A_293 = arith.constant 8 : i32
          %mul3A_294 = arith.muli %scan3A_212, %mul3A_293 : i32
          %add3A_295 = arith.constant 5 : i32
          %add3A_296 = arith.addi %mul3A_294, %add3A_295 : i32
          %mul3A_297 = arith.constant 16 : i32
          %mul3A_298 = arith.muli %add3A_296, %mul3A_297 : i32
          %get3A_299 = arith.index_cast %mul3A_298 : i32 to index
          %get3A_300 = tpu.vector_load %arg4[%get3A_299] {strides = array<i32>} : memref<8208xi32, #tpu.memory_space<vmem>>, vector<16xi32>,
          %shift_right_logical3A_301 = arith.constant 20 : i32
          %shift_right_logical3A_302 = vector.broadcast %shift_right_logical3A_301 : i32 to vector<16xi32>
          %shift_right_logical3A_303 = arith.shrui %get3A_300, %shift_right_logical3A_302 : vector<16xi32>
          %and3A_304 = arith.constant 2047 : i32
          %and3A_305 = vector.broadcast %and3A_304 : i32 to vector<16xi32>
          %and3A_306 = arith.andi %shift_right_logical3A_303, %and3A_305 : vector<16xi32>
          %broadcast_in_dim3A_307 = arith.constant 1 : i32
          %broadcast_in_dim3A_308 = vector.broadcast %broadcast_in_dim3A_307 : i32 to vector<16xi32>
          tpu.vector_store_idx %arg6[%and3A_306], %broadcast_in_dim3A_308 {add = true} : memref<2048xi32, #tpu.memory_space<vmem>>[vector<16xi32>], vector<16xi32>,
          %mul3A_309 = arith.constant 8 : i32
          %mul3A_310 = arith.muli %scan3A_212, %mul3A_309 : i32
          %add3A_311 = arith.constant 6 : i32
          %add3A_312 = arith.addi %mul3A_310, %add3A_311 : i32
          %mul3A_313 = arith.constant 16 : i32
          %mul3A_314 = arith.muli %add3A_312, %mul3A_313 : i32
          %get3A_315 = arith.index_cast %mul3A_314 : i32 to index
          %get3A_316 = tpu.vector_load %arg4[%get3A_315] {strides = array<i32>} : memref<8208xi32, #tpu.memory_space<vmem>>, vector<16xi32>,
          %shift_right_logical3A_317 = arith.constant 20 : i32
          %shift_right_logical3A_318 = vector.broadcast %shift_right_logical3A_317 : i32 to vector<16xi32>
          %shift_right_logical3A_319 = arith.shrui %get3A_316, %shift_right_logical3A_318 : vector<16xi32>
          %and3A_320 = arith.constant 2047 : i32
          %and3A_321 = vector.broadcast %and3A_320 : i32 to vector<16xi32>
          %and3A_322 = arith.andi %shift_right_logical3A_319, %and3A_321 : vector<16xi32>
          %broadcast_in_dim3A_323 = arith.constant 1 : i32
          %broadcast_in_dim3A_324 = vector.broadcast %broadcast_in_dim3A_323 : i32 to vector<16xi32>
          tpu.vector_store_idx %arg6[%and3A_322], %broadcast_in_dim3A_324 {add = true} : memref<2048xi32, #tpu.memory_space<vmem>>[vector<16xi32>], vector<16xi32>,
          %mul3A_325 = arith.constant 8 : i32
          %mul3A_326 = arith.muli %scan3A_212, %mul3A_325 : i32
          %add3A_327 = arith.constant 7 : i32
          %add3A_328 = arith.addi %mul3A_326, %add3A_327 : i32
          %mul3A_329 = arith.constant 16 : i32
          %mul3A_330 = arith.muli %add3A_328, %mul3A_329 : i32
          %get3A_331 = arith.index_cast %mul3A_330 : i32 to index
          %get3A_332 = tpu.vector_load %arg4[%get3A_331] {strides = array<i32>} : memref<8208xi32, #tpu.memory_space<vmem>>, vector<16xi32>,
          %shift_right_logical3A_333 = arith.constant 20 : i32
          %shift_right_logical3A_334 = vector.broadcast %shift_right_logical3A_333 : i32 to vector<16xi32>
          %shift_right_logical3A_335 = arith.shrui %get3A_332, %shift_right_logical3A_334 : vector<16xi32>
          %and3A_336 = arith.constant 2047 : i32
          %and3A_337 = vector.broadcast %and3A_336 : i32 to vector<16xi32>
          %and3A_338 = arith.andi %shift_right_logical3A_335, %and3A_337 : vector<16xi32>
          %broadcast_in_dim3A_339 = arith.constant 1 : i32
          %broadcast_in_dim3A_340 = vector.broadcast %broadcast_in_dim3A_339 : i32 to vector<16xi32>
          tpu.vector_store_idx %arg6[%and3A_338], %broadcast_in_dim3A_340 {add = true} : memref<2048xi32, #tpu.memory_space<vmem>>[vector<16xi32>], vector<16xi32>,
          %scan3A_341 = arith.constant 0 : i32
          scf.yield %scan3A_341 : i32
        }
        %scan3A_69 = arith.constant 64 : i32
        %scan3A_70 = arith.constant 0 : i32
        %scan3A_71 = arith.constant 0 : i32
        %scan3A_72 = arith.constant 16 : i32
        %scan3A_73 = arith.addi %scan3A_71, %scan3A_72 : i32
        %scan3A_74 = arith.constant 1 : i32
        %scan3A_75 = scf.for %scan3A_212 = %scan3A_71 to %scan3A_73 step %scan3A_74 iter_args(%scan3A_213 = %scan3A_70) -> (i32)  : i32 {
          %mul3A_214 = arith.constant 8 : i32
          %mul3A_215 = arith.muli %scan3A_212, %mul3A_214 : i32
          %add3A_216 = arith.constant 0 : i32
          %add3A_217 = arith.addi %mul3A_215, %add3A_216 : i32
          %mul3A_218 = arith.constant 16 : i32
          %mul3A_219 = arith.muli %add3A_217, %mul3A_218 : i32
          %get3A_220 = arith.index_cast %mul3A_219 : i32 to index
          %get3A_221 = tpu.vector_load %arg6[%get3A_220] {strides = array<i32>} : memref<2048xi32, #tpu.memory_space<vmem>>, vector<16xi32>,
          %broadcast_in_dim3A_222 = arith.constant true
          %broadcast_in_dim3A_223 = vector.broadcast %broadcast_in_dim3A_222 : i1 to vector<16xi1>
          %masked_cumsum3A = tpu.scan <sum>, %get3A_221 masked %broadcast_in_dim3A_223 : vector<16xi32>, vector<16xi1> -> vector<16xi32>
          %sub3A_224 = arith.subi %masked_cumsum3A, %get3A_221 : vector<16xi32>
          %add3A_225 = vector.broadcast %scan3A_213 : i32 to vector<16xi32>
          %add3A_226 = arith.addi %sub3A_224, %add3A_225 : vector<16xi32>
          %mul3A_227 = arith.constant 16 : i32
          %mul3A_228 = arith.muli %add3A_217, %mul3A_227 : i32
          %swap3A_229 = arith.index_cast %mul3A_228 : i32 to index
          %swap3A_230 = tpu.vector_load %arg6[%swap3A_229] {strides = array<i32>} : memref<2048xi32, #tpu.memory_space<vmem>>, vector<16xi32>,
          tpu.vector_store %arg6[%swap3A_229], %add3A_226 {strides = array<i32>} : memref<2048xi32, #tpu.memory_space<vmem>>, vector<16xi32>,
          %reduce_sum3A_231 = arith.constant true
          %reduce_sum3A_232 = vector.broadcast %reduce_sum3A_231 : i1 to vector<16xi1>
          %reduce_sum3A_233 = tpu.scan <sum>, %get3A_221 masked %reduce_sum3A_232 : vector<16xi32>, vector<16xi1> -> vector<16xi32>
          %reduce_sum3A_234 = vector.extract %reduce_sum3A_233[15] : i32 from vector<16xi32>
          %add3A_235 = arith.addi %scan3A_213, %reduce_sum3A_234 : i32
          %mul3A_236 = arith.constant 8 : i32
          %mul3A_237 = arith.muli %scan3A_212, %mul3A_236 : i32
          %add3A_238 = arith.constant 1 : i32
          %add3A_239 = arith.addi %mul3A_237, %add3A_238 : i32
          %mul3A_240 = arith.constant 16 : i32
          %mul3A_241 = arith.muli %add3A_239, %mul3A_240 : i32
          %get3A_242 = arith.index_cast %mul3A_241 : i32 to index
          %get3A_243 = tpu.vector_load %arg6[%get3A_242] {strides = array<i32>} : memref<2048xi32, #tpu.memory_space<vmem>>, vector<16xi32>,
          %broadcast_in_dim3A_244 = arith.constant true
          %broadcast_in_dim3A_245 = vector.broadcast %broadcast_in_dim3A_244 : i1 to vector<16xi1>
          %masked_cumsum3A_246 = tpu.scan <sum>, %get3A_243 masked %broadcast_in_dim3A_245 : vector<16xi32>, vector<16xi1> -> vector<16xi32>
          %sub3A_247 = arith.subi %masked_cumsum3A_246, %get3A_243 : vector<16xi32>
          %add3A_248 = vector.broadcast %add3A_235 : i32 to vector<16xi32>
          %add3A_249 = arith.addi %sub3A_247, %add3A_248 : vector<16xi32>
          %mul3A_250 = arith.constant 16 : i32
          %mul3A_251 = arith.muli %add3A_239, %mul3A_250 : i32
          %swap3A_252 = arith.index_cast %mul3A_251 : i32 to index
          %swap3A_253 = tpu.vector_load %arg6[%swap3A_252] {strides = array<i32>} : memref<2048xi32, #tpu.memory_space<vmem>>, vector<16xi32>,
          tpu.vector_store %arg6[%swap3A_252], %add3A_249 {strides = array<i32>} : memref<2048xi32, #tpu.memory_space<vmem>>, vector<16xi32>,
          %reduce_sum3A_254 = arith.constant true
          %reduce_sum3A_255 = vector.broadcast %reduce_sum3A_254 : i1 to vector<16xi1>
          %reduce_sum3A_256 = tpu.scan <sum>, %get3A_243 masked %reduce_sum3A_255 : vector<16xi32>, vector<16xi1> -> vector<16xi32>
          %reduce_sum3A_257 = vector.extract %reduce_sum3A_256[15] : i32 from vector<16xi32>
          %add3A_258 = arith.addi %add3A_235, %reduce_sum3A_257 : i32
          %mul3A_259 = arith.constant 8 : i32
          %mul3A_260 = arith.muli %scan3A_212, %mul3A_259 : i32
          %add3A_261 = arith.constant 2 : i32
          %add3A_262 = arith.addi %mul3A_260, %add3A_261 : i32
          %mul3A_263 = arith.constant 16 : i32
          %mul3A_264 = arith.muli %add3A_262, %mul3A_263 : i32
          %get3A_265 = arith.index_cast %mul3A_264 : i32 to index
          %get3A_266 = tpu.vector_load %arg6[%get3A_265] {strides = array<i32>} : memref<2048xi32, #tpu.memory_space<vmem>>, vector<16xi32>,
          %broadcast_in_dim3A_267 = arith.constant true
          %broadcast_in_dim3A_268 = vector.broadcast %broadcast_in_dim3A_267 : i1 to vector<16xi1>
          %masked_cumsum3A_269 = tpu.scan <sum>, %get3A_266 masked %broadcast_in_dim3A_268 : vector<16xi32>, vector<16xi1> -> vector<16xi32>
          %sub3A_270 = arith.subi %masked_cumsum3A_269, %get3A_266 : vector<16xi32>
          %add3A_271 = vector.broadcast %add3A_258 : i32 to vector<16xi32>
          %add3A_272 = arith.addi %sub3A_270, %add3A_271 : vector<16xi32>
          %mul3A_273 = arith.constant 16 : i32
          %mul3A_274 = arith.muli %add3A_262, %mul3A_273 : i32
          %swap3A_275 = arith.index_cast %mul3A_274 : i32 to index
          %swap3A_276 = tpu.vector_load %arg6[%swap3A_275] {strides = array<i32>} : memref<2048xi32, #tpu.memory_space<vmem>>, vector<16xi32>,
          tpu.vector_store %arg6[%swap3A_275], %add3A_272 {strides = array<i32>} : memref<2048xi32, #tpu.memory_space<vmem>>, vector<16xi32>,
          %reduce_sum3A_277 = arith.constant true
          %reduce_sum3A_278 = vector.broadcast %reduce_sum3A_277 : i1 to vector<16xi1>
          %reduce_sum3A_279 = tpu.scan <sum>, %get3A_266 masked %reduce_sum3A_278 : vector<16xi32>, vector<16xi1> -> vector<16xi32>
          %reduce_sum3A_280 = vector.extract %reduce_sum3A_279[15] : i32 from vector<16xi32>
          %add3A_281 = arith.addi %add3A_258, %reduce_sum3A_280 : i32
          %mul3A_282 = arith.constant 8 : i32
          %mul3A_283 = arith.muli %scan3A_212, %mul3A_282 : i32
          %add3A_284 = arith.constant 3 : i32
          %add3A_285 = arith.addi %mul3A_283, %add3A_284 : i32
          %mul3A_286 = arith.constant 16 : i32
          %mul3A_287 = arith.muli %add3A_285, %mul3A_286 : i32
          %get3A_288 = arith.index_cast %mul3A_287 : i32 to index
          %get3A_289 = tpu.vector_load %arg6[%get3A_288] {strides = array<i32>} : memref<2048xi32, #tpu.memory_space<vmem>>, vector<16xi32>,
          %broadcast_in_dim3A_290 = arith.constant true
          %broadcast_in_dim3A_291 = vector.broadcast %broadcast_in_dim3A_290 : i1 to vector<16xi1>
          %masked_cumsum3A_292 = tpu.scan <sum>, %get3A_289 masked %broadcast_in_dim3A_291 : vector<16xi32>, vector<16xi1> -> vector<16xi32>
          %sub3A_293 = arith.subi %masked_cumsum3A_292, %get3A_289 : vector<16xi32>
          %add3A_294 = vector.broadcast %add3A_281 : i32 to vector<16xi32>
          %add3A_295 = arith.addi %sub3A_293, %add3A_294 : vector<16xi32>
          %mul3A_296 = arith.constant 16 : i32
          %mul3A_297 = arith.muli %add3A_285, %mul3A_296 : i32
          %swap3A_298 = arith.index_cast %mul3A_297 : i32 to index
          %swap3A_299 = tpu.vector_load %arg6[%swap3A_298] {strides = array<i32>} : memref<2048xi32, #tpu.memory_space<vmem>>, vector<16xi32>,
          tpu.vector_store %arg6[%swap3A_298], %add3A_295 {strides = array<i32>} : memref<2048xi32, #tpu.memory_space<vmem>>, vector<16xi32>,
          %reduce_sum3A_300 = arith.constant true
          %reduce_sum3A_301 = vector.broadcast %reduce_sum3A_300 : i1 to vector<16xi1>
          %reduce_sum3A_302 = tpu.scan <sum>, %get3A_289 masked %reduce_sum3A_301 : vector<16xi32>, vector<16xi1> -> vector<16xi32>
          %reduce_sum3A_303 = vector.extract %reduce_sum3A_302[15] : i32 from vector<16xi32>
          %add3A_304 = arith.addi %add3A_281, %reduce_sum3A_303 : i32
          %mul3A_305 = arith.constant 8 : i32
          %mul3A_306 = arith.muli %scan3A_212, %mul3A_305 : i32
          %add3A_307 = arith.constant 4 : i32
          %add3A_308 = arith.addi %mul3A_306, %add3A_307 : i32
          %mul3A_309 = arith.constant 16 : i32
          %mul3A_310 = arith.muli %add3A_308, %mul3A_309 : i32
          %get3A_311 = arith.index_cast %mul3A_310 : i32 to index
          %get3A_312 = tpu.vector_load %arg6[%get3A_311] {strides = array<i32>} : memref<2048xi32, #tpu.memory_space<vmem>>, vector<16xi32>,
          %broadcast_in_dim3A_313 = arith.constant true
          %broadcast_in_dim3A_314 = vector.broadcast %broadcast_in_dim3A_313 : i1 to vector<16xi1>
          %masked_cumsum3A_315 = tpu.scan <sum>, %get3A_312 masked %broadcast_in_dim3A_314 : vector<16xi32>, vector<16xi1> -> vector<16xi32>
          %sub3A_316 = arith.subi %masked_cumsum3A_315, %get3A_312 : vector<16xi32>
          %add3A_317 = vector.broadcast %add3A_304 : i32 to vector<16xi32>
          %add3A_318 = arith.addi %sub3A_316, %add3A_317 : vector<16xi32>
          %mul3A_319 = arith.constant 16 : i32
          %mul3A_320 = arith.muli %add3A_308, %mul3A_319 : i32
          %swap3A_321 = arith.index_cast %mul3A_320 : i32 to index
          %swap3A_322 = tpu.vector_load %arg6[%swap3A_321] {strides = array<i32>} : memref<2048xi32, #tpu.memory_space<vmem>>, vector<16xi32>,
          tpu.vector_store %arg6[%swap3A_321], %add3A_318 {strides = array<i32>} : memref<2048xi32, #tpu.memory_space<vmem>>, vector<16xi32>,
          %reduce_sum3A_323 = arith.constant true
          %reduce_sum3A_324 = vector.broadcast %reduce_sum3A_323 : i1 to vector<16xi1>
          %reduce_sum3A_325 = tpu.scan <sum>, %get3A_312 masked %reduce_sum3A_324 : vector<16xi32>, vector<16xi1> -> vector<16xi32>
          %reduce_sum3A_326 = vector.extract %reduce_sum3A_325[15] : i32 from vector<16xi32>
          %add3A_327 = arith.addi %add3A_304, %reduce_sum3A_326 : i32
          %mul3A_328 = arith.constant 8 : i32
          %mul3A_329 = arith.muli %scan3A_212, %mul3A_328 : i32
          %add3A_330 = arith.constant 5 : i32
          %add3A_331 = arith.addi %mul3A_329, %add3A_330 : i32
          %mul3A_332 = arith.constant 16 : i32
          %mul3A_333 = arith.muli %add3A_331, %mul3A_332 : i32
          %get3A_334 = arith.index_cast %mul3A_333 : i32 to index
          %get3A_335 = tpu.vector_load %arg6[%get3A_334] {strides = array<i32>} : memref<2048xi32, #tpu.memory_space<vmem>>, vector<16xi32>,
          %broadcast_in_dim3A_336 = arith.constant true
          %broadcast_in_dim3A_337 = vector.broadcast %broadcast_in_dim3A_336 : i1 to vector<16xi1>
          %masked_cumsum3A_338 = tpu.scan <sum>, %get3A_335 masked %broadcast_in_dim3A_337 : vector<16xi32>, vector<16xi1> -> vector<16xi32>
          %sub3A_339 = arith.subi %masked_cumsum3A_338, %get3A_335 : vector<16xi32>
          %add3A_340 = vector.broadcast %add3A_327 : i32 to vector<16xi32>
          %add3A_341 = arith.addi %sub3A_339, %add3A_340 : vector<16xi32>
          %mul3A_342 = arith.constant 16 : i32
          %mul3A_343 = arith.muli %add3A_331, %mul3A_342 : i32
          %swap3A_344 = arith.index_cast %mul3A_343 : i32 to index
          %swap3A_345 = tpu.vector_load %arg6[%swap3A_344] {strides = array<i32>} : memref<2048xi32, #tpu.memory_space<vmem>>, vector<16xi32>,
          tpu.vector_store %arg6[%swap3A_344], %add3A_341 {strides = array<i32>} : memref<2048xi32, #tpu.memory_space<vmem>>, vector<16xi32>,
          %reduce_sum3A_346 = arith.constant true
          %reduce_sum3A_347 = vector.broadcast %reduce_sum3A_346 : i1 to vector<16xi1>
          %reduce_sum3A_348 = tpu.scan <sum>, %get3A_335 masked %reduce_sum3A_347 : vector<16xi32>, vector<16xi1> -> vector<16xi32>
          %reduce_sum3A_349 = vector.extract %reduce_sum3A_348[15] : i32 from vector<16xi32>
          %add3A_350 = arith.addi %add3A_327, %reduce_sum3A_349 : i32
          %mul3A_351 = arith.constant 8 : i32
          %mul3A_352 = arith.muli %scan3A_212, %mul3A_351 : i32
          %add3A_353 = arith.constant 6 : i32
          %add3A_354 = arith.addi %mul3A_352, %add3A_353 : i32
          %mul3A_355 = arith.constant 16 : i32
          %mul3A_356 = arith.muli %add3A_354, %mul3A_355 : i32
          %get3A_357 = arith.index_cast %mul3A_356 : i32 to index
          %get3A_358 = tpu.vector_load %arg6[%get3A_357] {strides = array<i32>} : memref<2048xi32, #tpu.memory_space<vmem>>, vector<16xi32>,
          %broadcast_in_dim3A_359 = arith.constant true
          %broadcast_in_dim3A_360 = vector.broadcast %broadcast_in_dim3A_359 : i1 to vector<16xi1>
          %masked_cumsum3A_361 = tpu.scan <sum>, %get3A_358 masked %broadcast_in_dim3A_360 : vector<16xi32>, vector<16xi1> -> vector<16xi32>
          %sub3A_362 = arith.subi %masked_cumsum3A_361, %get3A_358 : vector<16xi32>
          %add3A_363 = vector.broadcast %add3A_350 : i32 to vector<16xi32>
          %add3A_364 = arith.addi %sub3A_362, %add3A_363 : vector<16xi32>
          %mul3A_365 = arith.constant 16 : i32
          %mul3A_366 = arith.muli %add3A_354, %mul3A_365 : i32
          %swap3A_367 = arith.index_cast %mul3A_366 : i32 to index
          %swap3A_368 = tpu.vector_load %arg6[%swap3A_367] {strides = array<i32>} : memref<2048xi32, #tpu.memory_space<vmem>>, vector<16xi32>,
          tpu.vector_store %arg6[%swap3A_367], %add3A_364 {strides = array<i32>} : memref<2048xi32, #tpu.memory_space<vmem>>, vector<16xi32>,
          %reduce_sum3A_369 = arith.constant true
          %reduce_sum3A_370 = vector.broadcast %reduce_sum3A_369 : i1 to vector<16xi1>
          %reduce_sum3A_371 = tpu.scan <sum>, %get3A_358 masked %reduce_sum3A_370 : vector<16xi32>, vector<16xi1> -> vector<16xi32>
          %reduce_sum3A_372 = vector.extract %reduce_sum3A_371[15] : i32 from vector<16xi32>
          %add3A_373 = arith.addi %add3A_350, %reduce_sum3A_372 : i32
          %mul3A_374 = arith.constant 8 : i32
          %mul3A_375 = arith.muli %scan3A_212, %mul3A_374 : i32
          %add3A_376 = arith.constant 7 : i32
          %add3A_377 = arith.addi %mul3A_375, %add3A_376 : i32
          %mul3A_378 = arith.constant 16 : i32
          %mul3A_379 = arith.muli %add3A_377, %mul3A_378 : i32
          %get3A_380 = arith.index_cast %mul3A_379 : i32 to index
          %get3A_381 = tpu.vector_load %arg6[%get3A_380] {strides = array<i32>} : memref<2048xi32, #tpu.memory_space<vmem>>, vector<16xi32>,
          %broadcast_in_dim3A_382 = arith.constant true
          %broadcast_in_dim3A_383 = vector.broadcast %broadcast_in_dim3A_382 : i1 to vector<16xi1>
          %masked_cumsum3A_384 = tpu.scan <sum>, %get3A_381 masked %broadcast_in_dim3A_383 : vector<16xi32>, vector<16xi1> -> vector<16xi32>
          %sub3A_385 = arith.subi %masked_cumsum3A_384, %get3A_381 : vector<16xi32>
          %add3A_386 = vector.broadcast %add3A_373 : i32 to vector<16xi32>
          %add3A_387 = arith.addi %sub3A_385, %add3A_386 : vector<16xi32>
          %mul3A_388 = arith.constant 16 : i32
          %mul3A_389 = arith.muli %add3A_377, %mul3A_388 : i32
          %swap3A_390 = arith.index_cast %mul3A_389 : i32 to index
          %swap3A_391 = tpu.vector_load %arg6[%swap3A_390] {strides = array<i32>} : memref<2048xi32, #tpu.memory_space<vmem>>, vector<16xi32>,
          tpu.vector_store %arg6[%swap3A_390], %add3A_387 {strides = array<i32>} : memref<2048xi32, #tpu.memory_space<vmem>>, vector<16xi32>,
          %reduce_sum3A_392 = arith.constant true
          %reduce_sum3A_393 = vector.broadcast %reduce_sum3A_392 : i1 to vector<16xi1>
          %reduce_sum3A_394 = tpu.scan <sum>, %get3A_381 masked %reduce_sum3A_393 : vector<16xi32>, vector<16xi1> -> vector<16xi32>
          %reduce_sum3A_395 = vector.extract %reduce_sum3A_394[15] : i32 from vector<16xi32>
          %add3A_396 = arith.addi %add3A_373, %reduce_sum3A_395 : i32
          scf.yield %add3A_396 : i32
        }
        %scan3A_76 = arith.constant 16 : i32
        %scan3A_77 = arith.constant 0 : i32
        %scan3A_78 = arith.constant 0 : i32
        %scan3A_79 = arith.constant 64 : i32
        %scan3A_80 = arith.addi %scan3A_78, %scan3A_79 : i32
        %scan3A_81 = arith.constant 1 : i32
        %scan3A_82 = scf.for %scan3A_212 = %scan3A_78 to %scan3A_80 step %scan3A_81 iter_args(%scan3A_213 = %scan3A_77) -> (i32)  : i32 {
          %mul3A_214 = arith.constant 8 : i32
          %mul3A_215 = arith.muli %scan3A_212, %mul3A_214 : i32
          %add3A_216 = arith.constant 0 : i32
          %add3A_217 = arith.addi %mul3A_215, %add3A_216 : i32
          %mul3A_218 = arith.constant 16 : i32
          %mul3A_219 = arith.muli %add3A_217, %mul3A_218 : i32
          %get3A_220 = arith.index_cast %mul3A_219 : i32 to index
          %get3A_221 = tpu.vector_load %arg4[%get3A_220] {strides = array<i32>} : memref<8208xi32, #tpu.memory_space<vmem>>, vector<16xi32>,
          %shift_right_logical3A = arith.constant 20 : i32
          %shift_right_logical3A_222 = vector.broadcast %shift_right_logical3A : i32 to vector<16xi32>
          %shift_right_logical3A_223 = arith.shrui %get3A_221, %shift_right_logical3A_222 : vector<16xi32>
          %and3A_224 = arith.constant 2047 : i32
          %and3A_225 = vector.broadcast %and3A_224 : i32 to vector<16xi32>
          %and3A_226 = arith.andi %shift_right_logical3A_223, %and3A_225 : vector<16xi32>
          %broadcast_in_dim3A_227 = arith.constant true
          %broadcast_in_dim3A_228 = vector.broadcast %broadcast_in_dim3A_227 : i1 to vector<16xi1>
          %unique3A, %unique3A_229 = tpu.scan_count mask(%broadcast_in_dim3A_228 : vector<16xi1>) value(%and3A_226 : vector<16xi32>) : vector<16xi1>, vector<16xi32>
          %gather3A = tpu.vector_load_idx %arg6[%and3A_226] : memref<2048xi32, #tpu.memory_space<vmem>>[vector<16xi32>], vector<16xi32>,
          %add3A_230 = arith.addi %gather3A, %unique3A_229 : vector<16xi32>
          %sub3A_231 = arith.constant 1 : i32
          %sub3A_232 = vector.broadcast %sub3A_231 : i32 to vector<16xi32>
          %sub3A_233 = arith.subi %add3A_230, %sub3A_232 : vector<16xi32>
          tpu.vector_store_idx %arg5[%sub3A_233], %get3A_221 : memref<8208xi32, #tpu.memory_space<vmem>>[vector<16xi32>], vector<16xi32>,
          tpu.vector_store_idx %arg6[%and3A_226], %unique3A_229 masked %unique3A {add = true} : memref<2048xi32, #tpu.memory_space<vmem>>[vector<16xi32>], vector<16xi32>, vector<16xi1>
          %mul3A_234 = arith.constant 8 : i32
          %mul3A_235 = arith.muli %scan3A_212, %mul3A_234 : i32
          %add3A_236 = arith.constant 1 : i32
          %add3A_237 = arith.addi %mul3A_235, %add3A_236 : i32
          %mul3A_238 = arith.constant 16 : i32
          %mul3A_239 = arith.muli %add3A_237, %mul3A_238 : i32
          %get3A_240 = arith.index_cast %mul3A_239 : i32 to index
          %get3A_241 = tpu.vector_load %arg4[%get3A_240] {strides = array<i32>} : memref<8208xi32, #tpu.memory_space<vmem>>, vector<16xi32>,
          %shift_right_logical3A_242 = arith.constant 20 : i32
          %shift_right_logical3A_243 = vector.broadcast %shift_right_logical3A_242 : i32 to vector<16xi32>
          %shift_right_logical3A_244 = arith.shrui %get3A_241, %shift_right_logical3A_243 : vector<16xi32>
          %and3A_245 = arith.constant 2047 : i32
          %and3A_246 = vector.broadcast %and3A_245 : i32 to vector<16xi32>
          %and3A_247 = arith.andi %shift_right_logical3A_244, %and3A_246 : vector<16xi32>
          %broadcast_in_dim3A_248 = arith.constant true
          %broadcast_in_dim3A_249 = vector.broadcast %broadcast_in_dim3A_248 : i1 to vector<16xi1>
          %unique3A_250, %unique3A_251 = tpu.scan_count mask(%broadcast_in_dim3A_249 : vector<16xi1>) value(%and3A_247 : vector<16xi32>) : vector<16xi1>, vector<16xi32>
          %gather3A_252 = tpu.vector_load_idx %arg6[%and3A_247] : memref<2048xi32, #tpu.memory_space<vmem>>[vector<16xi32>], vector<16xi32>,
          %add3A_253 = arith.addi %gather3A_252, %unique3A_251 : vector<16xi32>
          %sub3A_254 = arith.constant 1 : i32
          %sub3A_255 = vector.broadcast %sub3A_254 : i32 to vector<16xi32>
          %sub3A_256 = arith.subi %add3A_253, %sub3A_255 : vector<16xi32>
          tpu.vector_store_idx %arg5[%sub3A_256], %get3A_241 : memref<8208xi32, #tpu.memory_space<vmem>>[vector<16xi32>], vector<16xi32>,
          tpu.vector_store_idx %arg6[%and3A_247], %unique3A_251 masked %unique3A_250 {add = true} : memref<2048xi32, #tpu.memory_space<vmem>>[vector<16xi32>], vector<16xi32>, vector<16xi1>
          %mul3A_257 = arith.constant 8 : i32
          %mul3A_258 = arith.muli %scan3A_212, %mul3A_257 : i32
          %add3A_259 = arith.constant 2 : i32
          %add3A_260 = arith.addi %mul3A_258, %add3A_259 : i32
          %mul3A_261 = arith.constant 16 : i32
          %mul3A_262 = arith.muli %add3A_260, %mul3A_261 : i32
          %get3A_263 = arith.index_cast %mul3A_262 : i32 to index
          %get3A_264 = tpu.vector_load %arg4[%get3A_263] {strides = array<i32>} : memref<8208xi32, #tpu.memory_space<vmem>>, vector<16xi32>,
          %shift_right_logical3A_265 = arith.constant 20 : i32
          %shift_right_logical3A_266 = vector.broadcast %shift_right_logical3A_265 : i32 to vector<16xi32>
          %shift_right_logical3A_267 = arith.shrui %get3A_264, %shift_right_logical3A_266 : vector<16xi32>
          %and3A_268 = arith.constant 2047 : i32
          %and3A_269 = vector.broadcast %and3A_268 : i32 to vector<16xi32>
          %and3A_270 = arith.andi %shift_right_logical3A_267, %and3A_269 : vector<16xi32>
          %broadcast_in_dim3A_271 = arith.constant true
          %broadcast_in_dim3A_272 = vector.broadcast %broadcast_in_dim3A_271 : i1 to vector<16xi1>
          %unique3A_273, %unique3A_274 = tpu.scan_count mask(%broadcast_in_dim3A_272 : vector<16xi1>) value(%and3A_270 : vector<16xi32>) : vector<16xi1>, vector<16xi32>
          %gather3A_275 = tpu.vector_load_idx %arg6[%and3A_270] : memref<2048xi32, #tpu.memory_space<vmem>>[vector<16xi32>], vector<16xi32>,
          %add3A_276 = arith.addi %gather3A_275, %unique3A_274 : vector<16xi32>
          %sub3A_277 = arith.constant 1 : i32
          %sub3A_278 = vector.broadcast %sub3A_277 : i32 to vector<16xi32>
          %sub3A_279 = arith.subi %add3A_276, %sub3A_278 : vector<16xi32>
          tpu.vector_store_idx %arg5[%sub3A_279], %get3A_264 : memref<8208xi32, #tpu.memory_space<vmem>>[vector<16xi32>], vector<16xi32>,
          tpu.vector_store_idx %arg6[%and3A_270], %unique3A_274 masked %unique3A_273 {add = true} : memref<2048xi32, #tpu.memory_space<vmem>>[vector<16xi32>], vector<16xi32>, vector<16xi1>
          %mul3A_280 = arith.constant 8 : i32
          %mul3A_281 = arith.muli %scan3A_212, %mul3A_280 : i32
          %add3A_282 = arith.constant 3 : i32
          %add3A_283 = arith.addi %mul3A_281, %add3A_282 : i32
          %mul3A_284 = arith.constant 16 : i32
          %mul3A_285 = arith.muli %add3A_283, %mul3A_284 : i32
          %get3A_286 = arith.index_cast %mul3A_285 : i32 to index
          %get3A_287 = tpu.vector_load %arg4[%get3A_286] {strides = array<i32>} : memref<8208xi32, #tpu.memory_space<vmem>>, vector<16xi32>,
          %shift_right_logical3A_288 = arith.constant 20 : i32
          %shift_right_logical3A_289 = vector.broadcast %shift_right_logical3A_288 : i32 to vector<16xi32>
          %shift_right_logical3A_290 = arith.shrui %get3A_287, %shift_right_logical3A_289 : vector<16xi32>
          %and3A_291 = arith.constant 2047 : i32
          %and3A_292 = vector.broadcast %and3A_291 : i32 to vector<16xi32>
          %and3A_293 = arith.andi %shift_right_logical3A_290, %and3A_292 : vector<16xi32>
          %broadcast_in_dim3A_294 = arith.constant true
          %broadcast_in_dim3A_295 = vector.broadcast %broadcast_in_dim3A_294 : i1 to vector<16xi1>
          %unique3A_296, %unique3A_297 = tpu.scan_count mask(%broadcast_in_dim3A_295 : vector<16xi1>) value(%and3A_293 : vector<16xi32>) : vector<16xi1>, vector<16xi32>
          %gather3A_298 = tpu.vector_load_idx %arg6[%and3A_293] : memref<2048xi32, #tpu.memory_space<vmem>>[vector<16xi32>], vector<16xi32>,
          %add3A_299 = arith.addi %gather3A_298, %unique3A_297 : vector<16xi32>
          %sub3A_300 = arith.constant 1 : i32
          %sub3A_301 = vector.broadcast %sub3A_300 : i32 to vector<16xi32>
          %sub3A_302 = arith.subi %add3A_299, %sub3A_301 : vector<16xi32>
          tpu.vector_store_idx %arg5[%sub3A_302], %get3A_287 : memref<8208xi32, #tpu.memory_space<vmem>>[vector<16xi32>], vector<16xi32>,
          tpu.vector_store_idx %arg6[%and3A_293], %unique3A_297 masked %unique3A_296 {add = true} : memref<2048xi32, #tpu.memory_space<vmem>>[vector<16xi32>], vector<16xi32>, vector<16xi1>
          %mul3A_303 = arith.constant 8 : i32
          %mul3A_304 = arith.muli %scan3A_212, %mul3A_303 : i32
          %add3A_305 = arith.constant 4 : i32
          %add3A_306 = arith.addi %mul3A_304, %add3A_305 : i32
          %mul3A_307 = arith.constant 16 : i32
          %mul3A_308 = arith.muli %add3A_306, %mul3A_307 : i32
          %get3A_309 = arith.index_cast %mul3A_308 : i32 to index
          %get3A_310 = tpu.vector_load %arg4[%get3A_309] {strides = array<i32>} : memref<8208xi32, #tpu.memory_space<vmem>>, vector<16xi32>,
          %shift_right_logical3A_311 = arith.constant 20 : i32
          %shift_right_logical3A_312 = vector.broadcast %shift_right_logical3A_311 : i32 to vector<16xi32>
          %shift_right_logical3A_313 = arith.shrui %get3A_310, %shift_right_logical3A_312 : vector<16xi32>
          %and3A_314 = arith.constant 2047 : i32
          %and3A_315 = vector.broadcast %and3A_314 : i32 to vector<16xi32>
          %and3A_316 = arith.andi %shift_right_logical3A_313, %and3A_315 : vector<16xi32>
          %broadcast_in_dim3A_317 = arith.constant true
          %broadcast_in_dim3A_318 = vector.broadcast %broadcast_in_dim3A_317 : i1 to vector<16xi1>
          %unique3A_319, %unique3A_320 = tpu.scan_count mask(%broadcast_in_dim3A_318 : vector<16xi1>) value(%and3A_316 : vector<16xi32>) : vector<16xi1>, vector<16xi32>
          %gather3A_321 = tpu.vector_load_idx %arg6[%and3A_316] : memref<2048xi32, #tpu.memory_space<vmem>>[vector<16xi32>], vector<16xi32>,
          %add3A_322 = arith.addi %gather3A_321, %unique3A_320 : vector<16xi32>
          %sub3A_323 = arith.constant 1 : i32
          %sub3A_324 = vector.broadcast %sub3A_323 : i32 to vector<16xi32>
          %sub3A_325 = arith.subi %add3A_322, %sub3A_324 : vector<16xi32>
          tpu.vector_store_idx %arg5[%sub3A_325], %get3A_310 : memref<8208xi32, #tpu.memory_space<vmem>>[vector<16xi32>], vector<16xi32>,
          tpu.vector_store_idx %arg6[%and3A_316], %unique3A_320 masked %unique3A_319 {add = true} : memref<2048xi32, #tpu.memory_space<vmem>>[vector<16xi32>], vector<16xi32>, vector<16xi1>
          %mul3A_326 = arith.constant 8 : i32
          %mul3A_327 = arith.muli %scan3A_212, %mul3A_326 : i32
          %add3A_328 = arith.constant 5 : i32
          %add3A_329 = arith.addi %mul3A_327, %add3A_328 : i32
          %mul3A_330 = arith.constant 16 : i32
          %mul3A_331 = arith.muli %add3A_329, %mul3A_330 : i32
          %get3A_332 = arith.index_cast %mul3A_331 : i32 to index
          %get3A_333 = tpu.vector_load %arg4[%get3A_332] {strides = array<i32>} : memref<8208xi32, #tpu.memory_space<vmem>>, vector<16xi32>,
          %shift_right_logical3A_334 = arith.constant 20 : i32
          %shift_right_logical3A_335 = vector.broadcast %shift_right_logical3A_334 : i32 to vector<16xi32>
          %shift_right_logical3A_336 = arith.shrui %get3A_333, %shift_right_logical3A_335 : vector<16xi32>
          %and3A_337 = arith.constant 2047 : i32
          %and3A_338 = vector.broadcast %and3A_337 : i32 to vector<16xi32>
          %and3A_339 = arith.andi %shift_right_logical3A_336, %and3A_338 : vector<16xi32>
          %broadcast_in_dim3A_340 = arith.constant true
          %broadcast_in_dim3A_341 = vector.broadcast %broadcast_in_dim3A_340 : i1 to vector<16xi1>
          %unique3A_342, %unique3A_343 = tpu.scan_count mask(%broadcast_in_dim3A_341 : vector<16xi1>) value(%and3A_339 : vector<16xi32>) : vector<16xi1>, vector<16xi32>
          %gather3A_344 = tpu.vector_load_idx %arg6[%and3A_339] : memref<2048xi32, #tpu.memory_space<vmem>>[vector<16xi32>], vector<16xi32>,
          %add3A_345 = arith.addi %gather3A_344, %unique3A_343 : vector<16xi32>
          %sub3A_346 = arith.constant 1 : i32
          %sub3A_347 = vector.broadcast %sub3A_346 : i32 to vector<16xi32>
          %sub3A_348 = arith.subi %add3A_345, %sub3A_347 : vector<16xi32>
          tpu.vector_store_idx %arg5[%sub3A_348], %get3A_333 : memref<8208xi32, #tpu.memory_space<vmem>>[vector<16xi32>], vector<16xi32>,
          tpu.vector_store_idx %arg6[%and3A_339], %unique3A_343 masked %unique3A_342 {add = true} : memref<2048xi32, #tpu.memory_space<vmem>>[vector<16xi32>], vector<16xi32>, vector<16xi1>
          %mul3A_349 = arith.constant 8 : i32
          %mul3A_350 = arith.muli %scan3A_212, %mul3A_349 : i32
          %add3A_351 = arith.constant 6 : i32
          %add3A_352 = arith.addi %mul3A_350, %add3A_351 : i32
          %mul3A_353 = arith.constant 16 : i32
          %mul3A_354 = arith.muli %add3A_352, %mul3A_353 : i32
          %get3A_355 = arith.index_cast %mul3A_354 : i32 to index
          %get3A_356 = tpu.vector_load %arg4[%get3A_355] {strides = array<i32>} : memref<8208xi32, #tpu.memory_space<vmem>>, vector<16xi32>,
          %shift_right_logical3A_357 = arith.constant 20 : i32
          %shift_right_logical3A_358 = vector.broadcast %shift_right_logical3A_357 : i32 to vector<16xi32>
          %shift_right_logical3A_359 = arith.shrui %get3A_356, %shift_right_logical3A_358 : vector<16xi32>
          %and3A_360 = arith.constant 2047 : i32
          %and3A_361 = vector.broadcast %and3A_360 : i32 to vector<16xi32>
          %and3A_362 = arith.andi %shift_right_logical3A_359, %and3A_361 : vector<16xi32>
          %broadcast_in_dim3A_363 = arith.constant true
          %broadcast_in_dim3A_364 = vector.broadcast %broadcast_in_dim3A_363 : i1 to vector<16xi1>
          %unique3A_365, %unique3A_366 = tpu.scan_count mask(%broadcast_in_dim3A_364 : vector<16xi1>) value(%and3A_362 : vector<16xi32>) : vector<16xi1>, vector<16xi32>
          %gather3A_367 = tpu.vector_load_idx %arg6[%and3A_362] : memref<2048xi32, #tpu.memory_space<vmem>>[vector<16xi32>], vector<16xi32>,
          %add3A_368 = arith.addi %gather3A_367, %unique3A_366 : vector<16xi32>
          %sub3A_369 = arith.constant 1 : i32
          %sub3A_370 = vector.broadcast %sub3A_369 : i32 to vector<16xi32>
          %sub3A_371 = arith.subi %add3A_368, %sub3A_370 : vector<16xi32>
          tpu.vector_store_idx %arg5[%sub3A_371], %get3A_356 : memref<8208xi32, #tpu.memory_space<vmem>>[vector<16xi32>], vector<16xi32>,
          tpu.vector_store_idx %arg6[%and3A_362], %unique3A_366 masked %unique3A_365 {add = true} : memref<2048xi32, #tpu.memory_space<vmem>>[vector<16xi32>], vector<16xi32>, vector<16xi1>
          %mul3A_372 = arith.constant 8 : i32
          %mul3A_373 = arith.muli %scan3A_212, %mul3A_372 : i32
          %add3A_374 = arith.constant 7 : i32
          %add3A_375 = arith.addi %mul3A_373, %add3A_374 : i32
          %mul3A_376 = arith.constant 16 : i32
          %mul3A_377 = arith.muli %add3A_375, %mul3A_376 : i32
          %get3A_378 = arith.index_cast %mul3A_377 : i32 to index
          %get3A_379 = tpu.vector_load %arg4[%get3A_378] {strides = array<i32>} : memref<8208xi32, #tpu.memory_space<vmem>>, vector<16xi32>,
          %shift_right_logical3A_380 = arith.constant 20 : i32
          %shift_right_logical3A_381 = vector.broadcast %shift_right_logical3A_380 : i32 to vector<16xi32>
          %shift_right_logical3A_382 = arith.shrui %get3A_379, %shift_right_logical3A_381 : vector<16xi32>
          %and3A_383 = arith.constant 2047 : i32
          %and3A_384 = vector.broadcast %and3A_383 : i32 to vector<16xi32>
          %and3A_385 = arith.andi %shift_right_logical3A_382, %and3A_384 : vector<16xi32>
          %broadcast_in_dim3A_386 = arith.constant true
          %broadcast_in_dim3A_387 = vector.broadcast %broadcast_in_dim3A_386 : i1 to vector<16xi1>
          %unique3A_388, %unique3A_389 = tpu.scan_count mask(%broadcast_in_dim3A_387 : vector<16xi1>) value(%and3A_385 : vector<16xi32>) : vector<16xi1>, vector<16xi32>
          %gather3A_390 = tpu.vector_load_idx %arg6[%and3A_385] : memref<2048xi32, #tpu.memory_space<vmem>>[vector<16xi32>], vector<16xi32>,
          %add3A_391 = arith.addi %gather3A_390, %unique3A_389 : vector<16xi32>
          %sub3A_392 = arith.constant 1 : i32
          %sub3A_393 = vector.broadcast %sub3A_392 : i32 to vector<16xi32>
          %sub3A_394 = arith.subi %add3A_391, %sub3A_393 : vector<16xi32>
          tpu.vector_store_idx %arg5[%sub3A_394], %get3A_379 : memref<8208xi32, #tpu.memory_space<vmem>>[vector<16xi32>], vector<16xi32>,
          tpu.vector_store_idx %arg6[%and3A_385], %unique3A_389 masked %unique3A_388 {add = true} : memref<2048xi32, #tpu.memory_space<vmem>>[vector<16xi32>], vector<16xi32>, vector<16xi1>
          %scan3A_395 = arith.constant 0 : i32
          scf.yield %scan3A_395 : i32
        }
        %scan3A_83 = arith.constant 64 : i32
        %broadcast_in_dim3A_84 = arith.constant 1065353216 : i32
        %broadcast_in_dim3A_85 = vector.broadcast %broadcast_in_dim3A_84 : i32 to vector<16xi32>
        %swap3A_86 = arith.constant 8192 : index
        %swap3A_87 = tpu.vector_load %arg5[%swap3A_86] {strides = array<i32>} : memref<8208xi32, #tpu.memory_space<vmem>>, vector<16xi32>,
        tpu.vector_store %arg5[%swap3A_86], %broadcast_in_dim3A_85 {strides = array<i32>} : memref<8208xi32, #tpu.memory_space<vmem>>, vector<16xi32>,
        %broadcast_in_dim3A_88 = arith.constant 0.000000e+00 : f32
        %broadcast_in_dim3A_89 = vector.broadcast %broadcast_in_dim3A_88 : f32 to vector<16xf32>
        %broadcast_in_dim3A_90 = arith.constant 4096 : i32
        %broadcast_in_dim3A_91 = vector.broadcast %broadcast_in_dim3A_90 : i32 to vector<16xi32>
        %broadcast_in_dim3A_92 = arith.constant -4096 : i32
        %broadcast_in_dim3A_93 = vector.broadcast %broadcast_in_dim3A_92 : i32 to vector<16xi32>
        %scan3A_94 = arith.constant 0 : i32
        %scan3A_95 = arith.constant 0 : i32
        %scan3A_96 = arith.constant 64 : i32
        %scan3A_97 = arith.addi %scan3A_95, %scan3A_96 : i32
        %scan3A_98 = arith.constant 1 : i32
        %scan3A_99:4 = scf.for %scan3A_212 = %scan3A_95 to %scan3A_97 step %scan3A_98 iter_args(%scan3A_213 = %scan3A_94, %scan3A_214 = %broadcast_in_dim3A_89, %scan3A_215 = %broadcast_in_dim3A_91, %scan3A_216 = %broadcast_in_dim3A_93) -> (i32, vector<16xf32>, vector<16xi32>, vector<16xi32>)  : i32 {
          %mul3A_217 = arith.constant 8 : i32
          %mul3A_218 = arith.muli %scan3A_212, %mul3A_217 : i32
          %add3A_219 = arith.constant 0 : i32
          %add3A_220 = arith.addi %mul3A_218, %add3A_219 : i32
          %mul3A_221 = arith.constant 16 : i32
          %mul3A_222 = arith.muli %add3A_220, %mul3A_221 : i32
          %get3A_223 = arith.index_cast %mul3A_222 : i32 to index
          %get3A_224 = tpu.vector_load %arg5[%get3A_223] {strides = array<i32>} : memref<8208xi32, #tpu.memory_space<vmem>>, vector<16xi32>,
          %bitcast3A = vector.bitcast %get3A_224 : vector<16xi32> to vector<16xf32>
          %mul3A_225 = arith.constant 16 : i32
          %mul3A_226 = arith.muli %add3A_220, %mul3A_225 : i32
          %add3A_227 = arith.constant 1 : i32
          %add3A_228 = arith.addi %mul3A_226, %add3A_227 : i32
          %get3A_229 = arith.index_cast %add3A_228 : i32 to index
          %get3A_230 = tpu.vector_load %arg5[%get3A_229] {strides = array<i32>} : memref<8208xi32, #tpu.memory_space<vmem>>, vector<16xi32>,
          %bitcast3A_231 = vector.bitcast %get3A_230 : vector<16xi32> to vector<16xf32>
          %sub3A_232 = arith.subf %bitcast3A_231, %bitcast3A : vector<16xf32>
          %and3A_233 = arith.constant 1 : i32
          %and3A_234 = vector.broadcast %and3A_233 : i32 to vector<16xi32>
          %and3A_235 = arith.andi %get3A_224, %and3A_234 : vector<16xi32>
          %mul3A_236 = arith.constant 2 : i32
          %mul3A_237 = vector.broadcast %mul3A_236 : i32 to vector<16xi32>
          %mul3A_238 = arith.muli %mul3A_237, %and3A_235 : vector<16xi32>
          %sub3A_239 = arith.constant 1 : i32
          %sub3A_240 = vector.broadcast %sub3A_239 : i32 to vector<16xi32>
          %sub3A_241 = arith.subi %mul3A_238, %sub3A_240 : vector<16xi32>
          %broadcast_in_dim3A_242 = arith.constant true
          %broadcast_in_dim3A_243 = vector.broadcast %broadcast_in_dim3A_242 : i1 to vector<16xi1>
          %masked_cumsum3A = tpu.scan <sum>, %sub3A_241 masked %broadcast_in_dim3A_243 : vector<16xi32>, vector<16xi1> -> vector<16xi32>
          %add3A_244 = vector.broadcast %scan3A_213 : i32 to vector<16xi32>
          %add3A_245 = arith.addi %masked_cumsum3A, %add3A_244 : vector<16xi32>
          %add3A_246 = arith.constant 4096 : i32
          %add3A_247 = vector.broadcast %add3A_246 : i32 to vector<16xi32>
          %add3A_248 = arith.addi %add3A_245, %add3A_247 : vector<16xi32>
          tpu.vector_store_idx %arg7[%add3A_248], %sub3A_232 {add = true} : memref<8208xf32, #tpu.memory_space<vmem>>[vector<16xi32>], vector<16xf32>,
          %reduce_sum3A_249 = arith.constant true
          %reduce_sum3A_250 = vector.broadcast %reduce_sum3A_249 : i1 to vector<16xi1>
          %reduce_sum3A_251 = tpu.scan <sum>, %sub3A_241 masked %reduce_sum3A_250 : vector<16xi32>, vector<16xi1> -> vector<16xi32>
          %reduce_sum3A_252 = vector.extract %reduce_sum3A_251[15] : i32 from vector<16xi32>
          %add3A_253 = arith.addi %scan3A_213, %reduce_sum3A_252 : i32
          %add3A_254 = arith.addf %scan3A_214, %sub3A_232 : vector<16xf32>
          %min3A = arith.minsi %scan3A_215, %add3A_245 : vector<16xi32>
          %max3A = arith.maxsi %scan3A_216, %add3A_245 : vector<16xi32>
          %mul3A_255 = arith.constant 8 : i32
          %mul3A_256 = arith.muli %scan3A_212, %mul3A_255 : i32
          %add3A_257 = arith.constant 1 : i32
          %add3A_258 = arith.addi %mul3A_256, %add3A_257 : i32
          %mul3A_259 = arith.constant 16 : i32
          %mul3A_260 = arith.muli %add3A_258, %mul3A_259 : i32
          %get3A_261 = arith.index_cast %mul3A_260 : i32 to index
          %get3A_262 = tpu.vector_load %arg5[%get3A_261] {strides = array<i32>} : memref<8208xi32, #tpu.memory_space<vmem>>, vector<16xi32>,
          %bitcast3A_263 = vector.bitcast %get3A_262 : vector<16xi32> to vector<16xf32>
          %mul3A_264 = arith.constant 16 : i32
          %mul3A_265 = arith.muli %add3A_258, %mul3A_264 : i32
          %add3A_266 = arith.constant 1 : i32
          %add3A_267 = arith.addi %mul3A_265, %add3A_266 : i32
          %get3A_268 = arith.index_cast %add3A_267 : i32 to index
          %get3A_269 = tpu.vector_load %arg5[%get3A_268] {strides = array<i32>} : memref<8208xi32, #tpu.memory_space<vmem>>, vector<16xi32>,
          %bitcast3A_270 = vector.bitcast %get3A_269 : vector<16xi32> to vector<16xf32>
          %sub3A_271 = arith.subf %bitcast3A_270, %bitcast3A_263 : vector<16xf32>
          %and3A_272 = arith.constant 1 : i32
          %and3A_273 = vector.broadcast %and3A_272 : i32 to vector<16xi32>
          %and3A_274 = arith.andi %get3A_262, %and3A_273 : vector<16xi32>
          %mul3A_275 = arith.constant 2 : i32
          %mul3A_276 = vector.broadcast %mul3A_275 : i32 to vector<16xi32>
          %mul3A_277 = arith.muli %mul3A_276, %and3A_274 : vector<16xi32>
          %sub3A_278 = arith.constant 1 : i32
          %sub3A_279 = vector.broadcast %sub3A_278 : i32 to vector<16xi32>
          %sub3A_280 = arith.subi %mul3A_277, %sub3A_279 : vector<16xi32>
          %broadcast_in_dim3A_281 = arith.constant true
          %broadcast_in_dim3A_282 = vector.broadcast %broadcast_in_dim3A_281 : i1 to vector<16xi1>
          %masked_cumsum3A_283 = tpu.scan <sum>, %sub3A_280 masked %broadcast_in_dim3A_282 : vector<16xi32>, vector<16xi1> -> vector<16xi32>
          %add3A_284 = vector.broadcast %add3A_253 : i32 to vector<16xi32>
          %add3A_285 = arith.addi %masked_cumsum3A_283, %add3A_284 : vector<16xi32>
          %add3A_286 = arith.constant 4096 : i32
          %add3A_287 = vector.broadcast %add3A_286 : i32 to vector<16xi32>
          %add3A_288 = arith.addi %add3A_285, %add3A_287 : vector<16xi32>
          tpu.vector_store_idx %arg7[%add3A_288], %sub3A_271 {add = true} : memref<8208xf32, #tpu.memory_space<vmem>>[vector<16xi32>], vector<16xf32>,
          %reduce_sum3A_289 = arith.constant true
          %reduce_sum3A_290 = vector.broadcast %reduce_sum3A_289 : i1 to vector<16xi1>
          %reduce_sum3A_291 = tpu.scan <sum>, %sub3A_280 masked %reduce_sum3A_290 : vector<16xi32>, vector<16xi1> -> vector<16xi32>
          %reduce_sum3A_292 = vector.extract %reduce_sum3A_291[15] : i32 from vector<16xi32>
          %add3A_293 = arith.addi %add3A_253, %reduce_sum3A_292 : i32
          %add3A_294 = arith.addf %add3A_254, %sub3A_271 : vector<16xf32>
          %min3A_295 = arith.minsi %min3A, %add3A_285 : vector<16xi32>
          %max3A_296 = arith.maxsi %max3A, %add3A_285 : vector<16xi32>
          %mul3A_297 = arith.constant 8 : i32
          %mul3A_298 = arith.muli %scan3A_212, %mul3A_297 : i32
          %add3A_299 = arith.constant 2 : i32
          %add3A_300 = arith.addi %mul3A_298, %add3A_299 : i32
          %mul3A_301 = arith.constant 16 : i32
          %mul3A_302 = arith.muli %add3A_300, %mul3A_301 : i32
          %get3A_303 = arith.index_cast %mul3A_302 : i32 to index
          %get3A_304 = tpu.vector_load %arg5[%get3A_303] {strides = array<i32>} : memref<8208xi32, #tpu.memory_space<vmem>>, vector<16xi32>,
          %bitcast3A_305 = vector.bitcast %get3A_304 : vector<16xi32> to vector<16xf32>
          %mul3A_306 = arith.constant 16 : i32
          %mul3A_307 = arith.muli %add3A_300, %mul3A_306 : i32
          %add3A_308 = arith.constant 1 : i32
          %add3A_309 = arith.addi %mul3A_307, %add3A_308 : i32
          %get3A_310 = arith.index_cast %add3A_309 : i32 to index
          %get3A_311 = tpu.vector_load %arg5[%get3A_310] {strides = array<i32>} : memref<8208xi32, #tpu.memory_space<vmem>>, vector<16xi32>,
          %bitcast3A_312 = vector.bitcast %get3A_311 : vector<16xi32> to vector<16xf32>
          %sub3A_313 = arith.subf %bitcast3A_312, %bitcast3A_305 : vector<16xf32>
          %and3A_314 = arith.constant 1 : i32
          %and3A_315 = vector.broadcast %and3A_314 : i32 to vector<16xi32>
          %and3A_316 = arith.andi %get3A_304, %and3A_315 : vector<16xi32>
          %mul3A_317 = arith.constant 2 : i32
          %mul3A_318 = vector.broadcast %mul3A_317 : i32 to vector<16xi32>
          %mul3A_319 = arith.muli %mul3A_318, %and3A_316 : vector<16xi32>
          %sub3A_320 = arith.constant 1 : i32
          %sub3A_321 = vector.broadcast %sub3A_320 : i32 to vector<16xi32>
          %sub3A_322 = arith.subi %mul3A_319, %sub3A_321 : vector<16xi32>
          %broadcast_in_dim3A_323 = arith.constant true
          %broadcast_in_dim3A_324 = vector.broadcast %broadcast_in_dim3A_323 : i1 to vector<16xi1>
          %masked_cumsum3A_325 = tpu.scan <sum>, %sub3A_322 masked %broadcast_in_dim3A_324 : vector<16xi32>, vector<16xi1> -> vector<16xi32>
          %add3A_326 = vector.broadcast %add3A_293 : i32 to vector<16xi32>
          %add3A_327 = arith.addi %masked_cumsum3A_325, %add3A_326 : vector<16xi32>
          %add3A_328 = arith.constant 4096 : i32
          %add3A_329 = vector.broadcast %add3A_328 : i32 to vector<16xi32>
          %add3A_330 = arith.addi %add3A_327, %add3A_329 : vector<16xi32>
          tpu.vector_store_idx %arg7[%add3A_330], %sub3A_313 {add = true} : memref<8208xf32, #tpu.memory_space<vmem>>[vector<16xi32>], vector<16xf32>,
          %reduce_sum3A_331 = arith.constant true
          %reduce_sum3A_332 = vector.broadcast %reduce_sum3A_331 : i1 to vector<16xi1>
          %reduce_sum3A_333 = tpu.scan <sum>, %sub3A_322 masked %reduce_sum3A_332 : vector<16xi32>, vector<16xi1> -> vector<16xi32>
          %reduce_sum3A_334 = vector.extract %reduce_sum3A_333[15] : i32 from vector<16xi32>
          %add3A_335 = arith.addi %add3A_293, %reduce_sum3A_334 : i32
          %add3A_336 = arith.addf %add3A_294, %sub3A_313 : vector<16xf32>
          %min3A_337 = arith.minsi %min3A_295, %add3A_327 : vector<16xi32>
          %max3A_338 = arith.maxsi %max3A_296, %add3A_327 : vector<16xi32>
          %mul3A_339 = arith.constant 8 : i32
          %mul3A_340 = arith.muli %scan3A_212, %mul3A_339 : i32
          %add3A_341 = arith.constant 3 : i32
          %add3A_342 = arith.addi %mul3A_340, %add3A_341 : i32
          %mul3A_343 = arith.constant 16 : i32
          %mul3A_344 = arith.muli %add3A_342, %mul3A_343 : i32
          %get3A_345 = arith.index_cast %mul3A_344 : i32 to index
          %get3A_346 = tpu.vector_load %arg5[%get3A_345] {strides = array<i32>} : memref<8208xi32, #tpu.memory_space<vmem>>, vector<16xi32>,
          %bitcast3A_347 = vector.bitcast %get3A_346 : vector<16xi32> to vector<16xf32>
          %mul3A_348 = arith.constant 16 : i32
          %mul3A_349 = arith.muli %add3A_342, %mul3A_348 : i32
          %add3A_350 = arith.constant 1 : i32
          %add3A_351 = arith.addi %mul3A_349, %add3A_350 : i32
          %get3A_352 = arith.index_cast %add3A_351 : i32 to index
          %get3A_353 = tpu.vector_load %arg5[%get3A_352] {strides = array<i32>} : memref<8208xi32, #tpu.memory_space<vmem>>, vector<16xi32>,
          %bitcast3A_354 = vector.bitcast %get3A_353 : vector<16xi32> to vector<16xf32>
          %sub3A_355 = arith.subf %bitcast3A_354, %bitcast3A_347 : vector<16xf32>
          %and3A_356 = arith.constant 1 : i32
          %and3A_357 = vector.broadcast %and3A_356 : i32 to vector<16xi32>
          %and3A_358 = arith.andi %get3A_346, %and3A_357 : vector<16xi32>
          %mul3A_359 = arith.constant 2 : i32
          %mul3A_360 = vector.broadcast %mul3A_359 : i32 to vector<16xi32>
          %mul3A_361 = arith.muli %mul3A_360, %and3A_358 : vector<16xi32>
          %sub3A_362 = arith.constant 1 : i32
          %sub3A_363 = vector.broadcast %sub3A_362 : i32 to vector<16xi32>
          %sub3A_364 = arith.subi %mul3A_361, %sub3A_363 : vector<16xi32>
          %broadcast_in_dim3A_365 = arith.constant true
          %broadcast_in_dim3A_366 = vector.broadcast %broadcast_in_dim3A_365 : i1 to vector<16xi1>
          %masked_cumsum3A_367 = tpu.scan <sum>, %sub3A_364 masked %broadcast_in_dim3A_366 : vector<16xi32>, vector<16xi1> -> vector<16xi32>
          %add3A_368 = vector.broadcast %add3A_335 : i32 to vector<16xi32>
          %add3A_369 = arith.addi %masked_cumsum3A_367, %add3A_368 : vector<16xi32>
          %add3A_370 = arith.constant 4096 : i32
          %add3A_371 = vector.broadcast %add3A_370 : i32 to vector<16xi32>
          %add3A_372 = arith.addi %add3A_369, %add3A_371 : vector<16xi32>
          tpu.vector_store_idx %arg7[%add3A_372], %sub3A_355 {add = true} : memref<8208xf32, #tpu.memory_space<vmem>>[vector<16xi32>], vector<16xf32>,
          %reduce_sum3A_373 = arith.constant true
          %reduce_sum3A_374 = vector.broadcast %reduce_sum3A_373 : i1 to vector<16xi1>
          %reduce_sum3A_375 = tpu.scan <sum>, %sub3A_364 masked %reduce_sum3A_374 : vector<16xi32>, vector<16xi1> -> vector<16xi32>
          %reduce_sum3A_376 = vector.extract %reduce_sum3A_375[15] : i32 from vector<16xi32>
          %add3A_377 = arith.addi %add3A_335, %reduce_sum3A_376 : i32
          %add3A_378 = arith.addf %add3A_336, %sub3A_355 : vector<16xf32>
          %min3A_379 = arith.minsi %min3A_337, %add3A_369 : vector<16xi32>
          %max3A_380 = arith.maxsi %max3A_338, %add3A_369 : vector<16xi32>
          %mul3A_381 = arith.constant 8 : i32
          %mul3A_382 = arith.muli %scan3A_212, %mul3A_381 : i32
          %add3A_383 = arith.constant 4 : i32
          %add3A_384 = arith.addi %mul3A_382, %add3A_383 : i32
          %mul3A_385 = arith.constant 16 : i32
          %mul3A_386 = arith.muli %add3A_384, %mul3A_385 : i32
          %get3A_387 = arith.index_cast %mul3A_386 : i32 to index
          %get3A_388 = tpu.vector_load %arg5[%get3A_387] {strides = array<i32>} : memref<8208xi32, #tpu.memory_space<vmem>>, vector<16xi32>,
          %bitcast3A_389 = vector.bitcast %get3A_388 : vector<16xi32> to vector<16xf32>
          %mul3A_390 = arith.constant 16 : i32
          %mul3A_391 = arith.muli %add3A_384, %mul3A_390 : i32
          %add3A_392 = arith.constant 1 : i32
          %add3A_393 = arith.addi %mul3A_391, %add3A_392 : i32
          %get3A_394 = arith.index_cast %add3A_393 : i32 to index
          %get3A_395 = tpu.vector_load %arg5[%get3A_394] {strides = array<i32>} : memref<8208xi32, #tpu.memory_space<vmem>>, vector<16xi32>,
          %bitcast3A_396 = vector.bitcast %get3A_395 : vector<16xi32> to vector<16xf32>
          %sub3A_397 = arith.subf %bitcast3A_396, %bitcast3A_389 : vector<16xf32>
          %and3A_398 = arith.constant 1 : i32
          %and3A_399 = vector.broadcast %and3A_398 : i32 to vector<16xi32>
          %and3A_400 = arith.andi %get3A_388, %and3A_399 : vector<16xi32>
          %mul3A_401 = arith.constant 2 : i32
          %mul3A_402 = vector.broadcast %mul3A_401 : i32 to vector<16xi32>
          %mul3A_403 = arith.muli %mul3A_402, %and3A_400 : vector<16xi32>
          %sub3A_404 = arith.constant 1 : i32
          %sub3A_405 = vector.broadcast %sub3A_404 : i32 to vector<16xi32>
          %sub3A_406 = arith.subi %mul3A_403, %sub3A_405 : vector<16xi32>
          %broadcast_in_dim3A_407 = arith.constant true
          %broadcast_in_dim3A_408 = vector.broadcast %broadcast_in_dim3A_407 : i1 to vector<16xi1>
          %masked_cumsum3A_409 = tpu.scan <sum>, %sub3A_406 masked %broadcast_in_dim3A_408 : vector<16xi32>, vector<16xi1> -> vector<16xi32>
          %add3A_410 = vector.broadcast %add3A_377 : i32 to vector<16xi32>
          %add3A_411 = arith.addi %masked_cumsum3A_409, %add3A_410 : vector<16xi32>
          %add3A_412 = arith.constant 4096 : i32
          %add3A_413 = vector.broadcast %add3A_412 : i32 to vector<16xi32>
          %add3A_414 = arith.addi %add3A_411, %add3A_413 : vector<16xi32>
          tpu.vector_store_idx %arg7[%add3A_414], %sub3A_397 {add = true} : memref<8208xf32, #tpu.memory_space<vmem>>[vector<16xi32>], vector<16xf32>,
          %reduce_sum3A_415 = arith.constant true
          %reduce_sum3A_416 = vector.broadcast %reduce_sum3A_415 : i1 to vector<16xi1>
          %reduce_sum3A_417 = tpu.scan <sum>, %sub3A_406 masked %reduce_sum3A_416 : vector<16xi32>, vector<16xi1> -> vector<16xi32>
          %reduce_sum3A_418 = vector.extract %reduce_sum3A_417[15] : i32 from vector<16xi32>
          %add3A_419 = arith.addi %add3A_377, %reduce_sum3A_418 : i32
          %add3A_420 = arith.addf %add3A_378, %sub3A_397 : vector<16xf32>
          %min3A_421 = arith.minsi %min3A_379, %add3A_411 : vector<16xi32>
          %max3A_422 = arith.maxsi %max3A_380, %add3A_411 : vector<16xi32>
          %mul3A_423 = arith.constant 8 : i32
          %mul3A_424 = arith.muli %scan3A_212, %mul3A_423 : i32
          %add3A_425 = arith.constant 5 : i32
          %add3A_426 = arith.addi %mul3A_424, %add3A_425 : i32
          %mul3A_427 = arith.constant 16 : i32
          %mul3A_428 = arith.muli %add3A_426, %mul3A_427 : i32
          %get3A_429 = arith.index_cast %mul3A_428 : i32 to index
          %get3A_430 = tpu.vector_load %arg5[%get3A_429] {strides = array<i32>} : memref<8208xi32, #tpu.memory_space<vmem>>, vector<16xi32>,
          %bitcast3A_431 = vector.bitcast %get3A_430 : vector<16xi32> to vector<16xf32>
          %mul3A_432 = arith.constant 16 : i32
          %mul3A_433 = arith.muli %add3A_426, %mul3A_432 : i32
          %add3A_434 = arith.constant 1 : i32
          %add3A_435 = arith.addi %mul3A_433, %add3A_434 : i32
          %get3A_436 = arith.index_cast %add3A_435 : i32 to index
          %get3A_437 = tpu.vector_load %arg5[%get3A_436] {strides = array<i32>} : memref<8208xi32, #tpu.memory_space<vmem>>, vector<16xi32>,
          %bitcast3A_438 = vector.bitcast %get3A_437 : vector<16xi32> to vector<16xf32>
          %sub3A_439 = arith.subf %bitcast3A_438, %bitcast3A_431 : vector<16xf32>
          %and3A_440 = arith.constant 1 : i32
          %and3A_441 = vector.broadcast %and3A_440 : i32 to vector<16xi32>
          %and3A_442 = arith.andi %get3A_430, %and3A_441 : vector<16xi32>
          %mul3A_443 = arith.constant 2 : i32
          %mul3A_444 = vector.broadcast %mul3A_443 : i32 to vector<16xi32>
          %mul3A_445 = arith.muli %mul3A_444, %and3A_442 : vector<16xi32>
          %sub3A_446 = arith.constant 1 : i32
          %sub3A_447 = vector.broadcast %sub3A_446 : i32 to vector<16xi32>
          %sub3A_448 = arith.subi %mul3A_445, %sub3A_447 : vector<16xi32>
          %broadcast_in_dim3A_449 = arith.constant true
          %broadcast_in_dim3A_450 = vector.broadcast %broadcast_in_dim3A_449 : i1 to vector<16xi1>
          %masked_cumsum3A_451 = tpu.scan <sum>, %sub3A_448 masked %broadcast_in_dim3A_450 : vector<16xi32>, vector<16xi1> -> vector<16xi32>
          %add3A_452 = vector.broadcast %add3A_419 : i32 to vector<16xi32>
          %add3A_453 = arith.addi %masked_cumsum3A_451, %add3A_452 : vector<16xi32>
          %add3A_454 = arith.constant 4096 : i32
          %add3A_455 = vector.broadcast %add3A_454 : i32 to vector<16xi32>
          %add3A_456 = arith.addi %add3A_453, %add3A_455 : vector<16xi32>
          tpu.vector_store_idx %arg7[%add3A_456], %sub3A_439 {add = true} : memref<8208xf32, #tpu.memory_space<vmem>>[vector<16xi32>], vector<16xf32>,
          %reduce_sum3A_457 = arith.constant true
          %reduce_sum3A_458 = vector.broadcast %reduce_sum3A_457 : i1 to vector<16xi1>
          %reduce_sum3A_459 = tpu.scan <sum>, %sub3A_448 masked %reduce_sum3A_458 : vector<16xi32>, vector<16xi1> -> vector<16xi32>
          %reduce_sum3A_460 = vector.extract %reduce_sum3A_459[15] : i32 from vector<16xi32>
          %add3A_461 = arith.addi %add3A_419, %reduce_sum3A_460 : i32
          %add3A_462 = arith.addf %add3A_420, %sub3A_439 : vector<16xf32>
          %min3A_463 = arith.minsi %min3A_421, %add3A_453 : vector<16xi32>
          %max3A_464 = arith.maxsi %max3A_422, %add3A_453 : vector<16xi32>
          %mul3A_465 = arith.constant 8 : i32
          %mul3A_466 = arith.muli %scan3A_212, %mul3A_465 : i32
          %add3A_467 = arith.constant 6 : i32
          %add3A_468 = arith.addi %mul3A_466, %add3A_467 : i32
          %mul3A_469 = arith.constant 16 : i32
          %mul3A_470 = arith.muli %add3A_468, %mul3A_469 : i32
          %get3A_471 = arith.index_cast %mul3A_470 : i32 to index
          %get3A_472 = tpu.vector_load %arg5[%get3A_471] {strides = array<i32>} : memref<8208xi32, #tpu.memory_space<vmem>>, vector<16xi32>,
          %bitcast3A_473 = vector.bitcast %get3A_472 : vector<16xi32> to vector<16xf32>
          %mul3A_474 = arith.constant 16 : i32
          %mul3A_475 = arith.muli %add3A_468, %mul3A_474 : i32
          %add3A_476 = arith.constant 1 : i32
          %add3A_477 = arith.addi %mul3A_475, %add3A_476 : i32
          %get3A_478 = arith.index_cast %add3A_477 : i32 to index
          %get3A_479 = tpu.vector_load %arg5[%get3A_478] {strides = array<i32>} : memref<8208xi32, #tpu.memory_space<vmem>>, vector<16xi32>,
          %bitcast3A_480 = vector.bitcast %get3A_479 : vector<16xi32> to vector<16xf32>
          %sub3A_481 = arith.subf %bitcast3A_480, %bitcast3A_473 : vector<16xf32>
          %and3A_482 = arith.constant 1 : i32
          %and3A_483 = vector.broadcast %and3A_482 : i32 to vector<16xi32>
          %and3A_484 = arith.andi %get3A_472, %and3A_483 : vector<16xi32>
          %mul3A_485 = arith.constant 2 : i32
          %mul3A_486 = vector.broadcast %mul3A_485 : i32 to vector<16xi32>
          %mul3A_487 = arith.muli %mul3A_486, %and3A_484 : vector<16xi32>
          %sub3A_488 = arith.constant 1 : i32
          %sub3A_489 = vector.broadcast %sub3A_488 : i32 to vector<16xi32>
          %sub3A_490 = arith.subi %mul3A_487, %sub3A_489 : vector<16xi32>
          %broadcast_in_dim3A_491 = arith.constant true
          %broadcast_in_dim3A_492 = vector.broadcast %broadcast_in_dim3A_491 : i1 to vector<16xi1>
          %masked_cumsum3A_493 = tpu.scan <sum>, %sub3A_490 masked %broadcast_in_dim3A_492 : vector<16xi32>, vector<16xi1> -> vector<16xi32>
          %add3A_494 = vector.broadcast %add3A_461 : i32 to vector<16xi32>
          %add3A_495 = arith.addi %masked_cumsum3A_493, %add3A_494 : vector<16xi32>
          %add3A_496 = arith.constant 4096 : i32
          %add3A_497 = vector.broadcast %add3A_496 : i32 to vector<16xi32>
          %add3A_498 = arith.addi %add3A_495, %add3A_497 : vector<16xi32>
          tpu.vector_store_idx %arg7[%add3A_498], %sub3A_481 {add = true} : memref<8208xf32, #tpu.memory_space<vmem>>[vector<16xi32>], vector<16xf32>,
          %reduce_sum3A_499 = arith.constant true
          %reduce_sum3A_500 = vector.broadcast %reduce_sum3A_499 : i1 to vector<16xi1>
          %reduce_sum3A_501 = tpu.scan <sum>, %sub3A_490 masked %reduce_sum3A_500 : vector<16xi32>, vector<16xi1> -> vector<16xi32>
          %reduce_sum3A_502 = vector.extract %reduce_sum3A_501[15] : i32 from vector<16xi32>
          %add3A_503 = arith.addi %add3A_461, %reduce_sum3A_502 : i32
          %add3A_504 = arith.addf %add3A_462, %sub3A_481 : vector<16xf32>
          %min3A_505 = arith.minsi %min3A_463, %add3A_495 : vector<16xi32>
          %max3A_506 = arith.maxsi %max3A_464, %add3A_495 : vector<16xi32>
          %mul3A_507 = arith.constant 8 : i32
          %mul3A_508 = arith.muli %scan3A_212, %mul3A_507 : i32
          %add3A_509 = arith.constant 7 : i32
          %add3A_510 = arith.addi %mul3A_508, %add3A_509 : i32
          %mul3A_511 = arith.constant 16 : i32
          %mul3A_512 = arith.muli %add3A_510, %mul3A_511 : i32
          %get3A_513 = arith.index_cast %mul3A_512 : i32 to index
          %get3A_514 = tpu.vector_load %arg5[%get3A_513] {strides = array<i32>} : memref<8208xi32, #tpu.memory_space<vmem>>, vector<16xi32>,
          %bitcast3A_515 = vector.bitcast %get3A_514 : vector<16xi32> to vector<16xf32>
          %mul3A_516 = arith.constant 16 : i32
          %mul3A_517 = arith.muli %add3A_510, %mul3A_516 : i32
          %add3A_518 = arith.constant 1 : i32
          %add3A_519 = arith.addi %mul3A_517, %add3A_518 : i32
          %get3A_520 = arith.index_cast %add3A_519 : i32 to index
          %get3A_521 = tpu.vector_load %arg5[%get3A_520] {strides = array<i32>} : memref<8208xi32, #tpu.memory_space<vmem>>, vector<16xi32>,
          %bitcast3A_522 = vector.bitcast %get3A_521 : vector<16xi32> to vector<16xf32>
          %sub3A_523 = arith.subf %bitcast3A_522, %bitcast3A_515 : vector<16xf32>
          %and3A_524 = arith.constant 1 : i32
          %and3A_525 = vector.broadcast %and3A_524 : i32 to vector<16xi32>
          %and3A_526 = arith.andi %get3A_514, %and3A_525 : vector<16xi32>
          %mul3A_527 = arith.constant 2 : i32
          %mul3A_528 = vector.broadcast %mul3A_527 : i32 to vector<16xi32>
          %mul3A_529 = arith.muli %mul3A_528, %and3A_526 : vector<16xi32>
          %sub3A_530 = arith.constant 1 : i32
          %sub3A_531 = vector.broadcast %sub3A_530 : i32 to vector<16xi32>
          %sub3A_532 = arith.subi %mul3A_529, %sub3A_531 : vector<16xi32>
          %broadcast_in_dim3A_533 = arith.constant true
          %broadcast_in_dim3A_534 = vector.broadcast %broadcast_in_dim3A_533 : i1 to vector<16xi1>
          %masked_cumsum3A_535 = tpu.scan <sum>, %sub3A_532 masked %broadcast_in_dim3A_534 : vector<16xi32>, vector<16xi1> -> vector<16xi32>
          %add3A_536 = vector.broadcast %add3A_503 : i32 to vector<16xi32>
          %add3A_537 = arith.addi %masked_cumsum3A_535, %add3A_536 : vector<16xi32>
          %add3A_538 = arith.constant 4096 : i32
          %add3A_539 = vector.broadcast %add3A_538 : i32 to vector<16xi32>
          %add3A_540 = arith.addi %add3A_537, %add3A_539 : vector<16xi32>
          tpu.vector_store_idx %arg7[%add3A_540], %sub3A_523 {add = true} : memref<8208xf32, #tpu.memory_space<vmem>>[vector<16xi32>], vector<16xf32>,
          %reduce_sum3A_541 = arith.constant true
          %reduce_sum3A_542 = vector.broadcast %reduce_sum3A_541 : i1 to vector<16xi1>
          %reduce_sum3A_543 = tpu.scan <sum>, %sub3A_532 masked %reduce_sum3A_542 : vector<16xi32>, vector<16xi1> -> vector<16xi32>
          %reduce_sum3A_544 = vector.extract %reduce_sum3A_543[15] : i32 from vector<16xi32>
          %add3A_545 = arith.addi %add3A_503, %reduce_sum3A_544 : i32
          %add3A_546 = arith.addf %add3A_504, %sub3A_523 : vector<16xf32>
          %min3A_547 = arith.minsi %min3A_505, %add3A_537 : vector<16xi32>
          %max3A_548 = arith.maxsi %max3A_506, %add3A_537 : vector<16xi32>
          scf.yield %add3A_545, %add3A_546, %min3A_547, %max3A_548 : i32, vector<16xf32>, vector<16xi32>, vector<16xi32>
        }
        %scan3A_100 = arith.constant 64 : i32
        %reduce_sum3A = arith.constant true
        %reduce_sum3A_101 = vector.broadcast %reduce_sum3A : i1 to vector<16xi1>
        %reduce_sum3A_102 = tpu.scan <sum>, %scan3A_99#1 masked %reduce_sum3A_101 : vector<16xf32>, vector<16xi1> -> vector<16xf32>
        %reduce_sum3A_103 = vector.extract %reduce_sum3A_102[15] : f32 from vector<16xf32>
        %reduce_min3A = arith.constant true
        %reduce_min3A_104 = vector.broadcast %reduce_min3A : i1 to vector<16xi1>
        %reduce_min3A_105 = arith.constant -2147483648 : i32
        %reduce_min3A_106 = vector.broadcast %reduce_min3A_105 : i32 to vector<16xi32>
        %reduce_min3A_107 = arith.xori %scan3A_99#2, %reduce_min3A_106 : vector<16xi32>
        %reduce_min3A_108 = tpu.scan <min>, %reduce_min3A_107 masked %reduce_min3A_104 : vector<16xi32>, vector<16xi1> -> vector<16xi32>
        %reduce_min3A_109 = arith.xori %reduce_min3A_108, %reduce_min3A_106 : vector<16xi32>
        %reduce_min3A_110 = vector.extract %reduce_min3A_109[15] : i32 from vector<16xi32>
        %reduce_max3A = arith.constant true
        %reduce_max3A_111 = vector.broadcast %reduce_max3A : i1 to vector<16xi1>
        %reduce_max3A_112 = arith.constant -2147483648 : i32
        %reduce_max3A_113 = vector.broadcast %reduce_max3A_112 : i32 to vector<16xi32>
        %reduce_max3A_114 = arith.xori %scan3A_99#3, %reduce_max3A_113 : vector<16xi32>
        %reduce_max3A_115 = tpu.scan <max>, %reduce_max3A_114 masked %reduce_max3A_111 : vector<16xi32>, vector<16xi1> -> vector<16xi32>
        %reduce_max3A_116 = arith.xori %reduce_max3A_115, %reduce_max3A_113 : vector<16xi32>
        %reduce_max3A_117 = vector.extract %reduce_max3A_116[15] : i32 from vector<16xi32>
        %add3A_118 = arith.constant 4096 : i32
        %add3A_119 = arith.addi %reduce_min3A_110, %add3A_118 : i32
        %jit3A = arith.constant 128 : i32
        %div3A = arith.divsi %add3A_119, %jit3A : i32
        %sign3A = arith.constant 0 : i32
        %sign3A_120 = arith.cmpi sgt, %add3A_119, %sign3A : i32
        %sign3A_121 = arith.extui %sign3A_120 : i1 to i32
        %sign3A_122 = arith.constant 0 : i32
        %sign3A_123 = arith.cmpi slt, %add3A_119, %sign3A_122 : i32
        %sign3A_124 = arith.extui %sign3A_123 : i1 to i32
        %sign3A_125 = arith.subi %sign3A_121, %sign3A_124 : i32
        %sign3A_126 = arith.constant 0 : i32
        %sign3A_127 = arith.cmpi sgt, %jit3A, %sign3A_126 : i32
        %sign3A_128 = arith.extui %sign3A_127 : i1 to i32
        %sign3A_129 = arith.constant 0 : i32
        %sign3A_130 = arith.cmpi slt, %jit3A, %sign3A_129 : i32
        %sign3A_131 = arith.extui %sign3A_130 : i1 to i32
        %sign3A_132 = arith.subi %sign3A_128, %sign3A_131 : i32
        %ne3A = arith.cmpi ne, %sign3A_125, %sign3A_132 : i32
        %rem3A = arith.remsi %add3A_119, %jit3A : i32
        %ne3A_133 = arith.constant 0 : i32
        %ne3A_134 = arith.cmpi ne, %rem3A, %ne3A_133 : i32
        %and3A = arith.andi %ne3A, %ne3A_134 : i1
        %sub3A = arith.constant 1 : i32
        %sub3A_135 = arith.subi %div3A, %sub3A : i32
        %select_n3A = arith.select %and3A, %sub3A_135, %div3A : i32
        %add3A_136 = arith.constant 4096 : i32
        %add3A_137 = arith.addi %reduce_max3A_117, %add3A_136 : i32
        %jit3A_138 = arith.constant 128 : i32
        %div3A_139 = arith.divsi %add3A_137, %jit3A_138 : i32
        %sign3A_140 = arith.constant 0 : i32
        %sign3A_141 = arith.cmpi sgt, %add3A_137, %sign3A_140 : i32
        %sign3A_142 = arith.extui %sign3A_141 : i1 to i32
        %sign3A_143 = arith.constant 0 : i32
        %sign3A_144 = arith.cmpi slt, %add3A_137, %sign3A_143 : i32
        %sign3A_145 = arith.extui %sign3A_144 : i1 to i32
        %sign3A_146 = arith.subi %sign3A_142, %sign3A_145 : i32
        %sign3A_147 = arith.constant 0 : i32
        %sign3A_148 = arith.cmpi sgt, %jit3A_138, %sign3A_147 : i32
        %sign3A_149 = arith.extui %sign3A_148 : i1 to i32
        %sign3A_150 = arith.constant 0 : i32
        %sign3A_151 = arith.cmpi slt, %jit3A_138, %sign3A_150 : i32
        %sign3A_152 = arith.extui %sign3A_151 : i1 to i32
        %sign3A_153 = arith.subi %sign3A_149, %sign3A_152 : i32
        %ne3A_154 = arith.cmpi ne, %sign3A_146, %sign3A_153 : i32
        %rem3A_155 = arith.remsi %add3A_137, %jit3A_138 : i32
        %ne3A_156 = arith.constant 0 : i32
        %ne3A_157 = arith.cmpi ne, %rem3A_155, %ne3A_156 : i32
        %and3A_158 = arith.andi %ne3A_154, %ne3A_157 : i1
        %sub3A_159 = arith.constant 1 : i32
        %sub3A_160 = arith.subi %div3A_139, %sub3A_159 : i32
        %select_n3A_161 = arith.select %and3A_158, %sub3A_160, %div3A_139 : i32
        %add3A_162 = arith.constant 1 : i32
        %add3A_163 = arith.addi %select_n3A_161, %add3A_162 : i32
        %broadcast_in_dim3A_164 = arith.constant 0.000000e+00 : f32
        %broadcast_in_dim3A_165 = vector.broadcast %broadcast_in_dim3A_164 : f32 to vector<16xf32>
        %while3A = arith.constant 0 : i32
        %while3A_166 = arith.subi %add3A_163, %select_n3A : i32
        %while3A_167 = arith.addi %select_n3A, %while3A_166 : i32
        %while3A_168 = arith.constant 1 : i32
        %while3A_169 = arith.divsi %while3A_166, %while3A_168 : i32
        %while3A_170 = arith.muli %while3A_169, %while3A_168 : i32
        %while3A_171 = arith.addi %select_n3A, %while3A_170 : i32
        %while3A_172 = arith.constant 1 : i32
        %while3A_173:2 = scf.for %while3A_212 = %select_n3A to %while3A_171 step %while3A_172 iter_args(%while3A_213 = %broadcast_in_dim3A_165, %while3A_214 = %while3A) -> (vector<16xf32>, i32)  : i32 {
          %mul3A_215 = arith.constant 8 : i32
          %mul3A_216 = arith.muli %while3A_212, %mul3A_215 : i32
          %add3A_217 = arith.constant 0 : i32
          %add3A_218 = arith.addi %mul3A_216, %add3A_217 : i32
          %mul3A_219 = arith.constant 16 : i32
          %mul3A_220 = arith.muli %add3A_218, %mul3A_219 : i32
          %get3A_221 = arith.index_cast %mul3A_220 : i32 to index
          %get3A_222 = tpu.vector_load %arg7[%get3A_221] {strides = array<i32>} : memref<8208xf32, #tpu.memory_space<vmem>>, vector<16xf32>,
          %broadcast_in_dim3A_223 = arith.constant true
          %broadcast_in_dim3A_224 = vector.broadcast %broadcast_in_dim3A_223 : i1 to vector<16xi1>
          %masked_cumsum3A = tpu.scan <sum>, %get3A_222 masked %broadcast_in_dim3A_224 : vector<16xf32>, vector<16xi1> -> vector<16xf32>
          %add3A_225 = arith.addf %masked_cumsum3A, %while3A_213 : vector<16xf32>
          %lt3A_226 = arith.constant 5.000000e-01 : f32
          %lt3A_227 = vector.broadcast %lt3A_226 : f32 to vector<16xf32>
          %lt3A_228 = arith.cmpf olt, %add3A_225, %lt3A_227 : vector<16xf32>
          %jit3A_229 = arith.constant 1 : i32
          %jit3A_230 = arith.constant 0 : i32
          %broadcast_in_dim3A_231 = vector.broadcast %jit3A_229 : i32 to vector<16xi32>
          %broadcast_in_dim3A_232 = vector.broadcast %jit3A_230 : i32 to vector<16xi32>
          %select_n3A_233 = arith.select %lt3A_228, %broadcast_in_dim3A_231, %broadcast_in_dim3A_232 : vector<16xi1>, vector<16xi32>
          %reduce_sum3A_234 = arith.constant true
          %reduce_sum3A_235 = vector.broadcast %reduce_sum3A_234 : i1 to vector<16xi1>
          %reduce_sum3A_236 = tpu.scan <sum>, %select_n3A_233 masked %reduce_sum3A_235 : vector<16xi32>, vector<16xi1> -> vector<16xi32>
          %reduce_sum3A_237 = vector.extract %reduce_sum3A_236[15] : i32 from vector<16xi32>
          %add3A_238 = arith.addi %while3A_214, %reduce_sum3A_237 : i32
          %reduce_sum3A_239 = arith.constant true
          %reduce_sum3A_240 = vector.broadcast %reduce_sum3A_239 : i1 to vector<16xi1>
          %reduce_sum3A_241 = tpu.scan <sum>, %get3A_222 masked %reduce_sum3A_240 : vector<16xf32>, vector<16xi1> -> vector<16xf32>
          %reduce_sum3A_242 = vector.extract %reduce_sum3A_241[15] : f32 from vector<16xf32>
          %broadcast_in_dim3A_243 = vector.broadcast %reduce_sum3A_242 : f32 to vector<16xf32>
          %add3A_244 = arith.addf %while3A_213, %broadcast_in_dim3A_243 : vector<16xf32>
          %mul3A_245 = arith.constant 8 : i32
          %mul3A_246 = arith.muli %while3A_212, %mul3A_245 : i32
          %add3A_247 = arith.constant 1 : i32
          %add3A_248 = arith.addi %mul3A_246, %add3A_247 : i32
          %mul3A_249 = arith.constant 16 : i32
          %mul3A_250 = arith.muli %add3A_248, %mul3A_249 : i32
          %get3A_251 = arith.index_cast %mul3A_250 : i32 to index
          %get3A_252 = tpu.vector_load %arg7[%get3A_251] {strides = array<i32>} : memref<8208xf32, #tpu.memory_space<vmem>>, vector<16xf32>,
          %broadcast_in_dim3A_253 = arith.constant true
          %broadcast_in_dim3A_254 = vector.broadcast %broadcast_in_dim3A_253 : i1 to vector<16xi1>
          %masked_cumsum3A_255 = tpu.scan <sum>, %get3A_252 masked %broadcast_in_dim3A_254 : vector<16xf32>, vector<16xi1> -> vector<16xf32>
          %add3A_256 = arith.addf %masked_cumsum3A_255, %add3A_244 : vector<16xf32>
          %lt3A_257 = arith.constant 5.000000e-01 : f32
          %lt3A_258 = vector.broadcast %lt3A_257 : f32 to vector<16xf32>
          %lt3A_259 = arith.cmpf olt, %add3A_256, %lt3A_258 : vector<16xf32>
          %jit3A_260 = arith.constant 1 : i32
          %jit3A_261 = arith.constant 0 : i32
          %broadcast_in_dim3A_262 = vector.broadcast %jit3A_260 : i32 to vector<16xi32>
          %broadcast_in_dim3A_263 = vector.broadcast %jit3A_261 : i32 to vector<16xi32>
          %select_n3A_264 = arith.select %lt3A_259, %broadcast_in_dim3A_262, %broadcast_in_dim3A_263 : vector<16xi1>, vector<16xi32>
          %reduce_sum3A_265 = arith.constant true
          %reduce_sum3A_266 = vector.broadcast %reduce_sum3A_265 : i1 to vector<16xi1>
          %reduce_sum3A_267 = tpu.scan <sum>, %select_n3A_264 masked %reduce_sum3A_266 : vector<16xi32>, vector<16xi1> -> vector<16xi32>
          %reduce_sum3A_268 = vector.extract %reduce_sum3A_267[15] : i32 from vector<16xi32>
          %add3A_269 = arith.addi %add3A_238, %reduce_sum3A_268 : i32
          %reduce_sum3A_270 = arith.constant true
          %reduce_sum3A_271 = vector.broadcast %reduce_sum3A_270 : i1 to vector<16xi1>
          %reduce_sum3A_272 = tpu.scan <sum>, %get3A_252 masked %reduce_sum3A_271 : vector<16xf32>, vector<16xi1> -> vector<16xf32>
          %reduce_sum3A_273 = vector.extract %reduce_sum3A_272[15] : f32 from vector<16xf32>
          %broadcast_in_dim3A_274 = vector.broadcast %reduce_sum3A_273 : f32 to vector<16xf32>
          %add3A_275 = arith.addf %add3A_244, %broadcast_in_dim3A_274 : vector<16xf32>
          %mul3A_276 = arith.constant 8 : i32
          %mul3A_277 = arith.muli %while3A_212, %mul3A_276 : i32
          %add3A_278 = arith.constant 2 : i32
          %add3A_279 = arith.addi %mul3A_277, %add3A_278 : i32
          %mul3A_280 = arith.constant 16 : i32
          %mul3A_281 = arith.muli %add3A_279, %mul3A_280 : i32
          %get3A_282 = arith.index_cast %mul3A_281 : i32 to index
          %get3A_283 = tpu.vector_load %arg7[%get3A_282] {strides = array<i32>} : memref<8208xf32, #tpu.memory_space<vmem>>, vector<16xf32>,
          %broadcast_in_dim3A_284 = arith.constant true
          %broadcast_in_dim3A_285 = vector.broadcast %broadcast_in_dim3A_284 : i1 to vector<16xi1>
          %masked_cumsum3A_286 = tpu.scan <sum>, %get3A_283 masked %broadcast_in_dim3A_285 : vector<16xf32>, vector<16xi1> -> vector<16xf32>
          %add3A_287 = arith.addf %masked_cumsum3A_286, %add3A_275 : vector<16xf32>
          %lt3A_288 = arith.constant 5.000000e-01 : f32
          %lt3A_289 = vector.broadcast %lt3A_288 : f32 to vector<16xf32>
          %lt3A_290 = arith.cmpf olt, %add3A_287, %lt3A_289 : vector<16xf32>
          %jit3A_291 = arith.constant 1 : i32
          %jit3A_292 = arith.constant 0 : i32
          %broadcast_in_dim3A_293 = vector.broadcast %jit3A_291 : i32 to vector<16xi32>
          %broadcast_in_dim3A_294 = vector.broadcast %jit3A_292 : i32 to vector<16xi32>
          %select_n3A_295 = arith.select %lt3A_290, %broadcast_in_dim3A_293, %broadcast_in_dim3A_294 : vector<16xi1>, vector<16xi32>
          %reduce_sum3A_296 = arith.constant true
          %reduce_sum3A_297 = vector.broadcast %reduce_sum3A_296 : i1 to vector<16xi1>
          %reduce_sum3A_298 = tpu.scan <sum>, %select_n3A_295 masked %reduce_sum3A_297 : vector<16xi32>, vector<16xi1> -> vector<16xi32>
          %reduce_sum3A_299 = vector.extract %reduce_sum3A_298[15] : i32 from vector<16xi32>
          %add3A_300 = arith.addi %add3A_269, %reduce_sum3A_299 : i32
          %reduce_sum3A_301 = arith.constant true
          %reduce_sum3A_302 = vector.broadcast %reduce_sum3A_301 : i1 to vector<16xi1>
          %reduce_sum3A_303 = tpu.scan <sum>, %get3A_283 masked %reduce_sum3A_302 : vector<16xf32>, vector<16xi1> -> vector<16xf32>
          %reduce_sum3A_304 = vector.extract %reduce_sum3A_303[15] : f32 from vector<16xf32>
          %broadcast_in_dim3A_305 = vector.broadcast %reduce_sum3A_304 : f32 to vector<16xf32>
          %add3A_306 = arith.addf %add3A_275, %broadcast_in_dim3A_305 : vector<16xf32>
          %mul3A_307 = arith.constant 8 : i32
          %mul3A_308 = arith.muli %while3A_212, %mul3A_307 : i32
          %add3A_309 = arith.constant 3 : i32
          %add3A_310 = arith.addi %mul3A_308, %add3A_309 : i32
          %mul3A_311 = arith.constant 16 : i32
          %mul3A_312 = arith.muli %add3A_310, %mul3A_311 : i32
          %get3A_313 = arith.index_cast %mul3A_312 : i32 to index
          %get3A_314 = tpu.vector_load %arg7[%get3A_313] {strides = array<i32>} : memref<8208xf32, #tpu.memory_space<vmem>>, vector<16xf32>,
          %broadcast_in_dim3A_315 = arith.constant true
          %broadcast_in_dim3A_316 = vector.broadcast %broadcast_in_dim3A_315 : i1 to vector<16xi1>
          %masked_cumsum3A_317 = tpu.scan <sum>, %get3A_314 masked %broadcast_in_dim3A_316 : vector<16xf32>, vector<16xi1> -> vector<16xf32>
          %add3A_318 = arith.addf %masked_cumsum3A_317, %add3A_306 : vector<16xf32>
          %lt3A_319 = arith.constant 5.000000e-01 : f32
          %lt3A_320 = vector.broadcast %lt3A_319 : f32 to vector<16xf32>
          %lt3A_321 = arith.cmpf olt, %add3A_318, %lt3A_320 : vector<16xf32>
          %jit3A_322 = arith.constant 1 : i32
          %jit3A_323 = arith.constant 0 : i32
          %broadcast_in_dim3A_324 = vector.broadcast %jit3A_322 : i32 to vector<16xi32>
          %broadcast_in_dim3A_325 = vector.broadcast %jit3A_323 : i32 to vector<16xi32>
          %select_n3A_326 = arith.select %lt3A_321, %broadcast_in_dim3A_324, %broadcast_in_dim3A_325 : vector<16xi1>, vector<16xi32>
          %reduce_sum3A_327 = arith.constant true
          %reduce_sum3A_328 = vector.broadcast %reduce_sum3A_327 : i1 to vector<16xi1>
          %reduce_sum3A_329 = tpu.scan <sum>, %select_n3A_326 masked %reduce_sum3A_328 : vector<16xi32>, vector<16xi1> -> vector<16xi32>
          %reduce_sum3A_330 = vector.extract %reduce_sum3A_329[15] : i32 from vector<16xi32>
          %add3A_331 = arith.addi %add3A_300, %reduce_sum3A_330 : i32
          %reduce_sum3A_332 = arith.constant true
          %reduce_sum3A_333 = vector.broadcast %reduce_sum3A_332 : i1 to vector<16xi1>
          %reduce_sum3A_334 = tpu.scan <sum>, %get3A_314 masked %reduce_sum3A_333 : vector<16xf32>, vector<16xi1> -> vector<16xf32>
          %reduce_sum3A_335 = vector.extract %reduce_sum3A_334[15] : f32 from vector<16xf32>
          %broadcast_in_dim3A_336 = vector.broadcast %reduce_sum3A_335 : f32 to vector<16xf32>
          %add3A_337 = arith.addf %add3A_306, %broadcast_in_dim3A_336 : vector<16xf32>
          %mul3A_338 = arith.constant 8 : i32
          %mul3A_339 = arith.muli %while3A_212, %mul3A_338 : i32
          %add3A_340 = arith.constant 4 : i32
          %add3A_341 = arith.addi %mul3A_339, %add3A_340 : i32
          %mul3A_342 = arith.constant 16 : i32
          %mul3A_343 = arith.muli %add3A_341, %mul3A_342 : i32
          %get3A_344 = arith.index_cast %mul3A_343 : i32 to index
          %get3A_345 = tpu.vector_load %arg7[%get3A_344] {strides = array<i32>} : memref<8208xf32, #tpu.memory_space<vmem>>, vector<16xf32>,
          %broadcast_in_dim3A_346 = arith.constant true
          %broadcast_in_dim3A_347 = vector.broadcast %broadcast_in_dim3A_346 : i1 to vector<16xi1>
          %masked_cumsum3A_348 = tpu.scan <sum>, %get3A_345 masked %broadcast_in_dim3A_347 : vector<16xf32>, vector<16xi1> -> vector<16xf32>
          %add3A_349 = arith.addf %masked_cumsum3A_348, %add3A_337 : vector<16xf32>
          %lt3A_350 = arith.constant 5.000000e-01 : f32
          %lt3A_351 = vector.broadcast %lt3A_350 : f32 to vector<16xf32>
          %lt3A_352 = arith.cmpf olt, %add3A_349, %lt3A_351 : vector<16xf32>
          %jit3A_353 = arith.constant 1 : i32
          %jit3A_354 = arith.constant 0 : i32
          %broadcast_in_dim3A_355 = vector.broadcast %jit3A_353 : i32 to vector<16xi32>
          %broadcast_in_dim3A_356 = vector.broadcast %jit3A_354 : i32 to vector<16xi32>
          %select_n3A_357 = arith.select %lt3A_352, %broadcast_in_dim3A_355, %broadcast_in_dim3A_356 : vector<16xi1>, vector<16xi32>
          %reduce_sum3A_358 = arith.constant true
          %reduce_sum3A_359 = vector.broadcast %reduce_sum3A_358 : i1 to vector<16xi1>
          %reduce_sum3A_360 = tpu.scan <sum>, %select_n3A_357 masked %reduce_sum3A_359 : vector<16xi32>, vector<16xi1> -> vector<16xi32>
          %reduce_sum3A_361 = vector.extract %reduce_sum3A_360[15] : i32 from vector<16xi32>
          %add3A_362 = arith.addi %add3A_331, %reduce_sum3A_361 : i32
          %reduce_sum3A_363 = arith.constant true
          %reduce_sum3A_364 = vector.broadcast %reduce_sum3A_363 : i1 to vector<16xi1>
          %reduce_sum3A_365 = tpu.scan <sum>, %get3A_345 masked %reduce_sum3A_364 : vector<16xf32>, vector<16xi1> -> vector<16xf32>
          %reduce_sum3A_366 = vector.extract %reduce_sum3A_365[15] : f32 from vector<16xf32>
          %broadcast_in_dim3A_367 = vector.broadcast %reduce_sum3A_366 : f32 to vector<16xf32>
          %add3A_368 = arith.addf %add3A_337, %broadcast_in_dim3A_367 : vector<16xf32>
          %mul3A_369 = arith.constant 8 : i32
          %mul3A_370 = arith.muli %while3A_212, %mul3A_369 : i32
          %add3A_371 = arith.constant 5 : i32
          %add3A_372 = arith.addi %mul3A_370, %add3A_371 : i32
          %mul3A_373 = arith.constant 16 : i32
          %mul3A_374 = arith.muli %add3A_372, %mul3A_373 : i32
          %get3A_375 = arith.index_cast %mul3A_374 : i32 to index
          %get3A_376 = tpu.vector_load %arg7[%get3A_375] {strides = array<i32>} : memref<8208xf32, #tpu.memory_space<vmem>>, vector<16xf32>,
          %broadcast_in_dim3A_377 = arith.constant true
          %broadcast_in_dim3A_378 = vector.broadcast %broadcast_in_dim3A_377 : i1 to vector<16xi1>
          %masked_cumsum3A_379 = tpu.scan <sum>, %get3A_376 masked %broadcast_in_dim3A_378 : vector<16xf32>, vector<16xi1> -> vector<16xf32>
          %add3A_380 = arith.addf %masked_cumsum3A_379, %add3A_368 : vector<16xf32>
          %lt3A_381 = arith.constant 5.000000e-01 : f32
          %lt3A_382 = vector.broadcast %lt3A_381 : f32 to vector<16xf32>
          %lt3A_383 = arith.cmpf olt, %add3A_380, %lt3A_382 : vector<16xf32>
          %jit3A_384 = arith.constant 1 : i32
          %jit3A_385 = arith.constant 0 : i32
          %broadcast_in_dim3A_386 = vector.broadcast %jit3A_384 : i32 to vector<16xi32>
          %broadcast_in_dim3A_387 = vector.broadcast %jit3A_385 : i32 to vector<16xi32>
          %select_n3A_388 = arith.select %lt3A_383, %broadcast_in_dim3A_386, %broadcast_in_dim3A_387 : vector<16xi1>, vector<16xi32>
          %reduce_sum3A_389 = arith.constant true
          %reduce_sum3A_390 = vector.broadcast %reduce_sum3A_389 : i1 to vector<16xi1>
          %reduce_sum3A_391 = tpu.scan <sum>, %select_n3A_388 masked %reduce_sum3A_390 : vector<16xi32>, vector<16xi1> -> vector<16xi32>
          %reduce_sum3A_392 = vector.extract %reduce_sum3A_391[15] : i32 from vector<16xi32>
          %add3A_393 = arith.addi %add3A_362, %reduce_sum3A_392 : i32
          %reduce_sum3A_394 = arith.constant true
          %reduce_sum3A_395 = vector.broadcast %reduce_sum3A_394 : i1 to vector<16xi1>
          %reduce_sum3A_396 = tpu.scan <sum>, %get3A_376 masked %reduce_sum3A_395 : vector<16xf32>, vector<16xi1> -> vector<16xf32>
          %reduce_sum3A_397 = vector.extract %reduce_sum3A_396[15] : f32 from vector<16xf32>
          %broadcast_in_dim3A_398 = vector.broadcast %reduce_sum3A_397 : f32 to vector<16xf32>
          %add3A_399 = arith.addf %add3A_368, %broadcast_in_dim3A_398 : vector<16xf32>
          %mul3A_400 = arith.constant 8 : i32
          %mul3A_401 = arith.muli %while3A_212, %mul3A_400 : i32
          %add3A_402 = arith.constant 6 : i32
          %add3A_403 = arith.addi %mul3A_401, %add3A_402 : i32
          %mul3A_404 = arith.constant 16 : i32
          %mul3A_405 = arith.muli %add3A_403, %mul3A_404 : i32
          %get3A_406 = arith.index_cast %mul3A_405 : i32 to index
          %get3A_407 = tpu.vector_load %arg7[%get3A_406] {strides = array<i32>} : memref<8208xf32, #tpu.memory_space<vmem>>, vector<16xf32>,
          %broadcast_in_dim3A_408 = arith.constant true
          %broadcast_in_dim3A_409 = vector.broadcast %broadcast_in_dim3A_408 : i1 to vector<16xi1>
          %masked_cumsum3A_410 = tpu.scan <sum>, %get3A_407 masked %broadcast_in_dim3A_409 : vector<16xf32>, vector<16xi1> -> vector<16xf32>
          %add3A_411 = arith.addf %masked_cumsum3A_410, %add3A_399 : vector<16xf32>
          %lt3A_412 = arith.constant 5.000000e-01 : f32
          %lt3A_413 = vector.broadcast %lt3A_412 : f32 to vector<16xf32>
          %lt3A_414 = arith.cmpf olt, %add3A_411, %lt3A_413 : vector<16xf32>
          %jit3A_415 = arith.constant 1 : i32
          %jit3A_416 = arith.constant 0 : i32
          %broadcast_in_dim3A_417 = vector.broadcast %jit3A_415 : i32 to vector<16xi32>
          %broadcast_in_dim3A_418 = vector.broadcast %jit3A_416 : i32 to vector<16xi32>
          %select_n3A_419 = arith.select %lt3A_414, %broadcast_in_dim3A_417, %broadcast_in_dim3A_418 : vector<16xi1>, vector<16xi32>
          %reduce_sum3A_420 = arith.constant true
          %reduce_sum3A_421 = vector.broadcast %reduce_sum3A_420 : i1 to vector<16xi1>
          %reduce_sum3A_422 = tpu.scan <sum>, %select_n3A_419 masked %reduce_sum3A_421 : vector<16xi32>, vector<16xi1> -> vector<16xi32>
          %reduce_sum3A_423 = vector.extract %reduce_sum3A_422[15] : i32 from vector<16xi32>
          %add3A_424 = arith.addi %add3A_393, %reduce_sum3A_423 : i32
          %reduce_sum3A_425 = arith.constant true
          %reduce_sum3A_426 = vector.broadcast %reduce_sum3A_425 : i1 to vector<16xi1>
          %reduce_sum3A_427 = tpu.scan <sum>, %get3A_407 masked %reduce_sum3A_426 : vector<16xf32>, vector<16xi1> -> vector<16xf32>
          %reduce_sum3A_428 = vector.extract %reduce_sum3A_427[15] : f32 from vector<16xf32>
          %broadcast_in_dim3A_429 = vector.broadcast %reduce_sum3A_428 : f32 to vector<16xf32>
          %add3A_430 = arith.addf %add3A_399, %broadcast_in_dim3A_429 : vector<16xf32>
          %mul3A_431 = arith.constant 8 : i32
          %mul3A_432 = arith.muli %while3A_212, %mul3A_431 : i32
          %add3A_433 = arith.constant 7 : i32
          %add3A_434 = arith.addi %mul3A_432, %add3A_433 : i32
          %mul3A_435 = arith.constant 16 : i32
          %mul3A_436 = arith.muli %add3A_434, %mul3A_435 : i32
          %get3A_437 = arith.index_cast %mul3A_436 : i32 to index
          %get3A_438 = tpu.vector_load %arg7[%get3A_437] {strides = array<i32>} : memref<8208xf32, #tpu.memory_space<vmem>>, vector<16xf32>,
          %broadcast_in_dim3A_439 = arith.constant true
          %broadcast_in_dim3A_440 = vector.broadcast %broadcast_in_dim3A_439 : i1 to vector<16xi1>
          %masked_cumsum3A_441 = tpu.scan <sum>, %get3A_438 masked %broadcast_in_dim3A_440 : vector<16xf32>, vector<16xi1> -> vector<16xf32>
          %add3A_442 = arith.addf %masked_cumsum3A_441, %add3A_430 : vector<16xf32>
          %lt3A_443 = arith.constant 5.000000e-01 : f32
          %lt3A_444 = vector.broadcast %lt3A_443 : f32 to vector<16xf32>
          %lt3A_445 = arith.cmpf olt, %add3A_442, %lt3A_444 : vector<16xf32>
          %jit3A_446 = arith.constant 1 : i32
          %jit3A_447 = arith.constant 0 : i32
          %broadcast_in_dim3A_448 = vector.broadcast %jit3A_446 : i32 to vector<16xi32>
          %broadcast_in_dim3A_449 = vector.broadcast %jit3A_447 : i32 to vector<16xi32>
          %select_n3A_450 = arith.select %lt3A_445, %broadcast_in_dim3A_448, %broadcast_in_dim3A_449 : vector<16xi1>, vector<16xi32>
          %reduce_sum3A_451 = arith.constant true
          %reduce_sum3A_452 = vector.broadcast %reduce_sum3A_451 : i1 to vector<16xi1>
          %reduce_sum3A_453 = tpu.scan <sum>, %select_n3A_450 masked %reduce_sum3A_452 : vector<16xi32>, vector<16xi1> -> vector<16xi32>
          %reduce_sum3A_454 = vector.extract %reduce_sum3A_453[15] : i32 from vector<16xi32>
          %add3A_455 = arith.addi %add3A_424, %reduce_sum3A_454 : i32
          %reduce_sum3A_456 = arith.constant true
          %reduce_sum3A_457 = vector.broadcast %reduce_sum3A_456 : i1 to vector<16xi1>
          %reduce_sum3A_458 = tpu.scan <sum>, %get3A_438 masked %reduce_sum3A_457 : vector<16xf32>, vector<16xi1> -> vector<16xf32>
          %reduce_sum3A_459 = vector.extract %reduce_sum3A_458[15] : f32 from vector<16xf32>
          %broadcast_in_dim3A_460 = vector.broadcast %reduce_sum3A_459 : f32 to vector<16xf32>
          %add3A_461 = arith.addf %add3A_430, %broadcast_in_dim3A_460 : vector<16xf32>
          scf.yield %add3A_461, %add3A_455 : vector<16xf32>, i32
        }
        %while3A_174 = arith.constant 1 : i32
        %while3A_175:2 = scf.for %while3A_212 = %while3A_171 to %while3A_167 step %while3A_174 iter_args(%while3A_213 = %while3A_173#0, %while3A_214 = %while3A_173#1) -> (vector<16xf32>, i32)  : i32 {
          %mul3A_215 = arith.constant 8 : i32
          %mul3A_216 = arith.muli %while3A_212, %mul3A_215 : i32
          %add3A_217 = arith.constant 0 : i32
          %add3A_218 = arith.addi %mul3A_216, %add3A_217 : i32
          %mul3A_219 = arith.constant 16 : i32
          %mul3A_220 = arith.muli %add3A_218, %mul3A_219 : i32
          %get3A_221 = arith.index_cast %mul3A_220 : i32 to index
          %get3A_222 = tpu.vector_load %arg7[%get3A_221] {strides = array<i32>} : memref<8208xf32, #tpu.memory_space<vmem>>, vector<16xf32>,
          %broadcast_in_dim3A_223 = arith.constant true
          %broadcast_in_dim3A_224 = vector.broadcast %broadcast_in_dim3A_223 : i1 to vector<16xi1>
          %masked_cumsum3A = tpu.scan <sum>, %get3A_222 masked %broadcast_in_dim3A_224 : vector<16xf32>, vector<16xi1> -> vector<16xf32>
          %add3A_225 = arith.addf %masked_cumsum3A, %while3A_213 : vector<16xf32>
          %lt3A_226 = arith.constant 5.000000e-01 : f32
          %lt3A_227 = vector.broadcast %lt3A_226 : f32 to vector<16xf32>
          %lt3A_228 = arith.cmpf olt, %add3A_225, %lt3A_227 : vector<16xf32>
          %jit3A_229 = arith.constant 1 : i32
          %jit3A_230 = arith.constant 0 : i32
          %broadcast_in_dim3A_231 = vector.broadcast %jit3A_229 : i32 to vector<16xi32>
          %broadcast_in_dim3A_232 = vector.broadcast %jit3A_230 : i32 to vector<16xi32>
          %select_n3A_233 = arith.select %lt3A_228, %broadcast_in_dim3A_231, %broadcast_in_dim3A_232 : vector<16xi1>, vector<16xi32>
          %reduce_sum3A_234 = arith.constant true
          %reduce_sum3A_235 = vector.broadcast %reduce_sum3A_234 : i1 to vector<16xi1>
          %reduce_sum3A_236 = tpu.scan <sum>, %select_n3A_233 masked %reduce_sum3A_235 : vector<16xi32>, vector<16xi1> -> vector<16xi32>
          %reduce_sum3A_237 = vector.extract %reduce_sum3A_236[15] : i32 from vector<16xi32>
          %add3A_238 = arith.addi %while3A_214, %reduce_sum3A_237 : i32
          %reduce_sum3A_239 = arith.constant true
          %reduce_sum3A_240 = vector.broadcast %reduce_sum3A_239 : i1 to vector<16xi1>
          %reduce_sum3A_241 = tpu.scan <sum>, %get3A_222 masked %reduce_sum3A_240 : vector<16xf32>, vector<16xi1> -> vector<16xf32>
          %reduce_sum3A_242 = vector.extract %reduce_sum3A_241[15] : f32 from vector<16xf32>
          %broadcast_in_dim3A_243 = vector.broadcast %reduce_sum3A_242 : f32 to vector<16xf32>
          %add3A_244 = arith.addf %while3A_213, %broadcast_in_dim3A_243 : vector<16xf32>
          %mul3A_245 = arith.constant 8 : i32
          %mul3A_246 = arith.muli %while3A_212, %mul3A_245 : i32
          %add3A_247 = arith.constant 1 : i32
          %add3A_248 = arith.addi %mul3A_246, %add3A_247 : i32
          %mul3A_249 = arith.constant 16 : i32
          %mul3A_250 = arith.muli %add3A_248, %mul3A_249 : i32
          %get3A_251 = arith.index_cast %mul3A_250 : i32 to index
          %get3A_252 = tpu.vector_load %arg7[%get3A_251] {strides = array<i32>} : memref<8208xf32, #tpu.memory_space<vmem>>, vector<16xf32>,
          %broadcast_in_dim3A_253 = arith.constant true
          %broadcast_in_dim3A_254 = vector.broadcast %broadcast_in_dim3A_253 : i1 to vector<16xi1>
          %masked_cumsum3A_255 = tpu.scan <sum>, %get3A_252 masked %broadcast_in_dim3A_254 : vector<16xf32>, vector<16xi1> -> vector<16xf32>
          %add3A_256 = arith.addf %masked_cumsum3A_255, %add3A_244 : vector<16xf32>
          %lt3A_257 = arith.constant 5.000000e-01 : f32
          %lt3A_258 = vector.broadcast %lt3A_257 : f32 to vector<16xf32>
          %lt3A_259 = arith.cmpf olt, %add3A_256, %lt3A_258 : vector<16xf32>
          %jit3A_260 = arith.constant 1 : i32
          %jit3A_261 = arith.constant 0 : i32
          %broadcast_in_dim3A_262 = vector.broadcast %jit3A_260 : i32 to vector<16xi32>
          %broadcast_in_dim3A_263 = vector.broadcast %jit3A_261 : i32 to vector<16xi32>
          %select_n3A_264 = arith.select %lt3A_259, %broadcast_in_dim3A_262, %broadcast_in_dim3A_263 : vector<16xi1>, vector<16xi32>
          %reduce_sum3A_265 = arith.constant true
          %reduce_sum3A_266 = vector.broadcast %reduce_sum3A_265 : i1 to vector<16xi1>
          %reduce_sum3A_267 = tpu.scan <sum>, %select_n3A_264 masked %reduce_sum3A_266 : vector<16xi32>, vector<16xi1> -> vector<16xi32>
          %reduce_sum3A_268 = vector.extract %reduce_sum3A_267[15] : i32 from vector<16xi32>
          %add3A_269 = arith.addi %add3A_238, %reduce_sum3A_268 : i32
          %reduce_sum3A_270 = arith.constant true
          %reduce_sum3A_271 = vector.broadcast %reduce_sum3A_270 : i1 to vector<16xi1>
          %reduce_sum3A_272 = tpu.scan <sum>, %get3A_252 masked %reduce_sum3A_271 : vector<16xf32>, vector<16xi1> -> vector<16xf32>
          %reduce_sum3A_273 = vector.extract %reduce_sum3A_272[15] : f32 from vector<16xf32>
          %broadcast_in_dim3A_274 = vector.broadcast %reduce_sum3A_273 : f32 to vector<16xf32>
          %add3A_275 = arith.addf %add3A_244, %broadcast_in_dim3A_274 : vector<16xf32>
          %mul3A_276 = arith.constant 8 : i32
          %mul3A_277 = arith.muli %while3A_212, %mul3A_276 : i32
          %add3A_278 = arith.constant 2 : i32
          %add3A_279 = arith.addi %mul3A_277, %add3A_278 : i32
          %mul3A_280 = arith.constant 16 : i32
          %mul3A_281 = arith.muli %add3A_279, %mul3A_280 : i32
          %get3A_282 = arith.index_cast %mul3A_281 : i32 to index
          %get3A_283 = tpu.vector_load %arg7[%get3A_282] {strides = array<i32>} : memref<8208xf32, #tpu.memory_space<vmem>>, vector<16xf32>,
          %broadcast_in_dim3A_284 = arith.constant true
          %broadcast_in_dim3A_285 = vector.broadcast %broadcast_in_dim3A_284 : i1 to vector<16xi1>
          %masked_cumsum3A_286 = tpu.scan <sum>, %get3A_283 masked %broadcast_in_dim3A_285 : vector<16xf32>, vector<16xi1> -> vector<16xf32>
          %add3A_287 = arith.addf %masked_cumsum3A_286, %add3A_275 : vector<16xf32>
          %lt3A_288 = arith.constant 5.000000e-01 : f32
          %lt3A_289 = vector.broadcast %lt3A_288 : f32 to vector<16xf32>
          %lt3A_290 = arith.cmpf olt, %add3A_287, %lt3A_289 : vector<16xf32>
          %jit3A_291 = arith.constant 1 : i32
          %jit3A_292 = arith.constant 0 : i32
          %broadcast_in_dim3A_293 = vector.broadcast %jit3A_291 : i32 to vector<16xi32>
          %broadcast_in_dim3A_294 = vector.broadcast %jit3A_292 : i32 to vector<16xi32>
          %select_n3A_295 = arith.select %lt3A_290, %broadcast_in_dim3A_293, %broadcast_in_dim3A_294 : vector<16xi1>, vector<16xi32>
          %reduce_sum3A_296 = arith.constant true
          %reduce_sum3A_297 = vector.broadcast %reduce_sum3A_296 : i1 to vector<16xi1>
          %reduce_sum3A_298 = tpu.scan <sum>, %select_n3A_295 masked %reduce_sum3A_297 : vector<16xi32>, vector<16xi1> -> vector<16xi32>
          %reduce_sum3A_299 = vector.extract %reduce_sum3A_298[15] : i32 from vector<16xi32>
          %add3A_300 = arith.addi %add3A_269, %reduce_sum3A_299 : i32
          %reduce_sum3A_301 = arith.constant true
          %reduce_sum3A_302 = vector.broadcast %reduce_sum3A_301 : i1 to vector<16xi1>
          %reduce_sum3A_303 = tpu.scan <sum>, %get3A_283 masked %reduce_sum3A_302 : vector<16xf32>, vector<16xi1> -> vector<16xf32>
          %reduce_sum3A_304 = vector.extract %reduce_sum3A_303[15] : f32 from vector<16xf32>
          %broadcast_in_dim3A_305 = vector.broadcast %reduce_sum3A_304 : f32 to vector<16xf32>
          %add3A_306 = arith.addf %add3A_275, %broadcast_in_dim3A_305 : vector<16xf32>
          %mul3A_307 = arith.constant 8 : i32
          %mul3A_308 = arith.muli %while3A_212, %mul3A_307 : i32
          %add3A_309 = arith.constant 3 : i32
          %add3A_310 = arith.addi %mul3A_308, %add3A_309 : i32
          %mul3A_311 = arith.constant 16 : i32
          %mul3A_312 = arith.muli %add3A_310, %mul3A_311 : i32
          %get3A_313 = arith.index_cast %mul3A_312 : i32 to index
          %get3A_314 = tpu.vector_load %arg7[%get3A_313] {strides = array<i32>} : memref<8208xf32, #tpu.memory_space<vmem>>, vector<16xf32>,
          %broadcast_in_dim3A_315 = arith.constant true
          %broadcast_in_dim3A_316 = vector.broadcast %broadcast_in_dim3A_315 : i1 to vector<16xi1>
          %masked_cumsum3A_317 = tpu.scan <sum>, %get3A_314 masked %broadcast_in_dim3A_316 : vector<16xf32>, vector<16xi1> -> vector<16xf32>
          %add3A_318 = arith.addf %masked_cumsum3A_317, %add3A_306 : vector<16xf32>
          %lt3A_319 = arith.constant 5.000000e-01 : f32
          %lt3A_320 = vector.broadcast %lt3A_319 : f32 to vector<16xf32>
          %lt3A_321 = arith.cmpf olt, %add3A_318, %lt3A_320 : vector<16xf32>
          %jit3A_322 = arith.constant 1 : i32
          %jit3A_323 = arith.constant 0 : i32
          %broadcast_in_dim3A_324 = vector.broadcast %jit3A_322 : i32 to vector<16xi32>
          %broadcast_in_dim3A_325 = vector.broadcast %jit3A_323 : i32 to vector<16xi32>
          %select_n3A_326 = arith.select %lt3A_321, %broadcast_in_dim3A_324, %broadcast_in_dim3A_325 : vector<16xi1>, vector<16xi32>
          %reduce_sum3A_327 = arith.constant true
          %reduce_sum3A_328 = vector.broadcast %reduce_sum3A_327 : i1 to vector<16xi1>
          %reduce_sum3A_329 = tpu.scan <sum>, %select_n3A_326 masked %reduce_sum3A_328 : vector<16xi32>, vector<16xi1> -> vector<16xi32>
          %reduce_sum3A_330 = vector.extract %reduce_sum3A_329[15] : i32 from vector<16xi32>
          %add3A_331 = arith.addi %add3A_300, %reduce_sum3A_330 : i32
          %reduce_sum3A_332 = arith.constant true
          %reduce_sum3A_333 = vector.broadcast %reduce_sum3A_332 : i1 to vector<16xi1>
          %reduce_sum3A_334 = tpu.scan <sum>, %get3A_314 masked %reduce_sum3A_333 : vector<16xf32>, vector<16xi1> -> vector<16xf32>
          %reduce_sum3A_335 = vector.extract %reduce_sum3A_334[15] : f32 from vector<16xf32>
          %broadcast_in_dim3A_336 = vector.broadcast %reduce_sum3A_335 : f32 to vector<16xf32>
          %add3A_337 = arith.addf %add3A_306, %broadcast_in_dim3A_336 : vector<16xf32>
          %mul3A_338 = arith.constant 8 : i32
          %mul3A_339 = arith.muli %while3A_212, %mul3A_338 : i32
          %add3A_340 = arith.constant 4 : i32
          %add3A_341 = arith.addi %mul3A_339, %add3A_340 : i32
          %mul3A_342 = arith.constant 16 : i32
          %mul3A_343 = arith.muli %add3A_341, %mul3A_342 : i32
          %get3A_344 = arith.index_cast %mul3A_343 : i32 to index
          %get3A_345 = tpu.vector_load %arg7[%get3A_344] {strides = array<i32>} : memref<8208xf32, #tpu.memory_space<vmem>>, vector<16xf32>,
          %broadcast_in_dim3A_346 = arith.constant true
          %broadcast_in_dim3A_347 = vector.broadcast %broadcast_in_dim3A_346 : i1 to vector<16xi1>
          %masked_cumsum3A_348 = tpu.scan <sum>, %get3A_345 masked %broadcast_in_dim3A_347 : vector<16xf32>, vector<16xi1> -> vector<16xf32>
          %add3A_349 = arith.addf %masked_cumsum3A_348, %add3A_337 : vector<16xf32>
          %lt3A_350 = arith.constant 5.000000e-01 : f32
          %lt3A_351 = vector.broadcast %lt3A_350 : f32 to vector<16xf32>
          %lt3A_352 = arith.cmpf olt, %add3A_349, %lt3A_351 : vector<16xf32>
          %jit3A_353 = arith.constant 1 : i32
          %jit3A_354 = arith.constant 0 : i32
          %broadcast_in_dim3A_355 = vector.broadcast %jit3A_353 : i32 to vector<16xi32>
          %broadcast_in_dim3A_356 = vector.broadcast %jit3A_354 : i32 to vector<16xi32>
          %select_n3A_357 = arith.select %lt3A_352, %broadcast_in_dim3A_355, %broadcast_in_dim3A_356 : vector<16xi1>, vector<16xi32>
          %reduce_sum3A_358 = arith.constant true
          %reduce_sum3A_359 = vector.broadcast %reduce_sum3A_358 : i1 to vector<16xi1>
          %reduce_sum3A_360 = tpu.scan <sum>, %select_n3A_357 masked %reduce_sum3A_359 : vector<16xi32>, vector<16xi1> -> vector<16xi32>
          %reduce_sum3A_361 = vector.extract %reduce_sum3A_360[15] : i32 from vector<16xi32>
          %add3A_362 = arith.addi %add3A_331, %reduce_sum3A_361 : i32
          %reduce_sum3A_363 = arith.constant true
          %reduce_sum3A_364 = vector.broadcast %reduce_sum3A_363 : i1 to vector<16xi1>
          %reduce_sum3A_365 = tpu.scan <sum>, %get3A_345 masked %reduce_sum3A_364 : vector<16xf32>, vector<16xi1> -> vector<16xf32>
          %reduce_sum3A_366 = vector.extract %reduce_sum3A_365[15] : f32 from vector<16xf32>
          %broadcast_in_dim3A_367 = vector.broadcast %reduce_sum3A_366 : f32 to vector<16xf32>
          %add3A_368 = arith.addf %add3A_337, %broadcast_in_dim3A_367 : vector<16xf32>
          %mul3A_369 = arith.constant 8 : i32
          %mul3A_370 = arith.muli %while3A_212, %mul3A_369 : i32
          %add3A_371 = arith.constant 5 : i32
          %add3A_372 = arith.addi %mul3A_370, %add3A_371 : i32
          %mul3A_373 = arith.constant 16 : i32
          %mul3A_374 = arith.muli %add3A_372, %mul3A_373 : i32
          %get3A_375 = arith.index_cast %mul3A_374 : i32 to index
          %get3A_376 = tpu.vector_load %arg7[%get3A_375] {strides = array<i32>} : memref<8208xf32, #tpu.memory_space<vmem>>, vector<16xf32>,
          %broadcast_in_dim3A_377 = arith.constant true
          %broadcast_in_dim3A_378 = vector.broadcast %broadcast_in_dim3A_377 : i1 to vector<16xi1>
          %masked_cumsum3A_379 = tpu.scan <sum>, %get3A_376 masked %broadcast_in_dim3A_378 : vector<16xf32>, vector<16xi1> -> vector<16xf32>
          %add3A_380 = arith.addf %masked_cumsum3A_379, %add3A_368 : vector<16xf32>
          %lt3A_381 = arith.constant 5.000000e-01 : f32
          %lt3A_382 = vector.broadcast %lt3A_381 : f32 to vector<16xf32>
          %lt3A_383 = arith.cmpf olt, %add3A_380, %lt3A_382 : vector<16xf32>
          %jit3A_384 = arith.constant 1 : i32
          %jit3A_385 = arith.constant 0 : i32
          %broadcast_in_dim3A_386 = vector.broadcast %jit3A_384 : i32 to vector<16xi32>
          %broadcast_in_dim3A_387 = vector.broadcast %jit3A_385 : i32 to vector<16xi32>
          %select_n3A_388 = arith.select %lt3A_383, %broadcast_in_dim3A_386, %broadcast_in_dim3A_387 : vector<16xi1>, vector<16xi32>
          %reduce_sum3A_389 = arith.constant true
          %reduce_sum3A_390 = vector.broadcast %reduce_sum3A_389 : i1 to vector<16xi1>
          %reduce_sum3A_391 = tpu.scan <sum>, %select_n3A_388 masked %reduce_sum3A_390 : vector<16xi32>, vector<16xi1> -> vector<16xi32>
          %reduce_sum3A_392 = vector.extract %reduce_sum3A_391[15] : i32 from vector<16xi32>
          %add3A_393 = arith.addi %add3A_362, %reduce_sum3A_392 : i32
          %reduce_sum3A_394 = arith.constant true
          %reduce_sum3A_395 = vector.broadcast %reduce_sum3A_394 : i1 to vector<16xi1>
          %reduce_sum3A_396 = tpu.scan <sum>, %get3A_376 masked %reduce_sum3A_395 : vector<16xf32>, vector<16xi1> -> vector<16xf32>
          %reduce_sum3A_397 = vector.extract %reduce_sum3A_396[15] : f32 from vector<16xf32>
          %broadcast_in_dim3A_398 = vector.broadcast %reduce_sum3A_397 : f32 to vector<16xf32>
          %add3A_399 = arith.addf %add3A_368, %broadcast_in_dim3A_398 : vector<16xf32>
          %mul3A_400 = arith.constant 8 : i32
          %mul3A_401 = arith.muli %while3A_212, %mul3A_400 : i32
          %add3A_402 = arith.constant 6 : i32
          %add3A_403 = arith.addi %mul3A_401, %add3A_402 : i32
          %mul3A_404 = arith.constant 16 : i32
          %mul3A_405 = arith.muli %add3A_403, %mul3A_404 : i32
          %get3A_406 = arith.index_cast %mul3A_405 : i32 to index
          %get3A_407 = tpu.vector_load %arg7[%get3A_406] {strides = array<i32>} : memref<8208xf32, #tpu.memory_space<vmem>>, vector<16xf32>,
          %broadcast_in_dim3A_408 = arith.constant true
          %broadcast_in_dim3A_409 = vector.broadcast %broadcast_in_dim3A_408 : i1 to vector<16xi1>
          %masked_cumsum3A_410 = tpu.scan <sum>, %get3A_407 masked %broadcast_in_dim3A_409 : vector<16xf32>, vector<16xi1> -> vector<16xf32>
          %add3A_411 = arith.addf %masked_cumsum3A_410, %add3A_399 : vector<16xf32>
          %lt3A_412 = arith.constant 5.000000e-01 : f32
          %lt3A_413 = vector.broadcast %lt3A_412 : f32 to vector<16xf32>
          %lt3A_414 = arith.cmpf olt, %add3A_411, %lt3A_413 : vector<16xf32>
          %jit3A_415 = arith.constant 1 : i32
          %jit3A_416 = arith.constant 0 : i32
          %broadcast_in_dim3A_417 = vector.broadcast %jit3A_415 : i32 to vector<16xi32>
          %broadcast_in_dim3A_418 = vector.broadcast %jit3A_416 : i32 to vector<16xi32>
          %select_n3A_419 = arith.select %lt3A_414, %broadcast_in_dim3A_417, %broadcast_in_dim3A_418 : vector<16xi1>, vector<16xi32>
          %reduce_sum3A_420 = arith.constant true
          %reduce_sum3A_421 = vector.broadcast %reduce_sum3A_420 : i1 to vector<16xi1>
          %reduce_sum3A_422 = tpu.scan <sum>, %select_n3A_419 masked %reduce_sum3A_421 : vector<16xi32>, vector<16xi1> -> vector<16xi32>
          %reduce_sum3A_423 = vector.extract %reduce_sum3A_422[15] : i32 from vector<16xi32>
          %add3A_424 = arith.addi %add3A_393, %reduce_sum3A_423 : i32
          %reduce_sum3A_425 = arith.constant true
          %reduce_sum3A_426 = vector.broadcast %reduce_sum3A_425 : i1 to vector<16xi1>
          %reduce_sum3A_427 = tpu.scan <sum>, %get3A_407 masked %reduce_sum3A_426 : vector<16xf32>, vector<16xi1> -> vector<16xf32>
          %reduce_sum3A_428 = vector.extract %reduce_sum3A_427[15] : f32 from vector<16xf32>
          %broadcast_in_dim3A_429 = vector.broadcast %reduce_sum3A_428 : f32 to vector<16xf32>
          %add3A_430 = arith.addf %add3A_399, %broadcast_in_dim3A_429 : vector<16xf32>
          %mul3A_431 = arith.constant 8 : i32
          %mul3A_432 = arith.muli %while3A_212, %mul3A_431 : i32
          %add3A_433 = arith.constant 7 : i32
          %add3A_434 = arith.addi %mul3A_432, %add3A_433 : i32
          %mul3A_435 = arith.constant 16 : i32
          %mul3A_436 = arith.muli %add3A_434, %mul3A_435 : i32
          %get3A_437 = arith.index_cast %mul3A_436 : i32 to index
          %get3A_438 = tpu.vector_load %arg7[%get3A_437] {strides = array<i32>} : memref<8208xf32, #tpu.memory_space<vmem>>, vector<16xf32>,
          %broadcast_in_dim3A_439 = arith.constant true
          %broadcast_in_dim3A_440 = vector.broadcast %broadcast_in_dim3A_439 : i1 to vector<16xi1>
          %masked_cumsum3A_441 = tpu.scan <sum>, %get3A_438 masked %broadcast_in_dim3A_440 : vector<16xf32>, vector<16xi1> -> vector<16xf32>
          %add3A_442 = arith.addf %masked_cumsum3A_441, %add3A_430 : vector<16xf32>
          %lt3A_443 = arith.constant 5.000000e-01 : f32
          %lt3A_444 = vector.broadcast %lt3A_443 : f32 to vector<16xf32>
          %lt3A_445 = arith.cmpf olt, %add3A_442, %lt3A_444 : vector<16xf32>
          %jit3A_446 = arith.constant 1 : i32
          %jit3A_447 = arith.constant 0 : i32
          %broadcast_in_dim3A_448 = vector.broadcast %jit3A_446 : i32 to vector<16xi32>
          %broadcast_in_dim3A_449 = vector.broadcast %jit3A_447 : i32 to vector<16xi32>
          %select_n3A_450 = arith.select %lt3A_445, %broadcast_in_dim3A_448, %broadcast_in_dim3A_449 : vector<16xi1>, vector<16xi32>
          %reduce_sum3A_451 = arith.constant true
          %reduce_sum3A_452 = vector.broadcast %reduce_sum3A_451 : i1 to vector<16xi1>
          %reduce_sum3A_453 = tpu.scan <sum>, %select_n3A_450 masked %reduce_sum3A_452 : vector<16xi32>, vector<16xi1> -> vector<16xi32>
          %reduce_sum3A_454 = vector.extract %reduce_sum3A_453[15] : i32 from vector<16xi32>
          %add3A_455 = arith.addi %add3A_424, %reduce_sum3A_454 : i32
          %reduce_sum3A_456 = arith.constant true
          %reduce_sum3A_457 = vector.broadcast %reduce_sum3A_456 : i1 to vector<16xi1>
          %reduce_sum3A_458 = tpu.scan <sum>, %get3A_438 masked %reduce_sum3A_457 : vector<16xf32>, vector<16xi1> -> vector<16xf32>
          %reduce_sum3A_459 = vector.extract %reduce_sum3A_458[15] : f32 from vector<16xf32>
          %broadcast_in_dim3A_460 = vector.broadcast %reduce_sum3A_459 : f32 to vector<16xf32>
          %add3A_461 = arith.addf %add3A_430, %broadcast_in_dim3A_460 : vector<16xf32>
          scf.yield %add3A_461, %add3A_455 : vector<16xf32>, i32
        }
        %broadcast_in_dim3A_176 = vector.broadcast %reduce_sum3A_103 : f32 to vector<16xf32>
        %ge3A = arith.constant 5.000000e-01 : f32
        %ge3A_177 = vector.broadcast %ge3A : f32 to vector<16xf32>
        %ge3A_178 = arith.cmpf oge, %broadcast_in_dim3A_176, %ge3A_177 : vector<16xf32>
        %mul3A_179 = arith.constant 128 : i32
        %mul3A_180 = arith.muli %select_n3A, %mul3A_179 : i32
        %add3A_181 = arith.addi %mul3A_180, %while3A_175#1 : i32
        %sub3A_182 = arith.constant 4096 : i32
        %sub3A_183 = arith.subi %add3A_181, %sub3A_182 : i32
        %broadcast_in_dim3A_184 = vector.broadcast %sub3A_183 : i32 to vector<16xi32>
        %broadcast_in_dim3A_185 = vector.broadcast %reduce_min3A_110 : i32 to vector<16xi32>
        %select_n3A_186 = arith.select %ge3A_178, %broadcast_in_dim3A_184, %broadcast_in_dim3A_185 : vector<16xi1>, vector<16xi32>
        %broadcast_in_dim3A_187 = arith.constant 0.000000e+00 : f32
        %broadcast_in_dim3A_188 = vector.broadcast %broadcast_in_dim3A_187 : f32 to vector<16xf32>
        %while3A_189 = arith.subi %add3A_163, %select_n3A : i32
        %while3A_190 = arith.addi %select_n3A, %while3A_189 : i32
        %while3A_191 = arith.constant 1 : i32
        %while3A_192 = arith.divsi %while3A_189, %while3A_191 : i32
        %while3A_193 = arith.muli %while3A_192, %while3A_191 : i32
        %while3A_194 = arith.addi %select_n3A, %while3A_193 : i32
        %while3A_195 = arith.constant 1 : i32
        %while3A_196 = scf.for %while3A_212 = %select_n3A to %while3A_194 step %while3A_195 iter_args(%while3A_213 = %broadcast_in_dim3A_188) -> (vector<16xf32>)  : i32 {
          %mul3A_214 = arith.constant 8 : i32
          %mul3A_215 = arith.muli %while3A_212, %mul3A_214 : i32
          %add3A_216 = arith.constant 0 : i32
          %add3A_217 = arith.addi %mul3A_215, %add3A_216 : i32
          %mul3A_218 = arith.constant 16 : i32
          %mul3A_219 = arith.muli %add3A_217, %mul3A_218 : i32
          %get3A_220 = arith.index_cast %mul3A_219 : i32 to index
          %get3A_221 = tpu.vector_load %arg7[%get3A_220] {strides = array<i32>} : memref<8208xf32, #tpu.memory_space<vmem>>, vector<16xf32>,
          %mul3A_222 = arith.constant 16 : i32
          %mul3A_223 = arith.muli %add3A_217, %mul3A_222 : i32
          %sub3A_224 = arith.constant 4096 : i32
          %sub3A_225 = arith.subi %mul3A_223, %sub3A_224 : i32
          %add3A_226 = vector.broadcast %sub3A_225 : i32 to vector<16xi32>
          %add3A_227 = arith.addi %iota3A, %add3A_226 : vector<16xi32>
          %sub3A_228 = arith.subi %add3A_227, %select_n3A_186 : vector<16xi32>
          %abs3A = math.absi %sub3A_228 : vector<16xi32>
          %convert_element_type3A_229 = arith.sitofp %abs3A : vector<16xi32> to vector<16xf32>
          %mul3A_230 = arith.mulf %get3A_221, %convert_element_type3A_229 : vector<16xf32>
          %add3A_231 = arith.addf %while3A_213, %mul3A_230 : vector<16xf32>
          %broadcast_in_dim3A_232 = arith.constant 0.000000e+00 : f32
          %broadcast_in_dim3A_233 = vector.broadcast %broadcast_in_dim3A_232 : f32 to vector<16xf32>
          %mul3A_234 = arith.constant 16 : i32
          %mul3A_235 = arith.muli %add3A_217, %mul3A_234 : i32
          %swap3A_236 = arith.index_cast %mul3A_235 : i32 to index
          %swap3A_237 = tpu.vector_load %arg7[%swap3A_236] {strides = array<i32>} : memref<8208xf32, #tpu.memory_space<vmem>>, vector<16xf32>,
          tpu.vector_store %arg7[%swap3A_236], %broadcast_in_dim3A_233 {strides = array<i32>} : memref<8208xf32, #tpu.memory_space<vmem>>, vector<16xf32>,
          %mul3A_238 = arith.constant 8 : i32
          %mul3A_239 = arith.muli %while3A_212, %mul3A_238 : i32
          %add3A_240 = arith.constant 1 : i32
          %add3A_241 = arith.addi %mul3A_239, %add3A_240 : i32
          %mul3A_242 = arith.constant 16 : i32
          %mul3A_243 = arith.muli %add3A_241, %mul3A_242 : i32
          %get3A_244 = arith.index_cast %mul3A_243 : i32 to index
          %get3A_245 = tpu.vector_load %arg7[%get3A_244] {strides = array<i32>} : memref<8208xf32, #tpu.memory_space<vmem>>, vector<16xf32>,
          %mul3A_246 = arith.constant 16 : i32
          %mul3A_247 = arith.muli %add3A_241, %mul3A_246 : i32
          %sub3A_248 = arith.constant 4096 : i32
          %sub3A_249 = arith.subi %mul3A_247, %sub3A_248 : i32
          %add3A_250 = vector.broadcast %sub3A_249 : i32 to vector<16xi32>
          %add3A_251 = arith.addi %iota3A, %add3A_250 : vector<16xi32>
          %sub3A_252 = arith.subi %add3A_251, %select_n3A_186 : vector<16xi32>
          %abs3A_253 = math.absi %sub3A_252 : vector<16xi32>
          %convert_element_type3A_254 = arith.sitofp %abs3A_253 : vector<16xi32> to vector<16xf32>
          %mul3A_255 = arith.mulf %get3A_245, %convert_element_type3A_254 : vector<16xf32>
          %add3A_256 = arith.addf %add3A_231, %mul3A_255 : vector<16xf32>
          %broadcast_in_dim3A_257 = arith.constant 0.000000e+00 : f32
          %broadcast_in_dim3A_258 = vector.broadcast %broadcast_in_dim3A_257 : f32 to vector<16xf32>
          %mul3A_259 = arith.constant 16 : i32
          %mul3A_260 = arith.muli %add3A_241, %mul3A_259 : i32
          %swap3A_261 = arith.index_cast %mul3A_260 : i32 to index
          %swap3A_262 = tpu.vector_load %arg7[%swap3A_261] {strides = array<i32>} : memref<8208xf32, #tpu.memory_space<vmem>>, vector<16xf32>,
          tpu.vector_store %arg7[%swap3A_261], %broadcast_in_dim3A_258 {strides = array<i32>} : memref<8208xf32, #tpu.memory_space<vmem>>, vector<16xf32>,
          %mul3A_263 = arith.constant 8 : i32
          %mul3A_264 = arith.muli %while3A_212, %mul3A_263 : i32
          %add3A_265 = arith.constant 2 : i32
          %add3A_266 = arith.addi %mul3A_264, %add3A_265 : i32
          %mul3A_267 = arith.constant 16 : i32
          %mul3A_268 = arith.muli %add3A_266, %mul3A_267 : i32
          %get3A_269 = arith.index_cast %mul3A_268 : i32 to index
          %get3A_270 = tpu.vector_load %arg7[%get3A_269] {strides = array<i32>} : memref<8208xf32, #tpu.memory_space<vmem>>, vector<16xf32>,
          %mul3A_271 = arith.constant 16 : i32
          %mul3A_272 = arith.muli %add3A_266, %mul3A_271 : i32
          %sub3A_273 = arith.constant 4096 : i32
          %sub3A_274 = arith.subi %mul3A_272, %sub3A_273 : i32
          %add3A_275 = vector.broadcast %sub3A_274 : i32 to vector<16xi32>
          %add3A_276 = arith.addi %iota3A, %add3A_275 : vector<16xi32>
          %sub3A_277 = arith.subi %add3A_276, %select_n3A_186 : vector<16xi32>
          %abs3A_278 = math.absi %sub3A_277 : vector<16xi32>
          %convert_element_type3A_279 = arith.sitofp %abs3A_278 : vector<16xi32> to vector<16xf32>
          %mul3A_280 = arith.mulf %get3A_270, %convert_element_type3A_279 : vector<16xf32>
          %add3A_281 = arith.addf %add3A_256, %mul3A_280 : vector<16xf32>
          %broadcast_in_dim3A_282 = arith.constant 0.000000e+00 : f32
          %broadcast_in_dim3A_283 = vector.broadcast %broadcast_in_dim3A_282 : f32 to vector<16xf32>
          %mul3A_284 = arith.constant 16 : i32
          %mul3A_285 = arith.muli %add3A_266, %mul3A_284 : i32
          %swap3A_286 = arith.index_cast %mul3A_285 : i32 to index
          %swap3A_287 = tpu.vector_load %arg7[%swap3A_286] {strides = array<i32>} : memref<8208xf32, #tpu.memory_space<vmem>>, vector<16xf32>,
          tpu.vector_store %arg7[%swap3A_286], %broadcast_in_dim3A_283 {strides = array<i32>} : memref<8208xf32, #tpu.memory_space<vmem>>, vector<16xf32>,
          %mul3A_288 = arith.constant 8 : i32
          %mul3A_289 = arith.muli %while3A_212, %mul3A_288 : i32
          %add3A_290 = arith.constant 3 : i32
          %add3A_291 = arith.addi %mul3A_289, %add3A_290 : i32
          %mul3A_292 = arith.constant 16 : i32
          %mul3A_293 = arith.muli %add3A_291, %mul3A_292 : i32
          %get3A_294 = arith.index_cast %mul3A_293 : i32 to index
          %get3A_295 = tpu.vector_load %arg7[%get3A_294] {strides = array<i32>} : memref<8208xf32, #tpu.memory_space<vmem>>, vector<16xf32>,
          %mul3A_296 = arith.constant 16 : i32
          %mul3A_297 = arith.muli %add3A_291, %mul3A_296 : i32
          %sub3A_298 = arith.constant 4096 : i32
          %sub3A_299 = arith.subi %mul3A_297, %sub3A_298 : i32
          %add3A_300 = vector.broadcast %sub3A_299 : i32 to vector<16xi32>
          %add3A_301 = arith.addi %iota3A, %add3A_300 : vector<16xi32>
          %sub3A_302 = arith.subi %add3A_301, %select_n3A_186 : vector<16xi32>
          %abs3A_303 = math.absi %sub3A_302 : vector<16xi32>
          %convert_element_type3A_304 = arith.sitofp %abs3A_303 : vector<16xi32> to vector<16xf32>
          %mul3A_305 = arith.mulf %get3A_295, %convert_element_type3A_304 : vector<16xf32>
          %add3A_306 = arith.addf %add3A_281, %mul3A_305 : vector<16xf32>
          %broadcast_in_dim3A_307 = arith.constant 0.000000e+00 : f32
          %broadcast_in_dim3A_308 = vector.broadcast %broadcast_in_dim3A_307 : f32 to vector<16xf32>
          %mul3A_309 = arith.constant 16 : i32
          %mul3A_310 = arith.muli %add3A_291, %mul3A_309 : i32
          %swap3A_311 = arith.index_cast %mul3A_310 : i32 to index
          %swap3A_312 = tpu.vector_load %arg7[%swap3A_311] {strides = array<i32>} : memref<8208xf32, #tpu.memory_space<vmem>>, vector<16xf32>,
          tpu.vector_store %arg7[%swap3A_311], %broadcast_in_dim3A_308 {strides = array<i32>} : memref<8208xf32, #tpu.memory_space<vmem>>, vector<16xf32>,
          %mul3A_313 = arith.constant 8 : i32
          %mul3A_314 = arith.muli %while3A_212, %mul3A_313 : i32
          %add3A_315 = arith.constant 4 : i32
          %add3A_316 = arith.addi %mul3A_314, %add3A_315 : i32
          %mul3A_317 = arith.constant 16 : i32
          %mul3A_318 = arith.muli %add3A_316, %mul3A_317 : i32
          %get3A_319 = arith.index_cast %mul3A_318 : i32 to index
          %get3A_320 = tpu.vector_load %arg7[%get3A_319] {strides = array<i32>} : memref<8208xf32, #tpu.memory_space<vmem>>, vector<16xf32>,
          %mul3A_321 = arith.constant 16 : i32
          %mul3A_322 = arith.muli %add3A_316, %mul3A_321 : i32
          %sub3A_323 = arith.constant 4096 : i32
          %sub3A_324 = arith.subi %mul3A_322, %sub3A_323 : i32
          %add3A_325 = vector.broadcast %sub3A_324 : i32 to vector<16xi32>
          %add3A_326 = arith.addi %iota3A, %add3A_325 : vector<16xi32>
          %sub3A_327 = arith.subi %add3A_326, %select_n3A_186 : vector<16xi32>
          %abs3A_328 = math.absi %sub3A_327 : vector<16xi32>
          %convert_element_type3A_329 = arith.sitofp %abs3A_328 : vector<16xi32> to vector<16xf32>
          %mul3A_330 = arith.mulf %get3A_320, %convert_element_type3A_329 : vector<16xf32>
          %add3A_331 = arith.addf %add3A_306, %mul3A_330 : vector<16xf32>
          %broadcast_in_dim3A_332 = arith.constant 0.000000e+00 : f32
          %broadcast_in_dim3A_333 = vector.broadcast %broadcast_in_dim3A_332 : f32 to vector<16xf32>
          %mul3A_334 = arith.constant 16 : i32
          %mul3A_335 = arith.muli %add3A_316, %mul3A_334 : i32
          %swap3A_336 = arith.index_cast %mul3A_335 : i32 to index
          %swap3A_337 = tpu.vector_load %arg7[%swap3A_336] {strides = array<i32>} : memref<8208xf32, #tpu.memory_space<vmem>>, vector<16xf32>,
          tpu.vector_store %arg7[%swap3A_336], %broadcast_in_dim3A_333 {strides = array<i32>} : memref<8208xf32, #tpu.memory_space<vmem>>, vector<16xf32>,
          %mul3A_338 = arith.constant 8 : i32
          %mul3A_339 = arith.muli %while3A_212, %mul3A_338 : i32
          %add3A_340 = arith.constant 5 : i32
          %add3A_341 = arith.addi %mul3A_339, %add3A_340 : i32
          %mul3A_342 = arith.constant 16 : i32
          %mul3A_343 = arith.muli %add3A_341, %mul3A_342 : i32
          %get3A_344 = arith.index_cast %mul3A_343 : i32 to index
          %get3A_345 = tpu.vector_load %arg7[%get3A_344] {strides = array<i32>} : memref<8208xf32, #tpu.memory_space<vmem>>, vector<16xf32>,
          %mul3A_346 = arith.constant 16 : i32
          %mul3A_347 = arith.muli %add3A_341, %mul3A_346 : i32
          %sub3A_348 = arith.constant 4096 : i32
          %sub3A_349 = arith.subi %mul3A_347, %sub3A_348 : i32
          %add3A_350 = vector.broadcast %sub3A_349 : i32 to vector<16xi32>
          %add3A_351 = arith.addi %iota3A, %add3A_350 : vector<16xi32>
          %sub3A_352 = arith.subi %add3A_351, %select_n3A_186 : vector<16xi32>
          %abs3A_353 = math.absi %sub3A_352 : vector<16xi32>
          %convert_element_type3A_354 = arith.sitofp %abs3A_353 : vector<16xi32> to vector<16xf32>
          %mul3A_355 = arith.mulf %get3A_345, %convert_element_type3A_354 : vector<16xf32>
          %add3A_356 = arith.addf %add3A_331, %mul3A_355 : vector<16xf32>
          %broadcast_in_dim3A_357 = arith.constant 0.000000e+00 : f32
          %broadcast_in_dim3A_358 = vector.broadcast %broadcast_in_dim3A_357 : f32 to vector<16xf32>
          %mul3A_359 = arith.constant 16 : i32
          %mul3A_360 = arith.muli %add3A_341, %mul3A_359 : i32
          %swap3A_361 = arith.index_cast %mul3A_360 : i32 to index
          %swap3A_362 = tpu.vector_load %arg7[%swap3A_361] {strides = array<i32>} : memref<8208xf32, #tpu.memory_space<vmem>>, vector<16xf32>,
          tpu.vector_store %arg7[%swap3A_361], %broadcast_in_dim3A_358 {strides = array<i32>} : memref<8208xf32, #tpu.memory_space<vmem>>, vector<16xf32>,
          %mul3A_363 = arith.constant 8 : i32
          %mul3A_364 = arith.muli %while3A_212, %mul3A_363 : i32
          %add3A_365 = arith.constant 6 : i32
          %add3A_366 = arith.addi %mul3A_364, %add3A_365 : i32
          %mul3A_367 = arith.constant 16 : i32
          %mul3A_368 = arith.muli %add3A_366, %mul3A_367 : i32
          %get3A_369 = arith.index_cast %mul3A_368 : i32 to index
          %get3A_370 = tpu.vector_load %arg7[%get3A_369] {strides = array<i32>} : memref<8208xf32, #tpu.memory_space<vmem>>, vector<16xf32>,
          %mul3A_371 = arith.constant 16 : i32
          %mul3A_372 = arith.muli %add3A_366, %mul3A_371 : i32
          %sub3A_373 = arith.constant 4096 : i32
          %sub3A_374 = arith.subi %mul3A_372, %sub3A_373 : i32
          %add3A_375 = vector.broadcast %sub3A_374 : i32 to vector<16xi32>
          %add3A_376 = arith.addi %iota3A, %add3A_375 : vector<16xi32>
          %sub3A_377 = arith.subi %add3A_376, %select_n3A_186 : vector<16xi32>
          %abs3A_378 = math.absi %sub3A_377 : vector<16xi32>
          %convert_element_type3A_379 = arith.sitofp %abs3A_378 : vector<16xi32> to vector<16xf32>
          %mul3A_380 = arith.mulf %get3A_370, %convert_element_type3A_379 : vector<16xf32>
          %add3A_381 = arith.addf %add3A_356, %mul3A_380 : vector<16xf32>
          %broadcast_in_dim3A_382 = arith.constant 0.000000e+00 : f32
          %broadcast_in_dim3A_383 = vector.broadcast %broadcast_in_dim3A_382 : f32 to vector<16xf32>
          %mul3A_384 = arith.constant 16 : i32
          %mul3A_385 = arith.muli %add3A_366, %mul3A_384 : i32
          %swap3A_386 = arith.index_cast %mul3A_385 : i32 to index
          %swap3A_387 = tpu.vector_load %arg7[%swap3A_386] {strides = array<i32>} : memref<8208xf32, #tpu.memory_space<vmem>>, vector<16xf32>,
          tpu.vector_store %arg7[%swap3A_386], %broadcast_in_dim3A_383 {strides = array<i32>} : memref<8208xf32, #tpu.memory_space<vmem>>, vector<16xf32>,
          %mul3A_388 = arith.constant 8 : i32
          %mul3A_389 = arith.muli %while3A_212, %mul3A_388 : i32
          %add3A_390 = arith.constant 7 : i32
          %add3A_391 = arith.addi %mul3A_389, %add3A_390 : i32
          %mul3A_392 = arith.constant 16 : i32
          %mul3A_393 = arith.muli %add3A_391, %mul3A_392 : i32
          %get3A_394 = arith.index_cast %mul3A_393 : i32 to index
          %get3A_395 = tpu.vector_load %arg7[%get3A_394] {strides = array<i32>} : memref<8208xf32, #tpu.memory_space<vmem>>, vector<16xf32>,
          %mul3A_396 = arith.constant 16 : i32
          %mul3A_397 = arith.muli %add3A_391, %mul3A_396 : i32
          %sub3A_398 = arith.constant 4096 : i32
          %sub3A_399 = arith.subi %mul3A_397, %sub3A_398 : i32
          %add3A_400 = vector.broadcast %sub3A_399 : i32 to vector<16xi32>
          %add3A_401 = arith.addi %iota3A, %add3A_400 : vector<16xi32>
          %sub3A_402 = arith.subi %add3A_401, %select_n3A_186 : vector<16xi32>
          %abs3A_403 = math.absi %sub3A_402 : vector<16xi32>
          %convert_element_type3A_404 = arith.sitofp %abs3A_403 : vector<16xi32> to vector<16xf32>
          %mul3A_405 = arith.mulf %get3A_395, %convert_element_type3A_404 : vector<16xf32>
          %add3A_406 = arith.addf %add3A_381, %mul3A_405 : vector<16xf32>
          %broadcast_in_dim3A_407 = arith.constant 0.000000e+00 : f32
          %broadcast_in_dim3A_408 = vector.broadcast %broadcast_in_dim3A_407 : f32 to vector<16xf32>
          %mul3A_409 = arith.constant 16 : i32
          %mul3A_410 = arith.muli %add3A_391, %mul3A_409 : i32
          %swap3A_411 = arith.index_cast %mul3A_410 : i32 to index
          %swap3A_412 = tpu.vector_load %arg7[%swap3A_411] {strides = array<i32>} : memref<8208xf32, #tpu.memory_space<vmem>>, vector<16xf32>,
          tpu.vector_store %arg7[%swap3A_411], %broadcast_in_dim3A_408 {strides = array<i32>} : memref<8208xf32, #tpu.memory_space<vmem>>, vector<16xf32>,
          scf.yield %add3A_406 : vector<16xf32>
        }
        %while3A_197 = arith.constant 1 : i32
        %while3A_198 = scf.for %while3A_212 = %while3A_194 to %while3A_190 step %while3A_197 iter_args(%while3A_213 = %while3A_196) -> (vector<16xf32>)  : i32 {
          %mul3A_214 = arith.constant 8 : i32
          %mul3A_215 = arith.muli %while3A_212, %mul3A_214 : i32
          %add3A_216 = arith.constant 0 : i32
          %add3A_217 = arith.addi %mul3A_215, %add3A_216 : i32
          %mul3A_218 = arith.constant 16 : i32
          %mul3A_219 = arith.muli %add3A_217, %mul3A_218 : i32
          %get3A_220 = arith.index_cast %mul3A_219 : i32 to index
          %get3A_221 = tpu.vector_load %arg7[%get3A_220] {strides = array<i32>} : memref<8208xf32, #tpu.memory_space<vmem>>, vector<16xf32>,
          %mul3A_222 = arith.constant 16 : i32
          %mul3A_223 = arith.muli %add3A_217, %mul3A_222 : i32
          %sub3A_224 = arith.constant 4096 : i32
          %sub3A_225 = arith.subi %mul3A_223, %sub3A_224 : i32
          %add3A_226 = vector.broadcast %sub3A_225 : i32 to vector<16xi32>
          %add3A_227 = arith.addi %iota3A, %add3A_226 : vector<16xi32>
          %sub3A_228 = arith.subi %add3A_227, %select_n3A_186 : vector<16xi32>
          %abs3A = math.absi %sub3A_228 : vector<16xi32>
          %convert_element_type3A_229 = arith.sitofp %abs3A : vector<16xi32> to vector<16xf32>
          %mul3A_230 = arith.mulf %get3A_221, %convert_element_type3A_229 : vector<16xf32>
          %add3A_231 = arith.addf %while3A_213, %mul3A_230 : vector<16xf32>
          %broadcast_in_dim3A_232 = arith.constant 0.000000e+00 : f32
          %broadcast_in_dim3A_233 = vector.broadcast %broadcast_in_dim3A_232 : f32 to vector<16xf32>
          %mul3A_234 = arith.constant 16 : i32
          %mul3A_235 = arith.muli %add3A_217, %mul3A_234 : i32
          %swap3A_236 = arith.index_cast %mul3A_235 : i32 to index
          %swap3A_237 = tpu.vector_load %arg7[%swap3A_236] {strides = array<i32>} : memref<8208xf32, #tpu.memory_space<vmem>>, vector<16xf32>,
          tpu.vector_store %arg7[%swap3A_236], %broadcast_in_dim3A_233 {strides = array<i32>} : memref<8208xf32, #tpu.memory_space<vmem>>, vector<16xf32>,
          %mul3A_238 = arith.constant 8 : i32
          %mul3A_239 = arith.muli %while3A_212, %mul3A_238 : i32
          %add3A_240 = arith.constant 1 : i32
          %add3A_241 = arith.addi %mul3A_239, %add3A_240 : i32
          %mul3A_242 = arith.constant 16 : i32
          %mul3A_243 = arith.muli %add3A_241, %mul3A_242 : i32
          %get3A_244 = arith.index_cast %mul3A_243 : i32 to index
          %get3A_245 = tpu.vector_load %arg7[%get3A_244] {strides = array<i32>} : memref<8208xf32, #tpu.memory_space<vmem>>, vector<16xf32>,
          %mul3A_246 = arith.constant 16 : i32
          %mul3A_247 = arith.muli %add3A_241, %mul3A_246 : i32
          %sub3A_248 = arith.constant 4096 : i32
          %sub3A_249 = arith.subi %mul3A_247, %sub3A_248 : i32
          %add3A_250 = vector.broadcast %sub3A_249 : i32 to vector<16xi32>
          %add3A_251 = arith.addi %iota3A, %add3A_250 : vector<16xi32>
          %sub3A_252 = arith.subi %add3A_251, %select_n3A_186 : vector<16xi32>
          %abs3A_253 = math.absi %sub3A_252 : vector<16xi32>
          %convert_element_type3A_254 = arith.sitofp %abs3A_253 : vector<16xi32> to vector<16xf32>
          %mul3A_255 = arith.mulf %get3A_245, %convert_element_type3A_254 : vector<16xf32>
          %add3A_256 = arith.addf %add3A_231, %mul3A_255 : vector<16xf32>
          %broadcast_in_dim3A_257 = arith.constant 0.000000e+00 : f32
          %broadcast_in_dim3A_258 = vector.broadcast %broadcast_in_dim3A_257 : f32 to vector<16xf32>
          %mul3A_259 = arith.constant 16 : i32
          %mul3A_260 = arith.muli %add3A_241, %mul3A_259 : i32
          %swap3A_261 = arith.index_cast %mul3A_260 : i32 to index
          %swap3A_262 = tpu.vector_load %arg7[%swap3A_261] {strides = array<i32>} : memref<8208xf32, #tpu.memory_space<vmem>>, vector<16xf32>,
          tpu.vector_store %arg7[%swap3A_261], %broadcast_in_dim3A_258 {strides = array<i32>} : memref<8208xf32, #tpu.memory_space<vmem>>, vector<16xf32>,
          %mul3A_263 = arith.constant 8 : i32
          %mul3A_264 = arith.muli %while3A_212, %mul3A_263 : i32
          %add3A_265 = arith.constant 2 : i32
          %add3A_266 = arith.addi %mul3A_264, %add3A_265 : i32
          %mul3A_267 = arith.constant 16 : i32
          %mul3A_268 = arith.muli %add3A_266, %mul3A_267 : i32
          %get3A_269 = arith.index_cast %mul3A_268 : i32 to index
          %get3A_270 = tpu.vector_load %arg7[%get3A_269] {strides = array<i32>} : memref<8208xf32, #tpu.memory_space<vmem>>, vector<16xf32>,
          %mul3A_271 = arith.constant 16 : i32
          %mul3A_272 = arith.muli %add3A_266, %mul3A_271 : i32
          %sub3A_273 = arith.constant 4096 : i32
          %sub3A_274 = arith.subi %mul3A_272, %sub3A_273 : i32
          %add3A_275 = vector.broadcast %sub3A_274 : i32 to vector<16xi32>
          %add3A_276 = arith.addi %iota3A, %add3A_275 : vector<16xi32>
          %sub3A_277 = arith.subi %add3A_276, %select_n3A_186 : vector<16xi32>
          %abs3A_278 = math.absi %sub3A_277 : vector<16xi32>
          %convert_element_type3A_279 = arith.sitofp %abs3A_278 : vector<16xi32> to vector<16xf32>
          %mul3A_280 = arith.mulf %get3A_270, %convert_element_type3A_279 : vector<16xf32>
          %add3A_281 = arith.addf %add3A_256, %mul3A_280 : vector<16xf32>
          %broadcast_in_dim3A_282 = arith.constant 0.000000e+00 : f32
          %broadcast_in_dim3A_283 = vector.broadcast %broadcast_in_dim3A_282 : f32 to vector<16xf32>
          %mul3A_284 = arith.constant 16 : i32
          %mul3A_285 = arith.muli %add3A_266, %mul3A_284 : i32
          %swap3A_286 = arith.index_cast %mul3A_285 : i32 to index
          %swap3A_287 = tpu.vector_load %arg7[%swap3A_286] {strides = array<i32>} : memref<8208xf32, #tpu.memory_space<vmem>>, vector<16xf32>,
          tpu.vector_store %arg7[%swap3A_286], %broadcast_in_dim3A_283 {strides = array<i32>} : memref<8208xf32, #tpu.memory_space<vmem>>, vector<16xf32>,
          %mul3A_288 = arith.constant 8 : i32
          %mul3A_289 = arith.muli %while3A_212, %mul3A_288 : i32
          %add3A_290 = arith.constant 3 : i32
          %add3A_291 = arith.addi %mul3A_289, %add3A_290 : i32
          %mul3A_292 = arith.constant 16 : i32
          %mul3A_293 = arith.muli %add3A_291, %mul3A_292 : i32
          %get3A_294 = arith.index_cast %mul3A_293 : i32 to index
          %get3A_295 = tpu.vector_load %arg7[%get3A_294] {strides = array<i32>} : memref<8208xf32, #tpu.memory_space<vmem>>, vector<16xf32>,
          %mul3A_296 = arith.constant 16 : i32
          %mul3A_297 = arith.muli %add3A_291, %mul3A_296 : i32
          %sub3A_298 = arith.constant 4096 : i32
          %sub3A_299 = arith.subi %mul3A_297, %sub3A_298 : i32
          %add3A_300 = vector.broadcast %sub3A_299 : i32 to vector<16xi32>
          %add3A_301 = arith.addi %iota3A, %add3A_300 : vector<16xi32>
          %sub3A_302 = arith.subi %add3A_301, %select_n3A_186 : vector<16xi32>
          %abs3A_303 = math.absi %sub3A_302 : vector<16xi32>
          %convert_element_type3A_304 = arith.sitofp %abs3A_303 : vector<16xi32> to vector<16xf32>
          %mul3A_305 = arith.mulf %get3A_295, %convert_element_type3A_304 : vector<16xf32>
          %add3A_306 = arith.addf %add3A_281, %mul3A_305 : vector<16xf32>
          %broadcast_in_dim3A_307 = arith.constant 0.000000e+00 : f32
          %broadcast_in_dim3A_308 = vector.broadcast %broadcast_in_dim3A_307 : f32 to vector<16xf32>
          %mul3A_309 = arith.constant 16 : i32
          %mul3A_310 = arith.muli %add3A_291, %mul3A_309 : i32
          %swap3A_311 = arith.index_cast %mul3A_310 : i32 to index
          %swap3A_312 = tpu.vector_load %arg7[%swap3A_311] {strides = array<i32>} : memref<8208xf32, #tpu.memory_space<vmem>>, vector<16xf32>,
          tpu.vector_store %arg7[%swap3A_311], %broadcast_in_dim3A_308 {strides = array<i32>} : memref<8208xf32, #tpu.memory_space<vmem>>, vector<16xf32>,
          %mul3A_313 = arith.constant 8 : i32
          %mul3A_314 = arith.muli %while3A_212, %mul3A_313 : i32
          %add3A_315 = arith.constant 4 : i32
          %add3A_316 = arith.addi %mul3A_314, %add3A_315 : i32
          %mul3A_317 = arith.constant 16 : i32
          %mul3A_318 = arith.muli %add3A_316, %mul3A_317 : i32
          %get3A_319 = arith.index_cast %mul3A_318 : i32 to index
          %get3A_320 = tpu.vector_load %arg7[%get3A_319] {strides = array<i32>} : memref<8208xf32, #tpu.memory_space<vmem>>, vector<16xf32>,
          %mul3A_321 = arith.constant 16 : i32
          %mul3A_322 = arith.muli %add3A_316, %mul3A_321 : i32
          %sub3A_323 = arith.constant 4096 : i32
          %sub3A_324 = arith.subi %mul3A_322, %sub3A_323 : i32
          %add3A_325 = vector.broadcast %sub3A_324 : i32 to vector<16xi32>
          %add3A_326 = arith.addi %iota3A, %add3A_325 : vector<16xi32>
          %sub3A_327 = arith.subi %add3A_326, %select_n3A_186 : vector<16xi32>
          %abs3A_328 = math.absi %sub3A_327 : vector<16xi32>
          %convert_element_type3A_329 = arith.sitofp %abs3A_328 : vector<16xi32> to vector<16xf32>
          %mul3A_330 = arith.mulf %get3A_320, %convert_element_type3A_329 : vector<16xf32>
          %add3A_331 = arith.addf %add3A_306, %mul3A_330 : vector<16xf32>
          %broadcast_in_dim3A_332 = arith.constant 0.000000e+00 : f32
          %broadcast_in_dim3A_333 = vector.broadcast %broadcast_in_dim3A_332 : f32 to vector<16xf32>
          %mul3A_334 = arith.constant 16 : i32
          %mul3A_335 = arith.muli %add3A_316, %mul3A_334 : i32
          %swap3A_336 = arith.index_cast %mul3A_335 : i32 to index
          %swap3A_337 = tpu.vector_load %arg7[%swap3A_336] {strides = array<i32>} : memref<8208xf32, #tpu.memory_space<vmem>>, vector<16xf32>,
          tpu.vector_store %arg7[%swap3A_336], %broadcast_in_dim3A_333 {strides = array<i32>} : memref<8208xf32, #tpu.memory_space<vmem>>, vector<16xf32>,
          %mul3A_338 = arith.constant 8 : i32
          %mul3A_339 = arith.muli %while3A_212, %mul3A_338 : i32
          %add3A_340 = arith.constant 5 : i32
          %add3A_341 = arith.addi %mul3A_339, %add3A_340 : i32
          %mul3A_342 = arith.constant 16 : i32
          %mul3A_343 = arith.muli %add3A_341, %mul3A_342 : i32
          %get3A_344 = arith.index_cast %mul3A_343 : i32 to index
          %get3A_345 = tpu.vector_load %arg7[%get3A_344] {strides = array<i32>} : memref<8208xf32, #tpu.memory_space<vmem>>, vector<16xf32>,
          %mul3A_346 = arith.constant 16 : i32
          %mul3A_347 = arith.muli %add3A_341, %mul3A_346 : i32
          %sub3A_348 = arith.constant 4096 : i32
          %sub3A_349 = arith.subi %mul3A_347, %sub3A_348 : i32
          %add3A_350 = vector.broadcast %sub3A_349 : i32 to vector<16xi32>
          %add3A_351 = arith.addi %iota3A, %add3A_350 : vector<16xi32>
          %sub3A_352 = arith.subi %add3A_351, %select_n3A_186 : vector<16xi32>
          %abs3A_353 = math.absi %sub3A_352 : vector<16xi32>
          %convert_element_type3A_354 = arith.sitofp %abs3A_353 : vector<16xi32> to vector<16xf32>
          %mul3A_355 = arith.mulf %get3A_345, %convert_element_type3A_354 : vector<16xf32>
          %add3A_356 = arith.addf %add3A_331, %mul3A_355 : vector<16xf32>
          %broadcast_in_dim3A_357 = arith.constant 0.000000e+00 : f32
          %broadcast_in_dim3A_358 = vector.broadcast %broadcast_in_dim3A_357 : f32 to vector<16xf32>
          %mul3A_359 = arith.constant 16 : i32
          %mul3A_360 = arith.muli %add3A_341, %mul3A_359 : i32
          %swap3A_361 = arith.index_cast %mul3A_360 : i32 to index
          %swap3A_362 = tpu.vector_load %arg7[%swap3A_361] {strides = array<i32>} : memref<8208xf32, #tpu.memory_space<vmem>>, vector<16xf32>,
          tpu.vector_store %arg7[%swap3A_361], %broadcast_in_dim3A_358 {strides = array<i32>} : memref<8208xf32, #tpu.memory_space<vmem>>, vector<16xf32>,
          %mul3A_363 = arith.constant 8 : i32
          %mul3A_364 = arith.muli %while3A_212, %mul3A_363 : i32
          %add3A_365 = arith.constant 6 : i32
          %add3A_366 = arith.addi %mul3A_364, %add3A_365 : i32
          %mul3A_367 = arith.constant 16 : i32
          %mul3A_368 = arith.muli %add3A_366, %mul3A_367 : i32
          %get3A_369 = arith.index_cast %mul3A_368 : i32 to index
          %get3A_370 = tpu.vector_load %arg7[%get3A_369] {strides = array<i32>} : memref<8208xf32, #tpu.memory_space<vmem>>, vector<16xf32>,
          %mul3A_371 = arith.constant 16 : i32
          %mul3A_372 = arith.muli %add3A_366, %mul3A_371 : i32
          %sub3A_373 = arith.constant 4096 : i32
          %sub3A_374 = arith.subi %mul3A_372, %sub3A_373 : i32
          %add3A_375 = vector.broadcast %sub3A_374 : i32 to vector<16xi32>
          %add3A_376 = arith.addi %iota3A, %add3A_375 : vector<16xi32>
          %sub3A_377 = arith.subi %add3A_376, %select_n3A_186 : vector<16xi32>
          %abs3A_378 = math.absi %sub3A_377 : vector<16xi32>
          %convert_element_type3A_379 = arith.sitofp %abs3A_378 : vector<16xi32> to vector<16xf32>
          %mul3A_380 = arith.mulf %get3A_370, %convert_element_type3A_379 : vector<16xf32>
          %add3A_381 = arith.addf %add3A_356, %mul3A_380 : vector<16xf32>
          %broadcast_in_dim3A_382 = arith.constant 0.000000e+00 : f32
          %broadcast_in_dim3A_383 = vector.broadcast %broadcast_in_dim3A_382 : f32 to vector<16xf32>
          %mul3A_384 = arith.constant 16 : i32
          %mul3A_385 = arith.muli %add3A_366, %mul3A_384 : i32
          %swap3A_386 = arith.index_cast %mul3A_385 : i32 to index
          %swap3A_387 = tpu.vector_load %arg7[%swap3A_386] {strides = array<i32>} : memref<8208xf32, #tpu.memory_space<vmem>>, vector<16xf32>,
          tpu.vector_store %arg7[%swap3A_386], %broadcast_in_dim3A_383 {strides = array<i32>} : memref<8208xf32, #tpu.memory_space<vmem>>, vector<16xf32>,
          %mul3A_388 = arith.constant 8 : i32
          %mul3A_389 = arith.muli %while3A_212, %mul3A_388 : i32
          %add3A_390 = arith.constant 7 : i32
          %add3A_391 = arith.addi %mul3A_389, %add3A_390 : i32
          %mul3A_392 = arith.constant 16 : i32
          %mul3A_393 = arith.muli %add3A_391, %mul3A_392 : i32
          %get3A_394 = arith.index_cast %mul3A_393 : i32 to index
          %get3A_395 = tpu.vector_load %arg7[%get3A_394] {strides = array<i32>} : memref<8208xf32, #tpu.memory_space<vmem>>, vector<16xf32>,
          %mul3A_396 = arith.constant 16 : i32
          %mul3A_397 = arith.muli %add3A_391, %mul3A_396 : i32
          %sub3A_398 = arith.constant 4096 : i32
          %sub3A_399 = arith.subi %mul3A_397, %sub3A_398 : i32
          %add3A_400 = vector.broadcast %sub3A_399 : i32 to vector<16xi32>
          %add3A_401 = arith.addi %iota3A, %add3A_400 : vector<16xi32>
          %sub3A_402 = arith.subi %add3A_401, %select_n3A_186 : vector<16xi32>
          %abs3A_403 = math.absi %sub3A_402 : vector<16xi32>
          %convert_element_type3A_404 = arith.sitofp %abs3A_403 : vector<16xi32> to vector<16xf32>
          %mul3A_405 = arith.mulf %get3A_395, %convert_element_type3A_404 : vector<16xf32>
          %add3A_406 = arith.addf %add3A_381, %mul3A_405 : vector<16xf32>
          %broadcast_in_dim3A_407 = arith.constant 0.000000e+00 : f32
          %broadcast_in_dim3A_408 = vector.broadcast %broadcast_in_dim3A_407 : f32 to vector<16xf32>
          %mul3A_409 = arith.constant 16 : i32
          %mul3A_410 = arith.muli %add3A_391, %mul3A_409 : i32
          %swap3A_411 = arith.index_cast %mul3A_410 : i32 to index
          %swap3A_412 = tpu.vector_load %arg7[%swap3A_411] {strides = array<i32>} : memref<8208xf32, #tpu.memory_space<vmem>>, vector<16xf32>,
          tpu.vector_store %arg7[%swap3A_411], %broadcast_in_dim3A_408 {strides = array<i32>} : memref<8208xf32, #tpu.memory_space<vmem>>, vector<16xf32>,
          scf.yield %add3A_406 : vector<16xf32>
        }
        %mul3A_199 = arith.constant 2.44140625E-4 : f32
        %mul3A_200 = vector.broadcast %mul3A_199 : f32 to vector<16xf32>
        %mul3A_201 = arith.mulf %while3A_198, %mul3A_200 : vector<16xf32>
        %reduce_sum3A_202 = arith.constant true
        %reduce_sum3A_203 = vector.broadcast %reduce_sum3A_202 : i1 to vector<16xi1>
        %reduce_sum3A_204 = tpu.scan <sum>, %mul3A_201 masked %reduce_sum3A_203 : vector<16xf32>, vector<16xi1> -> vector<16xf32>
        %reduce_sum3A_205 = vector.extract %reduce_sum3A_204[15] : f32 from vector<16xf32>
        %eq3A = vector.broadcast %scan3A_20 : i32 to vector<16xi32>
        %eq3A_206 = arith.cmpi eq, %iota3A, %eq3A : vector<16xi32>
        %broadcast_in_dim3A_207 = vector.broadcast %reduce_sum3A_205 : f32 to vector<16xf32>
        %get3A = arith.constant 0 : index
        %get3A_208 = tpu.vector_load %arg8[%get3A] {strides = array<i32>} : memref<16xf32, #tpu.memory_space<vmem>>, vector<16xf32>,
        %select_n3A_209 = arith.select %eq3A_206, %broadcast_in_dim3A_207, %get3A_208 : vector<16xi1>, vector<16xf32>
        %swap3A_210 = arith.constant 0 : index
        %swap3A_211 = tpu.vector_load %arg8[%swap3A_210] {strides = array<i32>} : memref<16xf32, #tpu.memory_space<vmem>>, vector<16xf32>,
        tpu.vector_store %arg8[%swap3A_210], %select_n3A_209 {strides = array<i32>} : memref<16xf32, #tpu.memory_space<vmem>>, vector<16xf32>,
      } else {
      }
      %scan3A_27 = arith.constant 0 : i32
      scf.yield %scan3A_27 : i32
    }
    %scan3A_19 = arith.constant 4 : i32
    "tpu.region"() ({
      %run_scoped3A = tpu.sem_alloc : memref<!tpu.dma_semaphore, #tpu.memory_space<semaphore_mem>>
      %dma_start3A = arith.constant 0 : i32
      %dma_start3A_20 = tpu.memref_slice %arg3[%add3A, %dma_start3A] : memref<32x16xf32, #tpu.memory_space<hbm>> -> memref<1x16xf32, #tpu.memory_space<hbm>>
      %dma_start3A_21 = tpu.memref_squeeze %dma_start3A_20 : memref<1x16xf32, #tpu.memory_space<hbm>> -> memref<16xf32, #tpu.memory_space<hbm>>
      %dma_start3A_22 = arith.constant 0 : i32
      %dma_start3A_23 = tpu.memref_slice %arg3[%add3A, %dma_start3A_22] : memref<32x16xf32, #tpu.memory_space<hbm>> -> memref<1x16xf32, #tpu.memory_space<hbm>>
      %dma_start3A_24 = tpu.memref_squeeze %dma_start3A_23 : memref<1x16xf32, #tpu.memory_space<hbm>> -> memref<16xf32, #tpu.memory_space<hbm>>
      tpu.enqueue_dma source(%arg8 : memref<16xf32, #tpu.memory_space<vmem>>) target(%dma_start3A_24 : memref<16xf32, #tpu.memory_space<hbm>>) target_semaphore(%run_scoped3A : memref<!tpu.dma_semaphore, #tpu.memory_space<semaphore_mem>>)
      %dma_wait3A = arith.constant 0 : i32
      %dma_wait3A_25 = tpu.memref_slice %arg3[%add3A, %dma_wait3A] : memref<32x16xf32, #tpu.memory_space<hbm>> -> memref<1x16xf32, #tpu.memory_space<hbm>>
      %dma_wait3A_26 = tpu.memref_squeeze %dma_wait3A_25 : memref<1x16xf32, #tpu.memory_space<hbm>> -> memref<16xf32, #tpu.memory_space<hbm>>
      %dma_wait3A_27 = arith.constant 0 : i32
      %dma_wait3A_28 = tpu.memref_slice %arg3[%add3A, %dma_wait3A_27] : memref<32x16xf32, #tpu.memory_space<hbm>> -> memref<1x16xf32, #tpu.memory_space<hbm>>
      %dma_wait3A_29 = tpu.memref_squeeze %dma_wait3A_28 : memref<1x16xf32, #tpu.memory_space<hbm>> -> memref<16xf32, #tpu.memory_space<hbm>>
      tpu.wait_dma2 semaphore(%run_scoped3A : memref<!tpu.dma_semaphore, #tpu.memory_space<semaphore_mem>>) src(%arg8 : memref<16xf32, #tpu.memory_space<vmem>>) dst(%dma_wait3A_29 : memref<16xf32, #tpu.memory_space<hbm>>)
      tpu.yield
    }) : () -> ()
    return
  }
}

module attributes {stable_mosaic.version = 14 : i64} {
  func.func @_keys_block(%arg0: i32, %arg1: memref<8x64xf32, #tpu.memory_space<vmem>>, %arg2: memref<8x64xf32, #tpu.memory_space<vmem>>, %arg3: memref<64x4096xf32, #tpu.memory_space<vmem>>, %arg4: memref<64x4096xf32, #tpu.memory_space<vmem>>, %arg5: memref<8x8192xi32, #tpu.memory_space<vmem>>) attributes {dimension_semantics = [#tpu.dimension_semantics<arbitrary>], iteration_bounds = array<i64: 16>, scalar_prefetch = 0 : i64, scratch_operands = 0 : i64, tpu.core_type = #tpu.core_type<tc>, window_params = [{transform_indices = @transform_0, window_bounds = array<i64: 8, 64>}, {transform_indices = @transform_1, window_bounds = array<i64: 8, 64>}, {pipeline_mode = #tpu.pipeline_mode<synchronous>, transform_indices = @transform_2, window_bounds = array<i64: 64, 4096>}, {pipeline_mode = #tpu.pipeline_mode<synchronous>, transform_indices = @transform_3, window_bounds = array<i64: 64, 4096>}, {transform_indices = @transform_4, window_bounds = array<i64: 8, 8192>}]} {
    %get3A = arith.constant 0 : index
    %get3A_0 = arith.constant 0 : index
    %get3A_1 = vector.load %arg1[%get3A, %get3A_0] : memref<8x64xf32, #tpu.memory_space<vmem>>, vector<8x64xf32>
    %get3A_2 = arith.constant 0 : index
    %get3A_3 = arith.constant 0 : index
    %get3A_4 = vector.load %arg2[%get3A_2, %get3A_3] : memref<8x64xf32, #tpu.memory_space<vmem>>, vector<8x64xf32>
    %get3A_5 = arith.constant 0 : index
    %get3A_6 = arith.constant 0 : index
    %get3A_7 = vector.load %arg3[%get3A_5, %get3A_6] : memref<64x4096xf32, #tpu.memory_space<vmem>>, vector<64x4096xf32>
    %get3A_8 = arith.constant 0 : index
    %get3A_9 = arith.constant 0 : index
    %get3A_10 = vector.load %arg4[%get3A_8, %get3A_9] : memref<64x4096xf32, #tpu.memory_space<vmem>>, vector<64x4096xf32>
    %dot_general3A = arith.constant dense<0.000000e+00> : vector<8x4096xf32>
    %dot_general3A_11 = tpu.matmul %get3A_1, %get3A_7, %dot_general3A {dimension_numbers = #tpu.dot_dimension_numbers<[1], [0], [0], [1], [0, 0, 1, 1], [], []>, transpose_lhs_hint = false} : vector<8x64xf32>, vector<64x4096xf32>, vector<8x4096xf32> -> vector<8x4096xf32>
    %dot_general3A_12 = arith.constant dense<0.000000e+00> : vector<8x4096xf32>
    %dot_general3A_13 = tpu.matmul %get3A_4, %get3A_7, %dot_general3A_12 {dimension_numbers = #tpu.dot_dimension_numbers<[1], [0], [0], [1], [0, 0, 1, 1], [], []>, transpose_lhs_hint = false} : vector<8x64xf32>, vector<64x4096xf32>, vector<8x4096xf32> -> vector<8x4096xf32>
    %dot_general3A_14 = arith.constant dense<0.000000e+00> : vector<8x4096xf32>
    %dot_general3A_15 = tpu.matmul %get3A_1, %get3A_10, %dot_general3A_14 {dimension_numbers = #tpu.dot_dimension_numbers<[1], [0], [0], [1], [0, 0, 1, 1], [], []>, transpose_lhs_hint = false} : vector<8x64xf32>, vector<64x4096xf32>, vector<8x4096xf32> -> vector<8x4096xf32>
    %dot_general3A_16 = arith.constant dense<0.000000e+00> : vector<8x4096xf32>
    %dot_general3A_17 = tpu.matmul %get3A_4, %get3A_10, %dot_general3A_16 {dimension_numbers = #tpu.dot_dimension_numbers<[1], [0], [0], [1], [0, 0, 1, 1], [], []>, transpose_lhs_hint = false} : vector<8x64xf32>, vector<64x4096xf32>, vector<8x4096xf32> -> vector<8x4096xf32>
    %neg3A = arith.constant 0.000000e+00 : f32
    %neg3A_18 = vector.broadcast %neg3A : f32 to vector<8x4096xf32>
    %neg3A_19 = arith.subf %neg3A_18, %dot_general3A_13 : vector<8x4096xf32>
    %neg3A_20 = arith.constant 0.000000e+00 : f32
    %neg3A_21 = vector.broadcast %neg3A_20 : f32 to vector<8x4096xf32>
    %neg3A_22 = arith.subf %neg3A_21, %dot_general3A_11 : vector<8x4096xf32>
    %atan23A = math.atan2 %neg3A_19, %neg3A_22 : vector<8x4096xf32>
    %add3A = arith.constant 3.14159274 : f32
    %add3A_23 = vector.broadcast %add3A : f32 to vector<8x4096xf32>
    %add3A_24 = arith.addf %atan23A, %add3A_23 : vector<8x4096xf32>
    %mul3A = arith.constant 0.159154937 : f32
    %mul3A_25 = vector.broadcast %mul3A : f32 to vector<8x4096xf32>
    %mul3A_26 = arith.mulf %add3A_24, %mul3A_25 : vector<8x4096xf32>
    %neg3A_27 = arith.constant 0.000000e+00 : f32
    %neg3A_28 = vector.broadcast %neg3A_27 : f32 to vector<8x4096xf32>
    %neg3A_29 = arith.subf %neg3A_28, %dot_general3A_17 : vector<8x4096xf32>
    %neg3A_30 = arith.constant 0.000000e+00 : f32
    %neg3A_31 = vector.broadcast %neg3A_30 : f32 to vector<8x4096xf32>
    %neg3A_32 = arith.subf %neg3A_31, %dot_general3A_15 : vector<8x4096xf32>
    %atan23A_33 = math.atan2 %neg3A_29, %neg3A_32 : vector<8x4096xf32>
    %add3A_34 = arith.constant 3.14159274 : f32
    %add3A_35 = vector.broadcast %add3A_34 : f32 to vector<8x4096xf32>
    %add3A_36 = arith.addf %atan23A_33, %add3A_35 : vector<8x4096xf32>
    %mul3A_37 = arith.constant 0.159154937 : f32
    %mul3A_38 = vector.broadcast %mul3A_37 : f32 to vector<8x4096xf32>
    %mul3A_39 = arith.mulf %add3A_36, %mul3A_38 : vector<8x4096xf32>
    %bitcast3A = tpu.bitcast %mul3A_26 : vector<8x4096xf32> -> vector<8x4096xi32>
    %or3A = arith.constant 1 : i32
    %or3A_40 = vector.broadcast %or3A : i32 to vector<8x4096xi32>
    %or3A_41 = arith.ori %bitcast3A, %or3A_40 : vector<8x4096xi32>
    %bitcast3A_42 = tpu.bitcast %mul3A_39 : vector<8x4096xf32> -> vector<8x4096xi32>
    %and3A = arith.constant -2 : i32
    %and3A_43 = vector.broadcast %and3A : i32 to vector<8x4096xi32>
    %and3A_44 = arith.andi %bitcast3A_42, %and3A_43 : vector<8x4096xi32>
    %concatenate3A = tpu.concatenate %or3A_41, %and3A_44 in 1 : vector<8x4096xi32>, vector<8x4096xi32> -> vector<8x8192xi32>
    %swap3A = arith.constant 0 : index
    %swap3A_45 = arith.constant 0 : index
    %swap3A_46 = vector.load %arg5[%swap3A, %swap3A_45] : memref<8x8192xi32, #tpu.memory_space<vmem>>, vector<8x8192xi32>
    tpu.vector_store %arg5[%swap3A, %swap3A_45], %concatenate3A {strides = array<i32>} : memref<8x8192xi32, #tpu.memory_space<vmem>>, vector<8x8192xi32>,
    return
  }
  func.func @transform_0(%arg0: i32) -> (i32, i32) {
    %c0_i32 = arith.constant 0 : i32
    %c0_i32_0 = arith.constant 0 : i32
    return %arg0, %c0_i32 : i32, i32
  }
  func.func @transform_1(%arg0: i32) -> (i32, i32) {
    %c0_i32 = arith.constant 0 : i32
    %c0_i32_0 = arith.constant 0 : i32
    return %arg0, %c0_i32 : i32, i32
  }
  func.func @transform_2(%arg0: i32) -> (i32, i32) {
    %c0_i32 = arith.constant 0 : i32
    %c0_i32_0 = arith.constant 0 : i32
    %c0_i32_1 = arith.constant 0 : i32
    return %c0_i32, %c0_i32_0 : i32, i32
  }
  func.func @transform_3(%arg0: i32) -> (i32, i32) {
    %c0_i32 = arith.constant 0 : i32
    %c0_i32_0 = arith.constant 0 : i32
    %c0_i32_1 = arith.constant 0 : i32
    return %c0_i32, %c0_i32_0 : i32, i32
  }
  func.func @transform_4(%arg0: i32) -> (i32, i32) {
    %c0_i32 = arith.constant 0 : i32
    %c0_i32_0 = arith.constant 0 : i32
    return %arg0, %c0_i32 : i32, i32
  }
}

module attributes {stable_mosaic.version = 14 : i64} {
  func.func @_w1_block(%arg0: i32, %arg1: memref<8x64xf32, #tpu.memory_space<vmem>>, %arg2: memref<8x64xf32, #tpu.memory_space<vmem>>, %arg3: memref<64x4096xf32, #tpu.memory_space<vmem>>, %arg4: memref<64x4096xf32, #tpu.memory_space<vmem>>, %arg5: memref<1x1x8xf32, #tpu.memory_space<vmem>>) attributes {dimension_semantics = [#tpu.dimension_semantics<arbitrary>], iteration_bounds = array<i64: 9>, scalar_prefetch = 0 : i64, scratch_operands = 0 : i64, tpu.core_type = #tpu.core_type<tc>, window_params = [{transform_indices = @transform_0, window_bounds = array<i64: 8, 64>}, {transform_indices = @transform_1, window_bounds = array<i64: 8, 64>}, {pipeline_mode = #tpu.pipeline_mode<synchronous>, transform_indices = @transform_2, window_bounds = array<i64: 64, 4096>}, {pipeline_mode = #tpu.pipeline_mode<synchronous>, transform_indices = @transform_3, window_bounds = array<i64: 64, 4096>}, {transform_indices = @transform_4, window_bounds = array<i64: 1, 1, 8>}]} {
    %get3A = arith.constant 0 : index
    %get3A_0 = arith.constant 0 : index
    %get3A_1 = vector.load %arg1[%get3A, %get3A_0] : memref<8x64xf32, #tpu.memory_space<vmem>>, vector<8x64xf32>
    %get3A_2 = arith.constant 0 : index
    %get3A_3 = arith.constant 0 : index
    %get3A_4 = vector.load %arg2[%get3A_2, %get3A_3] : memref<8x64xf32, #tpu.memory_space<vmem>>, vector<8x64xf32>
    %get3A_5 = arith.constant 0 : index
    %get3A_6 = arith.constant 0 : index
    %get3A_7 = vector.load %arg3[%get3A_5, %get3A_6] : memref<64x4096xf32, #tpu.memory_space<vmem>>, vector<64x4096xf32>
    %get3A_8 = arith.constant 0 : index
    %get3A_9 = arith.constant 0 : index
    %get3A_10 = vector.load %arg4[%get3A_8, %get3A_9] : memref<64x4096xf32, #tpu.memory_space<vmem>>, vector<64x4096xf32>
    %dot_general3A = arith.constant dense<0.000000e+00> : vector<8x4096xf32>
    %dot_general3A_11 = tpu.matmul %get3A_1, %get3A_7, %dot_general3A {dimension_numbers = #tpu.dot_dimension_numbers<[1], [0], [0], [1], [0, 0, 1, 1], [], []>, transpose_lhs_hint = false} : vector<8x64xf32>, vector<64x4096xf32>, vector<8x4096xf32> -> vector<8x4096xf32>
    %dot_general3A_12 = arith.constant dense<0.000000e+00> : vector<8x4096xf32>
    %dot_general3A_13 = tpu.matmul %get3A_4, %get3A_7, %dot_general3A_12 {dimension_numbers = #tpu.dot_dimension_numbers<[1], [0], [0], [1], [0, 0, 1, 1], [], []>, transpose_lhs_hint = false} : vector<8x64xf32>, vector<64x4096xf32>, vector<8x4096xf32> -> vector<8x4096xf32>
    %dot_general3A_14 = arith.constant dense<0.000000e+00> : vector<8x4096xf32>
    %dot_general3A_15 = tpu.matmul %get3A_1, %get3A_10, %dot_general3A_14 {dimension_numbers = #tpu.dot_dimension_numbers<[1], [0], [0], [1], [0, 0, 1, 1], [], []>, transpose_lhs_hint = false} : vector<8x64xf32>, vector<64x4096xf32>, vector<8x4096xf32> -> vector<8x4096xf32>
    %dot_general3A_16 = arith.constant dense<0.000000e+00> : vector<8x4096xf32>
    %dot_general3A_17 = tpu.matmul %get3A_4, %get3A_10, %dot_general3A_16 {dimension_numbers = #tpu.dot_dimension_numbers<[1], [0], [0], [1], [0, 0, 1, 1], [], []>, transpose_lhs_hint = false} : vector<8x64xf32>, vector<64x4096xf32>, vector<8x4096xf32> -> vector<8x4096xf32>
    %neg3A = arith.constant 0.000000e+00 : f32
    %neg3A_18 = vector.broadcast %neg3A : f32 to vector<8x4096xf32>
    %neg3A_19 = arith.subf %neg3A_18, %dot_general3A_13 : vector<8x4096xf32>
    %neg3A_20 = arith.constant 0.000000e+00 : f32
    %neg3A_21 = vector.broadcast %neg3A_20 : f32 to vector<8x4096xf32>
    %neg3A_22 = arith.subf %neg3A_21, %dot_general3A_11 : vector<8x4096xf32>
    %atan23A = math.atan2 %neg3A_19, %neg3A_22 : vector<8x4096xf32>
    %add3A = arith.constant 3.14159274 : f32
    %add3A_23 = vector.broadcast %add3A : f32 to vector<8x4096xf32>
    %add3A_24 = arith.addf %atan23A, %add3A_23 : vector<8x4096xf32>
    %mul3A = arith.constant 0.159154937 : f32
    %mul3A_25 = vector.broadcast %mul3A : f32 to vector<8x4096xf32>
    %mul3A_26 = arith.mulf %add3A_24, %mul3A_25 : vector<8x4096xf32>
    %neg3A_27 = arith.constant 0.000000e+00 : f32
    %neg3A_28 = vector.broadcast %neg3A_27 : f32 to vector<8x4096xf32>
    %neg3A_29 = arith.subf %neg3A_28, %dot_general3A_17 : vector<8x4096xf32>
    %neg3A_30 = arith.constant 0.000000e+00 : f32
    %neg3A_31 = vector.broadcast %neg3A_30 : f32 to vector<8x4096xf32>
    %neg3A_32 = arith.subf %neg3A_31, %dot_general3A_15 : vector<8x4096xf32>
    %atan23A_33 = math.atan2 %neg3A_29, %neg3A_32 : vector<8x4096xf32>
    %add3A_34 = arith.constant 3.14159274 : f32
    %add3A_35 = vector.broadcast %add3A_34 : f32 to vector<8x4096xf32>
    %add3A_36 = arith.addf %atan23A_33, %add3A_35 : vector<8x4096xf32>
    %mul3A_37 = arith.constant 0.159154937 : f32
    %mul3A_38 = vector.broadcast %mul3A_37 : f32 to vector<8x4096xf32>
    %mul3A_39 = arith.mulf %add3A_36, %mul3A_38 : vector<8x4096xf32>
    %bitcast3A = tpu.bitcast %mul3A_26 : vector<8x4096xf32> -> vector<8x4096xi32>
    %or3A = arith.constant 1 : i32
    %or3A_40 = vector.broadcast %or3A : i32 to vector<8x4096xi32>
    %or3A_41 = arith.ori %bitcast3A, %or3A_40 : vector<8x4096xi32>
    %bitcast3A_42 = tpu.bitcast %mul3A_39 : vector<8x4096xf32> -> vector<8x4096xi32>
    %and3A = arith.constant -2 : i32
    %and3A_43 = vector.broadcast %and3A : i32 to vector<8x4096xi32>
    %and3A_44 = arith.andi %bitcast3A_42, %and3A_43 : vector<8x4096xi32>
    %concatenate3A = tpu.concatenate %or3A_41, %and3A_44 in 1 : vector<8x4096xi32>, vector<8x4096xi32> -> vector<8x8192xi32>
    %iota3A = tpu.iota {dimensions = array<i32: 1>} : vector<8x8192xi32>
    %broadcast_in_dim3A = arith.constant 0 : i32
    %broadcast_in_dim3A_45 = vector.broadcast %broadcast_in_dim3A : i32 to vector<8x8192xi32>
    %and3A_46 = arith.constant 2 : i32
    %and3A_47 = vector.broadcast %and3A_46 : i32 to vector<8x8192xi32>
    %and3A_48 = arith.andi %iota3A, %and3A_47 : vector<8x8192xi32>
    %eq3A = arith.constant 0 : i32
    %eq3A_49 = vector.broadcast %eq3A : i32 to vector<8x8192xi32>
    %eq3A_50 = arith.cmpi eq, %and3A_48, %eq3A_49 : vector<8x8192xi32>
    %jit3A = arith.constant 0 : i32
    %jit3A_51 = arith.constant -1 : i32
    %broadcast_in_dim3A_52 = vector.broadcast %jit3A : i32 to vector<8x8192xi32>
    %broadcast_in_dim3A_53 = vector.broadcast %jit3A_51 : i32 to vector<8x8192xi32>
    %select_n3A = arith.select %eq3A_50, %broadcast_in_dim3A_52, %broadcast_in_dim3A_53 : vector<8x8192xi1>, vector<8x8192xi32>
    %xor3A = arith.xori %broadcast_in_dim3A_45, %select_n3A : vector<8x8192xi32>
    %xor3A_54 = arith.xori %concatenate3A, %xor3A : vector<8x8192xi32>
    %roll3A = arith.constant 8191 : i32
    %roll3A_55 = tpu.dynamic_rotate %xor3A_54 by %roll3A dim 1 : vector<8x8192xi32>, i32 -> vector<8x8192xi32>
    %roll3A_56 = arith.constant 1 : i32
    %roll3A_57 = tpu.dynamic_rotate %xor3A_54 by %roll3A_56 dim 1 : vector<8x8192xi32>, i32 -> vector<8x8192xi32>
    %and3A_58 = arith.constant 1 : i32
    %and3A_59 = vector.broadcast %and3A_58 : i32 to vector<8x8192xi32>
    %and3A_60 = arith.andi %iota3A, %and3A_59 : vector<8x8192xi32>
    %eq3A_61 = arith.constant 0 : i32
    %eq3A_62 = vector.broadcast %eq3A_61 : i32 to vector<8x8192xi32>
    %eq3A_63 = arith.cmpi eq, %and3A_60, %eq3A_62 : vector<8x8192xi32>
    %min3A = arith.minsi %xor3A_54, %roll3A_55 : vector<8x8192xi32>
    %max3A = arith.maxsi %xor3A_54, %roll3A_57 : vector<8x8192xi32>
    %select_n3A_64 = arith.select %eq3A_63, %min3A, %max3A : vector<8x8192xi1>, vector<8x8192xi32>
    %and3A_65 = arith.constant 4 : i32
    %and3A_66 = vector.broadcast %and3A_65 : i32 to vector<8x8192xi32>
    %and3A_67 = arith.andi %iota3A, %and3A_66 : vector<8x8192xi32>
    %eq3A_68 = arith.constant 0 : i32
    %eq3A_69 = vector.broadcast %eq3A_68 : i32 to vector<8x8192xi32>
    %eq3A_70 = arith.cmpi eq, %and3A_67, %eq3A_69 : vector<8x8192xi32>
    %jit3A_71 = arith.constant 0 : i32
    %jit3A_72 = arith.constant -1 : i32
    %broadcast_in_dim3A_73 = vector.broadcast %jit3A_71 : i32 to vector<8x8192xi32>
    %broadcast_in_dim3A_74 = vector.broadcast %jit3A_72 : i32 to vector<8x8192xi32>
    %select_n3A_75 = arith.select %eq3A_70, %broadcast_in_dim3A_73, %broadcast_in_dim3A_74 : vector<8x8192xi1>, vector<8x8192xi32>
    %xor3A_76 = arith.xori %select_n3A, %select_n3A_75 : vector<8x8192xi32>
    %xor3A_77 = arith.xori %select_n3A_64, %xor3A_76 : vector<8x8192xi32>
    %roll3A_78 = arith.constant 8190 : i32
    %roll3A_79 = tpu.dynamic_rotate %xor3A_77 by %roll3A_78 dim 1 : vector<8x8192xi32>, i32 -> vector<8x8192xi32>
    %roll3A_80 = arith.constant 2 : i32
    %roll3A_81 = tpu.dynamic_rotate %xor3A_77 by %roll3A_80 dim 1 : vector<8x8192xi32>, i32 -> vector<8x8192xi32>
    %and3A_82 = arith.constant 2 : i32
    %and3A_83 = vector.broadcast %and3A_82 : i32 to vector<8x8192xi32>
    %and3A_84 = arith.andi %iota3A, %and3A_83 : vector<8x8192xi32>
    %eq3A_85 = arith.constant 0 : i32
    %eq3A_86 = vector.broadcast %eq3A_85 : i32 to vector<8x8192xi32>
    %eq3A_87 = arith.cmpi eq, %and3A_84, %eq3A_86 : vector<8x8192xi32>
    %min3A_88 = arith.minsi %xor3A_77, %roll3A_79 : vector<8x8192xi32>
    %max3A_89 = arith.maxsi %xor3A_77, %roll3A_81 : vector<8x8192xi32>
    %select_n3A_90 = arith.select %eq3A_87, %min3A_88, %max3A_89 : vector<8x8192xi1>, vector<8x8192xi32>
    %roll3A_91 = arith.constant 8191 : i32
    %roll3A_92 = tpu.dynamic_rotate %select_n3A_90 by %roll3A_91 dim 1 : vector<8x8192xi32>, i32 -> vector<8x8192xi32>
    %roll3A_93 = arith.constant 1 : i32
    %roll3A_94 = tpu.dynamic_rotate %select_n3A_90 by %roll3A_93 dim 1 : vector<8x8192xi32>, i32 -> vector<8x8192xi32>
    %and3A_95 = arith.constant 1 : i32
    %and3A_96 = vector.broadcast %and3A_95 : i32 to vector<8x8192xi32>
    %and3A_97 = arith.andi %iota3A, %and3A_96 : vector<8x8192xi32>
    %eq3A_98 = arith.constant 0 : i32
    %eq3A_99 = vector.broadcast %eq3A_98 : i32 to vector<8x8192xi32>
    %eq3A_100 = arith.cmpi eq, %and3A_97, %eq3A_99 : vector<8x8192xi32>
    %min3A_101 = arith.minsi %select_n3A_90, %roll3A_92 : vector<8x8192xi32>
    %max3A_102 = arith.maxsi %select_n3A_90, %roll3A_94 : vector<8x8192xi32>
    %select_n3A_103 = arith.select %eq3A_100, %min3A_101, %max3A_102 : vector<8x8192xi1>, vector<8x8192xi32>
    %and3A_104 = arith.constant 8 : i32
    %and3A_105 = vector.broadcast %and3A_104 : i32 to vector<8x8192xi32>
    %and3A_106 = arith.andi %iota3A, %and3A_105 : vector<8x8192xi32>
    %eq3A_107 = arith.constant 0 : i32
    %eq3A_108 = vector.broadcast %eq3A_107 : i32 to vector<8x8192xi32>
    %eq3A_109 = arith.cmpi eq, %and3A_106, %eq3A_108 : vector<8x8192xi32>
    %jit3A_110 = arith.constant 0 : i32
    %jit3A_111 = arith.constant -1 : i32
    %broadcast_in_dim3A_112 = vector.broadcast %jit3A_110 : i32 to vector<8x8192xi32>
    %broadcast_in_dim3A_113 = vector.broadcast %jit3A_111 : i32 to vector<8x8192xi32>
    %select_n3A_114 = arith.select %eq3A_109, %broadcast_in_dim3A_112, %broadcast_in_dim3A_113 : vector<8x8192xi1>, vector<8x8192xi32>
    %xor3A_115 = arith.xori %select_n3A_75, %select_n3A_114 : vector<8x8192xi32>
    %xor3A_116 = arith.xori %select_n3A_103, %xor3A_115 : vector<8x8192xi32>
    %roll3A_117 = arith.constant 8188 : i32
    %roll3A_118 = tpu.dynamic_rotate %xor3A_116 by %roll3A_117 dim 1 : vector<8x8192xi32>, i32 -> vector<8x8192xi32>
    %roll3A_119 = arith.constant 4 : i32
    %roll3A_120 = tpu.dynamic_rotate %xor3A_116 by %roll3A_119 dim 1 : vector<8x8192xi32>, i32 -> vector<8x8192xi32>
    %and3A_121 = arith.constant 4 : i32
    %and3A_122 = vector.broadcast %and3A_121 : i32 to vector<8x8192xi32>
    %and3A_123 = arith.andi %iota3A, %and3A_122 : vector<8x8192xi32>
    %eq3A_124 = arith.constant 0 : i32
    %eq3A_125 = vector.broadcast %eq3A_124 : i32 to vector<8x8192xi32>
    %eq3A_126 = arith.cmpi eq, %and3A_123, %eq3A_125 : vector<8x8192xi32>
    %min3A_127 = arith.minsi %xor3A_116, %roll3A_118 : vector<8x8192xi32>
    %max3A_128 = arith.maxsi %xor3A_116, %roll3A_120 : vector<8x8192xi32>
    %select_n3A_129 = arith.select %eq3A_126, %min3A_127, %max3A_128 : vector<8x8192xi1>, vector<8x8192xi32>
    %roll3A_130 = arith.constant 8190 : i32
    %roll3A_131 = tpu.dynamic_rotate %select_n3A_129 by %roll3A_130 dim 1 : vector<8x8192xi32>, i32 -> vector<8x8192xi32>
    %roll3A_132 = arith.constant 2 : i32
    %roll3A_133 = tpu.dynamic_rotate %select_n3A_129 by %roll3A_132 dim 1 : vector<8x8192xi32>, i32 -> vector<8x8192xi32>
    %and3A_134 = arith.constant 2 : i32
    %and3A_135 = vector.broadcast %and3A_134 : i32 to vector<8x8192xi32>
    %and3A_136 = arith.andi %iota3A, %and3A_135 : vector<8x8192xi32>
    %eq3A_137 = arith.constant 0 : i32
    %eq3A_138 = vector.broadcast %eq3A_137 : i32 to vector<8x8192xi32>
    %eq3A_139 = arith.cmpi eq, %and3A_136, %eq3A_138 : vector<8x8192xi32>
    %min3A_140 = arith.minsi %select_n3A_129, %roll3A_131 : vector<8x8192xi32>
    %max3A_141 = arith.maxsi %select_n3A_129, %roll3A_133 : vector<8x8192xi32>
    %select_n3A_142 = arith.select %eq3A_139, %min3A_140, %max3A_141 : vector<8x8192xi1>, vector<8x8192xi32>
    %roll3A_143 = arith.constant 8191 : i32
    %roll3A_144 = tpu.dynamic_rotate %select_n3A_142 by %roll3A_143 dim 1 : vector<8x8192xi32>, i32 -> vector<8x8192xi32>
    %roll3A_145 = arith.constant 1 : i32
    %roll3A_146 = tpu.dynamic_rotate %select_n3A_142 by %roll3A_145 dim 1 : vector<8x8192xi32>, i32 -> vector<8x8192xi32>
    %and3A_147 = arith.constant 1 : i32
    %and3A_148 = vector.broadcast %and3A_147 : i32 to vector<8x8192xi32>
    %and3A_149 = arith.andi %iota3A, %and3A_148 : vector<8x8192xi32>
    %eq3A_150 = arith.constant 0 : i32
    %eq3A_151 = vector.broadcast %eq3A_150 : i32 to vector<8x8192xi32>
    %eq3A_152 = arith.cmpi eq, %and3A_149, %eq3A_151 : vector<8x8192xi32>
    %min3A_153 = arith.minsi %select_n3A_142, %roll3A_144 : vector<8x8192xi32>
    %max3A_154 = arith.maxsi %select_n3A_142, %roll3A_146 : vector<8x8192xi32>
    %select_n3A_155 = arith.select %eq3A_152, %min3A_153, %max3A_154 : vector<8x8192xi1>, vector<8x8192xi32>
    %and3A_156 = arith.constant 16 : i32
    %and3A_157 = vector.broadcast %and3A_156 : i32 to vector<8x8192xi32>
    %and3A_158 = arith.andi %iota3A, %and3A_157 : vector<8x8192xi32>
    %eq3A_159 = arith.constant 0 : i32
    %eq3A_160 = vector.broadcast %eq3A_159 : i32 to vector<8x8192xi32>
    %eq3A_161 = arith.cmpi eq, %and3A_158, %eq3A_160 : vector<8x8192xi32>
    %jit3A_162 = arith.constant 0 : i32
    %jit3A_163 = arith.constant -1 : i32
    %broadcast_in_dim3A_164 = vector.broadcast %jit3A_162 : i32 to vector<8x8192xi32>
    %broadcast_in_dim3A_165 = vector.broadcast %jit3A_163 : i32 to vector<8x8192xi32>
    %select_n3A_166 = arith.select %eq3A_161, %broadcast_in_dim3A_164, %broadcast_in_dim3A_165 : vector<8x8192xi1>, vector<8x8192xi32>
    %xor3A_167 = arith.xori %select_n3A_114, %select_n3A_166 : vector<8x8192xi32>
    %xor3A_168 = arith.xori %select_n3A_155, %xor3A_167 : vector<8x8192xi32>
    %roll3A_169 = arith.constant 8184 : i32
    %roll3A_170 = tpu.dynamic_rotate %xor3A_168 by %roll3A_169 dim 1 : vector<8x8192xi32>, i32 -> vector<8x8192xi32>
    %roll3A_171 = arith.constant 8 : i32
    %roll3A_172 = tpu.dynamic_rotate %xor3A_168 by %roll3A_171 dim 1 : vector<8x8192xi32>, i32 -> vector<8x8192xi32>
    %and3A_173 = arith.constant 8 : i32
    %and3A_174 = vector.broadcast %and3A_173 : i32 to vector<8x8192xi32>
    %and3A_175 = arith.andi %iota3A, %and3A_174 : vector<8x8192xi32>
    %eq3A_176 = arith.constant 0 : i32
    %eq3A_177 = vector.broadcast %eq3A_176 : i32 to vector<8x8192xi32>
    %eq3A_178 = arith.cmpi eq, %and3A_175, %eq3A_177 : vector<8x8192xi32>
    %min3A_179 = arith.minsi %xor3A_168, %roll3A_170 : vector<8x8192xi32>
    %max3A_180 = arith.maxsi %xor3A_168, %roll3A_172 : vector<8x8192xi32>
    %select_n3A_181 = arith.select %eq3A_178, %min3A_179, %max3A_180 : vector<8x8192xi1>, vector<8x8192xi32>
    %roll3A_182 = arith.constant 8188 : i32
    %roll3A_183 = tpu.dynamic_rotate %select_n3A_181 by %roll3A_182 dim 1 : vector<8x8192xi32>, i32 -> vector<8x8192xi32>
    %roll3A_184 = arith.constant 4 : i32
    %roll3A_185 = tpu.dynamic_rotate %select_n3A_181 by %roll3A_184 dim 1 : vector<8x8192xi32>, i32 -> vector<8x8192xi32>
    %and3A_186 = arith.constant 4 : i32
    %and3A_187 = vector.broadcast %and3A_186 : i32 to vector<8x8192xi32>
    %and3A_188 = arith.andi %iota3A, %and3A_187 : vector<8x8192xi32>
    %eq3A_189 = arith.constant 0 : i32
    %eq3A_190 = vector.broadcast %eq3A_189 : i32 to vector<8x8192xi32>
    %eq3A_191 = arith.cmpi eq, %and3A_188, %eq3A_190 : vector<8x8192xi32>
    %min3A_192 = arith.minsi %select_n3A_181, %roll3A_183 : vector<8x8192xi32>
    %max3A_193 = arith.maxsi %select_n3A_181, %roll3A_185 : vector<8x8192xi32>
    %select_n3A_194 = arith.select %eq3A_191, %min3A_192, %max3A_193 : vector<8x8192xi1>, vector<8x8192xi32>
    %roll3A_195 = arith.constant 8190 : i32
    %roll3A_196 = tpu.dynamic_rotate %select_n3A_194 by %roll3A_195 dim 1 : vector<8x8192xi32>, i32 -> vector<8x8192xi32>
    %roll3A_197 = arith.constant 2 : i32
    %roll3A_198 = tpu.dynamic_rotate %select_n3A_194 by %roll3A_197 dim 1 : vector<8x8192xi32>, i32 -> vector<8x8192xi32>
    %and3A_199 = arith.constant 2 : i32
    %and3A_200 = vector.broadcast %and3A_199 : i32 to vector<8x8192xi32>
    %and3A_201 = arith.andi %iota3A, %and3A_200 : vector<8x8192xi32>
    %eq3A_202 = arith.constant 0 : i32
    %eq3A_203 = vector.broadcast %eq3A_202 : i32 to vector<8x8192xi32>
    %eq3A_204 = arith.cmpi eq, %and3A_201, %eq3A_203 : vector<8x8192xi32>
    %min3A_205 = arith.minsi %select_n3A_194, %roll3A_196 : vector<8x8192xi32>
    %max3A_206 = arith.maxsi %select_n3A_194, %roll3A_198 : vector<8x8192xi32>
    %select_n3A_207 = arith.select %eq3A_204, %min3A_205, %max3A_206 : vector<8x8192xi1>, vector<8x8192xi32>
    %roll3A_208 = arith.constant 8191 : i32
    %roll3A_209 = tpu.dynamic_rotate %select_n3A_207 by %roll3A_208 dim 1 : vector<8x8192xi32>, i32 -> vector<8x8192xi32>
    %roll3A_210 = arith.constant 1 : i32
    %roll3A_211 = tpu.dynamic_rotate %select_n3A_207 by %roll3A_210 dim 1 : vector<8x8192xi32>, i32 -> vector<8x8192xi32>
    %and3A_212 = arith.constant 1 : i32
    %and3A_213 = vector.broadcast %and3A_212 : i32 to vector<8x8192xi32>
    %and3A_214 = arith.andi %iota3A, %and3A_213 : vector<8x8192xi32>
    %eq3A_215 = arith.constant 0 : i32
    %eq3A_216 = vector.broadcast %eq3A_215 : i32 to vector<8x8192xi32>
    %eq3A_217 = arith.cmpi eq, %and3A_214, %eq3A_216 : vector<8x8192xi32>
    %min3A_218 = arith.minsi %select_n3A_207, %roll3A_209 : vector<8x8192xi32>
    %max3A_219 = arith.maxsi %select_n3A_207, %roll3A_211 : vector<8x8192xi32>
    %select_n3A_220 = arith.select %eq3A_217, %min3A_218, %max3A_219 : vector<8x8192xi1>, vector<8x8192xi32>
    %and3A_221 = arith.constant 32 : i32
    %and3A_222 = vector.broadcast %and3A_221 : i32 to vector<8x8192xi32>
    %and3A_223 = arith.andi %iota3A, %and3A_222 : vector<8x8192xi32>
    %eq3A_224 = arith.constant 0 : i32
    %eq3A_225 = vector.broadcast %eq3A_224 : i32 to vector<8x8192xi32>
    %eq3A_226 = arith.cmpi eq, %and3A_223, %eq3A_225 : vector<8x8192xi32>
    %jit3A_227 = arith.constant 0 : i32
    %jit3A_228 = arith.constant -1 : i32
    %broadcast_in_dim3A_229 = vector.broadcast %jit3A_227 : i32 to vector<8x8192xi32>
    %broadcast_in_dim3A_230 = vector.broadcast %jit3A_228 : i32 to vector<8x8192xi32>
    %select_n3A_231 = arith.select %eq3A_226, %broadcast_in_dim3A_229, %broadcast_in_dim3A_230 : vector<8x8192xi1>, vector<8x8192xi32>
    %xor3A_232 = arith.xori %select_n3A_166, %select_n3A_231 : vector<8x8192xi32>
    %xor3A_233 = arith.xori %select_n3A_220, %xor3A_232 : vector<8x8192xi32>
    %roll3A_234 = arith.constant 8176 : i32
    %roll3A_235 = tpu.dynamic_rotate %xor3A_233 by %roll3A_234 dim 1 : vector<8x8192xi32>, i32 -> vector<8x8192xi32>
    %roll3A_236 = arith.constant 16 : i32
    %roll3A_237 = tpu.dynamic_rotate %xor3A_233 by %roll3A_236 dim 1 : vector<8x8192xi32>, i32 -> vector<8x8192xi32>
    %and3A_238 = arith.constant 16 : i32
    %and3A_239 = vector.broadcast %and3A_238 : i32 to vector<8x8192xi32>
    %and3A_240 = arith.andi %iota3A, %and3A_239 : vector<8x8192xi32>
    %eq3A_241 = arith.constant 0 : i32
    %eq3A_242 = vector.broadcast %eq3A_241 : i32 to vector<8x8192xi32>
    %eq3A_243 = arith.cmpi eq, %and3A_240, %eq3A_242 : vector<8x8192xi32>
    %min3A_244 = arith.minsi %xor3A_233, %roll3A_235 : vector<8x8192xi32>
    %max3A_245 = arith.maxsi %xor3A_233, %roll3A_237 : vector<8x8192xi32>
    %select_n3A_246 = arith.select %eq3A_243, %min3A_244, %max3A_245 : vector<8x8192xi1>, vector<8x8192xi32>
    %roll3A_247 = arith.constant 8184 : i32
    %roll3A_248 = tpu.dynamic_rotate %select_n3A_246 by %roll3A_247 dim 1 : vector<8x8192xi32>, i32 -> vector<8x8192xi32>
    %roll3A_249 = arith.constant 8 : i32
    %roll3A_250 = tpu.dynamic_rotate %select_n3A_246 by %roll3A_249 dim 1 : vector<8x8192xi32>, i32 -> vector<8x8192xi32>
    %and3A_251 = arith.constant 8 : i32
    %and3A_252 = vector.broadcast %and3A_251 : i32 to vector<8x8192xi32>
    %and3A_253 = arith.andi %iota3A, %and3A_252 : vector<8x8192xi32>
    %eq3A_254 = arith.constant 0 : i32
    %eq3A_255 = vector.broadcast %eq3A_254 : i32 to vector<8x8192xi32>
    %eq3A_256 = arith.cmpi eq, %and3A_253, %eq3A_255 : vector<8x8192xi32>
    %min3A_257 = arith.minsi %select_n3A_246, %roll3A_248 : vector<8x8192xi32>
    %max3A_258 = arith.maxsi %select_n3A_246, %roll3A_250 : vector<8x8192xi32>
    %select_n3A_259 = arith.select %eq3A_256, %min3A_257, %max3A_258 : vector<8x8192xi1>, vector<8x8192xi32>
    %roll3A_260 = arith.constant 8188 : i32
    %roll3A_261 = tpu.dynamic_rotate %select_n3A_259 by %roll3A_260 dim 1 : vector<8x8192xi32>, i32 -> vector<8x8192xi32>
    %roll3A_262 = arith.constant 4 : i32
    %roll3A_263 = tpu.dynamic_rotate %select_n3A_259 by %roll3A_262 dim 1 : vector<8x8192xi32>, i32 -> vector<8x8192xi32>
    %and3A_264 = arith.constant 4 : i32
    %and3A_265 = vector.broadcast %and3A_264 : i32 to vector<8x8192xi32>
    %and3A_266 = arith.andi %iota3A, %and3A_265 : vector<8x8192xi32>
    %eq3A_267 = arith.constant 0 : i32
    %eq3A_268 = vector.broadcast %eq3A_267 : i32 to vector<8x8192xi32>
    %eq3A_269 = arith.cmpi eq, %and3A_266, %eq3A_268 : vector<8x8192xi32>
    %min3A_270 = arith.minsi %select_n3A_259, %roll3A_261 : vector<8x8192xi32>
    %max3A_271 = arith.maxsi %select_n3A_259, %roll3A_263 : vector<8x8192xi32>
    %select_n3A_272 = arith.select %eq3A_269, %min3A_270, %max3A_271 : vector<8x8192xi1>, vector<8x8192xi32>
    %roll3A_273 = arith.constant 8190 : i32
    %roll3A_274 = tpu.dynamic_rotate %select_n3A_272 by %roll3A_273 dim 1 : vector<8x8192xi32>, i32 -> vector<8x8192xi32>
    %roll3A_275 = arith.constant 2 : i32
    %roll3A_276 = tpu.dynamic_rotate %select_n3A_272 by %roll3A_275 dim 1 : vector<8x8192xi32>, i32 -> vector<8x8192xi32>
    %and3A_277 = arith.constant 2 : i32
    %and3A_278 = vector.broadcast %and3A_277 : i32 to vector<8x8192xi32>
    %and3A_279 = arith.andi %iota3A, %and3A_278 : vector<8x8192xi32>
    %eq3A_280 = arith.constant 0 : i32
    %eq3A_281 = vector.broadcast %eq3A_280 : i32 to vector<8x8192xi32>
    %eq3A_282 = arith.cmpi eq, %and3A_279, %eq3A_281 : vector<8x8192xi32>
    %min3A_283 = arith.minsi %select_n3A_272, %roll3A_274 : vector<8x8192xi32>
    %max3A_284 = arith.maxsi %select_n3A_272, %roll3A_276 : vector<8x8192xi32>
    %select_n3A_285 = arith.select %eq3A_282, %min3A_283, %max3A_284 : vector<8x8192xi1>, vector<8x8192xi32>
    %roll3A_286 = arith.constant 8191 : i32
    %roll3A_287 = tpu.dynamic_rotate %select_n3A_285 by %roll3A_286 dim 1 : vector<8x8192xi32>, i32 -> vector<8x8192xi32>
    %roll3A_288 = arith.constant 1 : i32
    %roll3A_289 = tpu.dynamic_rotate %select_n3A_285 by %roll3A_288 dim 1 : vector<8x8192xi32>, i32 -> vector<8x8192xi32>
    %and3A_290 = arith.constant 1 : i32
    %and3A_291 = vector.broadcast %and3A_290 : i32 to vector<8x8192xi32>
    %and3A_292 = arith.andi %iota3A, %and3A_291 : vector<8x8192xi32>
    %eq3A_293 = arith.constant 0 : i32
    %eq3A_294 = vector.broadcast %eq3A_293 : i32 to vector<8x8192xi32>
    %eq3A_295 = arith.cmpi eq, %and3A_292, %eq3A_294 : vector<8x8192xi32>
    %min3A_296 = arith.minsi %select_n3A_285, %roll3A_287 : vector<8x8192xi32>
    %max3A_297 = arith.maxsi %select_n3A_285, %roll3A_289 : vector<8x8192xi32>
    %select_n3A_298 = arith.select %eq3A_295, %min3A_296, %max3A_297 : vector<8x8192xi1>, vector<8x8192xi32>
    %and3A_299 = arith.constant 64 : i32
    %and3A_300 = vector.broadcast %and3A_299 : i32 to vector<8x8192xi32>
    %and3A_301 = arith.andi %iota3A, %and3A_300 : vector<8x8192xi32>
    %eq3A_302 = arith.constant 0 : i32
    %eq3A_303 = vector.broadcast %eq3A_302 : i32 to vector<8x8192xi32>
    %eq3A_304 = arith.cmpi eq, %and3A_301, %eq3A_303 : vector<8x8192xi32>
    %jit3A_305 = arith.constant 0 : i32
    %jit3A_306 = arith.constant -1 : i32
    %broadcast_in_dim3A_307 = vector.broadcast %jit3A_305 : i32 to vector<8x8192xi32>
    %broadcast_in_dim3A_308 = vector.broadcast %jit3A_306 : i32 to vector<8x8192xi32>
    %select_n3A_309 = arith.select %eq3A_304, %broadcast_in_dim3A_307, %broadcast_in_dim3A_308 : vector<8x8192xi1>, vector<8x8192xi32>
    %xor3A_310 = arith.xori %select_n3A_231, %select_n3A_309 : vector<8x8192xi32>
    %xor3A_311 = arith.xori %select_n3A_298, %xor3A_310 : vector<8x8192xi32>
    %roll3A_312 = arith.constant 8160 : i32
    %roll3A_313 = tpu.dynamic_rotate %xor3A_311 by %roll3A_312 dim 1 : vector<8x8192xi32>, i32 -> vector<8x8192xi32>
    %roll3A_314 = arith.constant 32 : i32
    %roll3A_315 = tpu.dynamic_rotate %xor3A_311 by %roll3A_314 dim 1 : vector<8x8192xi32>, i32 -> vector<8x8192xi32>
    %and3A_316 = arith.constant 32 : i32
    %and3A_317 = vector.broadcast %and3A_316 : i32 to vector<8x8192xi32>
    %and3A_318 = arith.andi %iota3A, %and3A_317 : vector<8x8192xi32>
    %eq3A_319 = arith.constant 0 : i32
    %eq3A_320 = vector.broadcast %eq3A_319 : i32 to vector<8x8192xi32>
    %eq3A_321 = arith.cmpi eq, %and3A_318, %eq3A_320 : vector<8x8192xi32>
    %min3A_322 = arith.minsi %xor3A_311, %roll3A_313 : vector<8x8192xi32>
    %max3A_323 = arith.maxsi %xor3A_311, %roll3A_315 : vector<8x8192xi32>
    %select_n3A_324 = arith.select %eq3A_321, %min3A_322, %max3A_323 : vector<8x8192xi1>, vector<8x8192xi32>
    %roll3A_325 = arith.constant 8176 : i32
    %roll3A_326 = tpu.dynamic_rotate %select_n3A_324 by %roll3A_325 dim 1 : vector<8x8192xi32>, i32 -> vector<8x8192xi32>
    %roll3A_327 = arith.constant 16 : i32
    %roll3A_328 = tpu.dynamic_rotate %select_n3A_324 by %roll3A_327 dim 1 : vector<8x8192xi32>, i32 -> vector<8x8192xi32>
    %and3A_329 = arith.constant 16 : i32
    %and3A_330 = vector.broadcast %and3A_329 : i32 to vector<8x8192xi32>
    %and3A_331 = arith.andi %iota3A, %and3A_330 : vector<8x8192xi32>
    %eq3A_332 = arith.constant 0 : i32
    %eq3A_333 = vector.broadcast %eq3A_332 : i32 to vector<8x8192xi32>
    %eq3A_334 = arith.cmpi eq, %and3A_331, %eq3A_333 : vector<8x8192xi32>
    %min3A_335 = arith.minsi %select_n3A_324, %roll3A_326 : vector<8x8192xi32>
    %max3A_336 = arith.maxsi %select_n3A_324, %roll3A_328 : vector<8x8192xi32>
    %select_n3A_337 = arith.select %eq3A_334, %min3A_335, %max3A_336 : vector<8x8192xi1>, vector<8x8192xi32>
    %roll3A_338 = arith.constant 8184 : i32
    %roll3A_339 = tpu.dynamic_rotate %select_n3A_337 by %roll3A_338 dim 1 : vector<8x8192xi32>, i32 -> vector<8x8192xi32>
    %roll3A_340 = arith.constant 8 : i32
    %roll3A_341 = tpu.dynamic_rotate %select_n3A_337 by %roll3A_340 dim 1 : vector<8x8192xi32>, i32 -> vector<8x8192xi32>
    %and3A_342 = arith.constant 8 : i32
    %and3A_343 = vector.broadcast %and3A_342 : i32 to vector<8x8192xi32>
    %and3A_344 = arith.andi %iota3A, %and3A_343 : vector<8x8192xi32>
    %eq3A_345 = arith.constant 0 : i32
    %eq3A_346 = vector.broadcast %eq3A_345 : i32 to vector<8x8192xi32>
    %eq3A_347 = arith.cmpi eq, %and3A_344, %eq3A_346 : vector<8x8192xi32>
    %min3A_348 = arith.minsi %select_n3A_337, %roll3A_339 : vector<8x8192xi32>
    %max3A_349 = arith.maxsi %select_n3A_337, %roll3A_341 : vector<8x8192xi32>
    %select_n3A_350 = arith.select %eq3A_347, %min3A_348, %max3A_349 : vector<8x8192xi1>, vector<8x8192xi32>
    %roll3A_351 = arith.constant 8188 : i32
    %roll3A_352 = tpu.dynamic_rotate %select_n3A_350 by %roll3A_351 dim 1 : vector<8x8192xi32>, i32 -> vector<8x8192xi32>
    %roll3A_353 = arith.constant 4 : i32
    %roll3A_354 = tpu.dynamic_rotate %select_n3A_350 by %roll3A_353 dim 1 : vector<8x8192xi32>, i32 -> vector<8x8192xi32>
    %and3A_355 = arith.constant 4 : i32
    %and3A_356 = vector.broadcast %and3A_355 : i32 to vector<8x8192xi32>
    %and3A_357 = arith.andi %iota3A, %and3A_356 : vector<8x8192xi32>
    %eq3A_358 = arith.constant 0 : i32
    %eq3A_359 = vector.broadcast %eq3A_358 : i32 to vector<8x8192xi32>
    %eq3A_360 = arith.cmpi eq, %and3A_357, %eq3A_359 : vector<8x8192xi32>
    %min3A_361 = arith.minsi %select_n3A_350, %roll3A_352 : vector<8x8192xi32>
    %max3A_362 = arith.maxsi %select_n3A_350, %roll3A_354 : vector<8x8192xi32>
    %select_n3A_363 = arith.select %eq3A_360, %min3A_361, %max3A_362 : vector<8x8192xi1>, vector<8x8192xi32>
    %roll3A_364 = arith.constant 8190 : i32
    %roll3A_365 = tpu.dynamic_rotate %select_n3A_363 by %roll3A_364 dim 1 : vector<8x8192xi32>, i32 -> vector<8x8192xi32>
    %roll3A_366 = arith.constant 2 : i32
    %roll3A_367 = tpu.dynamic_rotate %select_n3A_363 by %roll3A_366 dim 1 : vector<8x8192xi32>, i32 -> vector<8x8192xi32>
    %and3A_368 = arith.constant 2 : i32
    %and3A_369 = vector.broadcast %and3A_368 : i32 to vector<8x8192xi32>
    %and3A_370 = arith.andi %iota3A, %and3A_369 : vector<8x8192xi32>
    %eq3A_371 = arith.constant 0 : i32
    %eq3A_372 = vector.broadcast %eq3A_371 : i32 to vector<8x8192xi32>
    %eq3A_373 = arith.cmpi eq, %and3A_370, %eq3A_372 : vector<8x8192xi32>
    %min3A_374 = arith.minsi %select_n3A_363, %roll3A_365 : vector<8x8192xi32>
    %max3A_375 = arith.maxsi %select_n3A_363, %roll3A_367 : vector<8x8192xi32>
    %select_n3A_376 = arith.select %eq3A_373, %min3A_374, %max3A_375 : vector<8x8192xi1>, vector<8x8192xi32>
    %roll3A_377 = arith.constant 8191 : i32
    %roll3A_378 = tpu.dynamic_rotate %select_n3A_376 by %roll3A_377 dim 1 : vector<8x8192xi32>, i32 -> vector<8x8192xi32>
    %roll3A_379 = arith.constant 1 : i32
    %roll3A_380 = tpu.dynamic_rotate %select_n3A_376 by %roll3A_379 dim 1 : vector<8x8192xi32>, i32 -> vector<8x8192xi32>
    %and3A_381 = arith.constant 1 : i32
    %and3A_382 = vector.broadcast %and3A_381 : i32 to vector<8x8192xi32>
    %and3A_383 = arith.andi %iota3A, %and3A_382 : vector<8x8192xi32>
    %eq3A_384 = arith.constant 0 : i32
    %eq3A_385 = vector.broadcast %eq3A_384 : i32 to vector<8x8192xi32>
    %eq3A_386 = arith.cmpi eq, %and3A_383, %eq3A_385 : vector<8x8192xi32>
    %min3A_387 = arith.minsi %select_n3A_376, %roll3A_378 : vector<8x8192xi32>
    %max3A_388 = arith.maxsi %select_n3A_376, %roll3A_380 : vector<8x8192xi32>
    %select_n3A_389 = arith.select %eq3A_386, %min3A_387, %max3A_388 : vector<8x8192xi1>, vector<8x8192xi32>
    %and3A_390 = arith.constant 128 : i32
    %and3A_391 = vector.broadcast %and3A_390 : i32 to vector<8x8192xi32>
    %and3A_392 = arith.andi %iota3A, %and3A_391 : vector<8x8192xi32>
    %eq3A_393 = arith.constant 0 : i32
    %eq3A_394 = vector.broadcast %eq3A_393 : i32 to vector<8x8192xi32>
    %eq3A_395 = arith.cmpi eq, %and3A_392, %eq3A_394 : vector<8x8192xi32>
    %jit3A_396 = arith.constant 0 : i32
    %jit3A_397 = arith.constant -1 : i32
    %broadcast_in_dim3A_398 = vector.broadcast %jit3A_396 : i32 to vector<8x8192xi32>
    %broadcast_in_dim3A_399 = vector.broadcast %jit3A_397 : i32 to vector<8x8192xi32>
    %select_n3A_400 = arith.select %eq3A_395, %broadcast_in_dim3A_398, %broadcast_in_dim3A_399 : vector<8x8192xi1>, vector<8x8192xi32>
    %xor3A_401 = arith.xori %select_n3A_309, %select_n3A_400 : vector<8x8192xi32>
    %xor3A_402 = arith.xori %select_n3A_389, %xor3A_401 : vector<8x8192xi32>
    %roll3A_403 = arith.constant 8128 : i32
    %roll3A_404 = tpu.dynamic_rotate %xor3A_402 by %roll3A_403 dim 1 : vector<8x8192xi32>, i32 -> vector<8x8192xi32>
    %roll3A_405 = arith.constant 64 : i32
    %roll3A_406 = tpu.dynamic_rotate %xor3A_402 by %roll3A_405 dim 1 : vector<8x8192xi32>, i32 -> vector<8x8192xi32>
    %and3A_407 = arith.constant 64 : i32
    %and3A_408 = vector.broadcast %and3A_407 : i32 to vector<8x8192xi32>
    %and3A_409 = arith.andi %iota3A, %and3A_408 : vector<8x8192xi32>
    %eq3A_410 = arith.constant 0 : i32
    %eq3A_411 = vector.broadcast %eq3A_410 : i32 to vector<8x8192xi32>
    %eq3A_412 = arith.cmpi eq, %and3A_409, %eq3A_411 : vector<8x8192xi32>
    %min3A_413 = arith.minsi %xor3A_402, %roll3A_404 : vector<8x8192xi32>
    %max3A_414 = arith.maxsi %xor3A_402, %roll3A_406 : vector<8x8192xi32>
    %select_n3A_415 = arith.select %eq3A_412, %min3A_413, %max3A_414 : vector<8x8192xi1>, vector<8x8192xi32>
    %roll3A_416 = arith.constant 8160 : i32
    %roll3A_417 = tpu.dynamic_rotate %select_n3A_415 by %roll3A_416 dim 1 : vector<8x8192xi32>, i32 -> vector<8x8192xi32>
    %roll3A_418 = arith.constant 32 : i32
    %roll3A_419 = tpu.dynamic_rotate %select_n3A_415 by %roll3A_418 dim 1 : vector<8x8192xi32>, i32 -> vector<8x8192xi32>
    %and3A_420 = arith.constant 32 : i32
    %and3A_421 = vector.broadcast %and3A_420 : i32 to vector<8x8192xi32>
    %and3A_422 = arith.andi %iota3A, %and3A_421 : vector<8x8192xi32>
    %eq3A_423 = arith.constant 0 : i32
    %eq3A_424 = vector.broadcast %eq3A_423 : i32 to vector<8x8192xi32>
    %eq3A_425 = arith.cmpi eq, %and3A_422, %eq3A_424 : vector<8x8192xi32>
    %min3A_426 = arith.minsi %select_n3A_415, %roll3A_417 : vector<8x8192xi32>
    %max3A_427 = arith.maxsi %select_n3A_415, %roll3A_419 : vector<8x8192xi32>
    %select_n3A_428 = arith.select %eq3A_425, %min3A_426, %max3A_427 : vector<8x8192xi1>, vector<8x8192xi32>
    %roll3A_429 = arith.constant 8176 : i32
    %roll3A_430 = tpu.dynamic_rotate %select_n3A_428 by %roll3A_429 dim 1 : vector<8x8192xi32>, i32 -> vector<8x8192xi32>
    %roll3A_431 = arith.constant 16 : i32
    %roll3A_432 = tpu.dynamic_rotate %select_n3A_428 by %roll3A_431 dim 1 : vector<8x8192xi32>, i32 -> vector<8x8192xi32>
    %and3A_433 = arith.constant 16 : i32
    %and3A_434 = vector.broadcast %and3A_433 : i32 to vector<8x8192xi32>
    %and3A_435 = arith.andi %iota3A, %and3A_434 : vector<8x8192xi32>
    %eq3A_436 = arith.constant 0 : i32
    %eq3A_437 = vector.broadcast %eq3A_436 : i32 to vector<8x8192xi32>
    %eq3A_438 = arith.cmpi eq, %and3A_435, %eq3A_437 : vector<8x8192xi32>
    %min3A_439 = arith.minsi %select_n3A_428, %roll3A_430 : vector<8x8192xi32>
    %max3A_440 = arith.maxsi %select_n3A_428, %roll3A_432 : vector<8x8192xi32>
    %select_n3A_441 = arith.select %eq3A_438, %min3A_439, %max3A_440 : vector<8x8192xi1>, vector<8x8192xi32>
    %roll3A_442 = arith.constant 8184 : i32
    %roll3A_443 = tpu.dynamic_rotate %select_n3A_441 by %roll3A_442 dim 1 : vector<8x8192xi32>, i32 -> vector<8x8192xi32>
    %roll3A_444 = arith.constant 8 : i32
    %roll3A_445 = tpu.dynamic_rotate %select_n3A_441 by %roll3A_444 dim 1 : vector<8x8192xi32>, i32 -> vector<8x8192xi32>
    %and3A_446 = arith.constant 8 : i32
    %and3A_447 = vector.broadcast %and3A_446 : i32 to vector<8x8192xi32>
    %and3A_448 = arith.andi %iota3A, %and3A_447 : vector<8x8192xi32>
    %eq3A_449 = arith.constant 0 : i32
    %eq3A_450 = vector.broadcast %eq3A_449 : i32 to vector<8x8192xi32>
    %eq3A_451 = arith.cmpi eq, %and3A_448, %eq3A_450 : vector<8x8192xi32>
    %min3A_452 = arith.minsi %select_n3A_441, %roll3A_443 : vector<8x8192xi32>
    %max3A_453 = arith.maxsi %select_n3A_441, %roll3A_445 : vector<8x8192xi32>
    %select_n3A_454 = arith.select %eq3A_451, %min3A_452, %max3A_453 : vector<8x8192xi1>, vector<8x8192xi32>
    %roll3A_455 = arith.constant 8188 : i32
    %roll3A_456 = tpu.dynamic_rotate %select_n3A_454 by %roll3A_455 dim 1 : vector<8x8192xi32>, i32 -> vector<8x8192xi32>
    %roll3A_457 = arith.constant 4 : i32
    %roll3A_458 = tpu.dynamic_rotate %select_n3A_454 by %roll3A_457 dim 1 : vector<8x8192xi32>, i32 -> vector<8x8192xi32>
    %and3A_459 = arith.constant 4 : i32
    %and3A_460 = vector.broadcast %and3A_459 : i32 to vector<8x8192xi32>
    %and3A_461 = arith.andi %iota3A, %and3A_460 : vector<8x8192xi32>
    %eq3A_462 = arith.constant 0 : i32
    %eq3A_463 = vector.broadcast %eq3A_462 : i32 to vector<8x8192xi32>
    %eq3A_464 = arith.cmpi eq, %and3A_461, %eq3A_463 : vector<8x8192xi32>
    %min3A_465 = arith.minsi %select_n3A_454, %roll3A_456 : vector<8x8192xi32>
    %max3A_466 = arith.maxsi %select_n3A_454, %roll3A_458 : vector<8x8192xi32>
    %select_n3A_467 = arith.select %eq3A_464, %min3A_465, %max3A_466 : vector<8x8192xi1>, vector<8x8192xi32>
    %roll3A_468 = arith.constant 8190 : i32
    %roll3A_469 = tpu.dynamic_rotate %select_n3A_467 by %roll3A_468 dim 1 : vector<8x8192xi32>, i32 -> vector<8x8192xi32>
    %roll3A_470 = arith.constant 2 : i32
    %roll3A_471 = tpu.dynamic_rotate %select_n3A_467 by %roll3A_470 dim 1 : vector<8x8192xi32>, i32 -> vector<8x8192xi32>
    %and3A_472 = arith.constant 2 : i32
    %and3A_473 = vector.broadcast %and3A_472 : i32 to vector<8x8192xi32>
    %and3A_474 = arith.andi %iota3A, %and3A_473 : vector<8x8192xi32>
    %eq3A_475 = arith.constant 0 : i32
    %eq3A_476 = vector.broadcast %eq3A_475 : i32 to vector<8x8192xi32>
    %eq3A_477 = arith.cmpi eq, %and3A_474, %eq3A_476 : vector<8x8192xi32>
    %min3A_478 = arith.minsi %select_n3A_467, %roll3A_469 : vector<8x8192xi32>
    %max3A_479 = arith.maxsi %select_n3A_467, %roll3A_471 : vector<8x8192xi32>
    %select_n3A_480 = arith.select %eq3A_477, %min3A_478, %max3A_479 : vector<8x8192xi1>, vector<8x8192xi32>
    %roll3A_481 = arith.constant 8191 : i32
    %roll3A_482 = tpu.dynamic_rotate %select_n3A_480 by %roll3A_481 dim 1 : vector<8x8192xi32>, i32 -> vector<8x8192xi32>
    %roll3A_483 = arith.constant 1 : i32
    %roll3A_484 = tpu.dynamic_rotate %select_n3A_480 by %roll3A_483 dim 1 : vector<8x8192xi32>, i32 -> vector<8x8192xi32>
    %and3A_485 = arith.constant 1 : i32
    %and3A_486 = vector.broadcast %and3A_485 : i32 to vector<8x8192xi32>
    %and3A_487 = arith.andi %iota3A, %and3A_486 : vector<8x8192xi32>
    %eq3A_488 = arith.constant 0 : i32
    %eq3A_489 = vector.broadcast %eq3A_488 : i32 to vector<8x8192xi32>
    %eq3A_490 = arith.cmpi eq, %and3A_487, %eq3A_489 : vector<8x8192xi32>
    %min3A_491 = arith.minsi %select_n3A_480, %roll3A_482 : vector<8x8192xi32>
    %max3A_492 = arith.maxsi %select_n3A_480, %roll3A_484 : vector<8x8192xi32>
    %select_n3A_493 = arith.select %eq3A_490, %min3A_491, %max3A_492 : vector<8x8192xi1>, vector<8x8192xi32>
    %and3A_494 = arith.constant 256 : i32
    %and3A_495 = vector.broadcast %and3A_494 : i32 to vector<8x8192xi32>
    %and3A_496 = arith.andi %iota3A, %and3A_495 : vector<8x8192xi32>
    %eq3A_497 = arith.constant 0 : i32
    %eq3A_498 = vector.broadcast %eq3A_497 : i32 to vector<8x8192xi32>
    %eq3A_499 = arith.cmpi eq, %and3A_496, %eq3A_498 : vector<8x8192xi32>
    %jit3A_500 = arith.constant 0 : i32
    %jit3A_501 = arith.constant -1 : i32
    %broadcast_in_dim3A_502 = vector.broadcast %jit3A_500 : i32 to vector<8x8192xi32>
    %broadcast_in_dim3A_503 = vector.broadcast %jit3A_501 : i32 to vector<8x8192xi32>
    %select_n3A_504 = arith.select %eq3A_499, %broadcast_in_dim3A_502, %broadcast_in_dim3A_503 : vector<8x8192xi1>, vector<8x8192xi32>
    %xor3A_505 = arith.xori %select_n3A_400, %select_n3A_504 : vector<8x8192xi32>
    %xor3A_506 = arith.xori %select_n3A_493, %xor3A_505 : vector<8x8192xi32>
    %roll3A_507 = arith.constant 8064 : i32
    %roll3A_508 = tpu.dynamic_rotate %xor3A_506 by %roll3A_507 dim 1 : vector<8x8192xi32>, i32 -> vector<8x8192xi32>
    %roll3A_509 = arith.constant 128 : i32
    %roll3A_510 = tpu.dynamic_rotate %xor3A_506 by %roll3A_509 dim 1 : vector<8x8192xi32>, i32 -> vector<8x8192xi32>
    %and3A_511 = arith.constant 128 : i32
    %and3A_512 = vector.broadcast %and3A_511 : i32 to vector<8x8192xi32>
    %and3A_513 = arith.andi %iota3A, %and3A_512 : vector<8x8192xi32>
    %eq3A_514 = arith.constant 0 : i32
    %eq3A_515 = vector.broadcast %eq3A_514 : i32 to vector<8x8192xi32>
    %eq3A_516 = arith.cmpi eq, %and3A_513, %eq3A_515 : vector<8x8192xi32>
    %min3A_517 = arith.minsi %xor3A_506, %roll3A_508 : vector<8x8192xi32>
    %max3A_518 = arith.maxsi %xor3A_506, %roll3A_510 : vector<8x8192xi32>
    %select_n3A_519 = arith.select %eq3A_516, %min3A_517, %max3A_518 : vector<8x8192xi1>, vector<8x8192xi32>
    %roll3A_520 = arith.constant 8128 : i32
    %roll3A_521 = tpu.dynamic_rotate %select_n3A_519 by %roll3A_520 dim 1 : vector<8x8192xi32>, i32 -> vector<8x8192xi32>
    %roll3A_522 = arith.constant 64 : i32
    %roll3A_523 = tpu.dynamic_rotate %select_n3A_519 by %roll3A_522 dim 1 : vector<8x8192xi32>, i32 -> vector<8x8192xi32>
    %and3A_524 = arith.constant 64 : i32
    %and3A_525 = vector.broadcast %and3A_524 : i32 to vector<8x8192xi32>
    %and3A_526 = arith.andi %iota3A, %and3A_525 : vector<8x8192xi32>
    %eq3A_527 = arith.constant 0 : i32
    %eq3A_528 = vector.broadcast %eq3A_527 : i32 to vector<8x8192xi32>
    %eq3A_529 = arith.cmpi eq, %and3A_526, %eq3A_528 : vector<8x8192xi32>
    %min3A_530 = arith.minsi %select_n3A_519, %roll3A_521 : vector<8x8192xi32>
    %max3A_531 = arith.maxsi %select_n3A_519, %roll3A_523 : vector<8x8192xi32>
    %select_n3A_532 = arith.select %eq3A_529, %min3A_530, %max3A_531 : vector<8x8192xi1>, vector<8x8192xi32>
    %roll3A_533 = arith.constant 8160 : i32
    %roll3A_534 = tpu.dynamic_rotate %select_n3A_532 by %roll3A_533 dim 1 : vector<8x8192xi32>, i32 -> vector<8x8192xi32>
    %roll3A_535 = arith.constant 32 : i32
    %roll3A_536 = tpu.dynamic_rotate %select_n3A_532 by %roll3A_535 dim 1 : vector<8x8192xi32>, i32 -> vector<8x8192xi32>
    %and3A_537 = arith.constant 32 : i32
    %and3A_538 = vector.broadcast %and3A_537 : i32 to vector<8x8192xi32>
    %and3A_539 = arith.andi %iota3A, %and3A_538 : vector<8x8192xi32>
    %eq3A_540 = arith.constant 0 : i32
    %eq3A_541 = vector.broadcast %eq3A_540 : i32 to vector<8x8192xi32>
    %eq3A_542 = arith.cmpi eq, %and3A_539, %eq3A_541 : vector<8x8192xi32>
    %min3A_543 = arith.minsi %select_n3A_532, %roll3A_534 : vector<8x8192xi32>
    %max3A_544 = arith.maxsi %select_n3A_532, %roll3A_536 : vector<8x8192xi32>
    %select_n3A_545 = arith.select %eq3A_542, %min3A_543, %max3A_544 : vector<8x8192xi1>, vector<8x8192xi32>
    %roll3A_546 = arith.constant 8176 : i32
    %roll3A_547 = tpu.dynamic_rotate %select_n3A_545 by %roll3A_546 dim 1 : vector<8x8192xi32>, i32 -> vector<8x8192xi32>
    %roll3A_548 = arith.constant 16 : i32
    %roll3A_549 = tpu.dynamic_rotate %select_n3A_545 by %roll3A_548 dim 1 : vector<8x8192xi32>, i32 -> vector<8x8192xi32>
    %and3A_550 = arith.constant 16 : i32
    %and3A_551 = vector.broadcast %and3A_550 : i32 to vector<8x8192xi32>
    %and3A_552 = arith.andi %iota3A, %and3A_551 : vector<8x8192xi32>
    %eq3A_553 = arith.constant 0 : i32
    %eq3A_554 = vector.broadcast %eq3A_553 : i32 to vector<8x8192xi32>
    %eq3A_555 = arith.cmpi eq, %and3A_552, %eq3A_554 : vector<8x8192xi32>
    %min3A_556 = arith.minsi %select_n3A_545, %roll3A_547 : vector<8x8192xi32>
    %max3A_557 = arith.maxsi %select_n3A_545, %roll3A_549 : vector<8x8192xi32>
    %select_n3A_558 = arith.select %eq3A_555, %min3A_556, %max3A_557 : vector<8x8192xi1>, vector<8x8192xi32>
    %roll3A_559 = arith.constant 8184 : i32
    %roll3A_560 = tpu.dynamic_rotate %select_n3A_558 by %roll3A_559 dim 1 : vector<8x8192xi32>, i32 -> vector<8x8192xi32>
    %roll3A_561 = arith.constant 8 : i32
    %roll3A_562 = tpu.dynamic_rotate %select_n3A_558 by %roll3A_561 dim 1 : vector<8x8192xi32>, i32 -> vector<8x8192xi32>
    %and3A_563 = arith.constant 8 : i32
    %and3A_564 = vector.broadcast %and3A_563 : i32 to vector<8x8192xi32>
    %and3A_565 = arith.andi %iota3A, %and3A_564 : vector<8x8192xi32>
    %eq3A_566 = arith.constant 0 : i32
    %eq3A_567 = vector.broadcast %eq3A_566 : i32 to vector<8x8192xi32>
    %eq3A_568 = arith.cmpi eq, %and3A_565, %eq3A_567 : vector<8x8192xi32>
    %min3A_569 = arith.minsi %select_n3A_558, %roll3A_560 : vector<8x8192xi32>
    %max3A_570 = arith.maxsi %select_n3A_558, %roll3A_562 : vector<8x8192xi32>
    %select_n3A_571 = arith.select %eq3A_568, %min3A_569, %max3A_570 : vector<8x8192xi1>, vector<8x8192xi32>
    %roll3A_572 = arith.constant 8188 : i32
    %roll3A_573 = tpu.dynamic_rotate %select_n3A_571 by %roll3A_572 dim 1 : vector<8x8192xi32>, i32 -> vector<8x8192xi32>
    %roll3A_574 = arith.constant 4 : i32
    %roll3A_575 = tpu.dynamic_rotate %select_n3A_571 by %roll3A_574 dim 1 : vector<8x8192xi32>, i32 -> vector<8x8192xi32>
    %and3A_576 = arith.constant 4 : i32
    %and3A_577 = vector.broadcast %and3A_576 : i32 to vector<8x8192xi32>
    %and3A_578 = arith.andi %iota3A, %and3A_577 : vector<8x8192xi32>
    %eq3A_579 = arith.constant 0 : i32
    %eq3A_580 = vector.broadcast %eq3A_579 : i32 to vector<8x8192xi32>
    %eq3A_581 = arith.cmpi eq, %and3A_578, %eq3A_580 : vector<8x8192xi32>
    %min3A_582 = arith.minsi %select_n3A_571, %roll3A_573 : vector<8x8192xi32>
    %max3A_583 = arith.maxsi %select_n3A_571, %roll3A_575 : vector<8x8192xi32>
    %select_n3A_584 = arith.select %eq3A_581, %min3A_582, %max3A_583 : vector<8x8192xi1>, vector<8x8192xi32>
    %roll3A_585 = arith.constant 8190 : i32
    %roll3A_586 = tpu.dynamic_rotate %select_n3A_584 by %roll3A_585 dim 1 : vector<8x8192xi32>, i32 -> vector<8x8192xi32>
    %roll3A_587 = arith.constant 2 : i32
    %roll3A_588 = tpu.dynamic_rotate %select_n3A_584 by %roll3A_587 dim 1 : vector<8x8192xi32>, i32 -> vector<8x8192xi32>
    %and3A_589 = arith.constant 2 : i32
    %and3A_590 = vector.broadcast %and3A_589 : i32 to vector<8x8192xi32>
    %and3A_591 = arith.andi %iota3A, %and3A_590 : vector<8x8192xi32>
    %eq3A_592 = arith.constant 0 : i32
    %eq3A_593 = vector.broadcast %eq3A_592 : i32 to vector<8x8192xi32>
    %eq3A_594 = arith.cmpi eq, %and3A_591, %eq3A_593 : vector<8x8192xi32>
    %min3A_595 = arith.minsi %select_n3A_584, %roll3A_586 : vector<8x8192xi32>
    %max3A_596 = arith.maxsi %select_n3A_584, %roll3A_588 : vector<8x8192xi32>
    %select_n3A_597 = arith.select %eq3A_594, %min3A_595, %max3A_596 : vector<8x8192xi1>, vector<8x8192xi32>
    %roll3A_598 = arith.constant 8191 : i32
    %roll3A_599 = tpu.dynamic_rotate %select_n3A_597 by %roll3A_598 dim 1 : vector<8x8192xi32>, i32 -> vector<8x8192xi32>
    %roll3A_600 = arith.constant 1 : i32
    %roll3A_601 = tpu.dynamic_rotate %select_n3A_597 by %roll3A_600 dim 1 : vector<8x8192xi32>, i32 -> vector<8x8192xi32>
    %and3A_602 = arith.constant 1 : i32
    %and3A_603 = vector.broadcast %and3A_602 : i32 to vector<8x8192xi32>
    %and3A_604 = arith.andi %iota3A, %and3A_603 : vector<8x8192xi32>
    %eq3A_605 = arith.constant 0 : i32
    %eq3A_606 = vector.broadcast %eq3A_605 : i32 to vector<8x8192xi32>
    %eq3A_607 = arith.cmpi eq, %and3A_604, %eq3A_606 : vector<8x8192xi32>
    %min3A_608 = arith.minsi %select_n3A_597, %roll3A_599 : vector<8x8192xi32>
    %max3A_609 = arith.maxsi %select_n3A_597, %roll3A_601 : vector<8x8192xi32>
    %select_n3A_610 = arith.select %eq3A_607, %min3A_608, %max3A_609 : vector<8x8192xi1>, vector<8x8192xi32>
    %and3A_611 = arith.constant 512 : i32
    %and3A_612 = vector.broadcast %and3A_611 : i32 to vector<8x8192xi32>
    %and3A_613 = arith.andi %iota3A, %and3A_612 : vector<8x8192xi32>
    %eq3A_614 = arith.constant 0 : i32
    %eq3A_615 = vector.broadcast %eq3A_614 : i32 to vector<8x8192xi32>
    %eq3A_616 = arith.cmpi eq, %and3A_613, %eq3A_615 : vector<8x8192xi32>
    %jit3A_617 = arith.constant 0 : i32
    %jit3A_618 = arith.constant -1 : i32
    %broadcast_in_dim3A_619 = vector.broadcast %jit3A_617 : i32 to vector<8x8192xi32>
    %broadcast_in_dim3A_620 = vector.broadcast %jit3A_618 : i32 to vector<8x8192xi32>
    %select_n3A_621 = arith.select %eq3A_616, %broadcast_in_dim3A_619, %broadcast_in_dim3A_620 : vector<8x8192xi1>, vector<8x8192xi32>
    %xor3A_622 = arith.xori %select_n3A_504, %select_n3A_621 : vector<8x8192xi32>
    %xor3A_623 = arith.xori %select_n3A_610, %xor3A_622 : vector<8x8192xi32>
    %roll3A_624 = arith.constant 7936 : i32
    %roll3A_625 = tpu.dynamic_rotate %xor3A_623 by %roll3A_624 dim 1 : vector<8x8192xi32>, i32 -> vector<8x8192xi32>
    %roll3A_626 = arith.constant 256 : i32
    %roll3A_627 = tpu.dynamic_rotate %xor3A_623 by %roll3A_626 dim 1 : vector<8x8192xi32>, i32 -> vector<8x8192xi32>
    %and3A_628 = arith.constant 256 : i32
    %and3A_629 = vector.broadcast %and3A_628 : i32 to vector<8x8192xi32>
    %and3A_630 = arith.andi %iota3A, %and3A_629 : vector<8x8192xi32>
    %eq3A_631 = arith.constant 0 : i32
    %eq3A_632 = vector.broadcast %eq3A_631 : i32 to vector<8x8192xi32>
    %eq3A_633 = arith.cmpi eq, %and3A_630, %eq3A_632 : vector<8x8192xi32>
    %min3A_634 = arith.minsi %xor3A_623, %roll3A_625 : vector<8x8192xi32>
    %max3A_635 = arith.maxsi %xor3A_623, %roll3A_627 : vector<8x8192xi32>
    %select_n3A_636 = arith.select %eq3A_633, %min3A_634, %max3A_635 : vector<8x8192xi1>, vector<8x8192xi32>
    %roll3A_637 = arith.constant 8064 : i32
    %roll3A_638 = tpu.dynamic_rotate %select_n3A_636 by %roll3A_637 dim 1 : vector<8x8192xi32>, i32 -> vector<8x8192xi32>
    %roll3A_639 = arith.constant 128 : i32
    %roll3A_640 = tpu.dynamic_rotate %select_n3A_636 by %roll3A_639 dim 1 : vector<8x8192xi32>, i32 -> vector<8x8192xi32>
    %and3A_641 = arith.constant 128 : i32
    %and3A_642 = vector.broadcast %and3A_641 : i32 to vector<8x8192xi32>
    %and3A_643 = arith.andi %iota3A, %and3A_642 : vector<8x8192xi32>
    %eq3A_644 = arith.constant 0 : i32
    %eq3A_645 = vector.broadcast %eq3A_644 : i32 to vector<8x8192xi32>
    %eq3A_646 = arith.cmpi eq, %and3A_643, %eq3A_645 : vector<8x8192xi32>
    %min3A_647 = arith.minsi %select_n3A_636, %roll3A_638 : vector<8x8192xi32>
    %max3A_648 = arith.maxsi %select_n3A_636, %roll3A_640 : vector<8x8192xi32>
    %select_n3A_649 = arith.select %eq3A_646, %min3A_647, %max3A_648 : vector<8x8192xi1>, vector<8x8192xi32>
    %roll3A_650 = arith.constant 8128 : i32
    %roll3A_651 = tpu.dynamic_rotate %select_n3A_649 by %roll3A_650 dim 1 : vector<8x8192xi32>, i32 -> vector<8x8192xi32>
    %roll3A_652 = arith.constant 64 : i32
    %roll3A_653 = tpu.dynamic_rotate %select_n3A_649 by %roll3A_652 dim 1 : vector<8x8192xi32>, i32 -> vector<8x8192xi32>
    %and3A_654 = arith.constant 64 : i32
    %and3A_655 = vector.broadcast %and3A_654 : i32 to vector<8x8192xi32>
    %and3A_656 = arith.andi %iota3A, %and3A_655 : vector<8x8192xi32>
    %eq3A_657 = arith.constant 0 : i32
    %eq3A_658 = vector.broadcast %eq3A_657 : i32 to vector<8x8192xi32>
    %eq3A_659 = arith.cmpi eq, %and3A_656, %eq3A_658 : vector<8x8192xi32>
    %min3A_660 = arith.minsi %select_n3A_649, %roll3A_651 : vector<8x8192xi32>
    %max3A_661 = arith.maxsi %select_n3A_649, %roll3A_653 : vector<8x8192xi32>
    %select_n3A_662 = arith.select %eq3A_659, %min3A_660, %max3A_661 : vector<8x8192xi1>, vector<8x8192xi32>
    %roll3A_663 = arith.constant 8160 : i32
    %roll3A_664 = tpu.dynamic_rotate %select_n3A_662 by %roll3A_663 dim 1 : vector<8x8192xi32>, i32 -> vector<8x8192xi32>
    %roll3A_665 = arith.constant 32 : i32
    %roll3A_666 = tpu.dynamic_rotate %select_n3A_662 by %roll3A_665 dim 1 : vector<8x8192xi32>, i32 -> vector<8x8192xi32>
    %and3A_667 = arith.constant 32 : i32
    %and3A_668 = vector.broadcast %and3A_667 : i32 to vector<8x8192xi32>
    %and3A_669 = arith.andi %iota3A, %and3A_668 : vector<8x8192xi32>
    %eq3A_670 = arith.constant 0 : i32
    %eq3A_671 = vector.broadcast %eq3A_670 : i32 to vector<8x8192xi32>
    %eq3A_672 = arith.cmpi eq, %and3A_669, %eq3A_671 : vector<8x8192xi32>
    %min3A_673 = arith.minsi %select_n3A_662, %roll3A_664 : vector<8x8192xi32>
    %max3A_674 = arith.maxsi %select_n3A_662, %roll3A_666 : vector<8x8192xi32>
    %select_n3A_675 = arith.select %eq3A_672, %min3A_673, %max3A_674 : vector<8x8192xi1>, vector<8x8192xi32>
    %roll3A_676 = arith.constant 8176 : i32
    %roll3A_677 = tpu.dynamic_rotate %select_n3A_675 by %roll3A_676 dim 1 : vector<8x8192xi32>, i32 -> vector<8x8192xi32>
    %roll3A_678 = arith.constant 16 : i32
    %roll3A_679 = tpu.dynamic_rotate %select_n3A_675 by %roll3A_678 dim 1 : vector<8x8192xi32>, i32 -> vector<8x8192xi32>
    %and3A_680 = arith.constant 16 : i32
    %and3A_681 = vector.broadcast %and3A_680 : i32 to vector<8x8192xi32>
    %and3A_682 = arith.andi %iota3A, %and3A_681 : vector<8x8192xi32>
    %eq3A_683 = arith.constant 0 : i32
    %eq3A_684 = vector.broadcast %eq3A_683 : i32 to vector<8x8192xi32>
    %eq3A_685 = arith.cmpi eq, %and3A_682, %eq3A_684 : vector<8x8192xi32>
    %min3A_686 = arith.minsi %select_n3A_675, %roll3A_677 : vector<8x8192xi32>
    %max3A_687 = arith.maxsi %select_n3A_675, %roll3A_679 : vector<8x8192xi32>
    %select_n3A_688 = arith.select %eq3A_685, %min3A_686, %max3A_687 : vector<8x8192xi1>, vector<8x8192xi32>
    %roll3A_689 = arith.constant 8184 : i32
    %roll3A_690 = tpu.dynamic_rotate %select_n3A_688 by %roll3A_689 dim 1 : vector<8x8192xi32>, i32 -> vector<8x8192xi32>
    %roll3A_691 = arith.constant 8 : i32
    %roll3A_692 = tpu.dynamic_rotate %select_n3A_688 by %roll3A_691 dim 1 : vector<8x8192xi32>, i32 -> vector<8x8192xi32>
    %and3A_693 = arith.constant 8 : i32
    %and3A_694 = vector.broadcast %and3A_693 : i32 to vector<8x8192xi32>
    %and3A_695 = arith.andi %iota3A, %and3A_694 : vector<8x8192xi32>
    %eq3A_696 = arith.constant 0 : i32
    %eq3A_697 = vector.broadcast %eq3A_696 : i32 to vector<8x8192xi32>
    %eq3A_698 = arith.cmpi eq, %and3A_695, %eq3A_697 : vector<8x8192xi32>
    %min3A_699 = arith.minsi %select_n3A_688, %roll3A_690 : vector<8x8192xi32>
    %max3A_700 = arith.maxsi %select_n3A_688, %roll3A_692 : vector<8x8192xi32>
    %select_n3A_701 = arith.select %eq3A_698, %min3A_699, %max3A_700 : vector<8x8192xi1>, vector<8x8192xi32>
    %roll3A_702 = arith.constant 8188 : i32
    %roll3A_703 = tpu.dynamic_rotate %select_n3A_701 by %roll3A_702 dim 1 : vector<8x8192xi32>, i32 -> vector<8x8192xi32>
    %roll3A_704 = arith.constant 4 : i32
    %roll3A_705 = tpu.dynamic_rotate %select_n3A_701 by %roll3A_704 dim 1 : vector<8x8192xi32>, i32 -> vector<8x8192xi32>
    %and3A_706 = arith.constant 4 : i32
    %and3A_707 = vector.broadcast %and3A_706 : i32 to vector<8x8192xi32>
    %and3A_708 = arith.andi %iota3A, %and3A_707 : vector<8x8192xi32>
    %eq3A_709 = arith.constant 0 : i32
    %eq3A_710 = vector.broadcast %eq3A_709 : i32 to vector<8x8192xi32>
    %eq3A_711 = arith.cmpi eq, %and3A_708, %eq3A_710 : vector<8x8192xi32>
    %min3A_712 = arith.minsi %select_n3A_701, %roll3A_703 : vector<8x8192xi32>
    %max3A_713 = arith.maxsi %select_n3A_701, %roll3A_705 : vector<8x8192xi32>
    %select_n3A_714 = arith.select %eq3A_711, %min3A_712, %max3A_713 : vector<8x8192xi1>, vector<8x8192xi32>
    %roll3A_715 = arith.constant 8190 : i32
    %roll3A_716 = tpu.dynamic_rotate %select_n3A_714 by %roll3A_715 dim 1 : vector<8x8192xi32>, i32 -> vector<8x8192xi32>
    %roll3A_717 = arith.constant 2 : i32
    %roll3A_718 = tpu.dynamic_rotate %select_n3A_714 by %roll3A_717 dim 1 : vector<8x8192xi32>, i32 -> vector<8x8192xi32>
    %and3A_719 = arith.constant 2 : i32
    %and3A_720 = vector.broadcast %and3A_719 : i32 to vector<8x8192xi32>
    %and3A_721 = arith.andi %iota3A, %and3A_720 : vector<8x8192xi32>
    %eq3A_722 = arith.constant 0 : i32
    %eq3A_723 = vector.broadcast %eq3A_722 : i32 to vector<8x8192xi32>
    %eq3A_724 = arith.cmpi eq, %and3A_721, %eq3A_723 : vector<8x8192xi32>
    %min3A_725 = arith.minsi %select_n3A_714, %roll3A_716 : vector<8x8192xi32>
    %max3A_726 = arith.maxsi %select_n3A_714, %roll3A_718 : vector<8x8192xi32>
    %select_n3A_727 = arith.select %eq3A_724, %min3A_725, %max3A_726 : vector<8x8192xi1>, vector<8x8192xi32>
    %roll3A_728 = arith.constant 8191 : i32
    %roll3A_729 = tpu.dynamic_rotate %select_n3A_727 by %roll3A_728 dim 1 : vector<8x8192xi32>, i32 -> vector<8x8192xi32>
    %roll3A_730 = arith.constant 1 : i32
    %roll3A_731 = tpu.dynamic_rotate %select_n3A_727 by %roll3A_730 dim 1 : vector<8x8192xi32>, i32 -> vector<8x8192xi32>
    %and3A_732 = arith.constant 1 : i32
    %and3A_733 = vector.broadcast %and3A_732 : i32 to vector<8x8192xi32>
    %and3A_734 = arith.andi %iota3A, %and3A_733 : vector<8x8192xi32>
    %eq3A_735 = arith.constant 0 : i32
    %eq3A_736 = vector.broadcast %eq3A_735 : i32 to vector<8x8192xi32>
    %eq3A_737 = arith.cmpi eq, %and3A_734, %eq3A_736 : vector<8x8192xi32>
    %min3A_738 = arith.minsi %select_n3A_727, %roll3A_729 : vector<8x8192xi32>
    %max3A_739 = arith.maxsi %select_n3A_727, %roll3A_731 : vector<8x8192xi32>
    %select_n3A_740 = arith.select %eq3A_737, %min3A_738, %max3A_739 : vector<8x8192xi1>, vector<8x8192xi32>
    %and3A_741 = arith.constant 1024 : i32
    %and3A_742 = vector.broadcast %and3A_741 : i32 to vector<8x8192xi32>
    %and3A_743 = arith.andi %iota3A, %and3A_742 : vector<8x8192xi32>
    %eq3A_744 = arith.constant 0 : i32
    %eq3A_745 = vector.broadcast %eq3A_744 : i32 to vector<8x8192xi32>
    %eq3A_746 = arith.cmpi eq, %and3A_743, %eq3A_745 : vector<8x8192xi32>
    %jit3A_747 = arith.constant 0 : i32
    %jit3A_748 = arith.constant -1 : i32
    %broadcast_in_dim3A_749 = vector.broadcast %jit3A_747 : i32 to vector<8x8192xi32>
    %broadcast_in_dim3A_750 = vector.broadcast %jit3A_748 : i32 to vector<8x8192xi32>
    %select_n3A_751 = arith.select %eq3A_746, %broadcast_in_dim3A_749, %broadcast_in_dim3A_750 : vector<8x8192xi1>, vector<8x8192xi32>
    %xor3A_752 = arith.xori %select_n3A_621, %select_n3A_751 : vector<8x8192xi32>
    %xor3A_753 = arith.xori %select_n3A_740, %xor3A_752 : vector<8x8192xi32>
    %roll3A_754 = arith.constant 7680 : i32
    %roll3A_755 = tpu.dynamic_rotate %xor3A_753 by %roll3A_754 dim 1 : vector<8x8192xi32>, i32 -> vector<8x8192xi32>
    %roll3A_756 = arith.constant 512 : i32
    %roll3A_757 = tpu.dynamic_rotate %xor3A_753 by %roll3A_756 dim 1 : vector<8x8192xi32>, i32 -> vector<8x8192xi32>
    %and3A_758 = arith.constant 512 : i32
    %and3A_759 = vector.broadcast %and3A_758 : i32 to vector<8x8192xi32>
    %and3A_760 = arith.andi %iota3A, %and3A_759 : vector<8x8192xi32>
    %eq3A_761 = arith.constant 0 : i32
    %eq3A_762 = vector.broadcast %eq3A_761 : i32 to vector<8x8192xi32>
    %eq3A_763 = arith.cmpi eq, %and3A_760, %eq3A_762 : vector<8x8192xi32>
    %min3A_764 = arith.minsi %xor3A_753, %roll3A_755 : vector<8x8192xi32>
    %max3A_765 = arith.maxsi %xor3A_753, %roll3A_757 : vector<8x8192xi32>
    %select_n3A_766 = arith.select %eq3A_763, %min3A_764, %max3A_765 : vector<8x8192xi1>, vector<8x8192xi32>
    %roll3A_767 = arith.constant 7936 : i32
    %roll3A_768 = tpu.dynamic_rotate %select_n3A_766 by %roll3A_767 dim 1 : vector<8x8192xi32>, i32 -> vector<8x8192xi32>
    %roll3A_769 = arith.constant 256 : i32
    %roll3A_770 = tpu.dynamic_rotate %select_n3A_766 by %roll3A_769 dim 1 : vector<8x8192xi32>, i32 -> vector<8x8192xi32>
    %and3A_771 = arith.constant 256 : i32
    %and3A_772 = vector.broadcast %and3A_771 : i32 to vector<8x8192xi32>
    %and3A_773 = arith.andi %iota3A, %and3A_772 : vector<8x8192xi32>
    %eq3A_774 = arith.constant 0 : i32
    %eq3A_775 = vector.broadcast %eq3A_774 : i32 to vector<8x8192xi32>
    %eq3A_776 = arith.cmpi eq, %and3A_773, %eq3A_775 : vector<8x8192xi32>
    %min3A_777 = arith.minsi %select_n3A_766, %roll3A_768 : vector<8x8192xi32>
    %max3A_778 = arith.maxsi %select_n3A_766, %roll3A_770 : vector<8x8192xi32>
    %select_n3A_779 = arith.select %eq3A_776, %min3A_777, %max3A_778 : vector<8x8192xi1>, vector<8x8192xi32>
    %roll3A_780 = arith.constant 8064 : i32
    %roll3A_781 = tpu.dynamic_rotate %select_n3A_779 by %roll3A_780 dim 1 : vector<8x8192xi32>, i32 -> vector<8x8192xi32>
    %roll3A_782 = arith.constant 128 : i32
    %roll3A_783 = tpu.dynamic_rotate %select_n3A_779 by %roll3A_782 dim 1 : vector<8x8192xi32>, i32 -> vector<8x8192xi32>
    %and3A_784 = arith.constant 128 : i32
    %and3A_785 = vector.broadcast %and3A_784 : i32 to vector<8x8192xi32>
    %and3A_786 = arith.andi %iota3A, %and3A_785 : vector<8x8192xi32>
    %eq3A_787 = arith.constant 0 : i32
    %eq3A_788 = vector.broadcast %eq3A_787 : i32 to vector<8x8192xi32>
    %eq3A_789 = arith.cmpi eq, %and3A_786, %eq3A_788 : vector<8x8192xi32>
    %min3A_790 = arith.minsi %select_n3A_779, %roll3A_781 : vector<8x8192xi32>
    %max3A_791 = arith.maxsi %select_n3A_779, %roll3A_783 : vector<8x8192xi32>
    %select_n3A_792 = arith.select %eq3A_789, %min3A_790, %max3A_791 : vector<8x8192xi1>, vector<8x8192xi32>
    %roll3A_793 = arith.constant 8128 : i32
    %roll3A_794 = tpu.dynamic_rotate %select_n3A_792 by %roll3A_793 dim 1 : vector<8x8192xi32>, i32 -> vector<8x8192xi32>
    %roll3A_795 = arith.constant 64 : i32
    %roll3A_796 = tpu.dynamic_rotate %select_n3A_792 by %roll3A_795 dim 1 : vector<8x8192xi32>, i32 -> vector<8x8192xi32>
    %and3A_797 = arith.constant 64 : i32
    %and3A_798 = vector.broadcast %and3A_797 : i32 to vector<8x8192xi32>
    %and3A_799 = arith.andi %iota3A, %and3A_798 : vector<8x8192xi32>
    %eq3A_800 = arith.constant 0 : i32
    %eq3A_801 = vector.broadcast %eq3A_800 : i32 to vector<8x8192xi32>
    %eq3A_802 = arith.cmpi eq, %and3A_799, %eq3A_801 : vector<8x8192xi32>
    %min3A_803 = arith.minsi %select_n3A_792, %roll3A_794 : vector<8x8192xi32>
    %max3A_804 = arith.maxsi %select_n3A_792, %roll3A_796 : vector<8x8192xi32>
    %select_n3A_805 = arith.select %eq3A_802, %min3A_803, %max3A_804 : vector<8x8192xi1>, vector<8x8192xi32>
    %roll3A_806 = arith.constant 8160 : i32
    %roll3A_807 = tpu.dynamic_rotate %select_n3A_805 by %roll3A_806 dim 1 : vector<8x8192xi32>, i32 -> vector<8x8192xi32>
    %roll3A_808 = arith.constant 32 : i32
    %roll3A_809 = tpu.dynamic_rotate %select_n3A_805 by %roll3A_808 dim 1 : vector<8x8192xi32>, i32 -> vector<8x8192xi32>
    %and3A_810 = arith.constant 32 : i32
    %and3A_811 = vector.broadcast %and3A_810 : i32 to vector<8x8192xi32>
    %and3A_812 = arith.andi %iota3A, %and3A_811 : vector<8x8192xi32>
    %eq3A_813 = arith.constant 0 : i32
    %eq3A_814 = vector.broadcast %eq3A_813 : i32 to vector<8x8192xi32>
    %eq3A_815 = arith.cmpi eq, %and3A_812, %eq3A_814 : vector<8x8192xi32>
    %min3A_816 = arith.minsi %select_n3A_805, %roll3A_807 : vector<8x8192xi32>
    %max3A_817 = arith.maxsi %select_n3A_805, %roll3A_809 : vector<8x8192xi32>
    %select_n3A_818 = arith.select %eq3A_815, %min3A_816, %max3A_817 : vector<8x8192xi1>, vector<8x8192xi32>
    %roll3A_819 = arith.constant 8176 : i32
    %roll3A_820 = tpu.dynamic_rotate %select_n3A_818 by %roll3A_819 dim 1 : vector<8x8192xi32>, i32 -> vector<8x8192xi32>
    %roll3A_821 = arith.constant 16 : i32
    %roll3A_822 = tpu.dynamic_rotate %select_n3A_818 by %roll3A_821 dim 1 : vector<8x8192xi32>, i32 -> vector<8x8192xi32>
    %and3A_823 = arith.constant 16 : i32
    %and3A_824 = vector.broadcast %and3A_823 : i32 to vector<8x8192xi32>
    %and3A_825 = arith.andi %iota3A, %and3A_824 : vector<8x8192xi32>
    %eq3A_826 = arith.constant 0 : i32
    %eq3A_827 = vector.broadcast %eq3A_826 : i32 to vector<8x8192xi32>
    %eq3A_828 = arith.cmpi eq, %and3A_825, %eq3A_827 : vector<8x8192xi32>
    %min3A_829 = arith.minsi %select_n3A_818, %roll3A_820 : vector<8x8192xi32>
    %max3A_830 = arith.maxsi %select_n3A_818, %roll3A_822 : vector<8x8192xi32>
    %select_n3A_831 = arith.select %eq3A_828, %min3A_829, %max3A_830 : vector<8x8192xi1>, vector<8x8192xi32>
    %roll3A_832 = arith.constant 8184 : i32
    %roll3A_833 = tpu.dynamic_rotate %select_n3A_831 by %roll3A_832 dim 1 : vector<8x8192xi32>, i32 -> vector<8x8192xi32>
    %roll3A_834 = arith.constant 8 : i32
    %roll3A_835 = tpu.dynamic_rotate %select_n3A_831 by %roll3A_834 dim 1 : vector<8x8192xi32>, i32 -> vector<8x8192xi32>
    %and3A_836 = arith.constant 8 : i32
    %and3A_837 = vector.broadcast %and3A_836 : i32 to vector<8x8192xi32>
    %and3A_838 = arith.andi %iota3A, %and3A_837 : vector<8x8192xi32>
    %eq3A_839 = arith.constant 0 : i32
    %eq3A_840 = vector.broadcast %eq3A_839 : i32 to vector<8x8192xi32>
    %eq3A_841 = arith.cmpi eq, %and3A_838, %eq3A_840 : vector<8x8192xi32>
    %min3A_842 = arith.minsi %select_n3A_831, %roll3A_833 : vector<8x8192xi32>
    %max3A_843 = arith.maxsi %select_n3A_831, %roll3A_835 : vector<8x8192xi32>
    %select_n3A_844 = arith.select %eq3A_841, %min3A_842, %max3A_843 : vector<8x8192xi1>, vector<8x8192xi32>
    %roll3A_845 = arith.constant 8188 : i32
    %roll3A_846 = tpu.dynamic_rotate %select_n3A_844 by %roll3A_845 dim 1 : vector<8x8192xi32>, i32 -> vector<8x8192xi32>
    %roll3A_847 = arith.constant 4 : i32
    %roll3A_848 = tpu.dynamic_rotate %select_n3A_844 by %roll3A_847 dim 1 : vector<8x8192xi32>, i32 -> vector<8x8192xi32>
    %and3A_849 = arith.constant 4 : i32
    %and3A_850 = vector.broadcast %and3A_849 : i32 to vector<8x8192xi32>
    %and3A_851 = arith.andi %iota3A, %and3A_850 : vector<8x8192xi32>
    %eq3A_852 = arith.constant 0 : i32
    %eq3A_853 = vector.broadcast %eq3A_852 : i32 to vector<8x8192xi32>
    %eq3A_854 = arith.cmpi eq, %and3A_851, %eq3A_853 : vector<8x8192xi32>
    %min3A_855 = arith.minsi %select_n3A_844, %roll3A_846 : vector<8x8192xi32>
    %max3A_856 = arith.maxsi %select_n3A_844, %roll3A_848 : vector<8x8192xi32>
    %select_n3A_857 = arith.select %eq3A_854, %min3A_855, %max3A_856 : vector<8x8192xi1>, vector<8x8192xi32>
    %roll3A_858 = arith.constant 8190 : i32
    %roll3A_859 = tpu.dynamic_rotate %select_n3A_857 by %roll3A_858 dim 1 : vector<8x8192xi32>, i32 -> vector<8x8192xi32>
    %roll3A_860 = arith.constant 2 : i32
    %roll3A_861 = tpu.dynamic_rotate %select_n3A_857 by %roll3A_860 dim 1 : vector<8x8192xi32>, i32 -> vector<8x8192xi32>
    %and3A_862 = arith.constant 2 : i32
    %and3A_863 = vector.broadcast %and3A_862 : i32 to vector<8x8192xi32>
    %and3A_864 = arith.andi %iota3A, %and3A_863 : vector<8x8192xi32>
    %eq3A_865 = arith.constant 0 : i32
    %eq3A_866 = vector.broadcast %eq3A_865 : i32 to vector<8x8192xi32>
    %eq3A_867 = arith.cmpi eq, %and3A_864, %eq3A_866 : vector<8x8192xi32>
    %min3A_868 = arith.minsi %select_n3A_857, %roll3A_859 : vector<8x8192xi32>
    %max3A_869 = arith.maxsi %select_n3A_857, %roll3A_861 : vector<8x8192xi32>
    %select_n3A_870 = arith.select %eq3A_867, %min3A_868, %max3A_869 : vector<8x8192xi1>, vector<8x8192xi32>
    %roll3A_871 = arith.constant 8191 : i32
    %roll3A_872 = tpu.dynamic_rotate %select_n3A_870 by %roll3A_871 dim 1 : vector<8x8192xi32>, i32 -> vector<8x8192xi32>
    %roll3A_873 = arith.constant 1 : i32
    %roll3A_874 = tpu.dynamic_rotate %select_n3A_870 by %roll3A_873 dim 1 : vector<8x8192xi32>, i32 -> vector<8x8192xi32>
    %and3A_875 = arith.constant 1 : i32
    %and3A_876 = vector.broadcast %and3A_875 : i32 to vector<8x8192xi32>
    %and3A_877 = arith.andi %iota3A, %and3A_876 : vector<8x8192xi32>
    %eq3A_878 = arith.constant 0 : i32
    %eq3A_879 = vector.broadcast %eq3A_878 : i32 to vector<8x8192xi32>
    %eq3A_880 = arith.cmpi eq, %and3A_877, %eq3A_879 : vector<8x8192xi32>
    %min3A_881 = arith.minsi %select_n3A_870, %roll3A_872 : vector<8x8192xi32>
    %max3A_882 = arith.maxsi %select_n3A_870, %roll3A_874 : vector<8x8192xi32>
    %select_n3A_883 = arith.select %eq3A_880, %min3A_881, %max3A_882 : vector<8x8192xi1>, vector<8x8192xi32>
    %and3A_884 = arith.constant 2048 : i32
    %and3A_885 = vector.broadcast %and3A_884 : i32 to vector<8x8192xi32>
    %and3A_886 = arith.andi %iota3A, %and3A_885 : vector<8x8192xi32>
    %eq3A_887 = arith.constant 0 : i32
    %eq3A_888 = vector.broadcast %eq3A_887 : i32 to vector<8x8192xi32>
    %eq3A_889 = arith.cmpi eq, %and3A_886, %eq3A_888 : vector<8x8192xi32>
    %jit3A_890 = arith.constant 0 : i32
    %jit3A_891 = arith.constant -1 : i32
    %broadcast_in_dim3A_892 = vector.broadcast %jit3A_890 : i32 to vector<8x8192xi32>
    %broadcast_in_dim3A_893 = vector.broadcast %jit3A_891 : i32 to vector<8x8192xi32>
    %select_n3A_894 = arith.select %eq3A_889, %broadcast_in_dim3A_892, %broadcast_in_dim3A_893 : vector<8x8192xi1>, vector<8x8192xi32>
    %xor3A_895 = arith.xori %select_n3A_751, %select_n3A_894 : vector<8x8192xi32>
    %xor3A_896 = arith.xori %select_n3A_883, %xor3A_895 : vector<8x8192xi32>
    %roll3A_897 = arith.constant 7168 : i32
    %roll3A_898 = tpu.dynamic_rotate %xor3A_896 by %roll3A_897 dim 1 : vector<8x8192xi32>, i32 -> vector<8x8192xi32>
    %roll3A_899 = arith.constant 1024 : i32
    %roll3A_900 = tpu.dynamic_rotate %xor3A_896 by %roll3A_899 dim 1 : vector<8x8192xi32>, i32 -> vector<8x8192xi32>
    %and3A_901 = arith.constant 1024 : i32
    %and3A_902 = vector.broadcast %and3A_901 : i32 to vector<8x8192xi32>
    %and3A_903 = arith.andi %iota3A, %and3A_902 : vector<8x8192xi32>
    %eq3A_904 = arith.constant 0 : i32
    %eq3A_905 = vector.broadcast %eq3A_904 : i32 to vector<8x8192xi32>
    %eq3A_906 = arith.cmpi eq, %and3A_903, %eq3A_905 : vector<8x8192xi32>
    %min3A_907 = arith.minsi %xor3A_896, %roll3A_898 : vector<8x8192xi32>
    %max3A_908 = arith.maxsi %xor3A_896, %roll3A_900 : vector<8x8192xi32>
    %select_n3A_909 = arith.select %eq3A_906, %min3A_907, %max3A_908 : vector<8x8192xi1>, vector<8x8192xi32>
    %roll3A_910 = arith.constant 7680 : i32
    %roll3A_911 = tpu.dynamic_rotate %select_n3A_909 by %roll3A_910 dim 1 : vector<8x8192xi32>, i32 -> vector<8x8192xi32>
    %roll3A_912 = arith.constant 512 : i32
    %roll3A_913 = tpu.dynamic_rotate %select_n3A_909 by %roll3A_912 dim 1 : vector<8x8192xi32>, i32 -> vector<8x8192xi32>
    %and3A_914 = arith.constant 512 : i32
    %and3A_915 = vector.broadcast %and3A_914 : i32 to vector<8x8192xi32>
    %and3A_916 = arith.andi %iota3A, %and3A_915 : vector<8x8192xi32>
    %eq3A_917 = arith.constant 0 : i32
    %eq3A_918 = vector.broadcast %eq3A_917 : i32 to vector<8x8192xi32>
    %eq3A_919 = arith.cmpi eq, %and3A_916, %eq3A_918 : vector<8x8192xi32>
    %min3A_920 = arith.minsi %select_n3A_909, %roll3A_911 : vector<8x8192xi32>
    %max3A_921 = arith.maxsi %select_n3A_909, %roll3A_913 : vector<8x8192xi32>
    %select_n3A_922 = arith.select %eq3A_919, %min3A_920, %max3A_921 : vector<8x8192xi1>, vector<8x8192xi32>
    %roll3A_923 = arith.constant 7936 : i32
    %roll3A_924 = tpu.dynamic_rotate %select_n3A_922 by %roll3A_923 dim 1 : vector<8x8192xi32>, i32 -> vector<8x8192xi32>
    %roll3A_925 = arith.constant 256 : i32
    %roll3A_926 = tpu.dynamic_rotate %select_n3A_922 by %roll3A_925 dim 1 : vector<8x8192xi32>, i32 -> vector<8x8192xi32>
    %and3A_927 = arith.constant 256 : i32
    %and3A_928 = vector.broadcast %and3A_927 : i32 to vector<8x8192xi32>
    %and3A_929 = arith.andi %iota3A, %and3A_928 : vector<8x8192xi32>
    %eq3A_930 = arith.constant 0 : i32
    %eq3A_931 = vector.broadcast %eq3A_930 : i32 to vector<8x8192xi32>
    %eq3A_932 = arith.cmpi eq, %and3A_929, %eq3A_931 : vector<8x8192xi32>
    %min3A_933 = arith.minsi %select_n3A_922, %roll3A_924 : vector<8x8192xi32>
    %max3A_934 = arith.maxsi %select_n3A_922, %roll3A_926 : vector<8x8192xi32>
    %select_n3A_935 = arith.select %eq3A_932, %min3A_933, %max3A_934 : vector<8x8192xi1>, vector<8x8192xi32>
    %roll3A_936 = arith.constant 8064 : i32
    %roll3A_937 = tpu.dynamic_rotate %select_n3A_935 by %roll3A_936 dim 1 : vector<8x8192xi32>, i32 -> vector<8x8192xi32>
    %roll3A_938 = arith.constant 128 : i32
    %roll3A_939 = tpu.dynamic_rotate %select_n3A_935 by %roll3A_938 dim 1 : vector<8x8192xi32>, i32 -> vector<8x8192xi32>
    %and3A_940 = arith.constant 128 : i32
    %and3A_941 = vector.broadcast %and3A_940 : i32 to vector<8x8192xi32>
    %and3A_942 = arith.andi %iota3A, %and3A_941 : vector<8x8192xi32>
    %eq3A_943 = arith.constant 0 : i32
    %eq3A_944 = vector.broadcast %eq3A_943 : i32 to vector<8x8192xi32>
    %eq3A_945 = arith.cmpi eq, %and3A_942, %eq3A_944 : vector<8x8192xi32>
    %min3A_946 = arith.minsi %select_n3A_935, %roll3A_937 : vector<8x8192xi32>
    %max3A_947 = arith.maxsi %select_n3A_935, %roll3A_939 : vector<8x8192xi32>
    %select_n3A_948 = arith.select %eq3A_945, %min3A_946, %max3A_947 : vector<8x8192xi1>, vector<8x8192xi32>
    %roll3A_949 = arith.constant 8128 : i32
    %roll3A_950 = tpu.dynamic_rotate %select_n3A_948 by %roll3A_949 dim 1 : vector<8x8192xi32>, i32 -> vector<8x8192xi32>
    %roll3A_951 = arith.constant 64 : i32
    %roll3A_952 = tpu.dynamic_rotate %select_n3A_948 by %roll3A_951 dim 1 : vector<8x8192xi32>, i32 -> vector<8x8192xi32>
    %and3A_953 = arith.constant 64 : i32
    %and3A_954 = vector.broadcast %and3A_953 : i32 to vector<8x8192xi32>
    %and3A_955 = arith.andi %iota3A, %and3A_954 : vector<8x8192xi32>
    %eq3A_956 = arith.constant 0 : i32
    %eq3A_957 = vector.broadcast %eq3A_956 : i32 to vector<8x8192xi32>
    %eq3A_958 = arith.cmpi eq, %and3A_955, %eq3A_957 : vector<8x8192xi32>
    %min3A_959 = arith.minsi %select_n3A_948, %roll3A_950 : vector<8x8192xi32>
    %max3A_960 = arith.maxsi %select_n3A_948, %roll3A_952 : vector<8x8192xi32>
    %select_n3A_961 = arith.select %eq3A_958, %min3A_959, %max3A_960 : vector<8x8192xi1>, vector<8x8192xi32>
    %roll3A_962 = arith.constant 8160 : i32
    %roll3A_963 = tpu.dynamic_rotate %select_n3A_961 by %roll3A_962 dim 1 : vector<8x8192xi32>, i32 -> vector<8x8192xi32>
    %roll3A_964 = arith.constant 32 : i32
    %roll3A_965 = tpu.dynamic_rotate %select_n3A_961 by %roll3A_964 dim 1 : vector<8x8192xi32>, i32 -> vector<8x8192xi32>
    %and3A_966 = arith.constant 32 : i32
    %and3A_967 = vector.broadcast %and3A_966 : i32 to vector<8x8192xi32>
    %and3A_968 = arith.andi %iota3A, %and3A_967 : vector<8x8192xi32>
    %eq3A_969 = arith.constant 0 : i32
    %eq3A_970 = vector.broadcast %eq3A_969 : i32 to vector<8x8192xi32>
    %eq3A_971 = arith.cmpi eq, %and3A_968, %eq3A_970 : vector<8x8192xi32>
    %min3A_972 = arith.minsi %select_n3A_961, %roll3A_963 : vector<8x8192xi32>
    %max3A_973 = arith.maxsi %select_n3A_961, %roll3A_965 : vector<8x8192xi32>
    %select_n3A_974 = arith.select %eq3A_971, %min3A_972, %max3A_973 : vector<8x8192xi1>, vector<8x8192xi32>
    %roll3A_975 = arith.constant 8176 : i32
    %roll3A_976 = tpu.dynamic_rotate %select_n3A_974 by %roll3A_975 dim 1 : vector<8x8192xi32>, i32 -> vector<8x8192xi32>
    %roll3A_977 = arith.constant 16 : i32
    %roll3A_978 = tpu.dynamic_rotate %select_n3A_974 by %roll3A_977 dim 1 : vector<8x8192xi32>, i32 -> vector<8x8192xi32>
    %and3A_979 = arith.constant 16 : i32
    %and3A_980 = vector.broadcast %and3A_979 : i32 to vector<8x8192xi32>
    %and3A_981 = arith.andi %iota3A, %and3A_980 : vector<8x8192xi32>
    %eq3A_982 = arith.constant 0 : i32
    %eq3A_983 = vector.broadcast %eq3A_982 : i32 to vector<8x8192xi32>
    %eq3A_984 = arith.cmpi eq, %and3A_981, %eq3A_983 : vector<8x8192xi32>
    %min3A_985 = arith.minsi %select_n3A_974, %roll3A_976 : vector<8x8192xi32>
    %max3A_986 = arith.maxsi %select_n3A_974, %roll3A_978 : vector<8x8192xi32>
    %select_n3A_987 = arith.select %eq3A_984, %min3A_985, %max3A_986 : vector<8x8192xi1>, vector<8x8192xi32>
    %roll3A_988 = arith.constant 8184 : i32
    %roll3A_989 = tpu.dynamic_rotate %select_n3A_987 by %roll3A_988 dim 1 : vector<8x8192xi32>, i32 -> vector<8x8192xi32>
    %roll3A_990 = arith.constant 8 : i32
    %roll3A_991 = tpu.dynamic_rotate %select_n3A_987 by %roll3A_990 dim 1 : vector<8x8192xi32>, i32 -> vector<8x8192xi32>
    %and3A_992 = arith.constant 8 : i32
    %and3A_993 = vector.broadcast %and3A_992 : i32 to vector<8x8192xi32>
    %and3A_994 = arith.andi %iota3A, %and3A_993 : vector<8x8192xi32>
    %eq3A_995 = arith.constant 0 : i32
    %eq3A_996 = vector.broadcast %eq3A_995 : i32 to vector<8x8192xi32>
    %eq3A_997 = arith.cmpi eq, %and3A_994, %eq3A_996 : vector<8x8192xi32>
    %min3A_998 = arith.minsi %select_n3A_987, %roll3A_989 : vector<8x8192xi32>
    %max3A_999 = arith.maxsi %select_n3A_987, %roll3A_991 : vector<8x8192xi32>
    %select_n3A_1000 = arith.select %eq3A_997, %min3A_998, %max3A_999 : vector<8x8192xi1>, vector<8x8192xi32>
    %roll3A_1001 = arith.constant 8188 : i32
    %roll3A_1002 = tpu.dynamic_rotate %select_n3A_1000 by %roll3A_1001 dim 1 : vector<8x8192xi32>, i32 -> vector<8x8192xi32>
    %roll3A_1003 = arith.constant 4 : i32
    %roll3A_1004 = tpu.dynamic_rotate %select_n3A_1000 by %roll3A_1003 dim 1 : vector<8x8192xi32>, i32 -> vector<8x8192xi32>
    %and3A_1005 = arith.constant 4 : i32
    %and3A_1006 = vector.broadcast %and3A_1005 : i32 to vector<8x8192xi32>
    %and3A_1007 = arith.andi %iota3A, %and3A_1006 : vector<8x8192xi32>
    %eq3A_1008 = arith.constant 0 : i32
    %eq3A_1009 = vector.broadcast %eq3A_1008 : i32 to vector<8x8192xi32>
    %eq3A_1010 = arith.cmpi eq, %and3A_1007, %eq3A_1009 : vector<8x8192xi32>
    %min3A_1011 = arith.minsi %select_n3A_1000, %roll3A_1002 : vector<8x8192xi32>
    %max3A_1012 = arith.maxsi %select_n3A_1000, %roll3A_1004 : vector<8x8192xi32>
    %select_n3A_1013 = arith.select %eq3A_1010, %min3A_1011, %max3A_1012 : vector<8x8192xi1>, vector<8x8192xi32>
    %roll3A_1014 = arith.constant 8190 : i32
    %roll3A_1015 = tpu.dynamic_rotate %select_n3A_1013 by %roll3A_1014 dim 1 : vector<8x8192xi32>, i32 -> vector<8x8192xi32>
    %roll3A_1016 = arith.constant 2 : i32
    %roll3A_1017 = tpu.dynamic_rotate %select_n3A_1013 by %roll3A_1016 dim 1 : vector<8x8192xi32>, i32 -> vector<8x8192xi32>
    %and3A_1018 = arith.constant 2 : i32
    %and3A_1019 = vector.broadcast %and3A_1018 : i32 to vector<8x8192xi32>
    %and3A_1020 = arith.andi %iota3A, %and3A_1019 : vector<8x8192xi32>
    %eq3A_1021 = arith.constant 0 : i32
    %eq3A_1022 = vector.broadcast %eq3A_1021 : i32 to vector<8x8192xi32>
    %eq3A_1023 = arith.cmpi eq, %and3A_1020, %eq3A_1022 : vector<8x8192xi32>
    %min3A_1024 = arith.minsi %select_n3A_1013, %roll3A_1015 : vector<8x8192xi32>
    %max3A_1025 = arith.maxsi %select_n3A_1013, %roll3A_1017 : vector<8x8192xi32>
    %select_n3A_1026 = arith.select %eq3A_1023, %min3A_1024, %max3A_1025 : vector<8x8192xi1>, vector<8x8192xi32>
    %roll3A_1027 = arith.constant 8191 : i32
    %roll3A_1028 = tpu.dynamic_rotate %select_n3A_1026 by %roll3A_1027 dim 1 : vector<8x8192xi32>, i32 -> vector<8x8192xi32>
    %roll3A_1029 = arith.constant 1 : i32
    %roll3A_1030 = tpu.dynamic_rotate %select_n3A_1026 by %roll3A_1029 dim 1 : vector<8x8192xi32>, i32 -> vector<8x8192xi32>
    %and3A_1031 = arith.constant 1 : i32
    %and3A_1032 = vector.broadcast %and3A_1031 : i32 to vector<8x8192xi32>
    %and3A_1033 = arith.andi %iota3A, %and3A_1032 : vector<8x8192xi32>
    %eq3A_1034 = arith.constant 0 : i32
    %eq3A_1035 = vector.broadcast %eq3A_1034 : i32 to vector<8x8192xi32>
    %eq3A_1036 = arith.cmpi eq, %and3A_1033, %eq3A_1035 : vector<8x8192xi32>
    %min3A_1037 = arith.minsi %select_n3A_1026, %roll3A_1028 : vector<8x8192xi32>
    %max3A_1038 = arith.maxsi %select_n3A_1026, %roll3A_1030 : vector<8x8192xi32>
    %select_n3A_1039 = arith.select %eq3A_1036, %min3A_1037, %max3A_1038 : vector<8x8192xi1>, vector<8x8192xi32>
    %and3A_1040 = arith.constant 4096 : i32
    %and3A_1041 = vector.broadcast %and3A_1040 : i32 to vector<8x8192xi32>
    %and3A_1042 = arith.andi %iota3A, %and3A_1041 : vector<8x8192xi32>
    %eq3A_1043 = arith.constant 0 : i32
    %eq3A_1044 = vector.broadcast %eq3A_1043 : i32 to vector<8x8192xi32>
    %eq3A_1045 = arith.cmpi eq, %and3A_1042, %eq3A_1044 : vector<8x8192xi32>
    %jit3A_1046 = arith.constant 0 : i32
    %jit3A_1047 = arith.constant -1 : i32
    %broadcast_in_dim3A_1048 = vector.broadcast %jit3A_1046 : i32 to vector<8x8192xi32>
    %broadcast_in_dim3A_1049 = vector.broadcast %jit3A_1047 : i32 to vector<8x8192xi32>
    %select_n3A_1050 = arith.select %eq3A_1045, %broadcast_in_dim3A_1048, %broadcast_in_dim3A_1049 : vector<8x8192xi1>, vector<8x8192xi32>
    %xor3A_1051 = arith.xori %select_n3A_894, %select_n3A_1050 : vector<8x8192xi32>
    %xor3A_1052 = arith.xori %select_n3A_1039, %xor3A_1051 : vector<8x8192xi32>
    %roll3A_1053 = arith.constant 6144 : i32
    %roll3A_1054 = tpu.dynamic_rotate %xor3A_1052 by %roll3A_1053 dim 1 : vector<8x8192xi32>, i32 -> vector<8x8192xi32>
    %roll3A_1055 = arith.constant 2048 : i32
    %roll3A_1056 = tpu.dynamic_rotate %xor3A_1052 by %roll3A_1055 dim 1 : vector<8x8192xi32>, i32 -> vector<8x8192xi32>
    %and3A_1057 = arith.constant 2048 : i32
    %and3A_1058 = vector.broadcast %and3A_1057 : i32 to vector<8x8192xi32>
    %and3A_1059 = arith.andi %iota3A, %and3A_1058 : vector<8x8192xi32>
    %eq3A_1060 = arith.constant 0 : i32
    %eq3A_1061 = vector.broadcast %eq3A_1060 : i32 to vector<8x8192xi32>
    %eq3A_1062 = arith.cmpi eq, %and3A_1059, %eq3A_1061 : vector<8x8192xi32>
    %min3A_1063 = arith.minsi %xor3A_1052, %roll3A_1054 : vector<8x8192xi32>
    %max3A_1064 = arith.maxsi %xor3A_1052, %roll3A_1056 : vector<8x8192xi32>
    %select_n3A_1065 = arith.select %eq3A_1062, %min3A_1063, %max3A_1064 : vector<8x8192xi1>, vector<8x8192xi32>
    %roll3A_1066 = arith.constant 7168 : i32
    %roll3A_1067 = tpu.dynamic_rotate %select_n3A_1065 by %roll3A_1066 dim 1 : vector<8x8192xi32>, i32 -> vector<8x8192xi32>
    %roll3A_1068 = arith.constant 1024 : i32
    %roll3A_1069 = tpu.dynamic_rotate %select_n3A_1065 by %roll3A_1068 dim 1 : vector<8x8192xi32>, i32 -> vector<8x8192xi32>
    %and3A_1070 = arith.constant 1024 : i32
    %and3A_1071 = vector.broadcast %and3A_1070 : i32 to vector<8x8192xi32>
    %and3A_1072 = arith.andi %iota3A, %and3A_1071 : vector<8x8192xi32>
    %eq3A_1073 = arith.constant 0 : i32
    %eq3A_1074 = vector.broadcast %eq3A_1073 : i32 to vector<8x8192xi32>
    %eq3A_1075 = arith.cmpi eq, %and3A_1072, %eq3A_1074 : vector<8x8192xi32>
    %min3A_1076 = arith.minsi %select_n3A_1065, %roll3A_1067 : vector<8x8192xi32>
    %max3A_1077 = arith.maxsi %select_n3A_1065, %roll3A_1069 : vector<8x8192xi32>
    %select_n3A_1078 = arith.select %eq3A_1075, %min3A_1076, %max3A_1077 : vector<8x8192xi1>, vector<8x8192xi32>
    %roll3A_1079 = arith.constant 7680 : i32
    %roll3A_1080 = tpu.dynamic_rotate %select_n3A_1078 by %roll3A_1079 dim 1 : vector<8x8192xi32>, i32 -> vector<8x8192xi32>
    %roll3A_1081 = arith.constant 512 : i32
    %roll3A_1082 = tpu.dynamic_rotate %select_n3A_1078 by %roll3A_1081 dim 1 : vector<8x8192xi32>, i32 -> vector<8x8192xi32>
    %and3A_1083 = arith.constant 512 : i32
    %and3A_1084 = vector.broadcast %and3A_1083 : i32 to vector<8x8192xi32>
    %and3A_1085 = arith.andi %iota3A, %and3A_1084 : vector<8x8192xi32>
    %eq3A_1086 = arith.constant 0 : i32
    %eq3A_1087 = vector.broadcast %eq3A_1086 : i32 to vector<8x8192xi32>
    %eq3A_1088 = arith.cmpi eq, %and3A_1085, %eq3A_1087 : vector<8x8192xi32>
    %min3A_1089 = arith.minsi %select_n3A_1078, %roll3A_1080 : vector<8x8192xi32>
    %max3A_1090 = arith.maxsi %select_n3A_1078, %roll3A_1082 : vector<8x8192xi32>
    %select_n3A_1091 = arith.select %eq3A_1088, %min3A_1089, %max3A_1090 : vector<8x8192xi1>, vector<8x8192xi32>
    %roll3A_1092 = arith.constant 7936 : i32
    %roll3A_1093 = tpu.dynamic_rotate %select_n3A_1091 by %roll3A_1092 dim 1 : vector<8x8192xi32>, i32 -> vector<8x8192xi32>
    %roll3A_1094 = arith.constant 256 : i32
    %roll3A_1095 = tpu.dynamic_rotate %select_n3A_1091 by %roll3A_1094 dim 1 : vector<8x8192xi32>, i32 -> vector<8x8192xi32>
    %and3A_1096 = arith.constant 256 : i32
    %and3A_1097 = vector.broadcast %and3A_1096 : i32 to vector<8x8192xi32>
    %and3A_1098 = arith.andi %iota3A, %and3A_1097 : vector<8x8192xi32>
    %eq3A_1099 = arith.constant 0 : i32
    %eq3A_1100 = vector.broadcast %eq3A_1099 : i32 to vector<8x8192xi32>
    %eq3A_1101 = arith.cmpi eq, %and3A_1098, %eq3A_1100 : vector<8x8192xi32>
    %min3A_1102 = arith.minsi %select_n3A_1091, %roll3A_1093 : vector<8x8192xi32>
    %max3A_1103 = arith.maxsi %select_n3A_1091, %roll3A_1095 : vector<8x8192xi32>
    %select_n3A_1104 = arith.select %eq3A_1101, %min3A_1102, %max3A_1103 : vector<8x8192xi1>, vector<8x8192xi32>
    %roll3A_1105 = arith.constant 8064 : i32
    %roll3A_1106 = tpu.dynamic_rotate %select_n3A_1104 by %roll3A_1105 dim 1 : vector<8x8192xi32>, i32 -> vector<8x8192xi32>
    %roll3A_1107 = arith.constant 128 : i32
    %roll3A_1108 = tpu.dynamic_rotate %select_n3A_1104 by %roll3A_1107 dim 1 : vector<8x8192xi32>, i32 -> vector<8x8192xi32>
    %and3A_1109 = arith.constant 128 : i32
    %and3A_1110 = vector.broadcast %and3A_1109 : i32 to vector<8x8192xi32>
    %and3A_1111 = arith.andi %iota3A, %and3A_1110 : vector<8x8192xi32>
    %eq3A_1112 = arith.constant 0 : i32
    %eq3A_1113 = vector.broadcast %eq3A_1112 : i32 to vector<8x8192xi32>
    %eq3A_1114 = arith.cmpi eq, %and3A_1111, %eq3A_1113 : vector<8x8192xi32>
    %min3A_1115 = arith.minsi %select_n3A_1104, %roll3A_1106 : vector<8x8192xi32>
    %max3A_1116 = arith.maxsi %select_n3A_1104, %roll3A_1108 : vector<8x8192xi32>
    %select_n3A_1117 = arith.select %eq3A_1114, %min3A_1115, %max3A_1116 : vector<8x8192xi1>, vector<8x8192xi32>
    %roll3A_1118 = arith.constant 8128 : i32
    %roll3A_1119 = tpu.dynamic_rotate %select_n3A_1117 by %roll3A_1118 dim 1 : vector<8x8192xi32>, i32 -> vector<8x8192xi32>
    %roll3A_1120 = arith.constant 64 : i32
    %roll3A_1121 = tpu.dynamic_rotate %select_n3A_1117 by %roll3A_1120 dim 1 : vector<8x8192xi32>, i32 -> vector<8x8192xi32>
    %and3A_1122 = arith.constant 64 : i32
    %and3A_1123 = vector.broadcast %and3A_1122 : i32 to vector<8x8192xi32>
    %and3A_1124 = arith.andi %iota3A, %and3A_1123 : vector<8x8192xi32>
    %eq3A_1125 = arith.constant 0 : i32
    %eq3A_1126 = vector.broadcast %eq3A_1125 : i32 to vector<8x8192xi32>
    %eq3A_1127 = arith.cmpi eq, %and3A_1124, %eq3A_1126 : vector<8x8192xi32>
    %min3A_1128 = arith.minsi %select_n3A_1117, %roll3A_1119 : vector<8x8192xi32>
    %max3A_1129 = arith.maxsi %select_n3A_1117, %roll3A_1121 : vector<8x8192xi32>
    %select_n3A_1130 = arith.select %eq3A_1127, %min3A_1128, %max3A_1129 : vector<8x8192xi1>, vector<8x8192xi32>
    %roll3A_1131 = arith.constant 8160 : i32
    %roll3A_1132 = tpu.dynamic_rotate %select_n3A_1130 by %roll3A_1131 dim 1 : vector<8x8192xi32>, i32 -> vector<8x8192xi32>
    %roll3A_1133 = arith.constant 32 : i32
    %roll3A_1134 = tpu.dynamic_rotate %select_n3A_1130 by %roll3A_1133 dim 1 : vector<8x8192xi32>, i32 -> vector<8x8192xi32>
    %and3A_1135 = arith.constant 32 : i32
    %and3A_1136 = vector.broadcast %and3A_1135 : i32 to vector<8x8192xi32>
    %and3A_1137 = arith.andi %iota3A, %and3A_1136 : vector<8x8192xi32>
    %eq3A_1138 = arith.constant 0 : i32
    %eq3A_1139 = vector.broadcast %eq3A_1138 : i32 to vector<8x8192xi32>
    %eq3A_1140 = arith.cmpi eq, %and3A_1137, %eq3A_1139 : vector<8x8192xi32>
    %min3A_1141 = arith.minsi %select_n3A_1130, %roll3A_1132 : vector<8x8192xi32>
    %max3A_1142 = arith.maxsi %select_n3A_1130, %roll3A_1134 : vector<8x8192xi32>
    %select_n3A_1143 = arith.select %eq3A_1140, %min3A_1141, %max3A_1142 : vector<8x8192xi1>, vector<8x8192xi32>
    %roll3A_1144 = arith.constant 8176 : i32
    %roll3A_1145 = tpu.dynamic_rotate %select_n3A_1143 by %roll3A_1144 dim 1 : vector<8x8192xi32>, i32 -> vector<8x8192xi32>
    %roll3A_1146 = arith.constant 16 : i32
    %roll3A_1147 = tpu.dynamic_rotate %select_n3A_1143 by %roll3A_1146 dim 1 : vector<8x8192xi32>, i32 -> vector<8x8192xi32>
    %and3A_1148 = arith.constant 16 : i32
    %and3A_1149 = vector.broadcast %and3A_1148 : i32 to vector<8x8192xi32>
    %and3A_1150 = arith.andi %iota3A, %and3A_1149 : vector<8x8192xi32>
    %eq3A_1151 = arith.constant 0 : i32
    %eq3A_1152 = vector.broadcast %eq3A_1151 : i32 to vector<8x8192xi32>
    %eq3A_1153 = arith.cmpi eq, %and3A_1150, %eq3A_1152 : vector<8x8192xi32>
    %min3A_1154 = arith.minsi %select_n3A_1143, %roll3A_1145 : vector<8x8192xi32>
    %max3A_1155 = arith.maxsi %select_n3A_1143, %roll3A_1147 : vector<8x8192xi32>
    %select_n3A_1156 = arith.select %eq3A_1153, %min3A_1154, %max3A_1155 : vector<8x8192xi1>, vector<8x8192xi32>
    %roll3A_1157 = arith.constant 8184 : i32
    %roll3A_1158 = tpu.dynamic_rotate %select_n3A_1156 by %roll3A_1157 dim 1 : vector<8x8192xi32>, i32 -> vector<8x8192xi32>
    %roll3A_1159 = arith.constant 8 : i32
    %roll3A_1160 = tpu.dynamic_rotate %select_n3A_1156 by %roll3A_1159 dim 1 : vector<8x8192xi32>, i32 -> vector<8x8192xi32>
    %and3A_1161 = arith.constant 8 : i32
    %and3A_1162 = vector.broadcast %and3A_1161 : i32 to vector<8x8192xi32>
    %and3A_1163 = arith.andi %iota3A, %and3A_1162 : vector<8x8192xi32>
    %eq3A_1164 = arith.constant 0 : i32
    %eq3A_1165 = vector.broadcast %eq3A_1164 : i32 to vector<8x8192xi32>
    %eq3A_1166 = arith.cmpi eq, %and3A_1163, %eq3A_1165 : vector<8x8192xi32>
    %min3A_1167 = arith.minsi %select_n3A_1156, %roll3A_1158 : vector<8x8192xi32>
    %max3A_1168 = arith.maxsi %select_n3A_1156, %roll3A_1160 : vector<8x8192xi32>
    %select_n3A_1169 = arith.select %eq3A_1166, %min3A_1167, %max3A_1168 : vector<8x8192xi1>, vector<8x8192xi32>
    %roll3A_1170 = arith.constant 8188 : i32
    %roll3A_1171 = tpu.dynamic_rotate %select_n3A_1169 by %roll3A_1170 dim 1 : vector<8x8192xi32>, i32 -> vector<8x8192xi32>
    %roll3A_1172 = arith.constant 4 : i32
    %roll3A_1173 = tpu.dynamic_rotate %select_n3A_1169 by %roll3A_1172 dim 1 : vector<8x8192xi32>, i32 -> vector<8x8192xi32>
    %and3A_1174 = arith.constant 4 : i32
    %and3A_1175 = vector.broadcast %and3A_1174 : i32 to vector<8x8192xi32>
    %and3A_1176 = arith.andi %iota3A, %and3A_1175 : vector<8x8192xi32>
    %eq3A_1177 = arith.constant 0 : i32
    %eq3A_1178 = vector.broadcast %eq3A_1177 : i32 to vector<8x8192xi32>
    %eq3A_1179 = arith.cmpi eq, %and3A_1176, %eq3A_1178 : vector<8x8192xi32>
    %min3A_1180 = arith.minsi %select_n3A_1169, %roll3A_1171 : vector<8x8192xi32>
    %max3A_1181 = arith.maxsi %select_n3A_1169, %roll3A_1173 : vector<8x8192xi32>
    %select_n3A_1182 = arith.select %eq3A_1179, %min3A_1180, %max3A_1181 : vector<8x8192xi1>, vector<8x8192xi32>
    %roll3A_1183 = arith.constant 8190 : i32
    %roll3A_1184 = tpu.dynamic_rotate %select_n3A_1182 by %roll3A_1183 dim 1 : vector<8x8192xi32>, i32 -> vector<8x8192xi32>
    %roll3A_1185 = arith.constant 2 : i32
    %roll3A_1186 = tpu.dynamic_rotate %select_n3A_1182 by %roll3A_1185 dim 1 : vector<8x8192xi32>, i32 -> vector<8x8192xi32>
    %and3A_1187 = arith.constant 2 : i32
    %and3A_1188 = vector.broadcast %and3A_1187 : i32 to vector<8x8192xi32>
    %and3A_1189 = arith.andi %iota3A, %and3A_1188 : vector<8x8192xi32>
    %eq3A_1190 = arith.constant 0 : i32
    %eq3A_1191 = vector.broadcast %eq3A_1190 : i32 to vector<8x8192xi32>
    %eq3A_1192 = arith.cmpi eq, %and3A_1189, %eq3A_1191 : vector<8x8192xi32>
    %min3A_1193 = arith.minsi %select_n3A_1182, %roll3A_1184 : vector<8x8192xi32>
    %max3A_1194 = arith.maxsi %select_n3A_1182, %roll3A_1186 : vector<8x8192xi32>
    %select_n3A_1195 = arith.select %eq3A_1192, %min3A_1193, %max3A_1194 : vector<8x8192xi1>, vector<8x8192xi32>
    %roll3A_1196 = arith.constant 8191 : i32
    %roll3A_1197 = tpu.dynamic_rotate %select_n3A_1195 by %roll3A_1196 dim 1 : vector<8x8192xi32>, i32 -> vector<8x8192xi32>
    %roll3A_1198 = arith.constant 1 : i32
    %roll3A_1199 = tpu.dynamic_rotate %select_n3A_1195 by %roll3A_1198 dim 1 : vector<8x8192xi32>, i32 -> vector<8x8192xi32>
    %and3A_1200 = arith.constant 1 : i32
    %and3A_1201 = vector.broadcast %and3A_1200 : i32 to vector<8x8192xi32>
    %and3A_1202 = arith.andi %iota3A, %and3A_1201 : vector<8x8192xi32>
    %eq3A_1203 = arith.constant 0 : i32
    %eq3A_1204 = vector.broadcast %eq3A_1203 : i32 to vector<8x8192xi32>
    %eq3A_1205 = arith.cmpi eq, %and3A_1202, %eq3A_1204 : vector<8x8192xi32>
    %min3A_1206 = arith.minsi %select_n3A_1195, %roll3A_1197 : vector<8x8192xi32>
    %max3A_1207 = arith.maxsi %select_n3A_1195, %roll3A_1199 : vector<8x8192xi32>
    %select_n3A_1208 = arith.select %eq3A_1205, %min3A_1206, %max3A_1207 : vector<8x8192xi1>, vector<8x8192xi32>
    %and3A_1209 = arith.constant 8192 : i32
    %and3A_1210 = vector.broadcast %and3A_1209 : i32 to vector<8x8192xi32>
    %and3A_1211 = arith.andi %iota3A, %and3A_1210 : vector<8x8192xi32>
    %eq3A_1212 = arith.constant 0 : i32
    %eq3A_1213 = vector.broadcast %eq3A_1212 : i32 to vector<8x8192xi32>
    %eq3A_1214 = arith.cmpi eq, %and3A_1211, %eq3A_1213 : vector<8x8192xi32>
    %jit3A_1215 = arith.constant 0 : i32
    %jit3A_1216 = arith.constant -1 : i32
    %broadcast_in_dim3A_1217 = vector.broadcast %jit3A_1215 : i32 to vector<8x8192xi32>
    %broadcast_in_dim3A_1218 = vector.broadcast %jit3A_1216 : i32 to vector<8x8192xi32>
    %select_n3A_1219 = arith.select %eq3A_1214, %broadcast_in_dim3A_1217, %broadcast_in_dim3A_1218 : vector<8x8192xi1>, vector<8x8192xi32>
    %xor3A_1220 = arith.xori %select_n3A_1050, %select_n3A_1219 : vector<8x8192xi32>
    %xor3A_1221 = arith.xori %select_n3A_1208, %xor3A_1220 : vector<8x8192xi32>
    %roll3A_1222 = arith.constant 4096 : i32
    %roll3A_1223 = tpu.dynamic_rotate %xor3A_1221 by %roll3A_1222 dim 1 : vector<8x8192xi32>, i32 -> vector<8x8192xi32>
    %roll3A_1224 = arith.constant 4096 : i32
    %roll3A_1225 = tpu.dynamic_rotate %xor3A_1221 by %roll3A_1224 dim 1 : vector<8x8192xi32>, i32 -> vector<8x8192xi32>
    %and3A_1226 = arith.constant 4096 : i32
    %and3A_1227 = vector.broadcast %and3A_1226 : i32 to vector<8x8192xi32>
    %and3A_1228 = arith.andi %iota3A, %and3A_1227 : vector<8x8192xi32>
    %eq3A_1229 = arith.constant 0 : i32
    %eq3A_1230 = vector.broadcast %eq3A_1229 : i32 to vector<8x8192xi32>
    %eq3A_1231 = arith.cmpi eq, %and3A_1228, %eq3A_1230 : vector<8x8192xi32>
    %min3A_1232 = arith.minsi %xor3A_1221, %roll3A_1223 : vector<8x8192xi32>
    %max3A_1233 = arith.maxsi %xor3A_1221, %roll3A_1225 : vector<8x8192xi32>
    %select_n3A_1234 = arith.select %eq3A_1231, %min3A_1232, %max3A_1233 : vector<8x8192xi1>, vector<8x8192xi32>
    %roll3A_1235 = arith.constant 6144 : i32
    %roll3A_1236 = tpu.dynamic_rotate %select_n3A_1234 by %roll3A_1235 dim 1 : vector<8x8192xi32>, i32 -> vector<8x8192xi32>
    %roll3A_1237 = arith.constant 2048 : i32
    %roll3A_1238 = tpu.dynamic_rotate %select_n3A_1234 by %roll3A_1237 dim 1 : vector<8x8192xi32>, i32 -> vector<8x8192xi32>
    %and3A_1239 = arith.constant 2048 : i32
    %and3A_1240 = vector.broadcast %and3A_1239 : i32 to vector<8x8192xi32>
    %and3A_1241 = arith.andi %iota3A, %and3A_1240 : vector<8x8192xi32>
    %eq3A_1242 = arith.constant 0 : i32
    %eq3A_1243 = vector.broadcast %eq3A_1242 : i32 to vector<8x8192xi32>
    %eq3A_1244 = arith.cmpi eq, %and3A_1241, %eq3A_1243 : vector<8x8192xi32>
    %min3A_1245 = arith.minsi %select_n3A_1234, %roll3A_1236 : vector<8x8192xi32>
    %max3A_1246 = arith.maxsi %select_n3A_1234, %roll3A_1238 : vector<8x8192xi32>
    %select_n3A_1247 = arith.select %eq3A_1244, %min3A_1245, %max3A_1246 : vector<8x8192xi1>, vector<8x8192xi32>
    %roll3A_1248 = arith.constant 7168 : i32
    %roll3A_1249 = tpu.dynamic_rotate %select_n3A_1247 by %roll3A_1248 dim 1 : vector<8x8192xi32>, i32 -> vector<8x8192xi32>
    %roll3A_1250 = arith.constant 1024 : i32
    %roll3A_1251 = tpu.dynamic_rotate %select_n3A_1247 by %roll3A_1250 dim 1 : vector<8x8192xi32>, i32 -> vector<8x8192xi32>
    %and3A_1252 = arith.constant 1024 : i32
    %and3A_1253 = vector.broadcast %and3A_1252 : i32 to vector<8x8192xi32>
    %and3A_1254 = arith.andi %iota3A, %and3A_1253 : vector<8x8192xi32>
    %eq3A_1255 = arith.constant 0 : i32
    %eq3A_1256 = vector.broadcast %eq3A_1255 : i32 to vector<8x8192xi32>
    %eq3A_1257 = arith.cmpi eq, %and3A_1254, %eq3A_1256 : vector<8x8192xi32>
    %min3A_1258 = arith.minsi %select_n3A_1247, %roll3A_1249 : vector<8x8192xi32>
    %max3A_1259 = arith.maxsi %select_n3A_1247, %roll3A_1251 : vector<8x8192xi32>
    %select_n3A_1260 = arith.select %eq3A_1257, %min3A_1258, %max3A_1259 : vector<8x8192xi1>, vector<8x8192xi32>
    %roll3A_1261 = arith.constant 7680 : i32
    %roll3A_1262 = tpu.dynamic_rotate %select_n3A_1260 by %roll3A_1261 dim 1 : vector<8x8192xi32>, i32 -> vector<8x8192xi32>
    %roll3A_1263 = arith.constant 512 : i32
    %roll3A_1264 = tpu.dynamic_rotate %select_n3A_1260 by %roll3A_1263 dim 1 : vector<8x8192xi32>, i32 -> vector<8x8192xi32>
    %and3A_1265 = arith.constant 512 : i32
    %and3A_1266 = vector.broadcast %and3A_1265 : i32 to vector<8x8192xi32>
    %and3A_1267 = arith.andi %iota3A, %and3A_1266 : vector<8x8192xi32>
    %eq3A_1268 = arith.constant 0 : i32
    %eq3A_1269 = vector.broadcast %eq3A_1268 : i32 to vector<8x8192xi32>
    %eq3A_1270 = arith.cmpi eq, %and3A_1267, %eq3A_1269 : vector<8x8192xi32>
    %min3A_1271 = arith.minsi %select_n3A_1260, %roll3A_1262 : vector<8x8192xi32>
    %max3A_1272 = arith.maxsi %select_n3A_1260, %roll3A_1264 : vector<8x8192xi32>
    %select_n3A_1273 = arith.select %eq3A_1270, %min3A_1271, %max3A_1272 : vector<8x8192xi1>, vector<8x8192xi32>
    %roll3A_1274 = arith.constant 7936 : i32
    %roll3A_1275 = tpu.dynamic_rotate %select_n3A_1273 by %roll3A_1274 dim 1 : vector<8x8192xi32>, i32 -> vector<8x8192xi32>
    %roll3A_1276 = arith.constant 256 : i32
    %roll3A_1277 = tpu.dynamic_rotate %select_n3A_1273 by %roll3A_1276 dim 1 : vector<8x8192xi32>, i32 -> vector<8x8192xi32>
    %and3A_1278 = arith.constant 256 : i32
    %and3A_1279 = vector.broadcast %and3A_1278 : i32 to vector<8x8192xi32>
    %and3A_1280 = arith.andi %iota3A, %and3A_1279 : vector<8x8192xi32>
    %eq3A_1281 = arith.constant 0 : i32
    %eq3A_1282 = vector.broadcast %eq3A_1281 : i32 to vector<8x8192xi32>
    %eq3A_1283 = arith.cmpi eq, %and3A_1280, %eq3A_1282 : vector<8x8192xi32>
    %min3A_1284 = arith.minsi %select_n3A_1273, %roll3A_1275 : vector<8x8192xi32>
    %max3A_1285 = arith.maxsi %select_n3A_1273, %roll3A_1277 : vector<8x8192xi32>
    %select_n3A_1286 = arith.select %eq3A_1283, %min3A_1284, %max3A_1285 : vector<8x8192xi1>, vector<8x8192xi32>
    %roll3A_1287 = arith.constant 8064 : i32
    %roll3A_1288 = tpu.dynamic_rotate %select_n3A_1286 by %roll3A_1287 dim 1 : vector<8x8192xi32>, i32 -> vector<8x8192xi32>
    %roll3A_1289 = arith.constant 128 : i32
    %roll3A_1290 = tpu.dynamic_rotate %select_n3A_1286 by %roll3A_1289 dim 1 : vector<8x8192xi32>, i32 -> vector<8x8192xi32>
    %and3A_1291 = arith.constant 128 : i32
    %and3A_1292 = vector.broadcast %and3A_1291 : i32 to vector<8x8192xi32>
    %and3A_1293 = arith.andi %iota3A, %and3A_1292 : vector<8x8192xi32>
    %eq3A_1294 = arith.constant 0 : i32
    %eq3A_1295 = vector.broadcast %eq3A_1294 : i32 to vector<8x8192xi32>
    %eq3A_1296 = arith.cmpi eq, %and3A_1293, %eq3A_1295 : vector<8x8192xi32>
    %min3A_1297 = arith.minsi %select_n3A_1286, %roll3A_1288 : vector<8x8192xi32>
    %max3A_1298 = arith.maxsi %select_n3A_1286, %roll3A_1290 : vector<8x8192xi32>
    %select_n3A_1299 = arith.select %eq3A_1296, %min3A_1297, %max3A_1298 : vector<8x8192xi1>, vector<8x8192xi32>
    %roll3A_1300 = arith.constant 8128 : i32
    %roll3A_1301 = tpu.dynamic_rotate %select_n3A_1299 by %roll3A_1300 dim 1 : vector<8x8192xi32>, i32 -> vector<8x8192xi32>
    %roll3A_1302 = arith.constant 64 : i32
    %roll3A_1303 = tpu.dynamic_rotate %select_n3A_1299 by %roll3A_1302 dim 1 : vector<8x8192xi32>, i32 -> vector<8x8192xi32>
    %and3A_1304 = arith.constant 64 : i32
    %and3A_1305 = vector.broadcast %and3A_1304 : i32 to vector<8x8192xi32>
    %and3A_1306 = arith.andi %iota3A, %and3A_1305 : vector<8x8192xi32>
    %eq3A_1307 = arith.constant 0 : i32
    %eq3A_1308 = vector.broadcast %eq3A_1307 : i32 to vector<8x8192xi32>
    %eq3A_1309 = arith.cmpi eq, %and3A_1306, %eq3A_1308 : vector<8x8192xi32>
    %min3A_1310 = arith.minsi %select_n3A_1299, %roll3A_1301 : vector<8x8192xi32>
    %max3A_1311 = arith.maxsi %select_n3A_1299, %roll3A_1303 : vector<8x8192xi32>
    %select_n3A_1312 = arith.select %eq3A_1309, %min3A_1310, %max3A_1311 : vector<8x8192xi1>, vector<8x8192xi32>
    %roll3A_1313 = arith.constant 8160 : i32
    %roll3A_1314 = tpu.dynamic_rotate %select_n3A_1312 by %roll3A_1313 dim 1 : vector<8x8192xi32>, i32 -> vector<8x8192xi32>
    %roll3A_1315 = arith.constant 32 : i32
    %roll3A_1316 = tpu.dynamic_rotate %select_n3A_1312 by %roll3A_1315 dim 1 : vector<8x8192xi32>, i32 -> vector<8x8192xi32>
    %and3A_1317 = arith.constant 32 : i32
    %and3A_1318 = vector.broadcast %and3A_1317 : i32 to vector<8x8192xi32>
    %and3A_1319 = arith.andi %iota3A, %and3A_1318 : vector<8x8192xi32>
    %eq3A_1320 = arith.constant 0 : i32
    %eq3A_1321 = vector.broadcast %eq3A_1320 : i32 to vector<8x8192xi32>
    %eq3A_1322 = arith.cmpi eq, %and3A_1319, %eq3A_1321 : vector<8x8192xi32>
    %min3A_1323 = arith.minsi %select_n3A_1312, %roll3A_1314 : vector<8x8192xi32>
    %max3A_1324 = arith.maxsi %select_n3A_1312, %roll3A_1316 : vector<8x8192xi32>
    %select_n3A_1325 = arith.select %eq3A_1322, %min3A_1323, %max3A_1324 : vector<8x8192xi1>, vector<8x8192xi32>
    %roll3A_1326 = arith.constant 8176 : i32
    %roll3A_1327 = tpu.dynamic_rotate %select_n3A_1325 by %roll3A_1326 dim 1 : vector<8x8192xi32>, i32 -> vector<8x8192xi32>
    %roll3A_1328 = arith.constant 16 : i32
    %roll3A_1329 = tpu.dynamic_rotate %select_n3A_1325 by %roll3A_1328 dim 1 : vector<8x8192xi32>, i32 -> vector<8x8192xi32>
    %and3A_1330 = arith.constant 16 : i32
    %and3A_1331 = vector.broadcast %and3A_1330 : i32 to vector<8x8192xi32>
    %and3A_1332 = arith.andi %iota3A, %and3A_1331 : vector<8x8192xi32>
    %eq3A_1333 = arith.constant 0 : i32
    %eq3A_1334 = vector.broadcast %eq3A_1333 : i32 to vector<8x8192xi32>
    %eq3A_1335 = arith.cmpi eq, %and3A_1332, %eq3A_1334 : vector<8x8192xi32>
    %min3A_1336 = arith.minsi %select_n3A_1325, %roll3A_1327 : vector<8x8192xi32>
    %max3A_1337 = arith.maxsi %select_n3A_1325, %roll3A_1329 : vector<8x8192xi32>
    %select_n3A_1338 = arith.select %eq3A_1335, %min3A_1336, %max3A_1337 : vector<8x8192xi1>, vector<8x8192xi32>
    %roll3A_1339 = arith.constant 8184 : i32
    %roll3A_1340 = tpu.dynamic_rotate %select_n3A_1338 by %roll3A_1339 dim 1 : vector<8x8192xi32>, i32 -> vector<8x8192xi32>
    %roll3A_1341 = arith.constant 8 : i32
    %roll3A_1342 = tpu.dynamic_rotate %select_n3A_1338 by %roll3A_1341 dim 1 : vector<8x8192xi32>, i32 -> vector<8x8192xi32>
    %and3A_1343 = arith.constant 8 : i32
    %and3A_1344 = vector.broadcast %and3A_1343 : i32 to vector<8x8192xi32>
    %and3A_1345 = arith.andi %iota3A, %and3A_1344 : vector<8x8192xi32>
    %eq3A_1346 = arith.constant 0 : i32
    %eq3A_1347 = vector.broadcast %eq3A_1346 : i32 to vector<8x8192xi32>
    %eq3A_1348 = arith.cmpi eq, %and3A_1345, %eq3A_1347 : vector<8x8192xi32>
    %min3A_1349 = arith.minsi %select_n3A_1338, %roll3A_1340 : vector<8x8192xi32>
    %max3A_1350 = arith.maxsi %select_n3A_1338, %roll3A_1342 : vector<8x8192xi32>
    %select_n3A_1351 = arith.select %eq3A_1348, %min3A_1349, %max3A_1350 : vector<8x8192xi1>, vector<8x8192xi32>
    %roll3A_1352 = arith.constant 8188 : i32
    %roll3A_1353 = tpu.dynamic_rotate %select_n3A_1351 by %roll3A_1352 dim 1 : vector<8x8192xi32>, i32 -> vector<8x8192xi32>
    %roll3A_1354 = arith.constant 4 : i32
    %roll3A_1355 = tpu.dynamic_rotate %select_n3A_1351 by %roll3A_1354 dim 1 : vector<8x8192xi32>, i32 -> vector<8x8192xi32>
    %and3A_1356 = arith.constant 4 : i32
    %and3A_1357 = vector.broadcast %and3A_1356 : i32 to vector<8x8192xi32>
    %and3A_1358 = arith.andi %iota3A, %and3A_1357 : vector<8x8192xi32>
    %eq3A_1359 = arith.constant 0 : i32
    %eq3A_1360 = vector.broadcast %eq3A_1359 : i32 to vector<8x8192xi32>
    %eq3A_1361 = arith.cmpi eq, %and3A_1358, %eq3A_1360 : vector<8x8192xi32>
    %min3A_1362 = arith.minsi %select_n3A_1351, %roll3A_1353 : vector<8x8192xi32>
    %max3A_1363 = arith.maxsi %select_n3A_1351, %roll3A_1355 : vector<8x8192xi32>
    %select_n3A_1364 = arith.select %eq3A_1361, %min3A_1362, %max3A_1363 : vector<8x8192xi1>, vector<8x8192xi32>
    %roll3A_1365 = arith.constant 8190 : i32
    %roll3A_1366 = tpu.dynamic_rotate %select_n3A_1364 by %roll3A_1365 dim 1 : vector<8x8192xi32>, i32 -> vector<8x8192xi32>
    %roll3A_1367 = arith.constant 2 : i32
    %roll3A_1368 = tpu.dynamic_rotate %select_n3A_1364 by %roll3A_1367 dim 1 : vector<8x8192xi32>, i32 -> vector<8x8192xi32>
    %and3A_1369 = arith.constant 2 : i32
    %and3A_1370 = vector.broadcast %and3A_1369 : i32 to vector<8x8192xi32>
    %and3A_1371 = arith.andi %iota3A, %and3A_1370 : vector<8x8192xi32>
    %eq3A_1372 = arith.constant 0 : i32
    %eq3A_1373 = vector.broadcast %eq3A_1372 : i32 to vector<8x8192xi32>
    %eq3A_1374 = arith.cmpi eq, %and3A_1371, %eq3A_1373 : vector<8x8192xi32>
    %min3A_1375 = arith.minsi %select_n3A_1364, %roll3A_1366 : vector<8x8192xi32>
    %max3A_1376 = arith.maxsi %select_n3A_1364, %roll3A_1368 : vector<8x8192xi32>
    %select_n3A_1377 = arith.select %eq3A_1374, %min3A_1375, %max3A_1376 : vector<8x8192xi1>, vector<8x8192xi32>
    %roll3A_1378 = arith.constant 8191 : i32
    %roll3A_1379 = tpu.dynamic_rotate %select_n3A_1377 by %roll3A_1378 dim 1 : vector<8x8192xi32>, i32 -> vector<8x8192xi32>
    %roll3A_1380 = arith.constant 1 : i32
    %roll3A_1381 = tpu.dynamic_rotate %select_n3A_1377 by %roll3A_1380 dim 1 : vector<8x8192xi32>, i32 -> vector<8x8192xi32>
    %and3A_1382 = arith.constant 1 : i32
    %and3A_1383 = vector.broadcast %and3A_1382 : i32 to vector<8x8192xi32>
    %and3A_1384 = arith.andi %iota3A, %and3A_1383 : vector<8x8192xi32>
    %eq3A_1385 = arith.constant 0 : i32
    %eq3A_1386 = vector.broadcast %eq3A_1385 : i32 to vector<8x8192xi32>
    %eq3A_1387 = arith.cmpi eq, %and3A_1384, %eq3A_1386 : vector<8x8192xi32>
    %min3A_1388 = arith.minsi %select_n3A_1377, %roll3A_1379 : vector<8x8192xi32>
    %max3A_1389 = arith.maxsi %select_n3A_1377, %roll3A_1381 : vector<8x8192xi32>
    %select_n3A_1390 = arith.select %eq3A_1387, %min3A_1388, %max3A_1389 : vector<8x8192xi1>, vector<8x8192xi32>
    %xor3A_1391 = arith.xori %select_n3A_1390, %select_n3A_1219 : vector<8x8192xi32>
    %bitcast3A_1392 = tpu.bitcast %xor3A_1391 : vector<8x8192xi32> -> vector<8x8192xf32>
    %and3A_1393 = arith.constant 1 : i32
    %and3A_1394 = vector.broadcast %and3A_1393 : i32 to vector<8x8192xi32>
    %and3A_1395 = arith.andi %xor3A_1391, %and3A_1394 : vector<8x8192xi32>
    %mul3A_1396 = arith.constant 2 : i32
    %mul3A_1397 = vector.broadcast %mul3A_1396 : i32 to vector<8x8192xi32>
    %mul3A_1398 = arith.muli %mul3A_1397, %and3A_1395 : vector<8x8192xi32>
    %sub3A = arith.constant 1 : i32
    %sub3A_1399 = vector.broadcast %sub3A : i32 to vector<8x8192xi32>
    %sub3A_1400 = arith.subi %mul3A_1398, %sub3A_1399 : vector<8x8192xi32>
    %ge3A = arith.constant 1 : i32
    %ge3A_1401 = vector.broadcast %ge3A : i32 to vector<8x8192xi32>
    %ge3A_1402 = arith.cmpi sge, %iota3A, %ge3A_1401 : vector<8x8192xi32>
    %roll3A_1403 = arith.constant 1 : i32
    %roll3A_1404 = tpu.dynamic_rotate %sub3A_1400 by %roll3A_1403 dim 1 : vector<8x8192xi32>, i32 -> vector<8x8192xi32>
    %jit3A_1405 = arith.constant 0 : i32
    %broadcast_in_dim3A_1406 = vector.broadcast %jit3A_1405 : i32 to vector<8x8192xi32>
    %select_n3A_1407 = arith.select %ge3A_1402, %roll3A_1404, %broadcast_in_dim3A_1406 : vector<8x8192xi1>, vector<8x8192xi32>
    %add3A_1408 = arith.addi %sub3A_1400, %select_n3A_1407 : vector<8x8192xi32>
    %ge3A_1409 = arith.constant 2 : i32
    %ge3A_1410 = vector.broadcast %ge3A_1409 : i32 to vector<8x8192xi32>
    %ge3A_1411 = arith.cmpi sge, %iota3A, %ge3A_1410 : vector<8x8192xi32>
    %roll3A_1412 = arith.constant 2 : i32
    %roll3A_1413 = tpu.dynamic_rotate %add3A_1408 by %roll3A_1412 dim 1 : vector<8x8192xi32>, i32 -> vector<8x8192xi32>
    %jit3A_1414 = arith.constant 0 : i32
    %broadcast_in_dim3A_1415 = vector.broadcast %jit3A_1414 : i32 to vector<8x8192xi32>
    %select_n3A_1416 = arith.select %ge3A_1411, %roll3A_1413, %broadcast_in_dim3A_1415 : vector<8x8192xi1>, vector<8x8192xi32>
    %add3A_1417 = arith.addi %add3A_1408, %select_n3A_1416 : vector<8x8192xi32>
    %ge3A_1418 = arith.constant 4 : i32
    %ge3A_1419 = vector.broadcast %ge3A_1418 : i32 to vector<8x8192xi32>
    %ge3A_1420 = arith.cmpi sge, %iota3A, %ge3A_1419 : vector<8x8192xi32>
    %roll3A_1421 = arith.constant 4 : i32
    %roll3A_1422 = tpu.dynamic_rotate %add3A_1417 by %roll3A_1421 dim 1 : vector<8x8192xi32>, i32 -> vector<8x8192xi32>
    %jit3A_1423 = arith.constant 0 : i32
    %broadcast_in_dim3A_1424 = vector.broadcast %jit3A_1423 : i32 to vector<8x8192xi32>
    %select_n3A_1425 = arith.select %ge3A_1420, %roll3A_1422, %broadcast_in_dim3A_1424 : vector<8x8192xi1>, vector<8x8192xi32>
    %add3A_1426 = arith.addi %add3A_1417, %select_n3A_1425 : vector<8x8192xi32>
    %ge3A_1427 = arith.constant 8 : i32
    %ge3A_1428 = vector.broadcast %ge3A_1427 : i32 to vector<8x8192xi32>
    %ge3A_1429 = arith.cmpi sge, %iota3A, %ge3A_1428 : vector<8x8192xi32>
    %roll3A_1430 = arith.constant 8 : i32
    %roll3A_1431 = tpu.dynamic_rotate %add3A_1426 by %roll3A_1430 dim 1 : vector<8x8192xi32>, i32 -> vector<8x8192xi32>
    %jit3A_1432 = arith.constant 0 : i32
    %broadcast_in_dim3A_1433 = vector.broadcast %jit3A_1432 : i32 to vector<8x8192xi32>
    %select_n3A_1434 = arith.select %ge3A_1429, %roll3A_1431, %broadcast_in_dim3A_1433 : vector<8x8192xi1>, vector<8x8192xi32>
    %add3A_1435 = arith.addi %add3A_1426, %select_n3A_1434 : vector<8x8192xi32>
    %ge3A_1436 = arith.constant 16 : i32
    %ge3A_1437 = vector.broadcast %ge3A_1436 : i32 to vector<8x8192xi32>
    %ge3A_1438 = arith.cmpi sge, %iota3A, %ge3A_1437 : vector<8x8192xi32>
    %roll3A_1439 = arith.constant 16 : i32
    %roll3A_1440 = tpu.dynamic_rotate %add3A_1435 by %roll3A_1439 dim 1 : vector<8x8192xi32>, i32 -> vector<8x8192xi32>
    %jit3A_1441 = arith.constant 0 : i32
    %broadcast_in_dim3A_1442 = vector.broadcast %jit3A_1441 : i32 to vector<8x8192xi32>
    %select_n3A_1443 = arith.select %ge3A_1438, %roll3A_1440, %broadcast_in_dim3A_1442 : vector<8x8192xi1>, vector<8x8192xi32>
    %add3A_1444 = arith.addi %add3A_1435, %select_n3A_1443 : vector<8x8192xi32>
    %ge3A_1445 = arith.constant 32 : i32
    %ge3A_1446 = vector.broadcast %ge3A_1445 : i32 to vector<8x8192xi32>
    %ge3A_1447 = arith.cmpi sge, %iota3A, %ge3A_1446 : vector<8x8192xi32>
    %roll3A_1448 = arith.constant 32 : i32
    %roll3A_1449 = tpu.dynamic_rotate %add3A_1444 by %roll3A_1448 dim 1 : vector<8x8192xi32>, i32 -> vector<8x8192xi32>
    %jit3A_1450 = arith.constant 0 : i32
    %broadcast_in_dim3A_1451 = vector.broadcast %jit3A_1450 : i32 to vector<8x8192xi32>
    %select_n3A_1452 = arith.select %ge3A_1447, %roll3A_1449, %broadcast_in_dim3A_1451 : vector<8x8192xi1>, vector<8x8192xi32>
    %add3A_1453 = arith.addi %add3A_1444, %select_n3A_1452 : vector<8x8192xi32>
    %ge3A_1454 = arith.constant 64 : i32
    %ge3A_1455 = vector.broadcast %ge3A_1454 : i32 to vector<8x8192xi32>
    %ge3A_1456 = arith.cmpi sge, %iota3A, %ge3A_1455 : vector<8x8192xi32>
    %roll3A_1457 = arith.constant 64 : i32
    %roll3A_1458 = tpu.dynamic_rotate %add3A_1453 by %roll3A_1457 dim 1 : vector<8x8192xi32>, i32 -> vector<8x8192xi32>
    %jit3A_1459 = arith.constant 0 : i32
    %broadcast_in_dim3A_1460 = vector.broadcast %jit3A_1459 : i32 to vector<8x8192xi32>
    %select_n3A_1461 = arith.select %ge3A_1456, %roll3A_1458, %broadcast_in_dim3A_1460 : vector<8x8192xi1>, vector<8x8192xi32>
    %add3A_1462 = arith.addi %add3A_1453, %select_n3A_1461 : vector<8x8192xi32>
    %ge3A_1463 = arith.constant 128 : i32
    %ge3A_1464 = vector.broadcast %ge3A_1463 : i32 to vector<8x8192xi32>
    %ge3A_1465 = arith.cmpi sge, %iota3A, %ge3A_1464 : vector<8x8192xi32>
    %roll3A_1466 = arith.constant 128 : i32
    %roll3A_1467 = tpu.dynamic_rotate %add3A_1462 by %roll3A_1466 dim 1 : vector<8x8192xi32>, i32 -> vector<8x8192xi32>
    %jit3A_1468 = arith.constant 0 : i32
    %broadcast_in_dim3A_1469 = vector.broadcast %jit3A_1468 : i32 to vector<8x8192xi32>
    %select_n3A_1470 = arith.select %ge3A_1465, %roll3A_1467, %broadcast_in_dim3A_1469 : vector<8x8192xi1>, vector<8x8192xi32>
    %add3A_1471 = arith.addi %add3A_1462, %select_n3A_1470 : vector<8x8192xi32>
    %ge3A_1472 = arith.constant 256 : i32
    %ge3A_1473 = vector.broadcast %ge3A_1472 : i32 to vector<8x8192xi32>
    %ge3A_1474 = arith.cmpi sge, %iota3A, %ge3A_1473 : vector<8x8192xi32>
    %roll3A_1475 = arith.constant 256 : i32
    %roll3A_1476 = tpu.dynamic_rotate %add3A_1471 by %roll3A_1475 dim 1 : vector<8x8192xi32>, i32 -> vector<8x8192xi32>
    %jit3A_1477 = arith.constant 0 : i32
    %broadcast_in_dim3A_1478 = vector.broadcast %jit3A_1477 : i32 to vector<8x8192xi32>
    %select_n3A_1479 = arith.select %ge3A_1474, %roll3A_1476, %broadcast_in_dim3A_1478 : vector<8x8192xi1>, vector<8x8192xi32>
    %add3A_1480 = arith.addi %add3A_1471, %select_n3A_1479 : vector<8x8192xi32>
    %ge3A_1481 = arith.constant 512 : i32
    %ge3A_1482 = vector.broadcast %ge3A_1481 : i32 to vector<8x8192xi32>
    %ge3A_1483 = arith.cmpi sge, %iota3A, %ge3A_1482 : vector<8x8192xi32>
    %roll3A_1484 = arith.constant 512 : i32
    %roll3A_1485 = tpu.dynamic_rotate %add3A_1480 by %roll3A_1484 dim 1 : vector<8x8192xi32>, i32 -> vector<8x8192xi32>
    %jit3A_1486 = arith.constant 0 : i32
    %broadcast_in_dim3A_1487 = vector.broadcast %jit3A_1486 : i32 to vector<8x8192xi32>
    %select_n3A_1488 = arith.select %ge3A_1483, %roll3A_1485, %broadcast_in_dim3A_1487 : vector<8x8192xi1>, vector<8x8192xi32>
    %add3A_1489 = arith.addi %add3A_1480, %select_n3A_1488 : vector<8x8192xi32>
    %ge3A_1490 = arith.constant 1024 : i32
    %ge3A_1491 = vector.broadcast %ge3A_1490 : i32 to vector<8x8192xi32>
    %ge3A_1492 = arith.cmpi sge, %iota3A, %ge3A_1491 : vector<8x8192xi32>
    %roll3A_1493 = arith.constant 1024 : i32
    %roll3A_1494 = tpu.dynamic_rotate %add3A_1489 by %roll3A_1493 dim 1 : vector<8x8192xi32>, i32 -> vector<8x8192xi32>
    %jit3A_1495 = arith.constant 0 : i32
    %broadcast_in_dim3A_1496 = vector.broadcast %jit3A_1495 : i32 to vector<8x8192xi32>
    %select_n3A_1497 = arith.select %ge3A_1492, %roll3A_1494, %broadcast_in_dim3A_1496 : vector<8x8192xi1>, vector<8x8192xi32>
    %add3A_1498 = arith.addi %add3A_1489, %select_n3A_1497 : vector<8x8192xi32>
    %ge3A_1499 = arith.constant 2048 : i32
    %ge3A_1500 = vector.broadcast %ge3A_1499 : i32 to vector<8x8192xi32>
    %ge3A_1501 = arith.cmpi sge, %iota3A, %ge3A_1500 : vector<8x8192xi32>
    %roll3A_1502 = arith.constant 2048 : i32
    %roll3A_1503 = tpu.dynamic_rotate %add3A_1498 by %roll3A_1502 dim 1 : vector<8x8192xi32>, i32 -> vector<8x8192xi32>
    %jit3A_1504 = arith.constant 0 : i32
    %broadcast_in_dim3A_1505 = vector.broadcast %jit3A_1504 : i32 to vector<8x8192xi32>
    %select_n3A_1506 = arith.select %ge3A_1501, %roll3A_1503, %broadcast_in_dim3A_1505 : vector<8x8192xi1>, vector<8x8192xi32>
    %add3A_1507 = arith.addi %add3A_1498, %select_n3A_1506 : vector<8x8192xi32>
    %ge3A_1508 = arith.constant 4096 : i32
    %ge3A_1509 = vector.broadcast %ge3A_1508 : i32 to vector<8x8192xi32>
    %ge3A_1510 = arith.cmpi sge, %iota3A, %ge3A_1509 : vector<8x8192xi32>
    %roll3A_1511 = arith.constant 4096 : i32
    %roll3A_1512 = tpu.dynamic_rotate %add3A_1507 by %roll3A_1511 dim 1 : vector<8x8192xi32>, i32 -> vector<8x8192xi32>
    %jit3A_1513 = arith.constant 0 : i32
    %broadcast_in_dim3A_1514 = vector.broadcast %jit3A_1513 : i32 to vector<8x8192xi32>
    %select_n3A_1515 = arith.select %ge3A_1510, %roll3A_1512, %broadcast_in_dim3A_1514 : vector<8x8192xi1>, vector<8x8192xi32>
    %add3A_1516 = arith.addi %add3A_1507, %select_n3A_1515 : vector<8x8192xi32>
    %eq3A_1517 = arith.constant 8191 : i32
    %eq3A_1518 = vector.broadcast %eq3A_1517 : i32 to vector<8x8192xi32>
    %eq3A_1519 = arith.cmpi eq, %iota3A, %eq3A_1518 : vector<8x8192xi32>
    %roll3A_1520 = arith.constant 8191 : i32
    %roll3A_1521 = tpu.dynamic_rotate %bitcast3A_1392 by %roll3A_1520 dim 1 : vector<8x8192xf32>, i32 -> vector<8x8192xf32>
    %jit3A_1522 = arith.constant 1.000000e+00 : f32
    %broadcast_in_dim3A_1523 = vector.broadcast %jit3A_1522 : f32 to vector<8x8192xf32>
    %select_n3A_1524 = arith.select %eq3A_1519, %broadcast_in_dim3A_1523, %roll3A_1521 : vector<8x8192xi1>, vector<8x8192xf32>
    %sub3A_1525 = arith.subf %select_n3A_1524, %bitcast3A_1392 : vector<8x8192xf32>
    %reduce_sum3A = arith.constant dense<0.000000e+00> : vector<8xf32>
    %reduce_sum3A_1526 = vector.multi_reduction <add>, %sub3A_1525, %reduce_sum3A [1] : vector<8x8192xf32> to vector<8xf32>
    %broadcast_in_dim3A_1527 = vector.shape_cast %reduce_sum3A_1526 : vector<8xf32> to vector<8x1xf32>
    %reduce_min3A = arith.constant dense<2147483647> : vector<8xi32>
    %reduce_min3A_1528 = vector.multi_reduction <minsi>, %add3A_1516, %reduce_min3A [1] : vector<8x8192xi32> to vector<8xi32>
    %broadcast_in_dim3A_1529 = vector.shape_cast %reduce_min3A_1528 : vector<8xi32> to vector<8x1xi32>
    %broadcast_in_dim3A_1530 = arith.constant -4096 : i32
    %broadcast_in_dim3A_1531 = vector.broadcast %broadcast_in_dim3A_1530 : i32 to vector<8x1xi32>
    %broadcast_in_dim3A_1532 = arith.constant 4096 : i32
    %broadcast_in_dim3A_1533 = vector.broadcast %broadcast_in_dim3A_1532 : i32 to vector<8x1xi32>
    %add3A_1534 = arith.addi %broadcast_in_dim3A_1531, %broadcast_in_dim3A_1533 : vector<8x1xi32>
    %shift_right_arithmetic3A = arith.constant 1 : i32
    %shift_right_arithmetic3A_1535 = vector.broadcast %shift_right_arithmetic3A : i32 to vector<8x1xi32>
    %shift_right_arithmetic3A_1536 = arith.shrsi %add3A_1534, %shift_right_arithmetic3A_1535 : vector<8x1xi32>
    %le3A = vector.broadcast %shift_right_arithmetic3A_1536 : vector<8x1xi32> to vector<8x8192xi32>
    %le3A_1537 = arith.cmpi sle, %add3A_1516, %le3A : vector<8x8192xi32>
    %jit3A_1538 = arith.constant 0.000000e+00 : f32
    %broadcast_in_dim3A_1539 = vector.broadcast %jit3A_1538 : f32 to vector<8x8192xf32>
    %select_n3A_1540 = arith.select %le3A_1537, %sub3A_1525, %broadcast_in_dim3A_1539 : vector<8x8192xi1>, vector<8x8192xf32>
    %reduce_sum3A_1541 = arith.constant dense<0.000000e+00> : vector<8xf32>
    %reduce_sum3A_1542 = vector.multi_reduction <add>, %select_n3A_1540, %reduce_sum3A_1541 [1] : vector<8x8192xf32> to vector<8xf32>
    %broadcast_in_dim3A_1543 = vector.shape_cast %reduce_sum3A_1542 : vector<8xf32> to vector<8x1xf32>
    %ge3A_1544 = arith.constant 5.000000e-01 : f32
    %ge3A_1545 = vector.broadcast %ge3A_1544 : f32 to vector<8x1xf32>
    %ge3A_1546 = arith.cmpf oge, %broadcast_in_dim3A_1543, %ge3A_1545 : vector<8x1xf32>
    %select_n3A_1547 = arith.select %ge3A_1546, %shift_right_arithmetic3A_1536, %broadcast_in_dim3A_1533 : vector<8x1xi1>, vector<8x1xi32>
    %add3A_1548 = arith.constant 1 : i32
    %add3A_1549 = vector.broadcast %add3A_1548 : i32 to vector<8x1xi32>
    %add3A_1550 = arith.addi %shift_right_arithmetic3A_1536, %add3A_1549 : vector<8x1xi32>
    %select_n3A_1551 = arith.select %ge3A_1546, %broadcast_in_dim3A_1531, %add3A_1550 : vector<8x1xi1>, vector<8x1xi32>
    %add3A_1552 = arith.addi %select_n3A_1551, %select_n3A_1547 : vector<8x1xi32>
    %shift_right_arithmetic3A_1553 = arith.constant 1 : i32
    %shift_right_arithmetic3A_1554 = vector.broadcast %shift_right_arithmetic3A_1553 : i32 to vector<8x1xi32>
    %shift_right_arithmetic3A_1555 = arith.shrsi %add3A_1552, %shift_right_arithmetic3A_1554 : vector<8x1xi32>
    %le3A_1556 = vector.broadcast %shift_right_arithmetic3A_1555 : vector<8x1xi32> to vector<8x8192xi32>
    %le3A_1557 = arith.cmpi sle, %add3A_1516, %le3A_1556 : vector<8x8192xi32>
    %jit3A_1558 = arith.constant 0.000000e+00 : f32
    %broadcast_in_dim3A_1559 = vector.broadcast %jit3A_1558 : f32 to vector<8x8192xf32>
    %select_n3A_1560 = arith.select %le3A_1557, %sub3A_1525, %broadcast_in_dim3A_1559 : vector<8x8192xi1>, vector<8x8192xf32>
    %reduce_sum3A_1561 = arith.constant dense<0.000000e+00> : vector<8xf32>
    %reduce_sum3A_1562 = vector.multi_reduction <add>, %select_n3A_1560, %reduce_sum3A_1561 [1] : vector<8x8192xf32> to vector<8xf32>
    %broadcast_in_dim3A_1563 = vector.shape_cast %reduce_sum3A_1562 : vector<8xf32> to vector<8x1xf32>
    %ge3A_1564 = arith.constant 5.000000e-01 : f32
    %ge3A_1565 = vector.broadcast %ge3A_1564 : f32 to vector<8x1xf32>
    %ge3A_1566 = arith.cmpf oge, %broadcast_in_dim3A_1563, %ge3A_1565 : vector<8x1xf32>
    %select_n3A_1567 = arith.select %ge3A_1566, %shift_right_arithmetic3A_1555, %select_n3A_1547 : vector<8x1xi1>, vector<8x1xi32>
    %add3A_1568 = arith.constant 1 : i32
    %add3A_1569 = vector.broadcast %add3A_1568 : i32 to vector<8x1xi32>
    %add3A_1570 = arith.addi %shift_right_arithmetic3A_1555, %add3A_1569 : vector<8x1xi32>
    %select_n3A_1571 = arith.select %ge3A_1566, %select_n3A_1551, %add3A_1570 : vector<8x1xi1>, vector<8x1xi32>
    %add3A_1572 = arith.addi %select_n3A_1571, %select_n3A_1567 : vector<8x1xi32>
    %shift_right_arithmetic3A_1573 = arith.constant 1 : i32
    %shift_right_arithmetic3A_1574 = vector.broadcast %shift_right_arithmetic3A_1573 : i32 to vector<8x1xi32>
    %shift_right_arithmetic3A_1575 = arith.shrsi %add3A_1572, %shift_right_arithmetic3A_1574 : vector<8x1xi32>
    %le3A_1576 = vector.broadcast %shift_right_arithmetic3A_1575 : vector<8x1xi32> to vector<8x8192xi32>
    %le3A_1577 = arith.cmpi sle, %add3A_1516, %le3A_1576 : vector<8x8192xi32>
    %jit3A_1578 = arith.constant 0.000000e+00 : f32
    %broadcast_in_dim3A_1579 = vector.broadcast %jit3A_1578 : f32 to vector<8x8192xf32>
    %select_n3A_1580 = arith.select %le3A_1577, %sub3A_1525, %broadcast_in_dim3A_1579 : vector<8x8192xi1>, vector<8x8192xf32>
    %reduce_sum3A_1581 = arith.constant dense<0.000000e+00> : vector<8xf32>
    %reduce_sum3A_1582 = vector.multi_reduction <add>, %select_n3A_1580, %reduce_sum3A_1581 [1] : vector<8x8192xf32> to vector<8xf32>
    %broadcast_in_dim3A_1583 = vector.shape_cast %reduce_sum3A_1582 : vector<8xf32> to vector<8x1xf32>
    %ge3A_1584 = arith.constant 5.000000e-01 : f32
    %ge3A_1585 = vector.broadcast %ge3A_1584 : f32 to vector<8x1xf32>
    %ge3A_1586 = arith.cmpf oge, %broadcast_in_dim3A_1583, %ge3A_1585 : vector<8x1xf32>
    %select_n3A_1587 = arith.select %ge3A_1586, %shift_right_arithmetic3A_1575, %select_n3A_1567 : vector<8x1xi1>, vector<8x1xi32>
    %add3A_1588 = arith.constant 1 : i32
    %add3A_1589 = vector.broadcast %add3A_1588 : i32 to vector<8x1xi32>
    %add3A_1590 = arith.addi %shift_right_arithmetic3A_1575, %add3A_1589 : vector<8x1xi32>
    %select_n3A_1591 = arith.select %ge3A_1586, %select_n3A_1571, %add3A_1590 : vector<8x1xi1>, vector<8x1xi32>
    %add3A_1592 = arith.addi %select_n3A_1591, %select_n3A_1587 : vector<8x1xi32>
    %shift_right_arithmetic3A_1593 = arith.constant 1 : i32
    %shift_right_arithmetic3A_1594 = vector.broadcast %shift_right_arithmetic3A_1593 : i32 to vector<8x1xi32>
    %shift_right_arithmetic3A_1595 = arith.shrsi %add3A_1592, %shift_right_arithmetic3A_1594 : vector<8x1xi32>
    %le3A_1596 = vector.broadcast %shift_right_arithmetic3A_1595 : vector<8x1xi32> to vector<8x8192xi32>
    %le3A_1597 = arith.cmpi sle, %add3A_1516, %le3A_1596 : vector<8x8192xi32>
    %jit3A_1598 = arith.constant 0.000000e+00 : f32
    %broadcast_in_dim3A_1599 = vector.broadcast %jit3A_1598 : f32 to vector<8x8192xf32>
    %select_n3A_1600 = arith.select %le3A_1597, %sub3A_1525, %broadcast_in_dim3A_1599 : vector<8x8192xi1>, vector<8x8192xf32>
    %reduce_sum3A_1601 = arith.constant dense<0.000000e+00> : vector<8xf32>
    %reduce_sum3A_1602 = vector.multi_reduction <add>, %select_n3A_1600, %reduce_sum3A_1601 [1] : vector<8x8192xf32> to vector<8xf32>
    %broadcast_in_dim3A_1603 = vector.shape_cast %reduce_sum3A_1602 : vector<8xf32> to vector<8x1xf32>
    %ge3A_1604 = arith.constant 5.000000e-01 : f32
    %ge3A_1605 = vector.broadcast %ge3A_1604 : f32 to vector<8x1xf32>
    %ge3A_1606 = arith.cmpf oge, %broadcast_in_dim3A_1603, %ge3A_1605 : vector<8x1xf32>
    %select_n3A_1607 = arith.select %ge3A_1606, %shift_right_arithmetic3A_1595, %select_n3A_1587 : vector<8x1xi1>, vector<8x1xi32>
    %add3A_1608 = arith.constant 1 : i32
    %add3A_1609 = vector.broadcast %add3A_1608 : i32 to vector<8x1xi32>
    %add3A_1610 = arith.addi %shift_right_arithmetic3A_1595, %add3A_1609 : vector<8x1xi32>
    %select_n3A_1611 = arith.select %ge3A_1606, %select_n3A_1591, %add3A_1610 : vector<8x1xi1>, vector<8x1xi32>
    %add3A_1612 = arith.addi %select_n3A_1611, %select_n3A_1607 : vector<8x1xi32>
    %shift_right_arithmetic3A_1613 = arith.constant 1 : i32
    %shift_right_arithmetic3A_1614 = vector.broadcast %shift_right_arithmetic3A_1613 : i32 to vector<8x1xi32>
    %shift_right_arithmetic3A_1615 = arith.shrsi %add3A_1612, %shift_right_arithmetic3A_1614 : vector<8x1xi32>
    %le3A_1616 = vector.broadcast %shift_right_arithmetic3A_1615 : vector<8x1xi32> to vector<8x8192xi32>
    %le3A_1617 = arith.cmpi sle, %add3A_1516, %le3A_1616 : vector<8x8192xi32>
    %jit3A_1618 = arith.constant 0.000000e+00 : f32
    %broadcast_in_dim3A_1619 = vector.broadcast %jit3A_1618 : f32 to vector<8x8192xf32>
    %select_n3A_1620 = arith.select %le3A_1617, %sub3A_1525, %broadcast_in_dim3A_1619 : vector<8x8192xi1>, vector<8x8192xf32>
    %reduce_sum3A_1621 = arith.constant dense<0.000000e+00> : vector<8xf32>
    %reduce_sum3A_1622 = vector.multi_reduction <add>, %select_n3A_1620, %reduce_sum3A_1621 [1] : vector<8x8192xf32> to vector<8xf32>
    %broadcast_in_dim3A_1623 = vector.shape_cast %reduce_sum3A_1622 : vector<8xf32> to vector<8x1xf32>
    %ge3A_1624 = arith.constant 5.000000e-01 : f32
    %ge3A_1625 = vector.broadcast %ge3A_1624 : f32 to vector<8x1xf32>
    %ge3A_1626 = arith.cmpf oge, %broadcast_in_dim3A_1623, %ge3A_1625 : vector<8x1xf32>
    %select_n3A_1627 = arith.select %ge3A_1626, %shift_right_arithmetic3A_1615, %select_n3A_1607 : vector<8x1xi1>, vector<8x1xi32>
    %add3A_1628 = arith.constant 1 : i32
    %add3A_1629 = vector.broadcast %add3A_1628 : i32 to vector<8x1xi32>
    %add3A_1630 = arith.addi %shift_right_arithmetic3A_1615, %add3A_1629 : vector<8x1xi32>
    %select_n3A_1631 = arith.select %ge3A_1626, %select_n3A_1611, %add3A_1630 : vector<8x1xi1>, vector<8x1xi32>
    %add3A_1632 = arith.addi %select_n3A_1631, %select_n3A_1627 : vector<8x1xi32>
    %shift_right_arithmetic3A_1633 = arith.constant 1 : i32
    %shift_right_arithmetic3A_1634 = vector.broadcast %shift_right_arithmetic3A_1633 : i32 to vector<8x1xi32>
    %shift_right_arithmetic3A_1635 = arith.shrsi %add3A_1632, %shift_right_arithmetic3A_1634 : vector<8x1xi32>
    %le3A_1636 = vector.broadcast %shift_right_arithmetic3A_1635 : vector<8x1xi32> to vector<8x8192xi32>
    %le3A_1637 = arith.cmpi sle, %add3A_1516, %le3A_1636 : vector<8x8192xi32>
    %jit3A_1638 = arith.constant 0.000000e+00 : f32
    %broadcast_in_dim3A_1639 = vector.broadcast %jit3A_1638 : f32 to vector<8x8192xf32>
    %select_n3A_1640 = arith.select %le3A_1637, %sub3A_1525, %broadcast_in_dim3A_1639 : vector<8x8192xi1>, vector<8x8192xf32>
    %reduce_sum3A_1641 = arith.constant dense<0.000000e+00> : vector<8xf32>
    %reduce_sum3A_1642 = vector.multi_reduction <add>, %select_n3A_1640, %reduce_sum3A_1641 [1] : vector<8x8192xf32> to vector<8xf32>
    %broadcast_in_dim3A_1643 = vector.shape_cast %reduce_sum3A_1642 : vector<8xf32> to vector<8x1xf32>
    %ge3A_1644 = arith.constant 5.000000e-01 : f32
    %ge3A_1645 = vector.broadcast %ge3A_1644 : f32 to vector<8x1xf32>
    %ge3A_1646 = arith.cmpf oge, %broadcast_in_dim3A_1643, %ge3A_1645 : vector<8x1xf32>
    %select_n3A_1647 = arith.select %ge3A_1646, %shift_right_arithmetic3A_1635, %select_n3A_1627 : vector<8x1xi1>, vector<8x1xi32>
    %add3A_1648 = arith.constant 1 : i32
    %add3A_1649 = vector.broadcast %add3A_1648 : i32 to vector<8x1xi32>
    %add3A_1650 = arith.addi %shift_right_arithmetic3A_1635, %add3A_1649 : vector<8x1xi32>
    %select_n3A_1651 = arith.select %ge3A_1646, %select_n3A_1631, %add3A_1650 : vector<8x1xi1>, vector<8x1xi32>
    %add3A_1652 = arith.addi %select_n3A_1651, %select_n3A_1647 : vector<8x1xi32>
    %shift_right_arithmetic3A_1653 = arith.constant 1 : i32
    %shift_right_arithmetic3A_1654 = vector.broadcast %shift_right_arithmetic3A_1653 : i32 to vector<8x1xi32>
    %shift_right_arithmetic3A_1655 = arith.shrsi %add3A_1652, %shift_right_arithmetic3A_1654 : vector<8x1xi32>
    %le3A_1656 = vector.broadcast %shift_right_arithmetic3A_1655 : vector<8x1xi32> to vector<8x8192xi32>
    %le3A_1657 = arith.cmpi sle, %add3A_1516, %le3A_1656 : vector<8x8192xi32>
    %jit3A_1658 = arith.constant 0.000000e+00 : f32
    %broadcast_in_dim3A_1659 = vector.broadcast %jit3A_1658 : f32 to vector<8x8192xf32>
    %select_n3A_1660 = arith.select %le3A_1657, %sub3A_1525, %broadcast_in_dim3A_1659 : vector<8x8192xi1>, vector<8x8192xf32>
    %reduce_sum3A_1661 = arith.constant dense<0.000000e+00> : vector<8xf32>
    %reduce_sum3A_1662 = vector.multi_reduction <add>, %select_n3A_1660, %reduce_sum3A_1661 [1] : vector<8x8192xf32> to vector<8xf32>
    %broadcast_in_dim3A_1663 = vector.shape_cast %reduce_sum3A_1662 : vector<8xf32> to vector<8x1xf32>
    %ge3A_1664 = arith.constant 5.000000e-01 : f32
    %ge3A_1665 = vector.broadcast %ge3A_1664 : f32 to vector<8x1xf32>
    %ge3A_1666 = arith.cmpf oge, %broadcast_in_dim3A_1663, %ge3A_1665 : vector<8x1xf32>
    %select_n3A_1667 = arith.select %ge3A_1666, %shift_right_arithmetic3A_1655, %select_n3A_1647 : vector<8x1xi1>, vector<8x1xi32>
    %add3A_1668 = arith.constant 1 : i32
    %add3A_1669 = vector.broadcast %add3A_1668 : i32 to vector<8x1xi32>
    %add3A_1670 = arith.addi %shift_right_arithmetic3A_1655, %add3A_1669 : vector<8x1xi32>
    %select_n3A_1671 = arith.select %ge3A_1666, %select_n3A_1651, %add3A_1670 : vector<8x1xi1>, vector<8x1xi32>
    %add3A_1672 = arith.addi %select_n3A_1671, %select_n3A_1667 : vector<8x1xi32>
    %shift_right_arithmetic3A_1673 = arith.constant 1 : i32
    %shift_right_arithmetic3A_1674 = vector.broadcast %shift_right_arithmetic3A_1673 : i32 to vector<8x1xi32>
    %shift_right_arithmetic3A_1675 = arith.shrsi %add3A_1672, %shift_right_arithmetic3A_1674 : vector<8x1xi32>
    %le3A_1676 = vector.broadcast %shift_right_arithmetic3A_1675 : vector<8x1xi32> to vector<8x8192xi32>
    %le3A_1677 = arith.cmpi sle, %add3A_1516, %le3A_1676 : vector<8x8192xi32>
    %jit3A_1678 = arith.constant 0.000000e+00 : f32
    %broadcast_in_dim3A_1679 = vector.broadcast %jit3A_1678 : f32 to vector<8x8192xf32>
    %select_n3A_1680 = arith.select %le3A_1677, %sub3A_1525, %broadcast_in_dim3A_1679 : vector<8x8192xi1>, vector<8x8192xf32>
    %reduce_sum3A_1681 = arith.constant dense<0.000000e+00> : vector<8xf32>
    %reduce_sum3A_1682 = vector.multi_reduction <add>, %select_n3A_1680, %reduce_sum3A_1681 [1] : vector<8x8192xf32> to vector<8xf32>
    %broadcast_in_dim3A_1683 = vector.shape_cast %reduce_sum3A_1682 : vector<8xf32> to vector<8x1xf32>
    %ge3A_1684 = arith.constant 5.000000e-01 : f32
    %ge3A_1685 = vector.broadcast %ge3A_1684 : f32 to vector<8x1xf32>
    %ge3A_1686 = arith.cmpf oge, %broadcast_in_dim3A_1683, %ge3A_1685 : vector<8x1xf32>
    %select_n3A_1687 = arith.select %ge3A_1686, %shift_right_arithmetic3A_1675, %select_n3A_1667 : vector<8x1xi1>, vector<8x1xi32>
    %add3A_1688 = arith.constant 1 : i32
    %add3A_1689 = vector.broadcast %add3A_1688 : i32 to vector<8x1xi32>
    %add3A_1690 = arith.addi %shift_right_arithmetic3A_1675, %add3A_1689 : vector<8x1xi32>
    %select_n3A_1691 = arith.select %ge3A_1686, %select_n3A_1671, %add3A_1690 : vector<8x1xi1>, vector<8x1xi32>
    %add3A_1692 = arith.addi %select_n3A_1691, %select_n3A_1687 : vector<8x1xi32>
    %shift_right_arithmetic3A_1693 = arith.constant 1 : i32
    %shift_right_arithmetic3A_1694 = vector.broadcast %shift_right_arithmetic3A_1693 : i32 to vector<8x1xi32>
    %shift_right_arithmetic3A_1695 = arith.shrsi %add3A_1692, %shift_right_arithmetic3A_1694 : vector<8x1xi32>
    %le3A_1696 = vector.broadcast %shift_right_arithmetic3A_1695 : vector<8x1xi32> to vector<8x8192xi32>
    %le3A_1697 = arith.cmpi sle, %add3A_1516, %le3A_1696 : vector<8x8192xi32>
    %jit3A_1698 = arith.constant 0.000000e+00 : f32
    %broadcast_in_dim3A_1699 = vector.broadcast %jit3A_1698 : f32 to vector<8x8192xf32>
    %select_n3A_1700 = arith.select %le3A_1697, %sub3A_1525, %broadcast_in_dim3A_1699 : vector<8x8192xi1>, vector<8x8192xf32>
    %reduce_sum3A_1701 = arith.constant dense<0.000000e+00> : vector<8xf32>
    %reduce_sum3A_1702 = vector.multi_reduction <add>, %select_n3A_1700, %reduce_sum3A_1701 [1] : vector<8x8192xf32> to vector<8xf32>
    %broadcast_in_dim3A_1703 = vector.shape_cast %reduce_sum3A_1702 : vector<8xf32> to vector<8x1xf32>
    %ge3A_1704 = arith.constant 5.000000e-01 : f32
    %ge3A_1705 = vector.broadcast %ge3A_1704 : f32 to vector<8x1xf32>
    %ge3A_1706 = arith.cmpf oge, %broadcast_in_dim3A_1703, %ge3A_1705 : vector<8x1xf32>
    %select_n3A_1707 = arith.select %ge3A_1706, %shift_right_arithmetic3A_1695, %select_n3A_1687 : vector<8x1xi1>, vector<8x1xi32>
    %add3A_1708 = arith.constant 1 : i32
    %add3A_1709 = vector.broadcast %add3A_1708 : i32 to vector<8x1xi32>
    %add3A_1710 = arith.addi %shift_right_arithmetic3A_1695, %add3A_1709 : vector<8x1xi32>
    %select_n3A_1711 = arith.select %ge3A_1706, %select_n3A_1691, %add3A_1710 : vector<8x1xi1>, vector<8x1xi32>
    %add3A_1712 = arith.addi %select_n3A_1711, %select_n3A_1707 : vector<8x1xi32>
    %shift_right_arithmetic3A_1713 = arith.constant 1 : i32
    %shift_right_arithmetic3A_1714 = vector.broadcast %shift_right_arithmetic3A_1713 : i32 to vector<8x1xi32>
    %shift_right_arithmetic3A_1715 = arith.shrsi %add3A_1712, %shift_right_arithmetic3A_1714 : vector<8x1xi32>
    %le3A_1716 = vector.broadcast %shift_right_arithmetic3A_1715 : vector<8x1xi32> to vector<8x8192xi32>
    %le3A_1717 = arith.cmpi sle, %add3A_1516, %le3A_1716 : vector<8x8192xi32>
    %jit3A_1718 = arith.constant 0.000000e+00 : f32
    %broadcast_in_dim3A_1719 = vector.broadcast %jit3A_1718 : f32 to vector<8x8192xf32>
    %select_n3A_1720 = arith.select %le3A_1717, %sub3A_1525, %broadcast_in_dim3A_1719 : vector<8x8192xi1>, vector<8x8192xf32>
    %reduce_sum3A_1721 = arith.constant dense<0.000000e+00> : vector<8xf32>
    %reduce_sum3A_1722 = vector.multi_reduction <add>, %select_n3A_1720, %reduce_sum3A_1721 [1] : vector<8x8192xf32> to vector<8xf32>
    %broadcast_in_dim3A_1723 = vector.shape_cast %reduce_sum3A_1722 : vector<8xf32> to vector<8x1xf32>
    %ge3A_1724 = arith.constant 5.000000e-01 : f32
    %ge3A_1725 = vector.broadcast %ge3A_1724 : f32 to vector<8x1xf32>
    %ge3A_1726 = arith.cmpf oge, %broadcast_in_dim3A_1723, %ge3A_1725 : vector<8x1xf32>
    %select_n3A_1727 = arith.select %ge3A_1726, %shift_right_arithmetic3A_1715, %select_n3A_1707 : vector<8x1xi1>, vector<8x1xi32>
    %add3A_1728 = arith.constant 1 : i32
    %add3A_1729 = vector.broadcast %add3A_1728 : i32 to vector<8x1xi32>
    %add3A_1730 = arith.addi %shift_right_arithmetic3A_1715, %add3A_1729 : vector<8x1xi32>
    %select_n3A_1731 = arith.select %ge3A_1726, %select_n3A_1711, %add3A_1730 : vector<8x1xi1>, vector<8x1xi32>
    %add3A_1732 = arith.addi %select_n3A_1731, %select_n3A_1727 : vector<8x1xi32>
    %shift_right_arithmetic3A_1733 = arith.constant 1 : i32
    %shift_right_arithmetic3A_1734 = vector.broadcast %shift_right_arithmetic3A_1733 : i32 to vector<8x1xi32>
    %shift_right_arithmetic3A_1735 = arith.shrsi %add3A_1732, %shift_right_arithmetic3A_1734 : vector<8x1xi32>
    %le3A_1736 = vector.broadcast %shift_right_arithmetic3A_1735 : vector<8x1xi32> to vector<8x8192xi32>
    %le3A_1737 = arith.cmpi sle, %add3A_1516, %le3A_1736 : vector<8x8192xi32>
    %jit3A_1738 = arith.constant 0.000000e+00 : f32
    %broadcast_in_dim3A_1739 = vector.broadcast %jit3A_1738 : f32 to vector<8x8192xf32>
    %select_n3A_1740 = arith.select %le3A_1737, %sub3A_1525, %broadcast_in_dim3A_1739 : vector<8x8192xi1>, vector<8x8192xf32>
    %reduce_sum3A_1741 = arith.constant dense<0.000000e+00> : vector<8xf32>
    %reduce_sum3A_1742 = vector.multi_reduction <add>, %select_n3A_1740, %reduce_sum3A_1741 [1] : vector<8x8192xf32> to vector<8xf32>
    %broadcast_in_dim3A_1743 = vector.shape_cast %reduce_sum3A_1742 : vector<8xf32> to vector<8x1xf32>
    %ge3A_1744 = arith.constant 5.000000e-01 : f32
    %ge3A_1745 = vector.broadcast %ge3A_1744 : f32 to vector<8x1xf32>
    %ge3A_1746 = arith.cmpf oge, %broadcast_in_dim3A_1743, %ge3A_1745 : vector<8x1xf32>
    %select_n3A_1747 = arith.select %ge3A_1746, %shift_right_arithmetic3A_1735, %select_n3A_1727 : vector<8x1xi1>, vector<8x1xi32>
    %add3A_1748 = arith.constant 1 : i32
    %add3A_1749 = vector.broadcast %add3A_1748 : i32 to vector<8x1xi32>
    %add3A_1750 = arith.addi %shift_right_arithmetic3A_1735, %add3A_1749 : vector<8x1xi32>
    %select_n3A_1751 = arith.select %ge3A_1746, %select_n3A_1731, %add3A_1750 : vector<8x1xi1>, vector<8x1xi32>
    %add3A_1752 = arith.addi %select_n3A_1751, %select_n3A_1747 : vector<8x1xi32>
    %shift_right_arithmetic3A_1753 = arith.constant 1 : i32
    %shift_right_arithmetic3A_1754 = vector.broadcast %shift_right_arithmetic3A_1753 : i32 to vector<8x1xi32>
    %shift_right_arithmetic3A_1755 = arith.shrsi %add3A_1752, %shift_right_arithmetic3A_1754 : vector<8x1xi32>
    %le3A_1756 = vector.broadcast %shift_right_arithmetic3A_1755 : vector<8x1xi32> to vector<8x8192xi32>
    %le3A_1757 = arith.cmpi sle, %add3A_1516, %le3A_1756 : vector<8x8192xi32>
    %jit3A_1758 = arith.constant 0.000000e+00 : f32
    %broadcast_in_dim3A_1759 = vector.broadcast %jit3A_1758 : f32 to vector<8x8192xf32>
    %select_n3A_1760 = arith.select %le3A_1757, %sub3A_1525, %broadcast_in_dim3A_1759 : vector<8x8192xi1>, vector<8x8192xf32>
    %reduce_sum3A_1761 = arith.constant dense<0.000000e+00> : vector<8xf32>
    %reduce_sum3A_1762 = vector.multi_reduction <add>, %select_n3A_1760, %reduce_sum3A_1761 [1] : vector<8x8192xf32> to vector<8xf32>
    %broadcast_in_dim3A_1763 = vector.shape_cast %reduce_sum3A_1762 : vector<8xf32> to vector<8x1xf32>
    %ge3A_1764 = arith.constant 5.000000e-01 : f32
    %ge3A_1765 = vector.broadcast %ge3A_1764 : f32 to vector<8x1xf32>
    %ge3A_1766 = arith.cmpf oge, %broadcast_in_dim3A_1763, %ge3A_1765 : vector<8x1xf32>
    %select_n3A_1767 = arith.select %ge3A_1766, %shift_right_arithmetic3A_1755, %select_n3A_1747 : vector<8x1xi1>, vector<8x1xi32>
    %add3A_1768 = arith.constant 1 : i32
    %add3A_1769 = vector.broadcast %add3A_1768 : i32 to vector<8x1xi32>
    %add3A_1770 = arith.addi %shift_right_arithmetic3A_1755, %add3A_1769 : vector<8x1xi32>
    %select_n3A_1771 = arith.select %ge3A_1766, %select_n3A_1751, %add3A_1770 : vector<8x1xi1>, vector<8x1xi32>
    %add3A_1772 = arith.addi %select_n3A_1771, %select_n3A_1767 : vector<8x1xi32>
    %shift_right_arithmetic3A_1773 = arith.constant 1 : i32
    %shift_right_arithmetic3A_1774 = vector.broadcast %shift_right_arithmetic3A_1773 : i32 to vector<8x1xi32>
    %shift_right_arithmetic3A_1775 = arith.shrsi %add3A_1772, %shift_right_arithmetic3A_1774 : vector<8x1xi32>
    %le3A_1776 = vector.broadcast %shift_right_arithmetic3A_1775 : vector<8x1xi32> to vector<8x8192xi32>
    %le3A_1777 = arith.cmpi sle, %add3A_1516, %le3A_1776 : vector<8x8192xi32>
    %jit3A_1778 = arith.constant 0.000000e+00 : f32
    %broadcast_in_dim3A_1779 = vector.broadcast %jit3A_1778 : f32 to vector<8x8192xf32>
    %select_n3A_1780 = arith.select %le3A_1777, %sub3A_1525, %broadcast_in_dim3A_1779 : vector<8x8192xi1>, vector<8x8192xf32>
    %reduce_sum3A_1781 = arith.constant dense<0.000000e+00> : vector<8xf32>
    %reduce_sum3A_1782 = vector.multi_reduction <add>, %select_n3A_1780, %reduce_sum3A_1781 [1] : vector<8x8192xf32> to vector<8xf32>
    %broadcast_in_dim3A_1783 = vector.shape_cast %reduce_sum3A_1782 : vector<8xf32> to vector<8x1xf32>
    %ge3A_1784 = arith.constant 5.000000e-01 : f32
    %ge3A_1785 = vector.broadcast %ge3A_1784 : f32 to vector<8x1xf32>
    %ge3A_1786 = arith.cmpf oge, %broadcast_in_dim3A_1783, %ge3A_1785 : vector<8x1xf32>
    %add3A_1787 = arith.constant 1 : i32
    %add3A_1788 = vector.broadcast %add3A_1787 : i32 to vector<8x1xi32>
    %add3A_1789 = arith.addi %shift_right_arithmetic3A_1775, %add3A_1788 : vector<8x1xi32>
    %select_n3A_1790 = arith.select %ge3A_1786, %select_n3A_1771, %add3A_1789 : vector<8x1xi1>, vector<8x1xi32>
    %ge3A_1791 = arith.constant 5.000000e-01 : f32
    %ge3A_1792 = vector.broadcast %ge3A_1791 : f32 to vector<8x1xf32>
    %ge3A_1793 = arith.cmpf oge, %broadcast_in_dim3A_1527, %ge3A_1792 : vector<8x1xf32>
    %select_n3A_1794 = arith.select %ge3A_1793, %select_n3A_1790, %broadcast_in_dim3A_1529 : vector<8x1xi1>, vector<8x1xi32>
    %sub3A_1795 = vector.broadcast %select_n3A_1794 : vector<8x1xi32> to vector<8x8192xi32>
    %sub3A_1796 = arith.subi %add3A_1516, %sub3A_1795 : vector<8x8192xi32>
    %abs3A = math.absi %sub3A_1796 : vector<8x8192xi32>
    %convert_element_type3A = arith.sitofp %abs3A : vector<8x8192xi32> to vector<8x8192xf32>
    %mul3A_1797 = arith.mulf %sub3A_1525, %convert_element_type3A : vector<8x8192xf32>
    %reduce_sum3A_1798 = arith.constant dense<0.000000e+00> : vector<8xf32>
    %reduce_sum3A_1799 = vector.multi_reduction <add>, %mul3A_1797, %reduce_sum3A_1798 [1] : vector<8x8192xf32> to vector<8xf32>
    %mul3A_1800 = arith.constant 2.44140625E-4 : f32
    %mul3A_1801 = vector.broadcast %mul3A_1800 : f32 to vector<8xf32>
    %mul3A_1802 = arith.mulf %reduce_sum3A_1799, %mul3A_1801 : vector<8xf32>
    %swap3A = arith.constant 0 : index
    %swap3A_1803 = arith.constant 0 : index
    %swap3A_1804 = arith.constant 0 : index
    %swap3A_1805 = vector.load %arg5[%swap3A, %swap3A_1803, %swap3A_1804] : memref<1x1x8xf32, #tpu.memory_space<vmem>>, vector<1x1x8xf32>
    %swap3A_1806 = vector.shape_cast %swap3A_1805 : vector<1x1x8xf32> to vector<8xf32>
    %swap3A_1807 = vector.shape_cast %mul3A_1802 : vector<8xf32> to vector<1x1x8xf32>
    tpu.vector_store %arg5[%swap3A, %swap3A_1803, %swap3A_1804], %swap3A_1807 {strides = array<i32>} : memref<1x1x8xf32, #tpu.memory_space<vmem>>, vector<1x1x8xf32>,
    return
  }
  func.func @transform_0(%arg0: i32) -> (i32, i32) {
    %add3A = arith.constant 16 : i32
    %add3A_0 = arith.addi %arg0, %add3A : i32
    %c0_i32 = arith.constant 0 : i32
    %c0_i32_1 = arith.constant 0 : i32
    return %add3A_0, %c0_i32 : i32, i32
  }
  func.func @transform_1(%arg0: i32) -> (i32, i32) {
    %add3A = arith.constant 16 : i32
    %add3A_0 = arith.addi %arg0, %add3A : i32
    %c0_i32 = arith.constant 0 : i32
    %c0_i32_1 = arith.constant 0 : i32
    return %add3A_0, %c0_i32 : i32, i32
  }
  func.func @transform_2(%arg0: i32) -> (i32, i32) {
    %c0_i32 = arith.constant 0 : i32
    %c0_i32_0 = arith.constant 0 : i32
    %c0_i32_1 = arith.constant 0 : i32
    return %c0_i32, %c0_i32_0 : i32, i32
  }
  func.func @transform_3(%arg0: i32) -> (i32, i32) {
    %c0_i32 = arith.constant 0 : i32
    %c0_i32_0 = arith.constant 0 : i32
    %c0_i32_1 = arith.constant 0 : i32
    return %c0_i32, %c0_i32_0 : i32, i32
  }
  func.func @transform_4(%arg0: i32) -> (i32, i32, i32) {
    %c0_i32 = arith.constant 0 : i32
    %c0_i32_0 = arith.constant 0 : i32
    %c0_i32_1 = arith.constant 0 : i32
    return %arg0, %c0_i32, %c0_i32_0 : i32, i32, i32
  }
}

</mosaic_0001>

<sc_bundles>
// kernel: kernel.5.cloned.1.call-start
scs
__scs_entry_jumppad:
0x0: {  	(pc) =	sbr.rel $0x88, $3  }
0x1: {  	(tag) =	ssettag $0x0;
	lr =	simm.s32 $0x1  }
0x2: {  	[smem:$0x3F9E] =	sst lr;
	_ =	strace $0xD0000000  }
0x3: {  	_ = 	snop  }
0x4: {  	_ = 	snop  }
0x5: {  	_ = 	snop  }
0x6: {  	_ = 	snop  }
0x7: {  	_ = 	snop  }
__scs_overlays_trampoline_lowered:
0x8: {  	[smem:$0x3FAD] =	sst s0  }
0x9: {  	[smem:$0x3FAE] =	sst s1  }
0xa: {  	[smem:$0x3FAF] =	sst s2  }
0xb: {  	[smem:$0x3FB0] =	sst s3  }
0xc: {  	[smem:$0x3FB1] =	sst s4  }
0xd: {  	[smem:$0x3FB2] =	sst s5  }
0xe: {  	[smem:$0x3FB3] =	sst s6  }
0xf: {  	[smem:$0x3FB4] =	sst s7  }
0x10: {  	[smem:$0x3FB5] =	sst s8  }
0x11: {  	[smem:$0x3FB6] =	sst s9;
	s0 =	simm.s32 @!p0 $0x0  }
0x12: {  	s1 =	sld [smem:$0x3F9C];
	s0 =	simm.s32 @p0 $0x1  }
0x13: {  	[smem:$0x3FB7] =	sst s0;
	s0 =	simm.s32 @!p1 $0x0  }
0x14: {  	s2 =	sld [smem:$0x3F9B];
	s0 =	simm.s32 @p1 $0x1  }
0x15: {  	[smem:$0x3FB8] =	sst s0;
	s0 =	simm.s32 @!p2 $0x0  }
0x16: {  	s3 =	sld [smem:$0x3FDB];
	s0 =	simm.s32 @p2 $0x1  }
0x17: {  	s4 =	simm.s32 $0x1BF5;
	[smem:$0x3FBA] =	sst s0  }
0x18: {  	s0 =	sld [smem:$0x3F9D];
	_ =	swait.ge [sflag:s4], $0x0  }
0x19: {  	s7 =	sld [smem:$0x3F9E]  }
0x1a: {  	s8 =	sadd.s32 $0xFFFFE003, lr  }
0x1b: {  	s9 =	sadd.s32 $0xFFFFFEF7, lr;
	s5 =	simm.s32 $0xFFFFFFFF;
	p2 =	slt.u32 s8, $0xFFFFF086  }
0x1c: {  	p1 =	slt.u32 s9, $0xF7A;
	s5 =	simm.s32 @!p2 $0x0  }
0x1d: {  	s5 =	simm.s32 @p1 $0x1;
	p0 =	seq.s32 s7, s2  }
0x1e: {  	s7 =	smul.u32 @!p0 $0xF7A, s2;
	p2 =	seq.s32 @!p0 s5, $0x0  }
0x1f: {  	s9 =	smul.u32 $0xF7A, s1;
	s8 =	simm.s32 @!p0 $0x1BF5;
	p2 =	por !p2, p0  }
0x20: {  	[sflag:s8] =	ssyncset.s32 @!p0 $0xFFFFF086;
	s6 =	sadd.s32 @!p0 s3, s7;
	s7 =	simm.s32 @!p0 $0x108  }
0x21: {  	s3 =	sadd.s32 s3, s9;
	s6 =	sadd.s32 @!p0 $0x88, s6;
	s7 =	simm.s32 @p2 $0x1082  }
0x22: {  	[simem:s7], [sflag:s8] =	dma.local @!p0 [hbm:s6], $0xF7A  }
0x23: {  	s9 =	sor.u32 $0xD0000000, s2;
	s6 =	simm.s32 $0x108;
	_ =	swait.ge @!p0 [sflag:s8], $0x0  }
0x24: {  	s3 =	sadd.s32 $0x88, s3;
	s6 =	simm.s32 @!p1 $0x1082;
	[sflag:s4] =	ssyncset.s32 $0xFFFFF086  }
0x25: {  	[simem:s6], [sflag:s4] =	dma.local [hbm:s3], $0xF7A  }
0x26: {  	[smem:$0x3F9E] =	sst s1;
	(tag) =	ssettag s2;
	_ =	strace s9  }
0x27: {  	s1 =	sld [smem:$0x3FAE]  }
0x28: {  	s2 =	sld [smem:$0x3FAF]  }
0x29: {  	s4 =	sld [smem:$0x3FB1]  }
0x2a: {  	p0 =	seq.s32 s5, $0x0;
	s5 =	sld [smem:$0x3FB2]  }
0x2b: {  	s6 =	sld [smem:$0x3FB3]  }
0x2c: {  	s7 =	sld [smem:$0x3FB4]  }
0x2d: {  	s3 =	simm.s32 $0x108;
	s8 =	sld [smem:$0x3FB5]  }
0x2e: {  	s3 =	simm.s32 @!p0 $0x1082;
	s9 =	sld [smem:$0x3FB6]  }
0x2f: {  	lr =	sadd.s32 s0, s3;
	s0 =	sld [smem:$0x3FAD]  }
0x30: {  	s3 =	sld [smem:$0x3FB0]  }
0x31: {  	[smem:$0x3FB9] =	sst s10  }
0x32: {  	s10 =	sld [smem:$0x3FB7];
	_ =	sdelay $0x3  }
0x33: {  	p0 =	seq.s32 s10, $0x1;
	s10 =	sld [smem:$0x3FB9];
	_ =	sdelay $0x3  }
0x34: {  	[smem:$0x3FB9] =	sst s10  }
0x35: {  	s10 =	sld [smem:$0x3FB8];
	_ =	sdelay $0x3  }
0x36: {  	p1 =	seq.s32 s10, $0x1;
	s10 =	sld [smem:$0x3FB9];
	_ =	sdelay $0x3  }
0x37: {  	[smem:$0x3FB9] =	sst s10  }
0x38: {  	s10 =	sld [smem:$0x3FBA]  }
0x39: {  	_ = 	snop;
	(pc) =	sbr.ind lr, $3  }
0x3a: {  	_ = 	snop  }
0x3b: {  	_ = 	snop  }
0x3c: {  	p2 =	seq.s32 s10, $0x1;
	s10 =	sld [smem:$0x3FB9]  }
0x3d: {  	_ =	shalt  }
0x3e: {  	_ =	shalt  }
0x3f: {  	_ =	shalt  }
0x40: {  	_ =	shalt  }
0x41: {  	_ =	shalt  }
0x42: {  	_ =	shalt  }
0x43: {  	_ =	shalt  }
0x44: {  	_ =	shalt  }
0x45: {  	_ =	shalt  }
0x46: {  	_ =	shalt  }
0x47: {  	_ =	shalt  }
0x48: {  	_ =	shalt  }
0x49: {  	_ =	shalt  }
0x4a: {  	_ =	shalt  }
0x4b: {  	_ =	shalt  }
0x4c: {  	_ =	shalt  }
0x4d: {  	_ =	shalt  }
0x4e: {  	_ =	shalt  }
0x4f: {  	_ =	shalt  }
0x50: {  	_ =	shalt  }
0x51: {  	_ =	shalt  }
0x52: {  	_ =	shalt  }
0x53: {  	_ =	shalt  }
0x54: {  	_ =	shalt  }
0x55: {  	_ =	shalt  }
0x56: {  	_ =	shalt  }
0x57: {  	_ =	shalt  }
0x58: {  	_ =	shalt  }
0x59: {  	_ =	shalt  }
0x5a: {  	_ =	shalt  }
0x5b: {  	_ =	shalt  }
0x5c: {  	_ =	shalt  }
0x5d: {  	_ =	shalt  }
0x5e: {  	_ =	shalt  }
0x5f: {  	_ =	shalt  }
0x60: {  	_ =	shalt  }
0x61: {  	_ =	shalt  }
0x62: {  	_ =	shalt  }
0x63: {  	_ =	shalt  }
0x64: {  	_ =	shalt  }
0x65: {  	_ =	shalt  }
0x66: {  	_ =	shalt  }
0x67: {  	_ =	shalt  }
0x68: {  	_ =	shalt  }
0x69: {  	_ =	shalt  }
0x6a: {  	_ =	shalt  }
0x6b: {  	_ =	shalt  }
0x6c: {  	_ =	shalt  }
0x6d: {  	_ =	shalt  }
0x6e: {  	_ =	shalt  }
0x6f: {  	_ =	shalt  }
0x70: {  	_ =	shalt  }
0x71: {  	_ =	shalt  }
0x72: {  	_ =	shalt  }
0x73: {  	_ =	shalt  }
0x74: {  	_ =	shalt  }
0x75: {  	_ =	shalt  }
0x76: {  	_ =	shalt  }
0x77: {  	_ =	shalt  }
0x78: {  	_ =	shalt  }
0x79: {  	_ =	shalt  }
0x7a: {  	_ =	shalt  }
0x7b: {  	_ =	shalt  }
0x7c: {  	_ =	shalt  }
0x7d: {  	_ =	shalt  }
0x7e: {  	_ =	shalt  }
0x7f: {  	_ =	shalt  }
0x80: {  	_ =	shalt  }
0x81: {  	_ =	shalt  }
0x82: {  	_ =	shalt  }
0x83: {  	_ =	shalt  }
0x84: {  	_ =	shalt  }
0x85: {  	_ =	shalt  }
0x86: {  	_ =	shalt  }
0x87: {  	_ =	shalt  }
.Lfunc_end0:
.L_simem_size_0:
called_computation_lowered:
.L_overlay_start_0:
0x88: {  	s2 =	sld [smem:$0x3FD9]  }
0x89: {  	s3 =	sld [smem:$0x3FFE];
	_ =	sdelay $0x1  }
0x8a: {  	s1 =	srdreg.scid  }
0x8b: {  	s0 =	sand.u32 $0x1, s1  }
0x8c: {  	s16 =	sshll.u32 s0, $0xA;
	s2 =	sadd.s32 s3, s2  }
0x8d: {  	s2 =	sadd.s32 s2, s16  }
0x8e: {  	[smem:$0x3FC5] =	sst s2  }
0x8f: {  	_ = 	snop  }
0x90: {  	(tm) =	ssettm $0x1  }
0x91: {  	s17 =	sld [smem:$0x3FFB];
	_ =	sdelay $0x3  }
0x92: {  	_ =	strace s17  }
0x93: {  	s2 =	sld [smem:$0x3FFC];
	_ =	sdelay $0x3  }
0x94: {  	_ =	strace s2  }
0x95: {  	s2 =	sld [smem:$0x3FFD];
	_ =	sdelay $0x3  }
0x96: {  	_ =	strace s2  }
0x97: {  	_ =	strace $0x8FFFFFFF  }
0x98: {  	s18 =	sld [smem:$0x3FDB];
	_ =	sdelay $0x1  }
0x99: {  	s19 =	simm.s32 $_scs_section_size  }
0x9a: {  	s4 =	simm.s32 $_size__tile_overlayer_lowered;
	s5 =	simm.s32 $_tile_overlayer_lowered  }
0x9b: {  	s22 =	simm.s32 $0x1BFF;
	s21 =	sshll.u32 s5, $0x1;
	s2 =	sadd.s32 s19, s18  }
0x9c: {  	s6 =	simm.s32 $0x0;
	s20 =	sshll.u32 s4, $0x1;
	s4 =	sadd.s32 s21, s2  }
0x9d: {  	[timem:s6], [sflag:s22] =	dma.local [hbm:s4], s20  }
0x9e: {  	_ =	swait.ge [sflag:s22], s20  }
0x9f: {  	s3 =	ssub.s32 $0x0, s20;
	[sflag:s22] =	ssyncset.done $0x0  }
0xa0: {  	[sflag:s22] =	ssyncadd.s32 s3;
	_ =	sdelay $0x1  }
0xa1: {  	s23 =	simm.s32 $0x1B8B  }
0xa2: {  	_ =	swait.ge [sflag:s23], $0x1  }
0xa3: {  	[sflag:s23] =	ssyncset.done $0x0  }
0xa4: {  	s25 =	simm.s32 $0x1B8E;
	s24 =	sld [smem:$0x3FFE];
	[sflag:s23] =	ssyncadd.s32 $0xFFFFFFFF  }
0xa5: {  	s26 =	simm.s32 $execute0_lowered;
	[smem:$0x3FD2] =	sst s25  }
0xa6: {  	s4 =	sshll.u32 s26, $0x1;
	_ =	strace $0x80000046;
	[dreg:$0x1] =	wrdreg $0xFFFFFFFF  }
0xa7: {  	s28 =	simm.s32 $_size_execute0_lowered;
	s2 =	sadd.s32 s2, s4;
	[dreg:$0x0] =	wrdreg $0x0  }
0xa8: {  	s4 =	sshll.u32 s28, $0x1;
	[dreg:$0x2] =	wrdreg s2  }
0xa9: {  	[dreg:$0x3] =	wrdreg s4  }
0xaa: {  	[dreg:$0x4] =	wrdreg $0xC0  }
0xab: {  	_ =	task [dreg:s6], $0x5FFFF  }
0xac: {  	[dreg:$0x1] =	wrdreg $0xFFFFFFFF  }
0xad: {  	[dreg:$0x0] =	wrdreg $0x60  }
0xae: {  	[dreg:$0x2] =	wrdreg s24  }
0xaf: {  	[dreg:$0x3] =	wrdreg $0x9  }
0xb0: {  	_ =	task.clear_ibuf [dreg:s6], $0x4FFFF;
	_ =	strace $0x90000046  }
0xb1: {  	s29 =	simm.s32 $0x9;
	_ =	strace $0x80000048  }
0xb2: {  	_ =	swait.ge [sflag:s29], $0x1  }
0xb3: {  	[sflag:s29] =	ssyncadd.s32 $0xFFFFFFFF  }
0xb4: {  	_ =	strace $0x90000048  }
0xb5: {  	_ =	sfence  }
0xb6: {  	s30 =	sld [smem:$0x0];
	_ =	sdelay $0x2  }
0xb7: {  	s31 =	sshll.u32 s1, $0xD;
	s1 =	sshrl.u32 s1, $0x2  }
0xb8: {  	s3 =	sand.u32 $0x4000, s31;
	s1 =	sadd.s32 s1, s30  }
0xb9: {  	s0 =	sor.u32 s3, s0;
	s1 =	sshll.u32 s1, $0x11  }
0xba: {  	s0 =	sor.u32 s1, s0  }
0xbb: {  	s0 =	sadd.s32 $0x8F2B, s0  }
0xbc: {  	[sflag:s0] =	ssyncadd.remote.s32 $0x1  }
0xbd: {  	_ =	sfence.sel $0xFFFF  }
0xbe: {  	[dreg:$0x0] =	wrdreg $0xFFFFFFFF;
	(pc) =	sbr.abs _section_cstart, $3  }
0xbf: {  	[dreg:$0x1] =	wrdreg $0xFFFFFFFF  }
0xc0: {  	_ =	task.clear_ibuf [dreg:s6], $0x2FFFF;
	_ =	strace $0x9FFFFFFF  }
0xc1: {  	(tm) =	ssettm $0x7FFFFFFF  }
tec
execute0_lowered:
.L_overlay_start_1:
0x0: {  	(tag) =	ssettag $0x1  }
0x1: {  	s3 =	rddreg [dreg:$0x0]  }
0x2: {  	s0 =	rddreg [dreg:$0x1]  }
0x3: {  	s2 =	simm.s32 $0x0;
	s4 =	srdreg.scid;
	s1 =	stileid.u32  }
0x4: {  	s8 =	simm.s32 $0x2080;
	s9 =	simm.s32 $0x1;
	s10 =	simm.s32 $0x4100  }
0x5: {  	s11 =	simm.s32 $0x4900;
	s12 =	simm.s32 $0x6980;
	s13 =	simm.s32 $0x0  }
0x6: {  	[smem:$0x7FF] =	sst s2;
	s4 =	sand.u32 $0x1, s4;
	s5 =	sshll.u32 s1, $0xB  }
0x7: {  	s6 =	sshll.u32 s1, $0x5;
	s7 =	sshll.u32 s4, $0x4;
	_ =	strace $0x80000047  }
.Ltmp0:
0x8: {  	s5 =	sand.u32 $0x6000, s5;
	s4 =	ssub.s32 $0x2, s4;
	(pc) =	sbr.rel .LBB2_1-.Ltmp0, $4  }
0x9: {  	s6 =	sor.u32 s7, s6;
	s5 =	sadd.s32 s5, s3;
	s30 =	sshrl.u32 s4, $0x1  }
0xa: {  	s7 =	sand.u32 $0x70, s6;
	s6 =	sadd.s32 s6, s3;
	s31 =	ssub.s32 s4, s30  }
0xb: {  	v0 =	vimm.f32 $0.0e+00;
	v1 =	vimm.s32 $0x0;
	s5 =	sadd.s32 s7, s5;
	s4 =	sadd.s32 $0x20200, s6;
	s6 =	simm.s32 $0x80  }
0xc: {  	v2 =	vimm.s32 $0x1;
	v3 =	vimm.s32 $0x3F800000;
	v4 =	vlaneseq.u32;
	s7 =	simm.s32 $0x400;
	s3 =	sadd.s32 $0x200, s5;
	s5 =	smax.u32 s31, $0x1  }
.LBB2_41:
0xd: {  	s13 =	sadd.s32 $0x1, s13  }
0xe: {  	p0 =	sne.s32 s13, s5  }
.Ltmp1:
0xf: {  	_ = 	snop;
	(pc) =	sbr.rel @!p0 .LBB2_42-.Ltmp1, $4  }
0x10: {  	[hbm4b:s4+s2] =	stream.linear.scatter [tilespmem:s12], [sflag:$0x1], $0x80, $0x38;
	[tilespmem:$0x6A00] =	vst v63  }
0x11: {  	_ =	swait.ge [sflag:s9], $0x80  }
0x12: {  	[sflag:s9] =	ssyncset.done $0x0  }
0x13: {  	[sflag:s9] =	ssyncadd.s32 $0xFFFFFF80  }
.LBB2_1:
0x14: {  	[tilespmem:$0x6980] =	vst v0;
	s14 =	simm.s32 $0x0;
	s15 =	simm.s32 $0x200  }
.LBB2_2:
0x15: {  	p0 =	sne.s32 s15, $0x7E00;
	[tilespmem:s14+$0x4970] =	vst v0  }
0x16: {  	[tilespmem:s14+$0x4900] =	vst v0  }
0x17: {  	[tilespmem:s14+$0x4910] =	vst v0  }
.Ltmp2:
0x18: {  	[tilespmem:s14+$0x4920] =	vst v0;
	(pc) =	sbr.rel @p0 .LBB2_2-.Ltmp2, $4  }
0x19: {  	[tilespmem:s14+$0x4930] =	vst v0  }
0x1a: {  	[tilespmem:s14+$0x4940] =	vst v0  }
0x1b: {  	[tilespmem:s14+$0x4950] =	vst v0  }
0x1c: {  	[tilespmem:s14+$0x4960] =	vst v0;
	s14 =	sshra.s32 s15, $0x2;
	s15 =	sadd.s32 $0x200, s15  }
0x1d: {  	[tilespmem:s14+$0x4970] =	vst v0  }
0x1e: {  	[tilespmem:s14+$0x4900] =	vst v0  }
0x1f: {  	[tilespmem:s14+$0x4910] =	vst v0  }
0x20: {  	[tilespmem:s14+$0x4920] =	vst v0  }
.Ltmp3:
0x21: {  	[tilespmem:s14+$0x4930] =	vst v0;
	(pc) =	sbr.rel .LBB2_4-.Ltmp3, $4  }
0x22: {  	[tilespmem:s14+$0x4940] =	vst v0  }
0x23: {  	[tilespmem:s14+$0x4950] =	vst v0  }
0x24: {  	[tilespmem:s14+$0x4960] =	vst v0  }
0x25: {  	s14 =	simm.s32 $0x0;
	[tilespmem:$0x6900] =	vst v0  }
.LBB2_34:
0x26: {  	_ = 	snop  }
.LBB2_39:
0x27: {  	v7 =	vmin.u32 v22, v23;
	v9 =	vadd.f32 @p0 v21, v25  }
0x28: {  	[tilespmem:s16+$0xFFFFFFF0] =	vst @p0 v0;
	v7 =	vcvt.s32.f32 v7  }
0x29: {  	v11 =	vld [tilespmem:s15+$0xFFFFFFE0];
	v9 =	vadd.f32 @p0 v24, v9  }
0x2a: {  	v7 =	vmul.f32 v7, v17  }
0x2b: {  	v5 =	vpsel p0, v9, v5  }
0x2c: {  	v60 =	vmul.f32 v19, v20;
	v5 =	vadd.f32 v7, v5  }
0x2d: {  	v7 =	vld [tilespmem:s15+$0x0]  }
0x2e: {  	v11 =	vmul.f32 v12, v11;
	v5 =	vadd.f32 v60, v5  }
0x2f: {  	v61 =	vld [tilespmem:s15+$0x10]  }
0x30: {  	v10 =	vmul.f32 v10, v16;
	v5 =	vadd.f32 v11, v5  }
0x31: {  	v62 =	vld [tilespmem:s15+$0x20]  }
0x32: {  	v7 =	vmul.f32 v18, v7;
	v5 =	vadd.f32 v10, v5  }
0x33: {  	v63 =	vld [tilespmem:s15+$0x30]  }
0x34: {  	v6 =	vmul.f32 v6, v61;
	v5 =	vadd.f32 v7, v5;
	_ =	sdelay $0x1  }
0x35: {  	v7 =	vmul.f32 v8, v62;
	v5 =	vadd.f32 v6, v5  }
0x36: {  	[tilespmem:s15+$0x30] =	vst v0  }
0x37: {  	[tilespmem:s15+$0xFFFFFFE0] =	vst v0;
	v6 =	vmul.f32 v15, v63;
	v5 =	vadd.f32 v7, v5  }
0x38: {  	[tilespmem:s15+$0x10] =	vst v0  }
0x39: {  	[tilespmem:s15+$0x20] =	vst v0;
	v5 =	vadd.f32 v6, v5  }
0x3a: {  	[tilespmem:s15+$0xFFFFFFF0] =	vst v0  }
0x3b: {  	[tilespmem:s15+$0x0] =	vst v0;
	v5 =	vmul.f32 $2.441406250e-04, v5  }
.LBB2_40:
0x3c: {  	_ = 	snop  }
0x3d: {  	(xrf2) =	vadd.scan.msk.f32 $0xffff, v5;
	_ =	sdelay $0x7  }
0x3e: {  	v7 =	vmov s14;
	s14 =	sadd.s32 $0x1, s14;
	v5 =	vld [tilespmem:$0x6980]  }
0x3f: {  	p0 =	sne.s32 s14, $0x4  }
.Ltmp4:
0x40: {  	v6, _, _ =	vpop (xrf2);
	(pc) =	sbr.rel @!p0 .LBB2_41-.Ltmp4, $4  }
0x41: {  	v6 =	vbroadcast v6, $0xF  }
0x42: {  	vm0 =	veq.s32 v7, v4  }
0x43: {  	v5 =	vsel vm0, v6, v5  }
0x44: {  	[tilespmem:$0x6980] =	vst v5  }
.LBB2_4:
0x45: {  	s15 =	sshll.u32 s14, $0xF  }
0x46: {  	s15 =	sadd.s32 s15, s3  }
0x47: {  	[tilespmem:s8], [sflag:$0x1] =	stream.strided.gather [hbm4b:s15+s6], $0x2000, s7, s6, $0x38;
	[tilespmem:$0x6A00] =	vst v63  }
0x48: {  	_ =	swait.ge [sflag:s9], $0x2000  }
0x49: {  	[sflag:s9] =	ssyncset.done $0x0  }
0x4a: {  	s16 =	simm.s32 $0x0;
	s15 =	simm.s32 $0x200;
	[sflag:s9] =	ssyncadd.s32 $0xFFFFE000  }
.LBB2_5:
0x4b: {  	p0 =	sne.s32 s15, $0x1E00;
	[tilespmem:s16+$0x4170] =	vst v1  }
0x4c: {  	[tilespmem:s16+$0x4100] =	vst v1  }
0x4d: {  	[tilespmem:s16+$0x4110] =	vst v1  }
.Ltmp5:
0x4e: {  	[tilespmem:s16+$0x4120] =	vst v1;
	(pc) =	sbr.rel @p0 .LBB2_5-.Ltmp5, $4  }
0x4f: {  	[tilespmem:s16+$0x4130] =	vst v1  }
0x50: {  	[tilespmem:s16+$0x4140] =	vst v1  }
0x51: {  	[tilespmem:s16+$0x4150] =	vst v1  }
0x52: {  	[tilespmem:s16+$0x4160] =	vst v1;
	s16 =	sshra.s32 s15, $0x2;
	s15 =	sadd.s32 $0x200, s15  }
0x53: {  	[tilespmem:s16+$0x4170] =	vst v1  }
0x54: {  	[tilespmem:s16+$0x4100] =	vst v1  }
0x55: {  	[tilespmem:s16+$0x4110] =	vst v1  }
0x56: {  	[tilespmem:s16+$0x4120] =	vst v1  }
0x57: {  	[tilespmem:s16+$0x4130] =	vst v1  }
0x58: {  	[tilespmem:s16+$0x4140] =	vst v1  }
0x59: {  	[tilespmem:s16+$0x4150] =	vst v1  }
0x5a: {  	s15 =	simm.s32 $0x0;
	[tilespmem:s16+$0x4160] =	vst v1;
	s16 =	simm.s32 $0x0  }
.LBB2_7:
0x5b: {  	s17 =	sshra.s32 s16, $0x2  }
0x5c: {  	v5 =	vld [tilespmem:s17+$0x2080];
	_ =	sdelay $0x4  }
0x5d: {  	v5 =	vshrl.u32 v5, $0x9  }
0x5e: {  	v5 =	vand.u32 $0x7FF, v5;
	_ =	sdelay $0x4  }
0x5f: {  	[tilespmem:v5+s10+$0x0] =	vst.idx.add.s32.msk $0xffff, v2  }
0x60: {  	v5 =	vld [tilespmem:s17+$0x2090];
	_ =	sdelay $0x4  }
0x61: {  	v5 =	vshrl.u32 v5, $0x9  }
0x62: {  	v5 =	vand.u32 $0x7FF, v5;
	_ =	sdelay $0x4  }
0x63: {  	[tilespmem:v5+s10+$0x0] =	vst.idx.add.s32.msk $0xffff, v2  }
0x64: {  	v5 =	vld [tilespmem:s17+$0x20A0];
	_ =	sdelay $0x4  }
0x65: {  	v5 =	vshrl.u32 v5, $0x9  }
0x66: {  	v5 =	vand.u32 $0x7FF, v5;
	_ =	sdelay $0x4  }
0x67: {  	[tilespmem:v5+s10+$0x0] =	vst.idx.add.s32.msk $0xffff, v2  }
0x68: {  	v5 =	vld [tilespmem:s17+$0x20B0];
	_ =	sdelay $0x4  }
0x69: {  	v5 =	vshrl.u32 v5, $0x9  }
0x6a: {  	v5 =	vand.u32 $0x7FF, v5;
	_ =	sdelay $0x4  }
0x6b: {  	[tilespmem:v5+s10+$0x0] =	vst.idx.add.s32.msk $0xffff, v2  }
0x6c: {  	v5 =	vld [tilespmem:s17+$0x20C0];
	_ =	sdelay $0x4  }
0x6d: {  	v5 =	vshrl.u32 v5, $0x9  }
0x6e: {  	v5 =	vand.u32 $0x7FF, v5;
	_ =	sdelay $0x4  }
0x6f: {  	[tilespmem:v5+s10+$0x0] =	vst.idx.add.s32.msk $0xffff, v2  }
0x70: {  	v5 =	vld [tilespmem:s17+$0x20D0];
	_ =	sdelay $0x4  }
0x71: {  	v5 =	vshrl.u32 v5, $0x9  }
0x72: {  	v5 =	vand.u32 $0x7FF, v5;
	_ =	sdelay $0x4  }
0x73: {  	[tilespmem:v5+s10+$0x0] =	vst.idx.add.s32.msk $0xffff, v2  }
0x74: {  	v5 =	vld [tilespmem:s17+$0x20E0];
	_ =	sdelay $0x4  }
0x75: {  	v5 =	vshrl.u32 v5, $0x9  }
0x76: {  	v5 =	vand.u32 $0x7FF, v5;
	_ =	sdelay $0x4  }
0x77: {  	[tilespmem:v5+s10+$0x0] =	vst.idx.add.s32.msk $0xffff, v2  }
0x78: {  	v5 =	vld [tilespmem:s17+$0x20F0];
	_ =	sdelay $0x4  }
0x79: {  	v5 =	vshrl.u32 v5, $0x9  }
0x7a: {  	p0 =	sne.s32 s16, $0x7E00;
	v5 =	vand.u32 $0x7FF, v5  }
.Ltmp6:
0x7b: {  	_ = 	snop;
	(pc) =	sbr.rel @p0 .LBB2_7-.Ltmp6, $2  }
0x7c: {  	_ =	sdelay $0x2  }
0x7d: {  	s16 =	sadd.s32 $0x200, s16;
	[tilespmem:v5+s10+$0x0] =	vst.idx.add.s32.msk $0xffff, v2  }
0x7e: {  	s17 =	simm.s32 $0x0  }
0x7f: {  	v5 =	vld [tilespmem:s17+$0x4100];
	_ =	sdelay $0x4  }
0x80: {  	v6 =	vld [tilespmem:s17+$0x4110];
	(xrf0) =	vadd.scan.msk.s32 $0xffff, v5;
	_ =	sdelay $0x1  }
0x81: {  	v7 =	vld [tilespmem:s17+$0x4120];
	_ =	sdelay $0x2  }
0x82: {  	(xrf0) =	vadd.scan.msk.s32 $0xffff, v6  }
0x83: {  	v8 =	vld [tilespmem:s17+$0x4130];
	v10, _, _ =	vpop (xrf0)  }
0x84: {  	(xrf0) =	vadd.scan.msk.s32 $0xffff, v7;
	(v2sf) =	vpush v10, $0xF  }
0x85: {  	v9 =	vld [tilespmem:s17+$0x4140]  }
0x86: {  	v12 =	vld [tilespmem:s17+$0x4150]  }
0x87: {  	v14 =	vld [tilespmem:s17+$0x4160]  }
0x88: {  	v11, _, _ =	vpop (xrf0);
	(xrf0) =	vadd.scan.msk.s32 $0xffff, v8  }
0x89: {  	(v2sf) =	vpush v11, $0xF  }
0x8a: {  	v13, _, _ =	vpop (xrf0);
	(xrf0) =	vadd.scan.msk.s32 $0xffff, v9  }
0x8b: {  	(v2sf) =	vpush v13, $0xF;
	(xrf0) =	vadd.scan.msk.s32 $0xffff, v12  }
0x8c: {  	(xrf0) =	vadd.scan.msk.s32 $0xffff, v14;
	_ =	sdelay $0x1  }
0x8d: {  	v16 =	vld [tilespmem:s17+$0x4170];
	v15, _, _ =	vpop (xrf0)  }
0x8e: {  	(v2sf) =	vpush v15, $0xF  }
0x8f: {  	v17, _, _ =	vpop (xrf0)  }
0x90: {  	v5 =	vsub.s32 s15, v5;
	(v2sf) =	vpush v17, $0xF;
	v18, _, _ =	vpop (xrf0)  }
0x91: {  	v5 =	vadd.s32 v10, v5;
	(v2sf) =	vpush v18, $0xF;
	v10, _, _ =	vpop (xrf0)  }
0x92: {  	(xrf0) =	vadd.scan.msk.s32 $0xffff, v16;
	s16 =	spop (v2sf);
	(v2sf) =	vpush v10, $0xF;
	_ =	sdelay $0x1  }
0x93: {  	s15 =	simm.s32 $0x80;
	[tilespmem:s17+$0x4100] =	vst v5  }
0x94: {  	v11 =	vsub.s32 v11, v6;
	v6 =	vld [tilespmem:s15+$0x4100];
	s16 =	sadd.s32 $0x0, s16  }
0x95: {  	v5 =	vadd.s32 s16, v11  }
0x96: {  	s18 =	spop (v2sf);
	[tilespmem:s17+$0x4110] =	vst v5  }
0x97: {  	v7 =	vsub.s32 v13, v7;
	s16 =	sadd.s32 s16, s18;
	v11, _, _ =	vpop (xrf0);
	v13 =	vld [tilespmem:s15+$0x4110]  }
0x98: {  	s26 =	spop (v2sf);
	v5 =	vadd.s32 s16, v7;
	(v2sf) =	vpush v11, $0xF  }
0x99: {  	(xrf0) =	vadd.scan.msk.s32 $0xffff, v6;
	s16 =	sadd.s32 s16, s26;
	[tilespmem:s17+$0x4120] =	vst v5;
	v5 =	vsub.s32 v15, v8  }
0x9a: {  	v15 =	vld [tilespmem:s15+$0x4120];
	v5 =	vadd.s32 s16, v5  }
0x9b: {  	[tilespmem:s17+$0x4130] =	vst v5  }
0x9c: {  	s28 =	spop (v2sf);
	v5 =	vld [tilespmem:s15+$0x4130];
	(xrf0) =	vadd.scan.msk.s32 $0xffff, v13  }
0x9d: {  	v7 =	vsub.s32 v17, v9;
	s16 =	sadd.s32 s16, s28  }
0x9e: {  	s29 =	spop (v2sf);
	v7 =	vadd.s32 s16, v7  }
0x9f: {  	v9 =	vsub.s32 v10, v14;
	v10, _, _ =	vpop (xrf0);
	v8 =	vsub.s32 v18, v12;
	s16 =	sadd.s32 s16, s29;
	s30 =	spop (v2sf);
	[tilespmem:s17+$0x4140] =	vst v7;
	(xrf0) =	vadd.scan.msk.s32 $0xffff, v15  }
0xa0: {  	v8 =	vadd.s32 s16, v8;
	v7 =	vld [tilespmem:s15+$0x4140];
	s31 =	spop (v2sf);
	(v2sf) =	vpush v10, $0xF  }
0xa1: {  	[tilespmem:s17+$0x4150] =	vst v8;
	(xrf0) =	vadd.scan.msk.s32 $0xffff, v5  }
0xa2: {  	v8 =	vld [tilespmem:s15+$0x4150];
	v12, _, _ =	vpop (xrf0)  }
0xa3: {  	s16 =	sadd.s32 s16, s30;
	(v2sf) =	vpush v12, $0xF  }
0xa4: {  	v9 =	vadd.s32 s16, v9  }
0xa5: {  	v14 =	vsub.s32 v11, v16;
	[tilespmem:s17+$0x4160] =	vst v9;
	s18 =	sadd.s32 s16, s31;
	v11 =	vsub.s32 v12, v13;
	v12, _, _ =	vpop (xrf0);
	(xrf0) =	vadd.scan.msk.s32 $0xffff, v7  }
0xa6: {  	v9 =	vld [tilespmem:s15+$0x4160];
	v14 =	vadd.s32 s18, v14;
	(v2sf) =	vpush v12, $0xF  }
0xa7: {  	s16 =	simm.s32 $0x400;
	v13 =	vsub.s32 v12, v15;
	(xrf0) =	vadd.scan.msk.s32 $0xffff, v8;
	v12, _, _ =	vpop (xrf0);
	[tilespmem:s17+$0x4170] =	vst v14;
	s19 =	spop (v2sf)  }
.LBB2_9:
0xa8: {  	p0 =	sne.s32 s16, $0x1E00  }
0xa9: {  	v14 =	vld [tilespmem:s15+$0x4170];
	(v2sf) =	vpush v12, $0xF;
	s18 =	sadd.s32 s18, s19;
	s17 =	smov.u32 s16;
	s16 =	sadd.s32 $0x200, s16  }
0xaa: {  	v6 =	vsub.s32 s18, v6  }
0xab: {  	v6 =	vadd.s32 v10, v6;
	v10, _, _ =	vpop (xrf0);
	(xrf0) =	vadd.scan.msk.s32 $0xffff, v9  }
0xac: {  	[tilespmem:s15+$0x4100] =	vst v6;
	v7 =	vsub.s32 v10, v7;
	(v2sf) =	vpush v10, $0xF;
	_ =	sdelay $0x1  }
0xad: {  	v6, _, _ =	vpop (xrf0);
	(xrf0) =	vadd.scan.msk.s32 $0xffff, v14  }
0xae: {  	s17 =	sshra.s32 s17, $0x2;
	v8 =	vsub.s32 v6, v8;
	s19 =	spop (v2sf);
	(v2sf) =	vpush v6, $0xF  }
0xaf: {  	v6 =	vld [tilespmem:s17+$0x4100];
	s18 =	sadd.s32 s18, s19  }
0xb0: {  	v10 =	vadd.s32 s18, v11;
	v11, _, _ =	vpop (xrf0)  }
0xb1: {  	[tilespmem:s15+$0x4110] =	vst v10;
	v9 =	vsub.s32 v11, v9;
	s19 =	spop (v2sf);
	(v2sf) =	vpush v11, $0xF  }
0xb2: {  	v11 =	vld [tilespmem:s17+$0x4110];
	s18 =	sadd.s32 s18, s19  }
0xb3: {  	v10 =	vadd.s32 s18, v13;
	v13, _, _ =	vpop (xrf0)  }
0xb4: {  	(xrf0) =	vadd.scan.msk.s32 $0xffff, v6;
	[tilespmem:s15+$0x4120] =	vst v10;
	v14 =	vsub.s32 v13, v14;
	s19 =	spop (v2sf);
	(v2sf) =	vpush v13, $0xF  }
0xb5: {  	v5 =	vsub.s32 v12, v5;
	v13 =	vld [tilespmem:s17+$0x4120];
	s18 =	sadd.s32 s18, s19  }
0xb6: {  	v5 =	vadd.s32 s18, v5  }
0xb7: {  	(xrf0) =	vadd.scan.msk.s32 $0xffff, v11;
	[tilespmem:s15+$0x4130] =	vst v5;
	s19 =	spop (v2sf)  }
0xb8: {  	v5 =	vld [tilespmem:s17+$0x4130];
	s18 =	sadd.s32 s18, s19  }
0xb9: {  	v7 =	vadd.s32 s18, v7  }
0xba: {  	v10, _, _ =	vpop (xrf0);
	(xrf0) =	vadd.scan.msk.s32 $0xffff, v13;
	[tilespmem:s15+$0x4140] =	vst v7;
	s19 =	spop (v2sf)  }
0xbb: {  	v7 =	vld [tilespmem:s17+$0x4140];
	(v2sf) =	vpush v10, $0xF;
	s18 =	sadd.s32 s18, s19  }
0xbc: {  	v8 =	vadd.s32 s18, v8  }
0xbd: {  	v12, _, _ =	vpop (xrf0);
	(xrf0) =	vadd.scan.msk.s32 $0xffff, v5;
	[tilespmem:s15+$0x4150] =	vst v8;
	s19 =	spop (v2sf)  }
0xbe: {  	v11 =	vsub.s32 v12, v11;
	v8 =	vld [tilespmem:s17+$0x4150];
	(v2sf) =	vpush v12, $0xF;
	s18 =	sadd.s32 s18, s19  }
.Ltmp7:
0xbf: {  	v9 =	vadd.s32 s18, v9;
	(pc) =	sbr.rel @p0 .LBB2_9-.Ltmp7, $4  }
0xc0: {  	v12, _, _ =	vpop (xrf0);
	(xrf0) =	vadd.scan.msk.s32 $0xffff, v7;
	[tilespmem:s15+$0x4160] =	vst v9;
	s19 =	spop (v2sf)  }
0xc1: {  	v13 =	vsub.s32 v12, v13;
	v9 =	vld [tilespmem:s17+$0x4160];
	(v2sf) =	vpush v12, $0xF;
	s18 =	sadd.s32 s18, s19  }
0xc2: {  	v14 =	vadd.s32 s18, v14  }
0xc3: {  	v12, _, _ =	vpop (xrf0);
	(xrf0) =	vadd.scan.msk.s32 $0xffff, v8;
	[tilespmem:s15+$0x4170] =	vst v14;
	s19 =	spop (v2sf);
	s15 =	smov.u32 s17  }
0xc4: {  	v14 =	vld [tilespmem:s15+$0x4170];
	_ =	sdelay $0x1  }
0xc5: {  	(xrf0) =	vadd.scan.msk.s32 $0xffff, v9;
	_ =	sdelay $0x2  }
0xc6: {  	(xrf0) =	vadd.scan.msk.s32 $0xffff, v14  }
0xc7: {  	(v2sf) =	vpush v12, $0xF;
	v15, _, _ =	vpop (xrf0)  }
0xc8: {  	(v2sf) =	vpush v15, $0xF;
	v16, _, _ =	vpop (xrf0)  }
0xc9: {  	(v2sf) =	vpush v16, $0xF;
	v17, _, _ =	vpop (xrf0)  }
0xca: {  	(v2sf) =	vpush v17, $0xF;
	_ =	sdelay $0x1  }
0xcb: {  	v18, _, _ =	vpop (xrf0)  }
0xcc: {  	(v2sf) =	vpush v18, $0xF;
	_ =	sdelay $0x4  }
0xcd: {  	s16 =	sadd.s32 s18, s19  }
0xce: {  	v6 =	vsub.s32 s16, v6;
	s17 =	spop (v2sf)  }
0xcf: {  	v6 =	vadd.s32 v10, v6;
	s16 =	sadd.s32 s16, s17;
	s24 =	spop (v2sf)  }
0xd0: {  	[tilespmem:s15+$0x4100] =	vst v6;
	v6 =	vadd.s32 s16, v11;
	s16 =	sadd.s32 s16, s24;
	s25 =	spop (v2sf)  }
0xd1: {  	v5 =	vsub.s32 v12, v5;
	[tilespmem:s15+$0x4110] =	vst v6;
	v6 =	vadd.s32 s16, v13;
	s16 =	sadd.s32 s16, s25;
	s26 =	spop (v2sf)  }
0xd2: {  	v7 =	vsub.s32 v15, v7;
	[tilespmem:s15+$0x4120] =	vst v6;
	v5 =	vadd.s32 s16, v5;
	s16 =	sadd.s32 s16, s26;
	s28 =	spop (v2sf)  }
0xd3: {  	v6 =	vsub.s32 v16, v8;
	[tilespmem:s15+$0x4130] =	vst v5;
	v5 =	vadd.s32 s16, v7;
	s16 =	sadd.s32 s16, s28;
	s29 =	spop (v2sf)  }
0xd4: {  	v7 =	vsub.s32 v17, v9;
	[tilespmem:s15+$0x4140] =	vst v5;
	v5 =	vadd.s32 s16, v6;
	s16 =	sadd.s32 s16, s29;
	s30 =	spop (v2sf)  }
0xd5: {  	v6 =	vsub.s32 v18, v14;
	[tilespmem:s15+$0x4150] =	vst v5;
	v5 =	vadd.s32 s16, v7;
	s16 =	sadd.s32 s16, s30  }
0xd6: {  	[tilespmem:s15+$0x4160] =	vst v5;
	v5 =	vadd.s32 s16, v6  }
0xd7: {  	s16 =	simm.s32 $0x0;
	[tilespmem:s15+$0x4170] =	vst v5;
	s15 =	simm.s32 $0x0;
	s31 =	spop (v2sf)  }
.LBB2_11:
0xd8: {  	s17 =	sshra.s32 s16, $0x2  }
0xd9: {  	v5 =	vld [tilespmem:s17+$0x2080];
	_ =	sdelay $0x4  }
0xda: {  	v6 =	vshrl.u32 v5, $0x9  }
0xdb: {  	v6 =	vand.u32 $0x7FF, v6  }
0xdc: {  	(xrf1) =	vunique.msk.u32 $0xffff, v6;
	_ =	sdelay $0x9  }
0xdd: {  	v7 =	vld.idx.msk [tilespmem:v6+s10+$0x0], $0xffff;
	_ =	sdelay $0x3  }
0xde: {  	_, v8, vm0 =	vpop (xrf1)  }
0xdf: {  	v7 =	vadd.s32 v8, v7  }
0xe0: {  	v7 =	vadd.s32 $0xFFFFFFFF, v7;
	_ =	sdelay $0x4  }
0xe1: {  	[tilespmem:v7+s15+$0x0] =	vst.idx.msk $0xffff, v5  }
0xe2: {  	[tilespmem:v6+s10+$0x0] =	vst.idx.add.s32.msk vm0, v8  }
0xe3: {  	v5 =	vld [tilespmem:s17+$0x2090];
	_ =	sdelay $0x4  }
0xe4: {  	v6 =	vshrl.u32 v5, $0x9  }
0xe5: {  	v6 =	vand.u32 $0x7FF, v6  }
0xe6: {  	(xrf1) =	vunique.msk.u32 $0xffff, v6;
	_ =	sdelay $0x9  }
0xe7: {  	v7 =	vld.idx.msk [tilespmem:v6+s10+$0x0], $0xffff;
	_ =	sdelay $0x3  }
0xe8: {  	_, v8, vm0 =	vpop (xrf1)  }
0xe9: {  	v7 =	vadd.s32 v8, v7  }
0xea: {  	v7 =	vadd.s32 $0xFFFFFFFF, v7;
	_ =	sdelay $0x4  }
0xeb: {  	[tilespmem:v7+s15+$0x0] =	vst.idx.msk $0xffff, v5  }
0xec: {  	[tilespmem:v6+s10+$0x0] =	vst.idx.add.s32.msk vm0, v8  }
0xed: {  	v5 =	vld [tilespmem:s17+$0x20A0];
	_ =	sdelay $0x4  }
0xee: {  	v6 =	vshrl.u32 v5, $0x9  }
0xef: {  	v6 =	vand.u32 $0x7FF, v6  }
0xf0: {  	(xrf1) =	vunique.msk.u32 $0xffff, v6;
	_ =	sdelay $0x9  }
0xf1: {  	v7 =	vld.idx.msk [tilespmem:v6+s10+$0x0], $0xffff;
	_ =	sdelay $0x3  }
0xf2: {  	_, v8, vm0 =	vpop (xrf1)  }
0xf3: {  	v7 =	vadd.s32 v8, v7  }
0xf4: {  	v7 =	vadd.s32 $0xFFFFFFFF, v7;
	_ =	sdelay $0x4  }
0xf5: {  	[tilespmem:v7+s15+$0x0] =	vst.idx.msk $0xffff, v5  }
0xf6: {  	[tilespmem:v6+s10+$0x0] =	vst.idx.add.s32.msk vm0, v8  }
0xf7: {  	v5 =	vld [tilespmem:s17+$0x20B0];
	_ =	sdelay $0x4  }
0xf8: {  	v6 =	vshrl.u32 v5, $0x9  }
0xf9: {  	v6 =	vand.u32 $0x7FF, v6  }
0xfa: {  	(xrf1) =	vunique.msk.u32 $0xffff, v6;
	_ =	sdelay $0x9  }
0xfb: {  	v7 =	vld.idx.msk [tilespmem:v6+s10+$0x0], $0xffff;
	_ =	sdelay $0x3  }
0xfc: {  	_, v8, vm0 =	vpop (xrf1)  }
0xfd: {  	v7 =	vadd.s32 v8, v7  }
0xfe: {  	v7 =	vadd.s32 $0xFFFFFFFF, v7;
	_ =	sdelay $0x4  }
0xff: {  	[tilespmem:v7+s15+$0x0] =	vst.idx.msk $0xffff, v5  }
0x100: {  	[tilespmem:v6+s10+$0x0] =	vst.idx.add.s32.msk vm0, v8  }
0x101: {  	v5 =	vld [tilespmem:s17+$0x20C0];
	_ =	sdelay $0x4  }
0x102: {  	v6 =	vshrl.u32 v5, $0x9  }
0x103: {  	v6 =	vand.u32 $0x7FF, v6  }
0x104: {  	(xrf1) =	vunique.msk.u32 $0xffff, v6;
	_ =	sdelay $0x9  }
0x105: {  	v7 =	vld.idx.msk [tilespmem:v6+s10+$0x0], $0xffff;
	_ =	sdelay $0x3  }
0x106: {  	_, v8, vm0 =	vpop (xrf1)  }
0x107: {  	v7 =	vadd.s32 v8, v7  }
0x108: {  	v7 =	vadd.s32 $0xFFFFFFFF, v7;
	_ =	sdelay $0x4  }
0x109: {  	[tilespmem:v7+s15+$0x0] =	vst.idx.msk $0xffff, v5  }
0x10a: {  	[tilespmem:v6+s10+$0x0] =	vst.idx.add.s32.msk vm0, v8  }
0x10b: {  	v5 =	vld [tilespmem:s17+$0x20D0];
	_ =	sdelay $0x4  }
0x10c: {  	v6 =	vshrl.u32 v5, $0x9  }
0x10d: {  	v6 =	vand.u32 $0x7FF, v6  }
0x10e: {  	(xrf1) =	vunique.msk.u32 $0xffff, v6;
	_ =	sdelay $0x9  }
0x10f: {  	v7 =	vld.idx.msk [tilespmem:v6+s10+$0x0], $0xffff;
	_ =	sdelay $0x3  }
0x110: {  	_, v8, vm0 =	vpop (xrf1)  }
0x111: {  	v7 =	vadd.s32 v8, v7  }
0x112: {  	v7 =	vadd.s32 $0xFFFFFFFF, v7;
	_ =	sdelay $0x4  }
0x113: {  	[tilespmem:v7+s15+$0x0] =	vst.idx.msk $0xffff, v5  }
0x114: {  	[tilespmem:v6+s10+$0x0] =	vst.idx.add.s32.msk vm0, v8  }
0x115: {  	v5 =	vld [tilespmem:s17+$0x20E0];
	_ =	sdelay $0x4  }
0x116: {  	v6 =	vshrl.u32 v5, $0x9  }
0x117: {  	v6 =	vand.u32 $0x7FF, v6  }
0x118: {  	(xrf1) =	vunique.msk.u32 $0xffff, v6;
	_ =	sdelay $0x9  }
0x119: {  	v7 =	vld.idx.msk [tilespmem:v6+s10+$0x0], $0xffff;
	_ =	sdelay $0x3  }
0x11a: {  	_, v8, vm0 =	vpop (xrf1)  }
0x11b: {  	v7 =	vadd.s32 v8, v7  }
0x11c: {  	v7 =	vadd.s32 $0xFFFFFFFF, v7;
	_ =	sdelay $0x4  }
0x11d: {  	[tilespmem:v7+s15+$0x0] =	vst.idx.msk $0xffff, v5  }
0x11e: {  	[tilespmem:v6+s10+$0x0] =	vst.idx.add.s32.msk vm0, v8  }
0x11f: {  	v5 =	vld [tilespmem:s17+$0x20F0];
	_ =	sdelay $0x4  }
0x120: {  	v6 =	vshrl.u32 v5, $0x9  }
0x121: {  	v6 =	vand.u32 $0x7FF, v6  }
0x122: {  	(xrf1) =	vunique.msk.u32 $0xffff, v6;
	_ =	sdelay $0x9  }
0x123: {  	v7 =	vld.idx.msk [tilespmem:v6+s10+$0x0], $0xffff;
	_ =	sdelay $0x3  }
0x124: {  	_, v8, vm0 =	vpop (xrf1)  }
0x125: {  	v7 =	vadd.s32 v8, v7  }
0x126: {  	v7 =	vadd.s32 $0xFFFFFFFF, v7  }
0x127: {  	p0 =	sne.s32 s16, $0x7E00  }
.Ltmp8:
0x128: {  	_ = 	snop;
	(pc) =	sbr.rel @p0 .LBB2_11-.Ltmp8, $3  }
0x129: {  	_ =	sdelay $0x1  }
0x12a: {  	[tilespmem:v7+s15+$0x0] =	vst.idx.msk $0xffff, v5  }
0x12b: {  	s16 =	sadd.s32 $0x200, s16;
	[tilespmem:v6+s10+$0x0] =	vst.idx.add.s32.msk vm0, v8  }
0x12c: {  	p0 =	sne.s32 s15, $0x1E00  }
.Ltmp9:
0x12d: {  	_ = 	snop;
	(pc) =	sbr.rel @!p0 .LBB2_14-.Ltmp9, $2  }
0x12e: {  	_ =	sdelay $0x2  }
0x12f: {  	s16 =	sshra.s32 s15, $0x2;
	s15 =	sadd.s32 $0x200, s15  }
.LBB2_13:
0x130: {  	p0 =	sne.s32 s15, $0x1E00;
	[tilespmem:s16+$0x4170] =	vst v1  }
0x131: {  	[tilespmem:s16+$0x4100] =	vst v1  }
0x132: {  	[tilespmem:s16+$0x4110] =	vst v1  }
.Ltmp10:
0x133: {  	[tilespmem:s16+$0x4120] =	vst v1;
	(pc) =	sbr.rel @p0 .LBB2_13-.Ltmp10, $4  }
0x134: {  	[tilespmem:s16+$0x4130] =	vst v1  }
0x135: {  	[tilespmem:s16+$0x4140] =	vst v1  }
0x136: {  	[tilespmem:s16+$0x4150] =	vst v1  }
0x137: {  	[tilespmem:s16+$0x4160] =	vst v1;
	s16 =	sshra.s32 s15, $0x2;
	s15 =	sadd.s32 $0x200, s15  }
.LBB2_14:
0x138: {  	[tilespmem:s16+$0x4170] =	vst v1  }
0x139: {  	[tilespmem:s16+$0x4100] =	vst v1  }
0x13a: {  	[tilespmem:s16+$0x4110] =	vst v1  }
0x13b: {  	[tilespmem:s16+$0x4120] =	vst v1  }
0x13c: {  	[tilespmem:s16+$0x4130] =	vst v1  }
0x13d: {  	[tilespmem:s16+$0x4140] =	vst v1  }
0x13e: {  	[tilespmem:s16+$0x4150] =	vst v1  }
0x13f: {  	s15 =	simm.s32 $0x0;
	[tilespmem:s16+$0x4160] =	vst v1;
	s16 =	simm.s32 $0x0  }
.LBB2_15:
0x140: {  	s17 =	sshra.s32 s16, $0x2  }
0x141: {  	v5 =	vld [tilespmem:s17+$0x0];
	_ =	sdelay $0x4  }
0x142: {  	v5 =	vshrl.u32 v5, $0x14  }
0x143: {  	v5 =	vand.u32 $0x7FF, v5;
	_ =	sdelay $0x4  }
0x144: {  	[tilespmem:v5+s10+$0x0] =	vst.idx.add.s32.msk $0xffff, v2  }
0x145: {  	v5 =	vld [tilespmem:s17+$0x10];
	_ =	sdelay $0x4  }
0x146: {  	v5 =	vshrl.u32 v5, $0x14  }
0x147: {  	v5 =	vand.u32 $0x7FF, v5;
	_ =	sdelay $0x4  }
0x148: {  	[tilespmem:v5+s10+$0x0] =	vst.idx.add.s32.msk $0xffff, v2  }
0x149: {  	v5 =	vld [tilespmem:s17+$0x20];
	_ =	sdelay $0x4  }
0x14a: {  	v5 =	vshrl.u32 v5, $0x14  }
0x14b: {  	v5 =	vand.u32 $0x7FF, v5;
	_ =	sdelay $0x4  }
0x14c: {  	[tilespmem:v5+s10+$0x0] =	vst.idx.add.s32.msk $0xffff, v2  }
0x14d: {  	v5 =	vld [tilespmem:s17+$0x30];
	_ =	sdelay $0x4  }
0x14e: {  	v5 =	vshrl.u32 v5, $0x14  }
0x14f: {  	v5 =	vand.u32 $0x7FF, v5;
	_ =	sdelay $0x4  }
0x150: {  	[tilespmem:v5+s10+$0x0] =	vst.idx.add.s32.msk $0xffff, v2  }
0x151: {  	v5 =	vld [tilespmem:s17+$0x40];
	_ =	sdelay $0x4  }
0x152: {  	v5 =	vshrl.u32 v5, $0x14  }
0x153: {  	v5 =	vand.u32 $0x7FF, v5;
	_ =	sdelay $0x4  }
0x154: {  	[tilespmem:v5+s10+$0x0] =	vst.idx.add.s32.msk $0xffff, v2  }
0x155: {  	v5 =	vld [tilespmem:s17+$0x50];
	_ =	sdelay $0x4  }
0x156: {  	v5 =	vshrl.u32 v5, $0x14  }
0x157: {  	v5 =	vand.u32 $0x7FF, v5;
	_ =	sdelay $0x4  }
0x158: {  	[tilespmem:v5+s10+$0x0] =	vst.idx.add.s32.msk $0xffff, v2  }
0x159: {  	v5 =	vld [tilespmem:s17+$0x60];
	_ =	sdelay $0x4  }
0x15a: {  	v5 =	vshrl.u32 v5, $0x14  }
0x15b: {  	v5 =	vand.u32 $0x7FF, v5;
	_ =	sdelay $0x4  }
0x15c: {  	[tilespmem:v5+s10+$0x0] =	vst.idx.add.s32.msk $0xffff, v2  }
0x15d: {  	v5 =	vld [tilespmem:s17+$0x70];
	_ =	sdelay $0x4  }
0x15e: {  	v5 =	vshrl.u32 v5, $0x14  }
0x15f: {  	p0 =	sne.s32 s16, $0x7E00;
	v5 =	vand.u32 $0x7FF, v5  }
.Ltmp11:
0x160: {  	_ = 	snop;
	(pc) =	sbr.rel @p0 .LBB2_15-.Ltmp11, $2  }
0x161: {  	_ =	sdelay $0x2  }
0x162: {  	s16 =	sadd.s32 $0x200, s16;
	[tilespmem:v5+s10+$0x0] =	vst.idx.add.s32.msk $0xffff, v2  }
0x163: {  	s17 =	simm.s32 $0x0  }
0x164: {  	v5 =	vld [tilespmem:s17+$0x4100];
	_ =	sdelay $0x4  }
0x165: {  	v6 =	vld [tilespmem:s17+$0x4110];
	(xrf0) =	vadd.scan.msk.s32 $0xffff, v5;
	_ =	sdelay $0x1  }
0x166: {  	v7 =	vld [tilespmem:s17+$0x4120];
	_ =	sdelay $0x2  }
0x167: {  	(xrf0) =	vadd.scan.msk.s32 $0xffff, v6  }
0x168: {  	v8 =	vld [tilespmem:s17+$0x4130];
	v10, _, _ =	vpop (xrf0)  }
0x169: {  	(xrf0) =	vadd.scan.msk.s32 $0xffff, v7;
	(v2sf) =	vpush v10, $0xF  }
0x16a: {  	v9 =	vld [tilespmem:s17+$0x4140]  }
0x16b: {  	v12 =	vld [tilespmem:s17+$0x4150]  }
0x16c: {  	v14 =	vld [tilespmem:s17+$0x4160]  }
0x16d: {  	v11, _, _ =	vpop (xrf0);
	(xrf0) =	vadd.scan.msk.s32 $0xffff, v8  }
0x16e: {  	(v2sf) =	vpush v11, $0xF  }
0x16f: {  	v13, _, _ =	vpop (xrf0);
	(xrf0) =	vadd.scan.msk.s32 $0xffff, v9  }
0x170: {  	(v2sf) =	vpush v13, $0xF;
	(xrf0) =	vadd.scan.msk.s32 $0xffff, v12  }
0x171: {  	(xrf0) =	vadd.scan.msk.s32 $0xffff, v14;
	_ =	sdelay $0x1  }
0x172: {  	v16 =	vld [tilespmem:s17+$0x4170];
	v15, _, _ =	vpop (xrf0)  }
0x173: {  	(v2sf) =	vpush v15, $0xF  }
0x174: {  	v17, _, _ =	vpop (xrf0)  }
0x175: {  	v5 =	vsub.s32 s15, v5;
	(v2sf) =	vpush v17, $0xF;
	v18, _, _ =	vpop (xrf0)  }
0x176: {  	v5 =	vadd.s32 v10, v5;
	(v2sf) =	vpush v18, $0xF;
	v10, _, _ =	vpop (xrf0)  }
0x177: {  	(xrf0) =	vadd.scan.msk.s32 $0xffff, v16;
	s16 =	spop (v2sf);
	(v2sf) =	vpush v10, $0xF;
	_ =	sdelay $0x1  }
0x178: {  	s15 =	simm.s32 $0x80;
	[tilespmem:s17+$0x4100] =	vst v5  }
0x179: {  	v11 =	vsub.s32 v11, v6;
	v6 =	vld [tilespmem:s15+$0x4100];
	s16 =	sadd.s32 $0x0, s16  }
0x17a: {  	v5 =	vadd.s32 s16, v11  }
0x17b: {  	s18 =	spop (v2sf);
	[tilespmem:s17+$0x4110] =	vst v5  }
0x17c: {  	v7 =	vsub.s32 v13, v7;
	s16 =	sadd.s32 s16, s18;
	v11, _, _ =	vpop (xrf0);
	v13 =	vld [tilespmem:s15+$0x4110]  }
0x17d: {  	s26 =	spop (v2sf);
	v5 =	vadd.s32 s16, v7;
	(v2sf) =	vpush v11, $0xF  }
0x17e: {  	(xrf0) =	vadd.scan.msk.s32 $0xffff, v6;
	s16 =	sadd.s32 s16, s26;
	[tilespmem:s17+$0x4120] =	vst v5;
	v5 =	vsub.s32 v15, v8  }
0x17f: {  	v15 =	vld [tilespmem:s15+$0x4120];
	v5 =	vadd.s32 s16, v5  }
0x180: {  	[tilespmem:s17+$0x4130] =	vst v5  }
0x181: {  	s28 =	spop (v2sf);
	v5 =	vld [tilespmem:s15+$0x4130];
	(xrf0) =	vadd.scan.msk.s32 $0xffff, v13  }
0x182: {  	v7 =	vsub.s32 v17, v9;
	s16 =	sadd.s32 s16, s28  }
0x183: {  	s29 =	spop (v2sf);
	v7 =	vadd.s32 s16, v7  }
0x184: {  	v9 =	vsub.s32 v10, v14;
	v10, _, _ =	vpop (xrf0);
	v8 =	vsub.s32 v18, v12;
	s16 =	sadd.s32 s16, s29;
	s30 =	spop (v2sf);
	[tilespmem:s17+$0x4140] =	vst v7;
	(xrf0) =	vadd.scan.msk.s32 $0xffff, v15  }
0x185: {  	v8 =	vadd.s32 s16, v8;
	v7 =	vld [tilespmem:s15+$0x4140];
	s31 =	spop (v2sf);
	(v2sf) =	vpush v10, $0xF  }
0x186: {  	[tilespmem:s17+$0x4150] =	vst v8;
	(xrf0) =	vadd.scan.msk.s32 $0xffff, v5  }
0x187: {  	v8 =	vld [tilespmem:s15+$0x4150];
	v12, _, _ =	vpop (xrf0)  }
0x188: {  	s16 =	sadd.s32 s16, s30;
	(v2sf) =	vpush v12, $0xF  }
0x189: {  	v9 =	vadd.s32 s16, v9  }
0x18a: {  	v14 =	vsub.s32 v11, v16;
	[tilespmem:s17+$0x4160] =	vst v9;
	s18 =	sadd.s32 s16, s31;
	v11 =	vsub.s32 v12, v13;
	v12, _, _ =	vpop (xrf0);
	(xrf0) =	vadd.scan.msk.s32 $0xffff, v7  }
0x18b: {  	v9 =	vld [tilespmem:s15+$0x4160];
	v14 =	vadd.s32 s18, v14;
	(v2sf) =	vpush v12, $0xF  }
0x18c: {  	s16 =	simm.s32 $0x400;
	v13 =	vsub.s32 v12, v15;
	(xrf0) =	vadd.scan.msk.s32 $0xffff, v8;
	v12, _, _ =	vpop (xrf0);
	[tilespmem:s17+$0x4170] =	vst v14;
	s19 =	spop (v2sf)  }
.LBB2_17:
0x18d: {  	p0 =	sne.s32 s16, $0x1E00  }
0x18e: {  	v14 =	vld [tilespmem:s15+$0x4170];
	(v2sf) =	vpush v12, $0xF;
	s18 =	sadd.s32 s18, s19;
	s17 =	smov.u32 s16;
	s16 =	sadd.s32 $0x200, s16  }
0x18f: {  	v6 =	vsub.s32 s18, v6  }
0x190: {  	v6 =	vadd.s32 v10, v6;
	v10, _, _ =	vpop (xrf0);
	(xrf0) =	vadd.scan.msk.s32 $0xffff, v9  }
0x191: {  	[tilespmem:s15+$0x4100] =	vst v6;
	v7 =	vsub.s32 v10, v7;
	(v2sf) =	vpush v10, $0xF;
	_ =	sdelay $0x1  }
0x192: {  	v6, _, _ =	vpop (xrf0);
	(xrf0) =	vadd.scan.msk.s32 $0xffff, v14  }
0x193: {  	s17 =	sshra.s32 s17, $0x2;
	v8 =	vsub.s32 v6, v8;
	s19 =	spop (v2sf);
	(v2sf) =	vpush v6, $0xF  }
0x194: {  	v6 =	vld [tilespmem:s17+$0x4100];
	s18 =	sadd.s32 s18, s19  }
0x195: {  	v10 =	vadd.s32 s18, v11;
	v11, _, _ =	vpop (xrf0)  }
0x196: {  	[tilespmem:s15+$0x4110] =	vst v10;
	v9 =	vsub.s32 v11, v9;
	s19 =	spop (v2sf);
	(v2sf) =	vpush v11, $0xF  }
0x197: {  	v11 =	vld [tilespmem:s17+$0x4110];
	s18 =	sadd.s32 s18, s19  }
0x198: {  	v10 =	vadd.s32 s18, v13;
	v13, _, _ =	vpop (xrf0)  }
0x199: {  	(xrf0) =	vadd.scan.msk.s32 $0xffff, v6;
	[tilespmem:s15+$0x4120] =	vst v10;
	v14 =	vsub.s32 v13, v14;
	s19 =	spop (v2sf);
	(v2sf) =	vpush v13, $0xF  }
0x19a: {  	v5 =	vsub.s32 v12, v5;
	v13 =	vld [tilespmem:s17+$0x4120];
	s18 =	sadd.s32 s18, s19  }
0x19b: {  	v5 =	vadd.s32 s18, v5  }
0x19c: {  	(xrf0) =	vadd.scan.msk.s32 $0xffff, v11;
	[tilespmem:s15+$0x4130] =	vst v5;
	s19 =	spop (v2sf)  }
0x19d: {  	v5 =	vld [tilespmem:s17+$0x4130];
	s18 =	sadd.s32 s18, s19  }
0x19e: {  	v7 =	vadd.s32 s18, v7  }
0x19f: {  	v10, _, _ =	vpop (xrf0);
	(xrf0) =	vadd.scan.msk.s32 $0xffff, v13;
	[tilespmem:s15+$0x4140] =	vst v7;
	s19 =	spop (v2sf)  }
0x1a0: {  	v7 =	vld [tilespmem:s17+$0x4140];
	(v2sf) =	vpush v10, $0xF;
	s18 =	sadd.s32 s18, s19  }
0x1a1: {  	v8 =	vadd.s32 s18, v8  }
0x1a2: {  	v12, _, _ =	vpop (xrf0);
	(xrf0) =	vadd.scan.msk.s32 $0xffff, v5;
	[tilespmem:s15+$0x4150] =	vst v8;
	s19 =	spop (v2sf)  }
0x1a3: {  	v11 =	vsub.s32 v12, v11;
	v8 =	vld [tilespmem:s17+$0x4150];
	(v2sf) =	vpush v12, $0xF;
	s18 =	sadd.s32 s18, s19  }
.Ltmp12:
0x1a4: {  	v9 =	vadd.s32 s18, v9;
	(pc) =	sbr.rel @p0 .LBB2_17-.Ltmp12, $4  }
0x1a5: {  	v12, _, _ =	vpop (xrf0);
	(xrf0) =	vadd.scan.msk.s32 $0xffff, v7;
	[tilespmem:s15+$0x4160] =	vst v9;
	s19 =	spop (v2sf)  }
0x1a6: {  	v13 =	vsub.s32 v12, v13;
	v9 =	vld [tilespmem:s17+$0x4160];
	(v2sf) =	vpush v12, $0xF;
	s18 =	sadd.s32 s18, s19  }
0x1a7: {  	v14 =	vadd.s32 s18, v14  }
0x1a8: {  	v12, _, _ =	vpop (xrf0);
	(xrf0) =	vadd.scan.msk.s32 $0xffff, v8;
	[tilespmem:s15+$0x4170] =	vst v14;
	s19 =	spop (v2sf);
	s15 =	smov.u32 s17  }
0x1a9: {  	v14 =	vld [tilespmem:s15+$0x4170];
	_ =	sdelay $0x1  }
0x1aa: {  	(xrf0) =	vadd.scan.msk.s32 $0xffff, v9;
	_ =	sdelay $0x2  }
0x1ab: {  	(xrf0) =	vadd.scan.msk.s32 $0xffff, v14  }
0x1ac: {  	(v2sf) =	vpush v12, $0xF;
	v15, _, _ =	vpop (xrf0)  }
0x1ad: {  	(v2sf) =	vpush v15, $0xF;
	v16, _, _ =	vpop (xrf0)  }
0x1ae: {  	(v2sf) =	vpush v16, $0xF;
	v17, _, _ =	vpop (xrf0)  }
0x1af: {  	(v2sf) =	vpush v17, $0xF;
	_ =	sdelay $0x1  }
0x1b0: {  	v18, _, _ =	vpop (xrf0)  }
0x1b1: {  	(v2sf) =	vpush v18, $0xF;
	_ =	sdelay $0x4  }
0x1b2: {  	s16 =	sadd.s32 s18, s19  }
0x1b3: {  	v6 =	vsub.s32 s16, v6;
	s17 =	spop (v2sf)  }
0x1b4: {  	v6 =	vadd.s32 v10, v6;
	s16 =	sadd.s32 s16, s17;
	s24 =	spop (v2sf)  }
0x1b5: {  	[tilespmem:s15+$0x4100] =	vst v6;
	v6 =	vadd.s32 s16, v11;
	s16 =	sadd.s32 s16, s24;
	s25 =	spop (v2sf)  }
0x1b6: {  	v5 =	vsub.s32 v12, v5;
	[tilespmem:s15+$0x4110] =	vst v6;
	v6 =	vadd.s32 s16, v13;
	s16 =	sadd.s32 s16, s25;
	s26 =	spop (v2sf)  }
0x1b7: {  	v7 =	vsub.s32 v15, v7;
	[tilespmem:s15+$0x4120] =	vst v6;
	v5 =	vadd.s32 s16, v5;
	s16 =	sadd.s32 s16, s26;
	s28 =	spop (v2sf)  }
0x1b8: {  	v6 =	vsub.s32 v16, v8;
	[tilespmem:s15+$0x4130] =	vst v5;
	v5 =	vadd.s32 s16, v7;
	s16 =	sadd.s32 s16, s28;
	s29 =	spop (v2sf)  }
0x1b9: {  	v7 =	vsub.s32 v17, v9;
	[tilespmem:s15+$0x4140] =	vst v5;
	v5 =	vadd.s32 s16, v6;
	s16 =	sadd.s32 s16, s29;
	s30 =	spop (v2sf)  }
0x1ba: {  	v6 =	vsub.s32 v18, v14;
	[tilespmem:s15+$0x4150] =	vst v5;
	v5 =	vadd.s32 s16, v7;
	s16 =	sadd.s32 s16, s30  }
0x1bb: {  	[tilespmem:s15+$0x4160] =	vst v5;
	v5 =	vadd.s32 s16, v6  }
0x1bc: {  	[tilespmem:s15+$0x4170] =	vst v5;
	s31 =	spop (v2sf);
	s15 =	simm.s32 $0x0  }
.LBB2_19:
0x1bd: {  	s16 =	sshra.s32 s15, $0x2  }
0x1be: {  	v5 =	vld [tilespmem:s16+$0x0];
	_ =	sdelay $0x4  }
0x1bf: {  	v6 =	vshrl.u32 v5, $0x14  }
0x1c0: {  	v6 =	vand.u32 $0x7FF, v6  }
0x1c1: {  	(xrf1) =	vunique.msk.u32 $0xffff, v6;
	_ =	sdelay $0x9  }
0x1c2: {  	v7 =	vld.idx.msk [tilespmem:v6+s10+$0x0], $0xffff;
	_ =	sdelay $0x3  }
0x1c3: {  	_, v8, vm0 =	vpop (xrf1)  }
0x1c4: {  	v7 =	vadd.s32 v8, v7  }
0x1c5: {  	v7 =	vadd.s32 $0xFFFFFFFF, v7;
	_ =	sdelay $0x4  }
0x1c6: {  	[tilespmem:v7+s8+$0x0] =	vst.idx.msk $0xffff, v5  }
0x1c7: {  	[tilespmem:v6+s10+$0x0] =	vst.idx.add.s32.msk vm0, v8  }
0x1c8: {  	v5 =	vld [tilespmem:s16+$0x10];
	_ =	sdelay $0x4  }
0x1c9: {  	v6 =	vshrl.u32 v5, $0x14  }
0x1ca: {  	v6 =	vand.u32 $0x7FF, v6  }
0x1cb: {  	(xrf1) =	vunique.msk.u32 $0xffff, v6;
	_ =	sdelay $0x9  }
0x1cc: {  	v7 =	vld.idx.msk [tilespmem:v6+s10+$0x0], $0xffff;
	_ =	sdelay $0x3  }
0x1cd: {  	_, v8, vm0 =	vpop (xrf1)  }
0x1ce: {  	v7 =	vadd.s32 v8, v7  }
0x1cf: {  	v7 =	vadd.s32 $0xFFFFFFFF, v7;
	_ =	sdelay $0x4  }
0x1d0: {  	[tilespmem:v7+s8+$0x0] =	vst.idx.msk $0xffff, v5  }
0x1d1: {  	[tilespmem:v6+s10+$0x0] =	vst.idx.add.s32.msk vm0, v8  }
0x1d2: {  	v5 =	vld [tilespmem:s16+$0x20];
	_ =	sdelay $0x4  }
0x1d3: {  	v6 =	vshrl.u32 v5, $0x14  }
0x1d4: {  	v6 =	vand.u32 $0x7FF, v6  }
0x1d5: {  	(xrf1) =	vunique.msk.u32 $0xffff, v6;
	_ =	sdelay $0x9  }
0x1d6: {  	v7 =	vld.idx.msk [tilespmem:v6+s10+$0x0], $0xffff;
	_ =	sdelay $0x3  }
0x1d7: {  	_, v8, vm0 =	vpop (xrf1)  }
0x1d8: {  	v7 =	vadd.s32 v8, v7  }
0x1d9: {  	v7 =	vadd.s32 $0xFFFFFFFF, v7;
	_ =	sdelay $0x4  }
0x1da: {  	[tilespmem:v7+s8+$0x0] =	vst.idx.msk $0xffff, v5  }
0x1db: {  	[tilespmem:v6+s10+$0x0] =	vst.idx.add.s32.msk vm0, v8  }
0x1dc: {  	v5 =	vld [tilespmem:s16+$0x30];
	_ =	sdelay $0x4  }
0x1dd: {  	v6 =	vshrl.u32 v5, $0x14  }
0x1de: {  	v6 =	vand.u32 $0x7FF, v6  }
0x1df: {  	(xrf1) =	vunique.msk.u32 $0xffff, v6;
	_ =	sdelay $0x9  }
0x1e0: {  	v7 =	vld.idx.msk [tilespmem:v6+s10+$0x0], $0xffff;
	_ =	sdelay $0x3  }
0x1e1: {  	_, v8, vm0 =	vpop (xrf1)  }
0x1e2: {  	v7 =	vadd.s32 v8, v7  }
0x1e3: {  	v7 =	vadd.s32 $0xFFFFFFFF, v7;
	_ =	sdelay $0x4  }
0x1e4: {  	[tilespmem:v7+s8+$0x0] =	vst.idx.msk $0xffff, v5  }
0x1e5: {  	[tilespmem:v6+s10+$0x0] =	vst.idx.add.s32.msk vm0, v8  }
0x1e6: {  	v5 =	vld [tilespmem:s16+$0x40];
	_ =	sdelay $0x4  }
0x1e7: {  	v6 =	vshrl.u32 v5, $0x14  }
0x1e8: {  	v6 =	vand.u32 $0x7FF, v6  }
0x1e9: {  	(xrf1) =	vunique.msk.u32 $0xffff, v6;
	_ =	sdelay $0x9  }
0x1ea: {  	v7 =	vld.idx.msk [tilespmem:v6+s10+$0x0], $0xffff;
	_ =	sdelay $0x3  }
0x1eb: {  	_, v8, vm0 =	vpop (xrf1)  }
0x1ec: {  	v7 =	vadd.s32 v8, v7  }
0x1ed: {  	v7 =	vadd.s32 $0xFFFFFFFF, v7;
	_ =	sdelay $0x4  }
0x1ee: {  	[tilespmem:v7+s8+$0x0] =	vst.idx.msk $0xffff, v5  }
0x1ef: {  	[tilespmem:v6+s10+$0x0] =	vst.idx.add.s32.msk vm0, v8  }
0x1f0: {  	v5 =	vld [tilespmem:s16+$0x50];
	_ =	sdelay $0x4  }
0x1f1: {  	v6 =	vshrl.u32 v5, $0x14  }
0x1f2: {  	v6 =	vand.u32 $0x7FF, v6  }
0x1f3: {  	(xrf1) =	vunique.msk.u32 $0xffff, v6;
	_ =	sdelay $0x9  }
0x1f4: {  	v7 =	vld.idx.msk [tilespmem:v6+s10+$0x0], $0xffff;
	_ =	sdelay $0x3  }
0x1f5: {  	_, v8, vm0 =	vpop (xrf1)  }
0x1f6: {  	v7 =	vadd.s32 v8, v7  }
0x1f7: {  	v7 =	vadd.s32 $0xFFFFFFFF, v7;
	_ =	sdelay $0x4  }
0x1f8: {  	[tilespmem:v7+s8+$0x0] =	vst.idx.msk $0xffff, v5  }
0x1f9: {  	[tilespmem:v6+s10+$0x0] =	vst.idx.add.s32.msk vm0, v8  }
0x1fa: {  	v5 =	vld [tilespmem:s16+$0x60];
	_ =	sdelay $0x4  }
0x1fb: {  	v6 =	vshrl.u32 v5, $0x14  }
0x1fc: {  	v6 =	vand.u32 $0x7FF, v6  }
0x1fd: {  	(xrf1) =	vunique.msk.u32 $0xffff, v6;
	_ =	sdelay $0x9  }
0x1fe: {  	v7 =	vld.idx.msk [tilespmem:v6+s10+$0x0], $0xffff;
	_ =	sdelay $0x3  }
0x1ff: {  	_, v8, vm0 =	vpop (xrf1)  }
0x200: {  	v7 =	vadd.s32 v8, v7  }
0x201: {  	v7 =	vadd.s32 $0xFFFFFFFF, v7;
	_ =	sdelay $0x4  }
0x202: {  	[tilespmem:v7+s8+$0x0] =	vst.idx.msk $0xffff, v5  }
0x203: {  	[tilespmem:v6+s10+$0x0] =	vst.idx.add.s32.msk vm0, v8  }
0x204: {  	v5 =	vld [tilespmem:s16+$0x70];
	_ =	sdelay $0x4  }
0x205: {  	v6 =	vshrl.u32 v5, $0x14  }
0x206: {  	v6 =	vand.u32 $0x7FF, v6  }
0x207: {  	(xrf1) =	vunique.msk.u32 $0xffff, v6;
	_ =	sdelay $0x9  }
0x208: {  	v7 =	vld.idx.msk [tilespmem:v6+s10+$0x0], $0xffff;
	_ =	sdelay $0x3  }
0x209: {  	_, v8, vm0 =	vpop (xrf1)  }
0x20a: {  	v7 =	vadd.s32 v8, v7  }
0x20b: {  	v7 =	vadd.s32 $0xFFFFFFFF, v7  }
0x20c: {  	p0 =	sne.s32 s15, $0x7E00  }
.Ltmp13:
0x20d: {  	_ = 	snop;
	(pc) =	sbr.rel @p0 .LBB2_19-.Ltmp13, $3  }
0x20e: {  	_ =	sdelay $0x1  }
0x20f: {  	[tilespmem:v7+s8+$0x0] =	vst.idx.msk $0xffff, v5  }
0x210: {  	s15 =	sadd.s32 $0x200, s15;
	[tilespmem:v6+s10+$0x0] =	vst.idx.add.s32.msk vm0, v8  }
0x211: {  	[tilespmem:$0x4080] =	vst v3;
	v5 =	vimm.f32 $0.0e+00;
	v6 =	vimm.s32 $0x1000;
	v7 =	vimm.s32 $0xFFFFF000;
	s15 =	simm.s32 $0x0;
	s17 =	simm.s32 $0x0  }
.LBB2_21:
0x212: {  	s16 =	sshra.s32 s15, $0x2  }
0x213: {  	v8 =	vld [tilespmem:s16+$0x2080];
	_ =	sdelay $0x4  }
0x214: {  	v9 =	vshll.u32 v8, $0x1  }
0x215: {  	v9 =	vand.u32 $0x2, v9  }
0x216: {  	v9 =	vadd.s32 $0xFFFFFFFF, v9  }
0x217: {  	(xrf0) =	vadd.scan.msk.s32 $0xffff, v9;
	_ =	sdelay $0x5  }
0x218: {  	v35 =	vld [tilespmem:s16+$0x2081];
	v10, _, _ =	vpop (xrf0)  }
0x219: {  	v11 =	vadd.s32 s17, v10  }
0x21a: {  	v12 =	vadd.s32 $0x1000, v11;
	_ =	sdelay $0x2  }
0x21b: {  	v8 =	vsub.f32 v35, v8  }
0x21c: {  	(v2sf) =	vpush v10, $0xF  }
0x21d: {  	[tilespmem:v12+s11+$0x0] =	vst.idx.add.f32.msk $0xffff, v8  }
0x21e: {  	v36 =	vld [tilespmem:s16+$0x2090];
	_ =	sdelay $0x4  }
0x21f: {  	v37 =	vshll.u32 v36, $0x1  }
0x220: {  	v10 =	vand.u32 $0x2, v37  }
0x221: {  	v10 =	vadd.s32 $0xFFFFFFFF, v10  }
0x222: {  	(xrf0) =	vadd.scan.msk.s32 $0xffff, v10;
	_ =	sdelay $0x4  }
0x223: {  	s18 =	spop (v2sf)  }
0x224: {  	v38 =	vld [tilespmem:s16+$0x2091];
	s23 =	sadd.s32 s17, s18;
	v39, _, _ =	vpop (xrf0)  }
0x225: {  	v13 =	vadd.s32 s23, v39  }
0x226: {  	v14 =	vadd.s32 $0x1000, v13;
	_ =	sdelay $0x2  }
0x227: {  	v9 =	vsub.f32 v38, v36  }
0x228: {  	(v2sf) =	vpush v39, $0xF  }
0x229: {  	[tilespmem:v14+s11+$0x0] =	vst.idx.add.f32.msk $0xffff, v9  }
0x22a: {  	v40 =	vld [tilespmem:s16+$0x20A0];
	_ =	sdelay $0x4  }
0x22b: {  	v41 =	vshll.u32 v40, $0x1  }
0x22c: {  	v12 =	vand.u32 $0x2, v41  }
0x22d: {  	v12 =	vadd.s32 $0xFFFFFFFF, v12  }
0x22e: {  	(xrf0) =	vadd.scan.msk.s32 $0xffff, v12;
	_ =	sdelay $0x4  }
0x22f: {  	s24 =	spop (v2sf)  }
0x230: {  	v42 =	vld [tilespmem:s16+$0x20A1];
	s17 =	sadd.s32 s23, s24;
	v43, _, _ =	vpop (xrf0)  }
0x231: {  	v15 =	vadd.s32 s17, v43  }
0x232: {  	v16 =	vadd.s32 $0x1000, v15;
	_ =	sdelay $0x2  }
0x233: {  	v10 =	vsub.f32 v42, v40  }
0x234: {  	(v2sf) =	vpush v43, $0xF  }
0x235: {  	[tilespmem:v16+s11+$0x0] =	vst.idx.add.f32.msk $0xffff, v10  }
0x236: {  	v44 =	vld [tilespmem:s16+$0x20B0];
	_ =	sdelay $0x4  }
0x237: {  	v45 =	vshll.u32 v44, $0x1  }
0x238: {  	v14 =	vand.u32 $0x2, v45  }
0x239: {  	v14 =	vadd.s32 $0xFFFFFFFF, v14  }
0x23a: {  	(xrf0) =	vadd.scan.msk.s32 $0xffff, v14;
	_ =	sdelay $0x4  }
0x23b: {  	s25 =	spop (v2sf)  }
0x23c: {  	v46 =	vld [tilespmem:s16+$0x20B1];
	s17 =	sadd.s32 s17, s25;
	v47, _, _ =	vpop (xrf0)  }
0x23d: {  	v17 =	vadd.s32 s17, v47  }
0x23e: {  	v18 =	vadd.s32 $0x1000, v17;
	_ =	sdelay $0x2  }
0x23f: {  	v12 =	vsub.f32 v46, v44  }
0x240: {  	(v2sf) =	vpush v47, $0xF  }
0x241: {  	[tilespmem:v18+s11+$0x0] =	vst.idx.add.f32.msk $0xffff, v12  }
0x242: {  	v48 =	vld [tilespmem:s16+$0x20C0];
	_ =	sdelay $0x4  }
0x243: {  	v49 =	vshll.u32 v48, $0x1  }
0x244: {  	v16 =	vand.u32 $0x2, v49  }
0x245: {  	v16 =	vadd.s32 $0xFFFFFFFF, v16  }
0x246: {  	(xrf0) =	vadd.scan.msk.s32 $0xffff, v16;
	_ =	sdelay $0x4  }
0x247: {  	s26 =	spop (v2sf)  }
0x248: {  	v50 =	vld [tilespmem:s16+$0x20C1];
	s17 =	sadd.s32 s17, s26;
	v51, _, _ =	vpop (xrf0)  }
0x249: {  	v19 =	vadd.s32 s17, v51  }
0x24a: {  	v20 =	vadd.s32 $0x1000, v19;
	_ =	sdelay $0x2  }
0x24b: {  	v14 =	vsub.f32 v50, v48  }
0x24c: {  	(v2sf) =	vpush v51, $0xF  }
0x24d: {  	[tilespmem:v20+s11+$0x0] =	vst.idx.add.f32.msk $0xffff, v14  }
0x24e: {  	v52 =	vld [tilespmem:s16+$0x20D0];
	_ =	sdelay $0x4  }
0x24f: {  	v53 =	vshll.u32 v52, $0x1  }
0x250: {  	v18 =	vand.u32 $0x2, v53  }
0x251: {  	v18 =	vadd.s32 $0xFFFFFFFF, v18  }
0x252: {  	(xrf0) =	vadd.scan.msk.s32 $0xffff, v18;
	_ =	sdelay $0x4  }
0x253: {  	s28 =	spop (v2sf)  }
0x254: {  	v54 =	vld [tilespmem:s16+$0x20D1];
	s17 =	sadd.s32 s17, s28;
	v55, _, _ =	vpop (xrf0)  }
0x255: {  	v21 =	vadd.s32 s17, v55  }
0x256: {  	v22 =	vadd.s32 $0x1000, v21;
	_ =	sdelay $0x2  }
0x257: {  	v16 =	vsub.f32 v54, v52  }
0x258: {  	(v2sf) =	vpush v55, $0xF  }
0x259: {  	[tilespmem:v22+s11+$0x0] =	vst.idx.add.f32.msk $0xffff, v16  }
0x25a: {  	v56 =	vld [tilespmem:s16+$0x20E0];
	_ =	sdelay $0x4  }
0x25b: {  	v57 =	vshll.u32 v56, $0x1  }
0x25c: {  	v20 =	vand.u32 $0x2, v57  }
0x25d: {  	v20 =	vadd.s32 $0xFFFFFFFF, v20  }
0x25e: {  	(xrf0) =	vadd.scan.msk.s32 $0xffff, v20;
	_ =	sdelay $0x4  }
0x25f: {  	s29 =	spop (v2sf)  }
0x260: {  	v58 =	vld [tilespmem:s16+$0x20E1];
	s17 =	sadd.s32 s17, s29;
	v59, _, _ =	vpop (xrf0)  }
0x261: {  	v23 =	vadd.s32 s17, v59  }
0x262: {  	v24 =	vadd.s32 $0x1000, v23;
	_ =	sdelay $0x2  }
0x263: {  	v18 =	vsub.f32 v58, v56;
	_ =	sdelay $0x1  }
0x264: {  	[tilespmem:v24+s11+$0x0] =	vst.idx.add.f32.msk $0xffff, v18  }
0x265: {  	v60 =	vld [tilespmem:s16+$0x20F0];
	_ =	sdelay $0x4  }
0x266: {  	v61 =	vshll.u32 v60, $0x1  }
0x267: {  	v24 =	vand.u32 $0x2, v61  }
0x268: {  	v24 =	vadd.s32 $0xFFFFFFFF, v24  }
0x269: {  	(v2sf) =	vpush v59, $0xF;
	(xrf0) =	vadd.scan.msk.s32 $0xffff, v24;
	_ =	sdelay $0x5  }
0x26a: {  	v5 =	vadd.f32 v8, v5;
	v8, _, _ =	vpop (xrf0)  }
0x26b: {  	vm0 =	vlt.s32 v6, v11;
	(v2sf) =	vpush v8, $0xF  }
0x26c: {  	vm1 =	vgt.s32 v7, v11;
	v6 =	vsel vm0, v6, v11  }
0x26d: {  	v7 =	vsel vm1, v7, v11;
	v5 =	vadd.f32 v9, v5;
	vm0 =	vlt.s32 v6, v13  }
0x26e: {  	vm1 =	vgt.s32 v7, v13;
	v6 =	vsel vm0, v6, v13  }
0x26f: {  	v7 =	vsel vm1, v7, v13;
	v5 =	vadd.f32 v10, v5;
	vm0 =	vlt.s32 v6, v15  }
0x270: {  	vm1 =	vgt.s32 v7, v15;
	v6 =	vsel vm0, v6, v15  }
0x271: {  	v7 =	vsel vm1, v7, v15;
	v5 =	vadd.f32 v12, v5;
	vm0 =	vlt.s32 v6, v17  }
0x272: {  	vm1 =	vgt.s32 v7, v17;
	v6 =	vsel vm0, v6, v17  }
0x273: {  	v7 =	vsel vm1, v7, v17;
	v5 =	vadd.f32 v14, v5;
	vm0 =	vlt.s32 v6, v19;
	v62 =	vld [tilespmem:s16+$0x20F1];
	s30 =	spop (v2sf)  }
0x274: {  	vm1 =	vgt.s32 v7, v19;
	v6 =	vsel vm0, v6, v19;
	s17 =	sadd.s32 s17, s30  }
0x275: {  	v7 =	vsel vm1, v7, v19;
	v5 =	vadd.f32 v16, v5;
	v8 =	vadd.s32 s17, v8  }
0x276: {  	p0 =	sne.s32 s15, $0x7E00;
	vm0 =	vlt.s32 v6, v21;
	vm11 =	vgt.s32 v7, v21;
	v63 =	vadd.s32 $0x1000, v8  }
.Ltmp14:
0x277: {  	v6 =	vsel vm0, v6, v21;
	v7 =	vsel vm11, v7, v21;
	v5 =	vadd.f32 v18, v5;
	(pc) =	sbr.rel @p0 .LBB2_21-.Ltmp14, $4  }
0x278: {  	vm12 =	vlt.s32 v6, v23;
	vm13 =	vgt.s32 v7, v23;
	v9 =	vsub.f32 v62, v60  }
0x279: {  	v6 =	vsel vm12, v6, v23;
	v7 =	vsel vm13, v7, v23  }
0x27a: {  	v5 =	vadd.f32 v9, v5;
	vm14 =	vlt.s32 v6, v8;
	vm15 =	vgt.s32 v7, v8;
	s31 =	spop (v2sf)  }
0x27b: {  	s15 =	sadd.s32 $0x200, s15;
	v6 =	vsel vm14, v6, v8;
	v7 =	vsel vm15, v7, v8;
	[tilespmem:v63+s11+$0x0] =	vst.idx.add.f32.msk $0xffff, v9;
	s17 =	sadd.s32 s17, s31  }
0x27c: {  	v6 =	vxor.u32 $0x80000000, v6  }
0x27d: {  	(xrf0) =	vmin.scan.msk.u32 $0xffff, v6;
	v6 =	vxor.u32 $0x80000000, v7  }
0x27e: {  	(xrf0) =	vmax.scan.msk.u32 $0xffff, v6;
	_ =	sdelay $0x4  }
0x27f: {  	v6, _, _ =	vpop (xrf0)  }
0x280: {  	(v2sf) =	vpush v6, $0xF;
	v6, _, _ =	vpop (xrf0)  }
0x281: {  	(v2sf) =	vpush v6, $0xF;
	_ =	sdelay $0xd  }
0x282: {  	s20 =	simm.s32 $0x1;
	s15 =	spop (v2sf)  }
0x283: {  	s16 =	sadd.s32 $0x80001000, s15;
	s18 =	sand.u32 $0x7F, s15;
	s29 =	spop (v2sf)  }
0x284: {  	s17 =	sshra.s32 s16, $0x1F;
	p0 =	slt.s32 s16, $0x1;
	p1 =	sne.s32 s18, $0x0  }
0x285: {  	s30 =	sadd.s32 $0x80001000, s29;
	s18 =	sand.u32 $0x7F, s29;
	s17 =	sshrl.u32 s17, $0x19  }
0x286: {  	p0 =	por !p0, !p1;
	s19 =	sshra.s32 s30, $0x1F;
	p6 =	slt.s32 s30, $0x1  }
0x287: {  	(xrf2) =	vadd.scan.msk.f32 $0xffff, v5;
	p2 =	sne.s32 s18, $0x0;
	s17 =	sadd.s32 s17, s16;
	p0 =	por !p0, !p0  }
0x288: {  	s31 =	sshrl.u32 s19, $0x19;
	p1 =	por !p6, !p2;
	s19 =	simm.s32 $0x1  }
0x289: {  	s16 =	sshra.s32 s17, $0x7;
	s17 =	sadd.s32 s31, s30;
	p1 =	por !p1, !p1  }
0x28a: {  	s20 =	simm.s32 @!p0 $0x0;
	s18 =	sshra.s32 s17, $0x7;
	s19 =	simm.s32 @!p1 $0x0  }
0x28b: {  	s17 =	ssub.s32 s16, s20;
	s19 =	ssub.s32 s18, s19  }
0x28c: {  	p2 =	sgt.s32 s17, s19  }
.Ltmp15:
0x28d: {  	_ = 	snop;
	(pc) =	sbr.rel @p2 .LBB2_40-.Ltmp15, $2  }
0x28e: {  	_ =	sdelay $0x2  }
0x28f: {  	v5 =	vimm.f32 $0.0e+00;
	v6, _, _ =	vpop (xrf2)  }
0x290: {  	s19 =	simm.s32 $0xFFFFFFFF  }
0x291: {  	s19 =	simm.s32 @!p1 $0x0  }
0x292: {  	s20 =	simm.s32 $0xFFFFFFFF;
	s18 =	sadd.s32 s19, s18  }
0x293: {  	s20 =	simm.s32 @!p0 $0x0;
	s16 =	ssub.s32 s18, s16  }
0x294: {  	s16 =	ssub.s32 s16, s20  }
0x295: {  	s16 =	sadd.s32 $0x1, s16  }
0x296: {  	s29 =	sshll.u32 s17, $0x9;
	p1 =	sne.s32 s16, $0x1  }
.Ltmp16:
0x297: {  	s30 =	sshra.s32 s29, $0x2;
	(pc) =	sbr.rel @!p1 .LBB2_24-.Ltmp16, $4  }
0x298: {  	s31 =	sxor.u32 $0x7FFFFFFF, s15;
	s15 =	sadd.s32 $0x4940, s30  }
0x299: {  	v7 =	vld [tilespmem:s15+$0xFFFFFFC0]  }
0x29a: {  	p2 =	por $0x0, $0x0;
	p3 =	por $0x0, $0x0;
	p0 =	por $0x0, $0x0;
	v35 =	vld [tilespmem:s15+$0xFFFFFFD0]  }
0x29b: {  	v5 =	vimm.f32 $0.0e+00;
	s19 =	simm.s32 $0x0;
	s18 =	sadd.s32 $0x1, s31;
	v33 =	vld [tilespmem:s15+$0xFFFFFFE0];
	s16 =	sadd.s32 $0xFFFFFFFF, s16  }
0x29c: {  	v23 =	vld [tilespmem:s15+$0xFFFFFFF0]  }
0x29d: {  	v29 =	vld [tilespmem:s15+$0x0]  }
0x29e: {  	v15 =	vld [tilespmem:s15+$0x10];
	p4 =	sne.s32 s16, $0x1  }
.Ltmp17:
0x29f: {  	v13 =	vld [tilespmem:s15+$0x20];
	(pc) =	sbr.rel @!p4 .LBB2_26-.Ltmp17, $4  }
0x2a0: {  	v16 =	vld [tilespmem:s15+$0x30];
	s20 =	sadd.s32 $0x80, s15  }
0x2a1: {  	v21 =	vld [tilespmem:s20+$0xFFFFFFD0]  }
0x2a2: {  	v24 =	vld [tilespmem:s20+$0xFFFFFFE0]  }
0x2a3: {  	s21 =	sadd.s32 $0xFFFFFFFF, s16;
	p2 =	por $0x1, $0x1;
	(xrf2) =	vadd.scan.msk.f32 $0xffff, v7;
	v7 =	vld [tilespmem:s20+$0xFFFFFFC0]  }
0x2a4: {  	(xrf2) =	vadd.scan.msk.f32 $0xffff, v35  }
0x2a5: {  	(xrf2) =	vadd.scan.msk.f32 $0xffff, v29  }
0x2a6: {  	(xrf2) =	vadd.scan.msk.f32 $0xffff, v33  }
0x2a7: {  	(xrf2) =	vadd.scan.msk.f32 $0xffff, v23;
	_ =	sdelay $0x2  }
0x2a8: {  	v25 =	vld [tilespmem:s20+$0x10]  }
0x2a9: {  	v12 =	vld [tilespmem:s20+$0x20]  }
0x2aa: {  	v22 =	vld [tilespmem:s20+$0x30];
	p4 =	sne.s32 s21, $0x1  }
.Ltmp18:
0x2ab: {  	v29 =	vld [tilespmem:s20+$0x0];
	v9, _, _ =	vpop (xrf2);
	(pc) =	sbr.rel @!p4 .LBB2_28-.Ltmp18, $4  }
0x2ac: {  	v23 =	vld [tilespmem:s20+$0xFFFFFFF0];
	s20 =	sadd.s32 $0x80, s20;
	v10, _, _ =	vpop (xrf2)  }
0x2ad: {  	v11 =	vld [tilespmem:s20+$0xFFFFFFE0];
	(xrf2) =	vadd.scan.msk.f32 $0xffff, v7;
	v19 =	vadd.f32 v9, v5;
	v20 =	vbroadcast v9, $0xF;
	v8, _, _ =	vpop (xrf2)  }
0x2ae: {  	v7 =	vld [tilespmem:s20+$0xFFFFFFC0];
	(xrf2) =	vadd.scan.msk.f32 $0xffff, v15;
	v17 =	vbroadcast v10, $0xF;
	v14 =	vbroadcast v8, $0xF;
	v18, _, _ =	vpop (xrf2)  }
0x2af: {  	s21 =	sadd.s32 $0xFFFFFFFF, s21;
	p3 =	por $0x1, $0x1;
	v9 =	vld [tilespmem:s20+$0xFFFFFFD0];
	(xrf2) =	vadd.scan.msk.f32 $0xffff, v16;
	vm0 =	vlt.f32 v19, $5.000000000e-01;
	v19 =	vadd.f32 v20, v5;
	v15 =	vbroadcast v18, $0xF;
	v16, _, _ =	vpop (xrf2)  }
0x2b0: {  	_ =	sdelay $0x1  }
0x2b1: {  	v20 =	vadd.f32 v17, v19  }
0x2b2: {  	(xrf2) =	vadd.scan.msk.f32 $0xffff, v13  }
0x2b3: {  	v26 =	vadd.f32 v20, v18;
	v20 =	vadd.f32 v15, v20  }
0x2b4: {  	v27 =	vbroadcast v16, $0xF  }
0x2b5: {  	(xrf2) =	vadd.scan.msk.f32 $0xffff, v21;
	v21 =	vadd.f32 v20, v16  }
0x2b6: {  	vm1 =	vlt.f32 v26, $5.000000000e-01;
	v26 =	vadd.f32 v27, v20;
	v20 =	vadd.f32 v19, v10;
	v28, _, _ =	vpop (xrf2)  }
0x2b7: {  	v27 =	vsel vm1, $0x1, v1;
	vm1 =	vlt.f32 v21, $5.000000000e-01;
	v30, _, _ =	vpop (xrf2)  }
0x2b8: {  	(xrf0) =	vadd.scan.msk.s32 $0xffff, v27;
	vm2 =	vlt.f32 v20, $5.000000000e-01;
	v27 =	vsel vm1, $0x1, v1;
	v20 =	vbroadcast v30, $0xF  }
0x2b9: {  	v21 =	vadd.f32 v14, v26;
	(xrf2) =	vadd.scan.msk.f32 $0xffff, v29  }
0x2ba: {  	v29 =	vsel vm2, $0x1, v1;
	(xrf0) =	vadd.scan.msk.s32 $0xffff, v27  }
0x2bb: {  	v30 =	vadd.f32 v21, v30;
	(xrf0) =	vadd.scan.msk.s32 $0xffff, v29;
	v27, _, _ =	vpop (xrf2);
	v21 =	vadd.f32 v20, v21  }
0x2bc: {  	(xrf2) =	vadd.scan.msk.f32 $0xffff, v24;
	v24 =	vsel vm0, $0x1, v1;
	v20, _, _ =	vpop (xrf2)  }
0x2bd: {  	vm1 =	vlt.f32 v30, $5.000000000e-01;
	(xrf0) =	vadd.scan.msk.s32 $0xffff, v24;
	v29 =	vadd.f32 v21, v20;
	v24 =	vbroadcast v20, $0xF  }
0x2be: {  	v30 =	vsel vm1, $0x1, v1  }
0x2bf: {  	(xrf0) =	vadd.scan.msk.s32 $0xffff, v30;
	vm1 =	vlt.f32 v29, $5.000000000e-01;
	v30 =	vadd.f32 v24, v21  }
0x2c0: {  	v31, _, _ =	vpop (xrf0);
	(xrf2) =	vadd.scan.msk.f32 $0xffff, v23;
	v21 =	vsel vm1, $0x1, v1  }
0x2c1: {  	v32, _, _ =	vpop (xrf0);
	(xrf0) =	vadd.scan.msk.s32 $0xffff, v21;
	v21 =	vadd.f32 v26, v8;
	v26 =	vadd.f32 v30, v27  }
0x2c2: {  	v20, _, _ =	vpop (xrf2)  }
0x2c3: {  	v36 =	vld [tilespmem:s20+$0x20];
	(xrf2) =	vadd.scan.msk.f32 $0xffff, v7;
	v33, _, _ =	vpop (xrf0);
	vm2 =	vlt.f32 v26, $5.000000000e-01  }
0x2c4: {  	v23 =	vld [tilespmem:s20+$0xFFFFFFF0];
	v27 =	vbroadcast v27, $0xF;
	v34, _, _ =	vpop (xrf0);
	v7 =	vsel vm2, $0x1, v1  }
0x2c5: {  	p5 =	sne.s32 s21, $0x1;
	v29 =	vld [tilespmem:s20+$0x0];
	(v2sf) =	vpush v34, $0xF;
	v35, _, _ =	vpop (xrf0);
	(xrf0) =	vadd.scan.msk.s32 $0xffff, v7  }
.Ltmp19:
0x2c6: {  	v24 =	vld [tilespmem:s20+$0x10];
	vm1 =	vlt.f32 v21, $5.000000000e-01;
	v62 =	vadd.f32 v27, v30;
	(v2sf) =	vpush v33, $0xF;
	v21, _, _ =	vpop (xrf2);
	(xrf2) =	vadd.scan.msk.f32 $0xffff, v25;
	(pc) =	sbr.rel @!p5 .LBB2_30-.Ltmp19, $4  }
0x2c7: {  	v37 =	vbroadcast v28, $0xF;
	v27 =	vld [tilespmem:s20+$0x30];
	s20 =	sadd.s32 $0x80, s20;
	v63 =	vsel vm1, $0x1, v1;
	(v2sf) =	vpush v31, $0xF;
	v30, _, _ =	vpop (xrf2)  }
0x2c8: {  	v26 =	vbroadcast v20, $0xF;
	v7 =	vld [tilespmem:s20+$0xFFFFFFC0];
	v31 =	vadd.f32 v28, v62;
	(v2sf) =	vpush v32, $0xF;
	v38, _, _ =	vpop (xrf0);
	(xrf0) =	vadd.scan.msk.s32 $0xffff, v63  }
0x2c9: {  	v25 =	vld [tilespmem:s20+$0xFFFFFFD0];
	v28 =	vbroadcast v21, $0xF;
	(xrf2) =	vadd.scan.msk.f32 $0xffff, v22;
	v32 =	vbroadcast v30, $0xF;
	(v2sf) =	vpush v38, $0xF  }
0x2ca: {  	s22 =	sadd.s32 $0xFFFFFFFF, s21;
	p4 =	por $0x1, $0x1;
	s21 =	simm.s32 $0x0;
	v22 =	vld [tilespmem:s20+$0xFFFFFFE0];
	vm1 =	vlt.f32 v31, $5.000000000e-01;
	v31 =	vadd.f32 v37, v62;
	v34, _, _ =	vpop (xrf2);
	(v2sf) =	vpush v35, $0xF  }
.LBB2_31:
0x2cb: {  	p5 =	sne.s32 s22, $0x1;
	s22 =	sadd.s32 $0xFFFFFFFF, s22;
	v33, _, _ =	vpop (xrf0)  }
0x2cc: {  	v26 =	vadd.f32 v26, v31;
	(xrf2) =	vadd.scan.msk.f32 $0xffff, v12;
	(v2sf) =	vpush v33, $0xF;
	v12 =	vmov v36  }
0x2cd: {  	v20 =	vadd.f32 v31, v20;
	v33 =	vld [tilespmem:s20+$0xFFFFFFF0];
	v35, _, _ =	vpop (xrf2)  }
0x2ce: {  	v31 =	vbroadcast v34, $0xF;
	v36 =	vadd.f32 v26, v30;
	v26 =	vadd.f32 v32, v26;
	v32, _, _ =	vpop (xrf0)  }
0x2cf: {  	vm2 =	vlt.f32 v20, $5.000000000e-01;
	(xrf2) =	vadd.scan.msk.f32 $0xffff, v9;
	(v2sf) =	vpush v32, $0xF;
	v9 =	vmov v25  }
0x2d0: {  	v20 =	vld [tilespmem:s20+$0x0];
	vm3 =	vlt.f32 v36, $5.000000000e-01;
	v25 =	vadd.f32 v26, v34;
	v26 =	vadd.f32 v31, v26;
	v30, _, _ =	vpop (xrf2)  }
0x2d1: {  	v31 =	vsel vm2, $0x1, v1;
	v32 =	vsel vm3, $0x1, v1;
	v34 =	vbroadcast v30, $0xF  }
0x2d2: {  	vm2 =	vlt.f32 v25, $5.000000000e-01;
	v21 =	vadd.f32 v26, v21;
	v25 =	vadd.f32 v28, v26;
	(xrf0) =	vadd.scan.msk.s32 $0xffff, v32  }
0x2d3: {  	(xrf2) =	vadd.scan.msk.f32 $0xffff, v29;
	v26 =	vsel vm2, $0x1, v1;
	v28, _, _ =	vpop (xrf2)  }
0x2d4: {  	vm2 =	vlt.f32 v21, $5.000000000e-01;
	v21 =	vadd.f32 v25, v30;
	v25 =	vadd.f32 v34, v25;
	(xrf0) =	vadd.scan.msk.s32 $0xffff, v26;
	s23 =	spop (v2sf)  }
0x2d5: {  	v26 =	vbroadcast v28, $0xF;
	v32 =	vld [tilespmem:s20+$0x10];
	v34 =	vsel vm2, $0x1, v1;
	(xrf0) =	vadd.scan.msk.s32 $0xffff, v31;
	s21 =	sadd.s32 s21, s23;
	s23 =	spop (v2sf);
	v29 =	vmov v20  }
0x2d6: {  	(xrf2) =	vadd.scan.msk.f32 $0xffff, v11;
	vm2 =	vlt.f32 v21, $5.000000000e-01;
	v20, _, _ =	vpop (xrf2);
	s21 =	sadd.s32 s23, s21;
	s23 =	spop (v2sf);
	v11 =	vmov v22  }
0x2d7: {  	v21 =	vsel vm1, $0x1, v1;
	v36 =	vld [tilespmem:s20+$0x20];
	v22 =	vadd.f32 v25, v20;
	v30 =	vbroadcast v20, $0xF;
	s21 =	sadd.s32 s23, s21;
	s23 =	spop (v2sf)  }
0x2d8: {  	v38 =	vsel vm2, $0x1, v1;
	(xrf0) =	vadd.scan.msk.s32 $0xffff, v21;
	v37, _, _ =	vpop (xrf0);
	s21 =	sadd.s32 s23, s21;
	s23 =	spop (v2sf)  }
0x2d9: {  	v20, _, _ =	vpop (xrf2);
	vm1 =	vlt.f32 v22, $5.000000000e-01;
	v21 =	vadd.f32 v30, v25;
	(xrf0) =	vadd.scan.msk.s32 $0xffff, v38;
	s24 =	spop (v2sf)  }
0x2da: {  	(xrf2) =	vadd.scan.msk.f32 $0xffff, v23;
	v22 =	vsel vm1, $0x1, v1;
	v31, _, _ =	vpop (xrf0);
	v23 =	vmov v33  }
0x2db: {  	v28 =	vadd.f32 v21, v28;
	v33 =	vadd.f32 v26, v21;
	v38, _, _ =	vpop (xrf0);
	s25 =	spop (v2sf)  }
0x2dc: {  	v39 =	vld [tilespmem:s20+$0x30];
	(xrf0) =	vadd.scan.msk.s32 $0xffff, v22  }
0x2dd: {  	v26 =	vbroadcast v20, $0xF;
	s20 =	sadd.s32 $0x80, s20;
	(xrf2) =	vadd.scan.msk.f32 $0xffff, v7;
	v21, _, _ =	vpop (xrf2);
	vm1 =	vlt.f32 v28, $5.000000000e-01  }
0x2de: {  	v7 =	vld [tilespmem:s20+$0xFFFFFFC0];
	v22 =	vsel vm1, $0x1, v1;
	v25, _, _ =	vpop (xrf0);
	s26 =	spop (v2sf)  }
0x2df: {  	v28 =	vbroadcast v21, $0xF;
	(v2sf) =	vpush v25, $0xF;
	v40, _, _ =	vpop (xrf0);
	(xrf0) =	vadd.scan.msk.s32 $0xffff, v22;
	s21 =	sadd.s32 s26, s21  }
.Ltmp20:
0x2e0: {  	v25 =	vld [tilespmem:s20+$0xFFFFFFD0];
	v30, _, _ =	vpop (xrf2);
	(xrf2) =	vadd.scan.msk.f32 $0xffff, v24;
	(v2sf) =	vpush v38, $0xF;
	s21 =	sadd.s32 s24, s21;
	v24 =	vmov v32;
	(pc) =	sbr.rel @p5 .LBB2_31-.Ltmp20, $4  }
0x2e1: {  	v32 =	vbroadcast v30, $0xF;
	(v2sf) =	vpush v37, $0xF;
	s21 =	sadd.s32 s23, s21  }
0x2e2: {  	v37 =	vadd.f32 v35, v33;
	v35 =	vbroadcast v35, $0xF;
	(v2sf) =	vpush v31, $0xF;
	(xrf0) =	vadd.scan.msk.s32 $0xffff, v34;
	v22, _, _ =	vpop (xrf0);
	s21 =	sadd.s32 s25, s21  }
0x2e3: {  	(xrf2) =	vadd.scan.msk.f32 $0xffff, v27;
	(v2sf) =	vpush v22, $0xF;
	v27 =	vmov v39  }
0x2e4: {  	vm1 =	vlt.f32 v37, $5.000000000e-01;
	v31 =	vadd.f32 v35, v33;
	v22 =	vld [tilespmem:s20+$0xFFFFFFE0];
	v34, _, _ =	vpop (xrf2);
	(v2sf) =	vpush v40, $0xF  }
0x2e5: {  	_ =	sdelay $0x2  }
0x2e6: {  	v37 =	vmov v12;
	v35 =	vmov v9;
	v33 =	vmov v11  }
0x2e7: {  	v12 =	vmovc v36;
	v9 =	vmovc v25;
	v25 =	vmov v24;
	v11 =	vmov v22;
	v22 =	vmov v27  }
.LBB2_33:
0x2e8: {  	(xrf2) =	vadd.scan.msk.f32 @p3 $0xffff, v37;
	_ =	sdelay $0x1  }
0x2e9: {  	v24 =	vadd.f32 @p3 v26, v31;
	_ =	sdelay $0x1  }
0x2ea: {  	v26 =	vadd.f32 @p3 v32, v24;
	v24 =	vadd.f32 @p3 v24, v30  }
0x2eb: {  	v27 =	vbroadcast @p3 v34, $0xF;
	_ =	sdelay $0x1  }
0x2ec: {  	v30, _, _ =	vpop @p2 (xrf2);
	(xrf2) =	vadd.scan.msk.f32 @p2 $0xffff, v35;
	v27 =	vadd.f32 @p3 v27, v26  }
0x2ed: {  	vm2 =	vlt.f32 @p3 v24, $5.000000000e-01;
	v24, _, _ =	vpop @p3 (xrf2)  }
0x2ee: {  	v26 =	vadd.f32 @p3 v26, v34;
	v28 =	vadd.f32 @p3 v28, v27;
	(xrf2) =	vadd.scan.msk.f32 @p2 $0xffff, v29;
	v32 =	vbroadcast @p3 v24, $0xF;
	v29, _, _ =	vpop @p3 (xrf2)  }
0x2ef: {  	v20 =	vadd.f32 @p3 v31, v20;
	v31 =	vsel @p3 vm2, $0x1, v1;
	v34, _, _ =	vpop @p3 (xrf2)  }
0x2f0: {  	vm2 =	vlt.f32 @p3 v26, $5.000000000e-01;
	(xrf0) =	vadd.scan.msk.s32 @p3 $0xffff, v31;
	v26 =	vadd.f32 @p3 v32, v28;
	v32 =	vbroadcast @p3 v34, $0xF  }
0x2f1: {  	vm3 =	vlt.f32 @p3 v20, $5.000000000e-01;
	(xrf2) =	vadd.scan.msk.f32 @p2 $0xffff, v33;
	v20 =	vsel @p3 vm2, $0x1, v1  }
0x2f2: {  	(xrf0) =	vadd.scan.msk.s32 @p3 $0xffff, v20;
	v20 =	vbroadcast @p3 v29, $0xF;
	v32 =	vadd.f32 @p3 v32, v26  }
0x2f3: {  	v31 =	vsel @p3 vm3, $0x1, v1  }
0x2f4: {  	(xrf0) =	vadd.scan.msk.s32 @p3 $0xffff, v31;
	v26 =	vadd.f32 @p3 v26, v34;
	v20 =	vadd.f32 @p3 v20, v32  }
0x2f5: {  	(xrf2) =	vadd.scan.msk.f32 @p2 $0xffff, v23;
	v23 =	vadd.f32 @p3 v28, v24;
	v24 =	vbroadcast @p2 v30, $0xF  }
0x2f6: {  	v33 =	vsel @p3 vm1, $0x1, v1;
	v28, _, _ =	vpop @p2 (xrf2);
	(xrf2) =	vadd.scan.msk.f32 $0xffff, v7;
	v7 =	vpsel p3, v20, v5  }
0x2f7: {  	v31, _, _ =	vpop @p4 (xrf0);
	(xrf0) =	vadd.scan.msk.s32 @p3 $0xffff, v33;
	vm1 =	vlt.f32 @p3 v23, $5.000000000e-01;
	v23 =	vbroadcast @p2 v28, $0xF;
	v24 =	vadd.f32 @p2 v24, v7  }
0x2f8: {  	v21 =	vadd.f32 @p3 v27, v21;
	(xrf2) =	vadd.scan.msk.f32 @p2 $0xffff, v25;
	v25 =	vsel @p3 vm1, $0x1, v1;
	vm1 =	vlt.f32 @p3 v26, $5.000000000e-01;
	v26, _, _ =	vpop @p2 (xrf2)  }
0x2f9: {  	v12 =	vpsel p2, v12, v13;
	v27 =	vadd.f32 @p3 v32, v29;
	v17 =	vpsel p2, v23, v17;
	(xrf2) =	vadd.scan.msk.f32 @p2 $0xffff, v22;
	v20, _, _ =	vpop @p4 (xrf0)  }
0x2fa: {  	vm2 =	vlt.f32 @p3 v21, $5.000000000e-01;
	(v2sf) =	vpush @p4 v31, $0xF;
	v23 =	vsel @p3 vm1, $0x1, v1;
	v22, _, _ =	vpop @p3 (xrf0)  }
0x2fb: {  	(xrf0) =	vadd.scan.msk.s32 @p3 $0xffff, v25;
	vm1 =	vlt.f32 @p3 v27, $5.000000000e-01;
	v19 =	vpsel p2, v24, v19;
	(v2sf) =	vpush @p4 v20, $0xF;
	v24, _, _ =	vpop @p2 (xrf2)  }
0x2fc: {  	v20 =	vsel @p3 vm2, $0x1, v1;
	v13 =	vadd.f32 @p2 v17, v19;
	v17, _, _ =	vpop @p3 (xrf0);
	(xrf2) =	vadd.scan.msk.f32 @p2 $0xffff, v12;
	v25 =	vbroadcast @p2 v24, $0xF  }
0x2fd: {  	v10 =	vpsel p2, v28, v10;
	(xrf0) =	vadd.scan.msk.s32 @p3 $0xffff, v23;
	v23 =	vsel @p3 vm1, $0x1, v1;
	v12 =	vld [tilespmem:s20+$0x0];
	v21, _, _ =	vpop @p3 (xrf0);
	v18 =	vpsel p2, v24, v18  }
0x2fe: {  	v10 =	vadd.f32 @p2 v19, v10;
	(xrf0) =	vadd.scan.msk.s32 @p3 $0xffff, v23;
	v24, _, _ =	vpop @p3 (xrf0);
	v18 =	vadd.f32 @p2 v13, v18;
	v15 =	vpsel p2, v25, v15  }
0x2ff: {  	(xrf0) =	vadd.scan.msk.s32 @p3 $0xffff, v20;
	v20, _, _ =	vpop @p2 (xrf2);
	(v2sf) =	vpush @p3 v24, $0xF;
	v13 =	vadd.f32 @p2 v15, v13  }
0x300: {  	(xrf2) =	vadd.scan.msk.f32 $0xffff, v9;
	(v2sf) =	vpush @p3 v21, $0xF;
	vm1 =	vlt.f32 @p2 v18, $5.000000000e-01;
	v15 =	vpsel p2, v20, v16  }
0x301: {  	v16, _, _ =	vpop (xrf2);
	(v2sf) =	vpush @p3 v22, $0xF;
	v18 =	vbroadcast @p2 v15, $0xF;
	v15 =	vadd.f32 @p2 v13, v15  }
0x302: {  	v20 =	vbroadcast @p2 v26, $0xF;
	v9 =	vsel @p2 vm1, $0x1, v1;
	(v2sf) =	vpush @p3 v17, $0xF;
	v17, _, _ =	vpop @p2 (xrf2);
	(xrf2) =	vadd.scan.msk.f32 $0xffff, v12  }
0x303: {  	v7 =	vadd.f32 @p2 v30, v7;
	(xrf0) =	vadd.scan.msk.s32 @p2 $0xffff, v9;
	v12 =	vadd.f32 @p2 v18, v13;
	vm1 =	vlt.f32 @p2 v15, $5.000000000e-01;
	v13, _, _ =	vpop @p2 (xrf2)  }
0x304: {  	v9 =	vld [tilespmem:s20+$0xFFFFFFF0];
	v14 =	vpsel p2, v20, v14;
	(xrf2) =	vadd.scan.msk.f32 $0xffff, v11;
	v11, _, _ =	vpop @p3 (xrf0);
	v15 =	vsel @p2 vm1, $0x1, v1  }
0x305: {  	v18, _, _ =	vpop @p3 (xrf0);
	vm1 =	vlt.f32 @p2 v7, $5.000000000e-01;
	v7 =	vbroadcast @p2 v17, $0xF;
	v14 =	vadd.f32 @p2 v14, v12  }
0x306: {  	v8 =	vpsel p2, v26, v8;
	vm0 =	vmmov @p2 vm1;
	vm1 =	vlt.f32 @p2 v10, $5.000000000e-01;
	v10, _, _ =	vpop @p2 (xrf2)  }
0x307: {  	(xrf0) =	vadd.scan.msk.s32 @p2 $0xffff, v15;
	(v2sf) =	vpush @p3 v18, $0xF;
	v19, _, _ =	vpop @p3 (xrf0);
	v20 =	vsel @p2 vm1, $0x1, v1;
	v7 =	vadd.f32 @p2 v7, v14  }
0x308: {  	v15 =	vld [tilespmem:s20+$0x10];
	v21 =	vbroadcast @p2 v10, $0xF;
	(v2sf) =	vpush @p3 v11, $0xF;
	v11, _, _ =	vpop @p3 (xrf0);
	(xrf0) =	vadd.scan.msk.s32 @p2 $0xffff, v20;
	v20 =	vsel @p2 vm0, $0x1, v1  }
0x309: {  	v8 =	vadd.f32 @p2 v12, v8;
	v18 =	vld [tilespmem:s20+$0x30];
	(xrf2) =	vadd.scan.msk.f32 $0xffff, v9  }
0x30a: {  	v22 =	vbroadcast @p2 v13, $0xF;
	v9 =	vld [tilespmem:s20+$0x20];
	v12, _, _ =	vpop (xrf2);
	(v2sf) =	vpush @p3 v19, $0xF;
	(xrf0) =	vadd.scan.msk.s32 @p2 $0xffff, v20;
	v21 =	vadd.f32 @p2 v21, v7  }
0x30b: {  	vm0 =	vlt.f32 @p2 v8, $5.000000000e-01;
	v8 =	vadd.f32 @p2 v14, v17;
	(v2sf) =	vpush @p3 v11, $0xF;
	v20, _, _ =	vpop @p2 (xrf0)  }
0x30c: {  	v7 =	vadd.f32 @p2 v7, v10;
	v19 =	vadd.f32 @p2 v22, v21;
	v14, _, _ =	vpop (xrf2)  }
0x30d: {  	v17 =	vsel @p2 vm0, $0x1, v1;
	vm0 =	vlt.f32 @p2 v8, $5.000000000e-01;
	(xrf2) =	vadd.scan.msk.f32 $0xffff, v15;
	v15 =	vbroadcast v16, $0xF;
	v11, _, _ =	vpop @p2 (xrf0)  }
0x30e: {  	(xrf2) =	vadd.scan.msk.f32 $0xffff, v18;
	v18 =	vpsel p2, v19, v5;
	v19 =	vsel @p2 vm0, $0x1, v1;
	vm0 =	vlt.f32 @p2 v7, $5.000000000e-01;
	v10, _, _ =	vpop (xrf2)  }
0x30f: {  	v7 =	vadd.f32 @p2 v21, v13;
	(xrf2) =	vadd.scan.msk.f32 $0xffff, v9;
	v8, _, _ =	vpop @p2 (xrf0);
	v9 =	vbroadcast v12, $0xF;
	v15 =	vadd.f32 v15, v18  }
0x310: {  	v13, _, _ =	vpop @p2 (xrf0)  }
0x311: {  	(v2sf) =	vpush @p2 v13, $0xF;
	v13 =	vbroadcast v10, $0xF;
	v9 =	vadd.f32 v9, v15  }
0x312: {  	v21 =	vsel @p2 vm0, $0x1, v1;
	(v2sf) =	vpush @p2 v8, $0xF  }
0x313: {  	vm0 =	vlt.f32 @p2 v7, $5.000000000e-01;
	v7, _, _ =	vpop (xrf2);
	v8 =	vadd.f32 v9, v10;
	v9 =	vadd.f32 v13, v9  }
0x314: {  	v10 =	vbroadcast v7, $0xF  }
0x315: {  	(xrf0) =	vadd.scan.msk.s32 @p2 $0xffff, v19;
	v19 =	vbroadcast v14, $0xF;
	(v2sf) =	vpush @p2 v20, $0xF;
	v7 =	vadd.f32 v9, v7  }
0x316: {  	vm6 =	vlt.f32 v8, $5.000000000e-01;
	v8 =	vadd.f32 v10, v9;
	v10 =	vadd.f32 v15, v12  }
0x317: {  	s20 =	spop @p4 (v2sf);
	(xrf0) =	vadd.scan.msk.s32 @p2 $0xffff, v21;
	v13 =	vsel @p2 vm0, $0x1, v1;
	(v2sf) =	vpush @p2 v11, $0xF;
	v9 =	vadd.f32 v16, v18;
	v12, _, _ =	vpop (xrf2)  }
0x318: {  	(xrf0) =	vadd.scan.msk.s32 @p2 $0xffff, v13;
	v15 =	vbroadcast v12, $0xF;
	vm7 =	vlt.f32 v7, $5.000000000e-01;
	v7 =	vadd.f32 v19, v8  }
0x319: {  	s22 =	spop @p4 (v2sf);
	(xrf0) =	vadd.scan.msk.s32 @p2 $0xffff, v17;
	v13 =	vsel vm6, $0x1, v1;
	v16, _, _ =	vpop (xrf2);
	vm8 =	vlt.f32 v9, $5.000000000e-01;
	vm9 =	vlt.f32 v10, $5.000000000e-01  }
0x31a: {  	s23 =	spop @p4 (v2sf);
	(xrf0) =	vadd.scan.msk.s32 $0xffff, v13;
	v9 =	vsel vm7, $0x1, v1;
	v13 =	vsel vm9, $0x1, v1;
	v10, _, _ =	vpop (xrf2);
	v15 =	vadd.f32 v15, v7  }
0x31b: {  	s24 =	spop @p4 (v2sf);
	v11 =	vsel vm8, $0x1, v1;
	(xrf0) =	vadd.scan.msk.s32 $0xffff, v9;
	v7 =	vadd.f32 v7, v12;
	v9 =	vbroadcast v10, $0xF  }
0x31c: {  	s20 =	sadd.s32 @p4 s21, s20;
	s21 =	spop @p4 (v2sf);
	v17, _, _ =	vpop @p2 (xrf0);
	(xrf0) =	vadd.scan.msk.s32 $0xffff, v13;
	v10 =	vadd.f32 v15, v10  }
0x31d: {  	s20 =	sadd.s32 @p4 s22, s20;
	s22 =	spop @p4 (v2sf);
	v12, _, _ =	vpop @p2 (xrf0);
	(xrf0) =	vadd.scan.msk.s32 $0xffff, v11;
	v9 =	vadd.f32 v9, v15  }
0x31e: {  	s20 =	sadd.s32 @p4 s23, s20;
	s23 =	spop @p4 (v2sf);
	(v2sf) =	vpush @p2 v12, $0xF;
	v11, _, _ =	vpop @p2 (xrf0);
	vm10 =	vlt.f32 v7, $5.000000000e-01  }
0x31f: {  	s20 =	sadd.s32 @p4 s24, s20;
	s24 =	spop @p4 (v2sf);
	v12 =	vsel vm10, $0x1, v1;
	v7, _, _ =	vpop @p2 (xrf0);
	vm11 =	vlt.f32 v10, $5.000000000e-01;
	v9 =	vadd.f32 v9, v16  }
0x320: {  	s20 =	sadd.s32 @p4 s24, s20;
	v8 =	vadd.f32 v8, v14;
	(v2sf) =	vpush @p2 v17, $0xF;
	v10, _, _ =	vpop (xrf0);
	(xrf0) =	vadd.scan.msk.s32 $0xffff, v12;
	v12 =	vsel vm11, $0x1, v1  }
0x321: {  	s20 =	sadd.s32 @p4 s22, s20;
	s22 =	spop @p3 (v2sf);
	(v2sf) =	vpush @p2 v11, $0xF;
	v11, _, _ =	vpop (xrf0);
	(xrf0) =	vadd.scan.msk.s32 $0xffff, v12;
	vm12 =	vlt.f32 v9, $5.000000000e-01  }
0x322: {  	s20 =	sadd.s32 @p4 s21, s20;
	s21 =	spop @p3 (v2sf);
	vm13 =	vlt.f32 v8, $5.000000000e-01;
	(v2sf) =	vpush @p2 v7, $0xF;
	v7, _, _ =	vpop (xrf0);
	v8 =	vsel vm12, $0x1, v1  }
0x323: {  	s20 =	sadd.s32 @p4 s23, s20;
	s23 =	simm.s32 $0x0;
	s24 =	spop @p3 (v2sf);
	v9 =	vsel vm13, $0x1, v1;
	v12, _, _ =	vpop (xrf0);
	(xrf0) =	vadd.scan.msk.s32 $0xffff, v8  }
0x324: {  	s23 =	smov.u32 @p4 s20;
	s20 =	spop @p3 (v2sf);
	(v2sf) =	vpush v12, $0xF;
	(xrf0) =	vadd.scan.msk.s32 $0xffff, v9  }
0x325: {  	s22 =	sadd.s32 @p3 s23, s22;
	s23 =	spop @p3 (v2sf);
	(v2sf) =	vpush v7, $0xF  }
0x326: {  	s21 =	sadd.s32 @p3 s21, s22;
	s22 =	spop @p3 (v2sf);
	v7, _, _ =	vpop (xrf0);
	(v2sf) =	vpush v10, $0xF  }
0x327: {  	s21 =	sadd.s32 @p3 s24, s21;
	s24 =	spop @p3 (v2sf);
	(v2sf) =	vpush v11, $0xF;
	v8, _, _ =	vpop (xrf0)  }
0x328: {  	s20 =	sadd.s32 @p3 s20, s21;
	s21 =	spop @p3 (v2sf);
	(v2sf) =	vpush v8, $0xF  }
0x329: {  	s20 =	sadd.s32 @p3 s21, s20;
	(v2sf) =	vpush v7, $0xF;
	v7, _, _ =	vpop (xrf0)  }
0x32a: {  	s20 =	sadd.s32 @p3 s22, s20;
	s21 =	spop @p2 (v2sf);
	(v2sf) =	vpush v7, $0xF;
	v7, _, _ =	vpop (xrf0)  }
0x32b: {  	s20 =	sadd.s32 @p3 s23, s20;
	s22 =	spop @p2 (v2sf);
	(v2sf) =	vpush v7, $0xF  }
0x32c: {  	s20 =	sadd.s32 @p3 s24, s20;
	s24 =	simm.s32 $0x0;
	s23 =	spop @p2 (v2sf)  }
0x32d: {  	s24 =	smov.u32 @p3 s20;
	s20 =	spop @p2 (v2sf)  }
0x32e: {  	s21 =	sadd.s32 @p2 s24, s21;
	s24 =	spop @p2 (v2sf)  }
0x32f: {  	s21 =	sadd.s32 @p2 s22, s21;
	s22 =	spop @p2 (v2sf)  }
0x330: {  	s21 =	sadd.s32 @p2 s23, s21;
	s23 =	spop @p2 (v2sf)  }
0x331: {  	s20 =	sadd.s32 @p2 s20, s21;
	s21 =	spop @p2 (v2sf)  }
0x332: {  	s20 =	sadd.s32 @p2 s21, s20  }
0x333: {  	s20 =	sadd.s32 @p2 s22, s20;
	s22 =	spop (v2sf)  }
0x334: {  	s20 =	sadd.s32 @p2 s24, s20;
	s24 =	spop (v2sf)  }
0x335: {  	s20 =	sadd.s32 @p2 s23, s20;
	s25 =	spop (v2sf)  }
0x336: {  	s19 =	smov.u32 @p2 s20;
	s26 =	spop (v2sf)  }
0x337: {  	s19 =	sadd.s32 s19, s22;
	s28 =	spop (v2sf)  }
0x338: {  	s19 =	sadd.s32 s24, s19;
	s29 =	spop (v2sf)  }
0x339: {  	s19 =	sadd.s32 s25, s19;
	s30 =	spop (v2sf)  }
0x33a: {  	s19 =	sadd.s32 s26, s19;
	s31 =	spop (v2sf)  }
0x33b: {  	vm14 =	vge.f32 v6, $5.000000000e-01;
	s19 =	sadd.s32 s31, s19  }
0x33c: {  	v6 =	vsel vm14, $0x1, v1;
	s19 =	sadd.s32 s29, s19  }
0x33d: {  	v6 =	vbroadcast v6, $0xF;
	s19 =	sadd.s32 s28, s19  }
0x33e: {  	s17 =	sshll.u32 s17, $0x7;
	s19 =	sadd.s32 s30, s19  }
0x33f: {  	v6 =	vand.u32 $0x1, v6;
	s19 =	sadd.s32 s19, s17  }
0x340: {  	vm15 =	veq.s32 v6, $0x1;
	v6 =	vmov s18;
	s17 =	sadd.s32 $0xFFFFF000, s17;
	s19 =	ssub.s32 $0x1000, s19  }
0x341: {  	s24 =	sadd.s32 $0x10, s17;
	v6 =	vsel vm15, s19, v6  }
0x342: {  	s25 =	sadd.s32 $0x20, s17;
	v7 =	vadd.s32 v4, v6;
	v6 =	vmov s24  }
0x343: {  	v8 =	vmov s25;
	v6 =	vadd.s32 v6, v7  }
0x344: {  	s26 =	sadd.s32 $0x30, s17;
	v8 =	vadd.s32 v8, v7;
	v9 =	vsub.s32 $0x0, v6  }
0x345: {  	s28 =	sadd.s32 $0x70, s17;
	v11 =	vmov s26;
	v10 =	vsub.s32 $0x0, v8;
	v6 =	vmin.u32 v6, v9  }
0x346: {  	s29 =	sadd.s32 $0x40, s17;
	v8 =	vmin.u32 v8, v10;
	v9 =	vmov s28;
	v19 =	vcvt.s32.f32 v6  }
0x347: {  	s30 =	sadd.s32 $0x50, s17;
	v12 =	vcvt.s32.f32 v8;
	v6 =	vadd.s32 v11, v7;
	v8 =	vmov s29  }
0x348: {  	v11 =	vmov s30;
	v10 =	vsub.s32 $0x0, v6;
	v8 =	vadd.s32 v8, v7  }
0x349: {  	v11 =	vadd.s32 v11, v7;
	v6 =	vmin.u32 v6, v10;
	v13 =	vsub.s32 $0x0, v8  }
0x34a: {  	s31 =	sadd.s32 $0x60, s17;
	v10 =	vcvt.s32.f32 v6;
	v6 =	vmin.u32 v8, v13;
	v8 =	vsub.s32 $0x0, v11  }
.Ltmp21:
0x34b: {  	v18 =	vcvt.s32.f32 v6;
	v6 =	vmov s31;
	v8 =	vmin.u32 v11, v8;
	(pc) =	sbr.rel @!p1 .LBB2_34-.Ltmp21, $4  }
0x34c: {  	v11 =	vadd.s32 v6, v7;
	v6 =	vcvt.s32.f32 v8;
	v8 =	vadd.s32 v9, v7  }
0x34d: {  	v20 =	vld [tilespmem:s15+$0xFFFFFFD0];
	v13 =	vmov s17;
	v9 =	vsub.s32 $0x0, v11;
	v14 =	vsub.s32 $0x0, v8  }
0x34e: {  	[tilespmem:s15+$0xFFFFFFD0] =	vst v0;
	v17 =	vld [tilespmem:s15+$0xFFFFFFC0];
	v22 =	vadd.s32 v13, v7;
	v9 =	vmin.u32 v11, v9;
	v11 =	vmin.u32 v8, v14  }
0x34f: {  	[tilespmem:s15+$0xFFFFFFC0] =	vst v0;
	v16 =	vld [tilespmem:s15+$0xFFFFFFF0];
	s18 =	sadd.s32 $0x80, s17;
	s17 =	sadd.s32 $0x80, s15;
	v23 =	vsub.s32 $0x0, v22;
	v8 =	vcvt.s32.f32 v9;
	v15 =	vcvt.s32.f32 v11  }
0x350: {  	_ = 	snop  }
0x351: {  	s19 =	sadd.s32 $0x10, s18;
	s20 =	sadd.s32 $0x20, s18  }
0x352: {  	v9 =	vld [tilespmem:s17+$0xFFFFFFD0];
	v11 =	vmin.u32 v22, v23;
	[tilespmem:s17+$0xFFFFFFD0] =	vst v0;
	s26 =	sadd.s32 $0x30, s18;
	v13 =	vmov s19;
	v14 =	vmov s20  }
0x353: {  	v11 =	vcvt.s32.f32 v11;
	v21 =	vld [tilespmem:s15+$0xFFFFFFE0];
	v23 =	vmov s26;
	v13 =	vadd.s32 v13, v7  }
0x354: {  	v14 =	vadd.s32 v14, v7;
	v16 =	vmul.f32 v10, v16;
	v10 =	vsub.s32 $0x0, v13  }
0x355: {  	s28 =	sadd.s32 $0x70, s18;
	v22 =	vsub.s32 $0x0, v14;
	v10 =	vmin.u32 v13, v10;
	v13 =	vmul.f32 v11, v17  }
0x356: {  	v14 =	vmin.u32 v14, v22;
	v17 =	vmov s28;
	v11 =	vcvt.s32.f32 v10  }
0x357: {  	s29 =	sadd.s32 $0x40, s18;
	v10 =	vmul.f32 v19, v20;
	v19 =	vadd.s32 v23, v7;
	v13 =	vadd.f32 v13, v5  }
0x358: {  	v20 =	vld [tilespmem:s15+$0x0];
	v23 =	vmov s29;
	v21 =	vmul.f32 v12, v21;
	v22 =	vsub.s32 $0x0, v19  }
0x359: {  	v19 =	vmin.u32 v19, v22;
	v22 =	vadd.s32 v23, v7;
	v23 =	vld [tilespmem:s15+$0x10];
	v13 =	vadd.f32 v10, v13  }
0x35a: {  	s30 =	sadd.s32 $0x50, s18;
	v12 =	vcvt.s32.f32 v14;
	v10 =	vcvt.s32.f32 v19;
	v14 =	vsub.s32 $0x0, v22  }
0x35b: {  	s31 =	sadd.s32 $0x60, s18;
	[tilespmem:s15+$0xFFFFFFE0] =	vst v0;
	v19 =	vmov s30;
	v14 =	vmin.u32 v22, v14;
	v22 =	vld [tilespmem:s15+$0x20];
	v21 =	vadd.f32 v21, v13  }
0x35c: {  	[tilespmem:s15+$0x0] =	vst v0;
	v19 =	vadd.s32 v19, v7;
	v13 =	vcvt.s32.f32 v14;
	v14 =	vmov s31  }
0x35d: {  	[tilespmem:s15+$0x10] =	vst v0;
	v18 =	vmul.f32 v18, v20;
	v20 =	vsub.s32 $0x0, v19;
	v16 =	vadd.f32 v16, v21  }
0x35e: {  	v24 =	vld [tilespmem:s15+$0x30];
	p1 =	sne.s32 s16, $0x1;
	[tilespmem:s15+$0x20] =	vst v0;
	v14 =	vadd.s32 v14, v7;
	v19 =	vmin.u32 v19, v20;
	v20 =	vmul.f32 v6, v23  }
.Ltmp22:
0x35f: {  	v6 =	vcvt.s32.f32 v19;
	v19 =	vsub.s32 $0x0, v14;
	v18 =	vadd.f32 v18, v16;
	v16 =	vld [tilespmem:s17+$0xFFFFFFF0];
	(pc) =	sbr.rel @!p1 .LBB2_36-.Ltmp22, $4  }
0x360: {  	v14 =	vmin.u32 v14, v19;
	v19 =	vadd.s32 v17, v7;
	v21 =	vmul.f32 v8, v22  }
0x361: {  	v22 =	vmov s18;
	v8 =	vcvt.s32.f32 v14;
	v14 =	vsub.s32 $0x0, v19  }
0x362: {  	s16 =	sadd.s32 $0xFFFFFFFF, s16;
	[tilespmem:s15+$0x30] =	vst v0;
	v17 =	vld [tilespmem:s17+$0xFFFFFFC0];
	v22 =	vadd.s32 v22, v7;
	v14 =	vmin.u32 v19, v14;
	v25 =	vadd.f32 v20, v18  }
0x363: {  	p0 =	por $0x1, $0x1;
	s19 =	sadd.s32 $0x80, s17;
	v24 =	vmul.f32 v15, v24;
	[tilespmem:s17+$0xFFFFFFC0] =	vst v0;
	s18 =	sadd.s32 $0x80, s18;
	v23 =	vsub.s32 $0x0, v22;
	v14 =	vcvt.s32.f32 v14  }
.LBB2_37:
0x364: {  	v15 =	vld [tilespmem:s19+$0xFFFFFFD0];
	s20 =	sadd.s32 $0x10, s18;
	s21 =	sadd.s32 $0x20, s18;
	p1 =	sne.s32 s16, $0x1;
	v18 =	vmin.u32 v22, v23;
	v16 =	vmul.f32 v10, v16;
	[tilespmem:s15+$0xFFFFFFF0] =	vst v0;
	v10 =	vadd.f32 v21, v25  }
0x365: {  	s16 =	sadd.s32 $0xFFFFFFFF, s16;
	s15 =	smov.u32 s17;
	v19 =	vmov s20;
	[tilespmem:s19+$0xFFFFFFD0] =	vst v0;
	v20 =	vmov s21;
	s20 =	sadd.s32 $0x30, s18;
	v18 =	vcvt.s32.f32 v18  }
0x366: {  	s17 =	smov.u32 s19;
	v19 =	vadd.s32 v19, v7;
	v20 =	vadd.s32 v20, v7;
	v21 =	vld [tilespmem:s15+$0xFFFFFFE0];
	v10 =	vadd.f32 v24, v10  }
0x367: {  	v24 =	vmov s20;
	v22 =	vsub.s32 $0x0, v19;
	v23 =	vsub.s32 $0x0, v20;
	[tilespmem:s15+$0xFFFFFFE0] =	vst v0  }
0x368: {  	s20 =	sadd.s32 $0x70, s18;
	v17 =	vmul.f32 v18, v17;
	v19 =	vmin.u32 v19, v22;
	v20 =	vmin.u32 v20, v23  }
0x369: {  	s21 =	sadd.s32 $0x40, s18;
	v18 =	vmov s20;
	v22 =	vmul.f32 v11, v9;
	v11 =	vcvt.s32.f32 v19;
	v9 =	vmovc v15  }
0x36a: {  	v15 =	vcvt.s32.f32 v20;
	v19 =	vadd.s32 v24, v7;
	v10 =	vadd.f32 v17, v10;
	v17 =	vld [tilespmem:s15+$0x0]  }
0x36b: {  	s20 =	sadd.s32 $0x50, s18;
	v23 =	vmov s21;
	v20 =	vsub.s32 $0x0, v19;
	v21 =	vmul.f32 v12, v21;
	[tilespmem:s15+$0x0] =	vst v0  }
0x36c: {  	v19 =	vmin.u32 v19, v20;
	v20 =	vadd.s32 v23, v7;
	v22 =	vadd.f32 v22, v10;
	v12 =	vmovc v15;
	v23 =	vld [tilespmem:s15+$0x10]  }
0x36d: {  	v10 =	vcvt.s32.f32 v19;
	v15 =	vsub.s32 $0x0, v20;
	v19 =	vmov s20;
	[tilespmem:s15+$0x10] =	vst v0  }
0x36e: {  	s20 =	sadd.s32 $0x60, s18;
	v15 =	vmin.u32 v20, v15;
	v19 =	vadd.s32 v19, v7;
	v20 =	vadd.f32 v21, v22;
	v21 =	vld [tilespmem:s15+$0x20]  }
0x36f: {  	v22 =	vmov s20;
	v17 =	vmul.f32 v13, v17;
	v13 =	vcvt.s32.f32 v15;
	[tilespmem:s15+$0x20] =	vst v0  }
0x370: {  	v22 =	vadd.s32 v22, v7;
	v15 =	vsub.s32 $0x0, v19;
	v20 =	vadd.f32 v16, v20  }
0x371: {  	v15 =	vmin.u32 v19, v15;
	v19 =	vmul.f32 v6, v23;
	v24 =	vld [tilespmem:s15+$0x30]  }
.Ltmp23:
0x372: {  	v6 =	vcvt.s32.f32 v15;
	v15 =	vsub.s32 $0x0, v22;
	v20 =	vadd.f32 v17, v20;
	v16 =	vld [tilespmem:s19+$0xFFFFFFF0];
	[tilespmem:s15+$0x30] =	vst v0;
	(pc) =	sbr.rel @p1 .LBB2_37-.Ltmp23, $4  }
0x373: {  	v18 =	vadd.s32 v18, v7;
	v15 =	vmin.u32 v22, v15;
	v21 =	vmul.f32 v8, v21  }
0x374: {  	v22 =	vmov s18;
	v8 =	vcvt.s32.f32 v15;
	v15 =	vsub.s32 $0x0, v18  }
0x375: {  	v22 =	vadd.s32 v22, v7;
	v25 =	vadd.f32 v19, v20;
	v15 =	vmin.u32 v18, v15;
	v17 =	vld [tilespmem:s19+$0xFFFFFFC0]  }
0x376: {  	s18 =	sadd.s32 $0x80, s18;
	v23 =	vsub.s32 $0x0, v22;
	s19 =	sadd.s32 $0x80, s19;
	[tilespmem:s17+$0xFFFFFFC0] =	vst v0;
	v24 =	vmul.f32 v14, v24;
	v14 =	vcvt.s32.f32 v15  }
.Ltmp24:
0x377: {  	(pc) =	sbr.rel .LBB2_39-.Ltmp24, $2  }
0x378: {  	_ =	sdelay $0x2  }
0x379: {  	s16 =	smov.u32 s15;
	s15 =	smov.u32 s17;
	v20 =	vmovc v9;
	v19 =	vmov v11;
	v18 =	vmov v13;
	v15 =	vmov v14  }
.LBB2_24:
.Ltmp25:
0x37a: {  	_ = 	snop;
	(pc) =	sbr.rel .LBB2_33-.Ltmp25, $2  }
0x37b: {  	_ =	sdelay $0x2  }
0x37c: {  	s20 =	smov.u32 s15;
	s21 =	simm.s32 $0x0;
	p4 =	por $0x0, $0x0;
	v9 =	vmov v35;
	v11 =	vmov v33  }
.LBB2_26:
.Ltmp26:
0x37d: {  	(pc) =	sbr.rel .LBB2_33-.Ltmp26, $2  }
0x37e: {  	_ =	sdelay $0x2  }
0x37f: {  	v12 =	vmovc v13;
	s21 =	simm.s32 $0x0;
	v25 =	vmovc v15;
	p4 =	por $0x0, $0x0;
	v22 =	vmov v16;
	v9 =	vmov v21;
	v11 =	vmov v24  }
.LBB2_36:
.Ltmp27:
0x380: {  	(pc) =	sbr.rel .LBB2_39-.Ltmp27, $2  }
0x381: {  	_ =	sdelay $0x2  }
0x382: {  	s16 =	smov.u32 s15;
	s15 =	smov.u32 s17;
	v20 =	vmovc v9;
	v19 =	vmov v11;
	v18 =	vmov v13;
	v15 =	vmov v14  }
.LBB2_28:
.Ltmp28:
0x383: {  	(pc) =	sbr.rel .LBB2_33-.Ltmp28, $4  }
0x384: {  	_ = 	snop  }
0x385: {  	v26 =	vmov v17;
	v37 =	vmov v13  }
0x386: {  	v20 =	vmovc v10;
	v30 =	vmovc v18;
	v34 =	vmov v16;
	v35 =	vmov v21;
	v21 =	vmov v8  }
0x387: {  	v28 =	vmovc v14;
	s21 =	simm.s32 $0x0;
	v33 =	vmovc v24;
	vm1 =	vmmov vm0;
	p4 =	por $0x0, $0x0;
	v31 =	vmov v19;
	v32 =	vmov v15  }
.LBB2_30:
.Ltmp29:
0x388: {  	_ = 	snop;
	(pc) =	sbr.rel .LBB2_33-.Ltmp29, $3  }
0x389: {  	_ =	sdelay $0x1  }
0x38a: {  	v37 =	vmov v12;
	v35 =	vmov v9;
	v33 =	vmov v11  }
0x38b: {  	v12 =	vmovc v36;
	s21 =	simm.s32 $0x0;
	v9 =	vmovc v25;
	v25 =	vmov v24;
	v11 =	vmov v22;
	v22 =	vmov v27  }
.LBB2_42:
0x38c: {  	_ =	sfence.sel $0x180000  }
0x38d: {  	[bflag:$0x0] =	sbarrier.arrive $0xFFFF  }
0x38e: {  	p0 =	sne.s32 s1, $0x0;
	_ =	strace $0x90000047  }
0x38f: {  	s0 =	sadd.s32 @!p0 $0x100000, s0;
	[bflag:$0x2] =	sbarrier.arrive $0xFFFF  }
0x390: {  	[sflag:s0] =	ssyncadd.tile.s32 @!p0 $0x1;
	_ =	shalt  }
.Lfunc_end2:
_tile_overlayer_lowered:
.L_overlay_start_2:
0x391: {  	(tag) =	ssettag $0x2  }
0x392: {  	s0 =	rddreg [dreg:$0x0];
	s2 =	stileid.u32  }
0x393: {  	s1 =	rddreg [dreg:$0x1];
	p0 =	sne.s32 s2, $0x0  }
0x394: {  	s3 =	rddreg [dreg:$0x2];
	[bflag:$0x3] =	sbarrier.arrive $0xFFFF;
	s2 =	simm.s32 @!p0 $0x1C01  }
0x395: {  	[timem:s3], [sflag:s2] =	dma.local @!p0 [hbm:s0], s1  }
0x396: {  	s0 =	simm.s32 @!p0 $0x1  }
0x397: {  	_ =	swait.ge @!p0 [sflag:s0], s1  }
0x398: {  	s1 =	ssub.s32 @!p0 $0x0, s1;
	[sflag:s0] =	ssyncset.done @!p0 $0x0  }
0x399: {  	[sflag:s0] =	ssyncadd.s32 @!p0 s1  }
0x39a: {  	[bflag:$0x3] =	sbarrier.arrive $0xFFFF  }
0x39b: {  	_ =	shalt  }

</sc_bundles>
